<compile_context>
chip_gen: v7x
topology: tpu7x:2x2x1
jax: 0.10.2.dev20260603
libtpu: 0.0.44.dev20260713+nightly
codegen_flags: <defaults>
</compile_context>

<pallas_src>
import functools

import jax
import jax.numpy as jnp
from jax import lax
from jax.experimental import pallas as pl
from jax.experimental.pallas import tpu as pltpu
from jax.experimental.pallas import tpu_sc as plsc

K = 16
DEPTH = 6
TMK = 256
TMC = 256
D_TAB = 128


def _knn_body(xyzT_ref, q_ref, idx_ref, flat_ref):
    b = pl.program_id(0)
    n = xyzT_ref.shape[2]
    x = xyzT_ref[0]
    q = q_ref[0]
    xb = x.astype(jnp.bfloat16)
    qb = q.astype(jnp.bfloat16)
    x2 = jnp.sum(x * x, axis=0, keepdims=True)
    q2 = jnp.sum(q * q, axis=1, keepdims=True)
    lane = lax.broadcasted_iota(jnp.int32, (TMK, 128), 1)
    IMAX = jnp.int32(0x7FFFFFFF)
    sstate = [jnp.full((TMK, 128), IMAX, jnp.int32) for _ in range(DEPTH)]
    istate = [jnp.zeros((TMK, 128), jnp.int32) for _ in range(DEPTH)]
    for c in range(n // 128):
        sl = slice(c * 128, (c + 1) * 128)
        dots = jnp.dot(qb, xb[:, sl], preferred_element_type=jnp.float32)
        d = (q2 + x2[:, sl]) - 2.0 * dots
        u = lax.bitcast_convert_type(d, jnp.int32)
        sv = u ^ (lax.shift_right_arithmetic(u, 31) & IMAX)
        iv = lane + c * 128
        for i in range(DEPTH):
            cm = sv < sstate[i]
            ns = jnp.minimum(sv, sstate[i])
            sv = jnp.maximum(sv, sstate[i])
            ni = jnp.where(cm, iv, istate[i])
            iv = jnp.where(cm, istate[i], iv)
            sstate[i], istate[i] = ns, ni
    scat = jnp.concatenate(sstate, axis=1)
    icat = jnp.concatenate(istate, axis=1)
    last_s = jnp.full((TMK, 1), jnp.int32(-0x80000000), jnp.int32)
    last_i = jnp.full((TMK, 1), jnp.int32(-1), jnp.int32)
    for k in range(K):
        valid = (scat > last_s) | ((scat == last_s) & (icat > last_i))
        smin = jnp.min(jnp.where(valid, scat, IMAX), axis=1, keepdims=True)
        icand = jnp.where(valid & (scat == smin), icat, n)
        imin = jnp.min(icand, axis=1, keepdims=True)
        idx_ref[0, :, k:k + 1] = imin
        flat_ref[0, :, k:k + 1] = imin + b * n
        last_s, last_i = smin, imin


def _knn_call(xyzT, query):
    B, _, N = xyzT.shape
    M = query.shape[1]
    grid = (B, M // TMK)
    return pl.pallas_call(
        _knn_body,
        grid=grid,
        in_specs=[
            pl.BlockSpec((1, 3, N), lambda b, m: (b, 0, 0)),
            pl.BlockSpec((1, TMK, 3), lambda b, m: (b, m, 0)),
        ],
        out_specs=[
            pl.BlockSpec((1, TMK, K), lambda b, m: (b, m, 0)),
            pl.BlockSpec((1, TMK, K), lambda b, m: (b, m, 0)),
        ],
        out_shape=[
            jax.ShapeDtypeStruct((B, M, K), jnp.int32),
            jax.ShapeDtypeStruct((B, M, K), jnp.int32),
        ],
    )(xyzT, query)


def _sc_gather(table, idx_flat):
    R = idx_flat.shape[0]
    info = plsc.get_sparse_core_info()
    NW = info.num_cores * info.num_subcores
    rows_per_w = R // NW
    CH = min(512, rows_per_w)
    mesh = plsc.VectorSubcoreMesh(core_axis_name="c", subcore_axis_name="s")

    @functools.partial(
        pl.kernel,
        mesh=mesh,
        out_type=jax.ShapeDtypeStruct((R, D_TAB), jnp.float32),
        scratch_types=[
            pltpu.VMEM((CH,), jnp.int32),
            pltpu.VMEM((CH, D_TAB), jnp.float32),
            pltpu.SemaphoreType.DMA,
        ],
    )
    def gk(table_hbm, idx_hbm, out_hbm, idx_v, rows_v, sem):
        wid = lax.axis_index("s") * info.num_cores + lax.axis_index("c")
        for c in range(rows_per_w // CH):
            base = wid * rows_per_w + c * CH
            pltpu.sync_copy(idx_hbm.at[pl.ds(base, CH)], idx_v)
            pltpu.async_copy(table_hbm.at[idx_v], rows_v, sem).wait()
            pltpu.sync_copy(rows_v, out_hbm.at[pl.ds(base, CH)])

    return gk(table, idx_flat)


def _mlp_body(g_ref, qrep_ref, pW_ref, pb_ref, W1_ref, b1_ref, W2_ref, b2_ref,
              out_ref):
    bf = jnp.bfloat16
    g = g_ref[0]
    feat = g[:, :64]
    rel = g[:, 64:67] - qrep_ref[0]
    f = jnp.dot(feat.astype(bf), pW_ref[...].astype(bf),
                preferred_element_type=jnp.float32) + pb_ref[...]
    rows = rel.shape[0]
    lane60 = lax.broadcasted_iota(jnp.int32, (1, 60), 1)
    m20 = lane60 % 20
    omega60 = jnp.exp((m20 % 10).astype(jnp.float32)
                      * (-jnp.log(10000.0) / 10.0))
    shift60 = jnp.where(m20 >= 10, jnp.float32(jnp.pi / 2), 0.0)
    rel60 = jnp.concatenate(
        [jnp.broadcast_to(rel[:, i:i + 1], (rows, 20)) for i in range(3)],
        axis=1)
    emb = jnp.sin(rel60 * omega60 + shift60)
    h = jnp.maximum(
        jnp.dot(emb.astype(bf), W1_ref[...].astype(bf),
                preferred_element_type=jnp.float32) + b1_ref[...], 0.0)
    o = jnp.dot(h.astype(bf), W2_ref[...].astype(bf),
                preferred_element_type=jnp.float32) + b2_ref[...]
    gf = f + o
    g3 = gf.reshape(TMC, K, 64)
    w = jnp.sum(g3 * g3[:, 0:1, :], axis=-1)
    mx = jnp.max(w, axis=-1, keepdims=True)
    e = jnp.exp(w - mx)
    sm = e / jnp.sum(e, axis=-1, keepdims=True) * 0.4
    kio = lax.broadcasted_iota(jnp.int32, (TMC, K), 1)
    out_ref[0] = sm + jnp.where(kio == 0, 0.6, 0.0)


def _mlp_call(g, qrep, pW, pb, W1, b1, W2, b2):
    B = g.shape[0]
    MK = g.shape[1]
    M = MK // K
    grid = (B, M // TMC)
    return pl.pallas_call(
        _mlp_body,
        grid=grid,
        in_specs=[
            pl.BlockSpec((1, TMC * K, D_TAB), lambda b, m: (b, m, 0)),
            pl.BlockSpec((1, TMC * K, 3), lambda b, m: (b, m, 0)),
            pl.BlockSpec((64, 64), lambda b, m: (0, 0)),
            pl.BlockSpec((1, 64), lambda b, m: (0, 0)),
            pl.BlockSpec((60, 64), lambda b, m: (0, 0)),
            pl.BlockSpec((1, 64), lambda b, m: (0, 0)),
            pl.BlockSpec((64, 64), lambda b, m: (0, 0)),
            pl.BlockSpec((1, 64), lambda b, m: (0, 0)),
        ],
        out_specs=pl.BlockSpec((1, TMC, K), lambda b, m: (b, m, 0)),
        out_shape=jax.ShapeDtypeStruct((B, M, K), jnp.float32),
    )(g, qrep, pW, pb, W1, b1, W2, b2)


def kernel(feature1, xyz1, query_xyz, error, shift_chose, knn_num,
           prefix_W, prefix_b, pos_W1, pos_b1, pos_W2, pos_b2):
    B, N, FD = feature1.shape
    M = query_xyz.shape[1]
    xyzT = jnp.transpose(xyz1, (0, 2, 1))
    point_index, flat_idx = _knn_call(xyzT, query_xyz)
    table = jnp.concatenate(
        [feature1, xyz1, jnp.zeros((B, N, D_TAB - FD - 3), jnp.float32)],
        axis=-1).reshape(B * N, D_TAB)
    gathered = _sc_gather(table, flat_idx.reshape(-1))
    g = gathered.reshape(B, M * K, D_TAB)
    qrep = jnp.broadcast_to(query_xyz[:, :, None, :],
                            (B, M, K, 3)).reshape(B, M * K, 3)
    weight = _mlp_call(g, qrep, prefix_W, prefix_b.reshape(1, -1),
                       pos_W1, pos_b1.reshape(1, -1),
                       pos_W2, pos_b2.reshape(1, -1))
    return (weight, point_index)

# --- scband reference (transcript-rebuilt; emitter-appended) ---
"""Pipeline reference for scband-belong-weight-generator-36876589203658 (READ-ONLY COPY).

The authoritative reference and input builder live on the scoring server;
editing this copy changes nothing except your own understanding.
"""

import jax, jax.numpy as jnp
import numpy as np


def sincos_1d(embed_dim, pos):
    omega = jnp.arange(embed_dim // 2, dtype=jnp.float32) / (embed_dim / 2.0)
    omega = 1.0 / (10000.0 ** omega)
    out = pos[..., None] * omega
    return jnp.concatenate([jnp.sin(out), jnp.cos(out)], axis=-1)


def get_3d_sincos_pos_embed_from_point(embed_dim, pts):
    d = embed_dim // 3
    return jnp.concatenate([sincos_1d(d, pts[..., i]) for i in range(3)], axis=-1)


def knn_point(k, xyz, query):
    # squared distances [B, M, N]
    sqd = (jnp.sum(query ** 2, axis=-1, keepdims=True)
           + jnp.sum(xyz ** 2, axis=-1)[:, None, :]
           - 2.0 * jnp.einsum('bmd,bnd->bmn', query, xyz))
    _, idx = jax.lax.top_k(-sqd, k)
    return idx


def index_points(points, idx):
    B = points.shape[0]
    b = jnp.arange(B).reshape(B, 1, 1)
    return points[b, idx]


def setup_inputs(seed: int = 0) -> dict:
    key = jax.random.key(seed)
    ks = jax.random.split(key, 12)
    B, N, M = 4, 8192, 2048
    input_dim, out_dim, ped = 64, 64, 60
    inp = {}
    inp['feature1'] = jax.random.normal(ks[0], (B, N, input_dim), jnp.float32)
    inp['xyz1'] = jax.random.normal(ks[1], (B, N, 3), jnp.float32)
    inp['query_xyz'] = jax.random.normal(ks[2], (B, M, 3), jnp.float32)
    inp['error'] = jax.random.normal(ks[3], (B, M), jnp.float32)
    inp['shift_chose'] = jax.random.normal(ks[4], (B, M), jnp.float32)
    inp['knn_num'] = 16
    s = 1.0 / np.sqrt(input_dim)
    inp['prefix_W'] = jax.random.uniform(ks[5], (input_dim, out_dim), jnp.float32, -s, s)
    inp['prefix_b'] = jax.random.uniform(ks[6], (out_dim,), jnp.float32, -s, s)
    s2 = 1.0 / np.sqrt(ped)
    inp['pos_W1'] = jax.random.uniform(ks[7], (ped, out_dim), jnp.float32, -s2, s2)
    inp['pos_b1'] = jax.random.uniform(ks[8], (out_dim,), jnp.float32, -s2, s2)
    s3 = 1.0 / np.sqrt(out_dim)
    inp['pos_W2'] = jax.random.uniform(ks[9], (out_dim, out_dim), jnp.float32, -s3, s3)
    inp['pos_b2'] = jax.random.uniform(ks[10], (out_dim,), jnp.float32, -s3, s3)
    return inp


def reference(feature1, xyz1, query_xyz, error, shift_chose, knn_num,
              prefix_W, prefix_b, pos_W1, pos_b1, pos_W2, pos_b2):
    # prefix_linear
    feature_1 = feature1 @ prefix_W + prefix_b
    # kNN retrieval
    point_index = knn_point(16, xyz1, query_xyz)
    point_index = point_index + jnp.zeros((), point_index.dtype) * knn_num
    g_feature = index_points(feature_1, point_index)
    g_xyz = index_points(xyz1, point_index) - query_xyz[:, :, None, :]
    # positional sincos embedding -> fc_position MLP
    g_xyz_embed = get_3d_sincos_pos_embed_from_point(60, g_xyz)
    g_xyz_feature = jax.nn.relu(g_xyz_embed @ pos_W1 + pos_b1) @ pos_W2 + pos_b2
    g_feature = g_feature + g_xyz_feature
    # similarity of each neighbor to the nearest (index 0) neighbor
    weight = jnp.einsum('bmkd,bmd->bmk', g_feature, g_feature[:, :, 0])
    weight = jax.nn.softmax(weight, axis=-1)
    weight = weight * 0.4
    ones = jnp.zeros_like(weight).at[:, :, 0].set(0.6)
    weight = weight + ones
    return (weight, point_index)

if __name__ == "__main__":
    import jax
    _d = setup_inputs()
    print(jax.jit(kernel)(*tuple(_d.values())))

</pallas_src>

<mosaic_0001>
#map = affine_map<(d0, d1) -> (0, 0)>
#map1 = affine_map<(d0, d1) -> (0)>
module attributes {stable_mosaic.version = 14 : i64} {
  func.func @gk(%arg0: i32, %arg1: i32, %arg2: memref<32768x128xf32, #tpu.memory_space<hbm>>, %arg3: memref<131072xi32, #tpu.memory_space<hbm>>, %arg4: memref<131072x128xf32, #tpu.memory_space<hbm>>, %arg5: memref<512xi32, #tpu.memory_space<vmem>>, %arg6: memref<512x128xf32, #tpu.memory_space<vmem>>, %arg7: memref<!tpu.dma_semaphore, #tpu.memory_space<semaphore_mem>>) attributes {dimension_semantics = [#tpu.dimension_semantics<core_parallel>, #tpu.dimension_semantics<subcore_parallel>], iteration_bounds = array<i64: 2, 16>, scalar_prefetch = 0 : i64, scratch_operands = 3 : i64, tpu.core_type = #tpu.core_type<sc_vector_subcore>, window_params = [{transform_indices = #map}, {transform_indices = #map1}, {transform_indices = #map}]} {
    %mul3A = arith.constant 2 : i32
    %mul3A_0 = arith.muli %arg1, %mul3A : i32
    %add3A = arith.addi %mul3A_0, %arg0 : i32
    %mul3A_1 = arith.constant 4096 : i32
    %mul3A_2 = arith.muli %add3A, %mul3A_1 : i32
    %add3A_3 = arith.constant 0 : i32
    %add3A_4 = arith.addi %mul3A_2, %add3A_3 : i32
    "tpu.region"() ({
      %run_scoped3A = tpu.sem_alloc : memref<!tpu.dma_semaphore, #tpu.memory_space<semaphore_mem>>
      %dma_start3A_79 = tpu.memref_slice %arg3[%add3A_4] : memref<131072xi32, #tpu.memory_space<hbm>> -> memref<512xi32, #tpu.memory_space<hbm>>
      %dma_start3A_80 = tpu.memref_slice %arg3[%add3A_4] : memref<131072xi32, #tpu.memory_space<hbm>> -> memref<512xi32, #tpu.memory_space<hbm>>
      tpu.enqueue_dma source(%dma_start3A_80 : memref<512xi32, #tpu.memory_space<hbm>>) target(%arg5 : memref<512xi32, #tpu.memory_space<vmem>>) target_semaphore(%run_scoped3A : memref<!tpu.dma_semaphore, #tpu.memory_space<semaphore_mem>>)
      %dma_wait3A_81 = tpu.memref_slice %arg3[%add3A_4] : memref<131072xi32, #tpu.memory_space<hbm>> -> memref<512xi32, #tpu.memory_space<hbm>>
      %dma_wait3A_82 = tpu.memref_slice %arg3[%add3A_4] : memref<131072xi32, #tpu.memory_space<hbm>> -> memref<512xi32, #tpu.memory_space<hbm>>
      tpu.wait_dma2 semaphore(%run_scoped3A : memref<!tpu.dma_semaphore, #tpu.memory_space<semaphore_mem>>) src(%dma_wait3A_82 : memref<512xi32, #tpu.memory_space<hbm>>) dst(%arg5 : memref<512xi32, #tpu.memory_space<vmem>>)
      tpu.yield
    }) : () -> ()
    %dma_start3A = arith.constant 0 : i32
    %dma_start3A_5 = arith.constant 0 : i32
    %dma_start3A_6 = tpu.memref_slice %arg2[%dma_start3A, %dma_start3A_5] : memref<32768x128xf32, #tpu.memory_space<hbm>> -> memref<32768x128xf32, #tpu.memory_space<hbm>>
    tpu.enqueue_indirect_dma source(%dma_start3A_6 : memref<32768x128xf32, #tpu.memory_space<hbm>>) target(%arg6 : memref<512x128xf32, #tpu.memory_space<vmem>>) offsets(%arg5 : memref<512xi32, #tpu.memory_space<vmem>>) semaphore(%arg7 : memref<!tpu.dma_semaphore, #tpu.memory_space<semaphore_mem>>)
    %dma_wait3A = arith.constant 0 : i32
    %dma_wait3A_7 = arith.constant 0 : i32
    %dma_wait3A_8 = tpu.memref_slice %arg2[%dma_wait3A, %dma_wait3A_7] : memref<32768x128xf32, #tpu.memory_space<hbm>> -> memref<32768x128xf32, #tpu.memory_space<hbm>>
    tpu.wait_indirect_dma semaphore(%arg7 : memref<!tpu.dma_semaphore, #tpu.memory_space<semaphore_mem>>) src(%dma_wait3A_8 : memref<32768x128xf32, #tpu.memory_space<hbm>>) dst(%arg6 : memref<512x128xf32, #tpu.memory_space<vmem>>)
    "tpu.region"() ({
      %run_scoped3A = tpu.sem_alloc : memref<!tpu.dma_semaphore, #tpu.memory_space<semaphore_mem>>
      %dma_start3A_79 = arith.constant 0 : i32
      %dma_start3A_80 = tpu.memref_slice %arg4[%add3A_4, %dma_start3A_79] : memref<131072x128xf32, #tpu.memory_space<hbm>> -> memref<512x128xf32, #tpu.memory_space<hbm>>
      %dma_start3A_81 = arith.constant 0 : i32
      %dma_start3A_82 = tpu.memref_slice %arg4[%add3A_4, %dma_start3A_81] : memref<131072x128xf32, #tpu.memory_space<hbm>> -> memref<512x128xf32, #tpu.memory_space<hbm>>
      tpu.enqueue_dma source(%arg6 : memref<512x128xf32, #tpu.memory_space<vmem>>) target(%dma_start3A_82 : memref<512x128xf32, #tpu.memory_space<hbm>>) target_semaphore(%run_scoped3A : memref<!tpu.dma_semaphore, #tpu.memory_space<semaphore_mem>>)
      %dma_wait3A_83 = arith.constant 0 : i32
      %dma_wait3A_84 = tpu.memref_slice %arg4[%add3A_4, %dma_wait3A_83] : memref<131072x128xf32, #tpu.memory_space<hbm>> -> memref<512x128xf32, #tpu.memory_space<hbm>>
      %dma_wait3A_85 = arith.constant 0 : i32
      %dma_wait3A_86 = tpu.memref_slice %arg4[%add3A_4, %dma_wait3A_85] : memref<131072x128xf32, #tpu.memory_space<hbm>> -> memref<512x128xf32, #tpu.memory_space<hbm>>
      tpu.wait_dma2 semaphore(%run_scoped3A : memref<!tpu.dma_semaphore, #tpu.memory_space<semaphore_mem>>) src(%arg6 : memref<512x128xf32, #tpu.memory_space<vmem>>) dst(%dma_wait3A_86 : memref<512x128xf32, #tpu.memory_space<hbm>>)
      tpu.yield
    }) : () -> ()
    %mul3A_9 = arith.constant 4096 : i32
    %mul3A_10 = arith.muli %add3A, %mul3A_9 : i32
    %add3A_11 = arith.constant 512 : i32
    %add3A_12 = arith.addi %mul3A_10, %add3A_11 : i32
    "tpu.region"() ({
      %run_scoped3A = tpu.sem_alloc : memref<!tpu.dma_semaphore, #tpu.memory_space<semaphore_mem>>
      %dma_start3A_79 = tpu.memref_slice %arg3[%add3A_12] : memref<131072xi32, #tpu.memory_space<hbm>> -> memref<512xi32, #tpu.memory_space<hbm>>
      %dma_start3A_80 = tpu.memref_slice %arg3[%add3A_12] : memref<131072xi32, #tpu.memory_space<hbm>> -> memref<512xi32, #tpu.memory_space<hbm>>
      tpu.enqueue_dma source(%dma_start3A_80 : memref<512xi32, #tpu.memory_space<hbm>>) target(%arg5 : memref<512xi32, #tpu.memory_space<vmem>>) target_semaphore(%run_scoped3A : memref<!tpu.dma_semaphore, #tpu.memory_space<semaphore_mem>>)
      %dma_wait3A_81 = tpu.memref_slice %arg3[%add3A_12] : memref<131072xi32, #tpu.memory_space<hbm>> -> memref<512xi32, #tpu.memory_space<hbm>>
      %dma_wait3A_82 = tpu.memref_slice %arg3[%add3A_12] : memref<131072xi32, #tpu.memory_space<hbm>> -> memref<512xi32, #tpu.memory_space<hbm>>
      tpu.wait_dma2 semaphore(%run_scoped3A : memref<!tpu.dma_semaphore, #tpu.memory_space<semaphore_mem>>) src(%dma_wait3A_82 : memref<512xi32, #tpu.memory_space<hbm>>) dst(%arg5 : memref<512xi32, #tpu.memory_space<vmem>>)
      tpu.yield
    }) : () -> ()
    %dma_start3A_13 = arith.constant 0 : i32
    %dma_start3A_14 = arith.constant 0 : i32
    %dma_start3A_15 = tpu.memref_slice %arg2[%dma_start3A_13, %dma_start3A_14] : memref<32768x128xf32, #tpu.memory_space<hbm>> -> memref<32768x128xf32, #tpu.memory_space<hbm>>
    tpu.enqueue_indirect_dma source(%dma_start3A_15 : memref<32768x128xf32, #tpu.memory_space<hbm>>) target(%arg6 : memref<512x128xf32, #tpu.memory_space<vmem>>) offsets(%arg5 : memref<512xi32, #tpu.memory_space<vmem>>) semaphore(%arg7 : memref<!tpu.dma_semaphore, #tpu.memory_space<semaphore_mem>>)
    %dma_wait3A_16 = arith.constant 0 : i32
    %dma_wait3A_17 = arith.constant 0 : i32
    %dma_wait3A_18 = tpu.memref_slice %arg2[%dma_wait3A_16, %dma_wait3A_17] : memref<32768x128xf32, #tpu.memory_space<hbm>> -> memref<32768x128xf32, #tpu.memory_space<hbm>>
    tpu.wait_indirect_dma semaphore(%arg7 : memref<!tpu.dma_semaphore, #tpu.memory_space<semaphore_mem>>) src(%dma_wait3A_18 : memref<32768x128xf32, #tpu.memory_space<hbm>>) dst(%arg6 : memref<512x128xf32, #tpu.memory_space<vmem>>)
    "tpu.region"() ({
      %run_scoped3A = tpu.sem_alloc : memref<!tpu.dma_semaphore, #tpu.memory_space<semaphore_mem>>
      %dma_start3A_79 = arith.constant 0 : i32
      %dma_start3A_80 = tpu.memref_slice %arg4[%add3A_12, %dma_start3A_79] : memref<131072x128xf32, #tpu.memory_space<hbm>> -> memref<512x128xf32, #tpu.memory_space<hbm>>
      %dma_start3A_81 = arith.constant 0 : i32
      %dma_start3A_82 = tpu.memref_slice %arg4[%add3A_12, %dma_start3A_81] : memref<131072x128xf32, #tpu.memory_space<hbm>> -> memref<512x128xf32, #tpu.memory_space<hbm>>
      tpu.enqueue_dma source(%arg6 : memref<512x128xf32, #tpu.memory_space<vmem>>) target(%dma_start3A_82 : memref<512x128xf32, #tpu.memory_space<hbm>>) target_semaphore(%run_scoped3A : memref<!tpu.dma_semaphore, #tpu.memory_space<semaphore_mem>>)
      %dma_wait3A_83 = arith.constant 0 : i32
      %dma_wait3A_84 = tpu.memref_slice %arg4[%add3A_12, %dma_wait3A_83] : memref<131072x128xf32, #tpu.memory_space<hbm>> -> memref<512x128xf32, #tpu.memory_space<hbm>>
      %dma_wait3A_85 = arith.constant 0 : i32
      %dma_wait3A_86 = tpu.memref_slice %arg4[%add3A_12, %dma_wait3A_85] : memref<131072x128xf32, #tpu.memory_space<hbm>> -> memref<512x128xf32, #tpu.memory_space<hbm>>
      tpu.wait_dma2 semaphore(%run_scoped3A : memref<!tpu.dma_semaphore, #tpu.memory_space<semaphore_mem>>) src(%arg6 : memref<512x128xf32, #tpu.memory_space<vmem>>) dst(%dma_wait3A_86 : memref<512x128xf32, #tpu.memory_space<hbm>>)
      tpu.yield
    }) : () -> ()
    %mul3A_19 = arith.constant 4096 : i32
    %mul3A_20 = arith.muli %add3A, %mul3A_19 : i32
    %add3A_21 = arith.constant 1024 : i32
    %add3A_22 = arith.addi %mul3A_20, %add3A_21 : i32
    "tpu.region"() ({
      %run_scoped3A = tpu.sem_alloc : memref<!tpu.dma_semaphore, #tpu.memory_space<semaphore_mem>>
      %dma_start3A_79 = tpu.memref_slice %arg3[%add3A_22] : memref<131072xi32, #tpu.memory_space<hbm>> -> memref<512xi32, #tpu.memory_space<hbm>>
      %dma_start3A_80 = tpu.memref_slice %arg3[%add3A_22] : memref<131072xi32, #tpu.memory_space<hbm>> -> memref<512xi32, #tpu.memory_space<hbm>>
      tpu.enqueue_dma source(%dma_start3A_80 : memref<512xi32, #tpu.memory_space<hbm>>) target(%arg5 : memref<512xi32, #tpu.memory_space<vmem>>) target_semaphore(%run_scoped3A : memref<!tpu.dma_semaphore, #tpu.memory_space<semaphore_mem>>)
      %dma_wait3A_81 = tpu.memref_slice %arg3[%add3A_22] : memref<131072xi32, #tpu.memory_space<hbm>> -> memref<512xi32, #tpu.memory_space<hbm>>
      %dma_wait3A_82 = tpu.memref_slice %arg3[%add3A_22] : memref<131072xi32, #tpu.memory_space<hbm>> -> memref<512xi32, #tpu.memory_space<hbm>>
      tpu.wait_dma2 semaphore(%run_scoped3A : memref<!tpu.dma_semaphore, #tpu.memory_space<semaphore_mem>>) src(%dma_wait3A_82 : memref<512xi32, #tpu.memory_space<hbm>>) dst(%arg5 : memref<512xi32, #tpu.memory_space<vmem>>)
      tpu.yield
    }) : () -> ()
    %dma_start3A_23 = arith.constant 0 : i32
    %dma_start3A_24 = arith.constant 0 : i32
    %dma_start3A_25 = tpu.memref_slice %arg2[%dma_start3A_23, %dma_start3A_24] : memref<32768x128xf32, #tpu.memory_space<hbm>> -> memref<32768x128xf32, #tpu.memory_space<hbm>>
    tpu.enqueue_indirect_dma source(%dma_start3A_25 : memref<32768x128xf32, #tpu.memory_space<hbm>>) target(%arg6 : memref<512x128xf32, #tpu.memory_space<vmem>>) offsets(%arg5 : memref<512xi32, #tpu.memory_space<vmem>>) semaphore(%arg7 : memref<!tpu.dma_semaphore, #tpu.memory_space<semaphore_mem>>)
    %dma_wait3A_26 = arith.constant 0 : i32
    %dma_wait3A_27 = arith.constant 0 : i32
    %dma_wait3A_28 = tpu.memref_slice %arg2[%dma_wait3A_26, %dma_wait3A_27] : memref<32768x128xf32, #tpu.memory_space<hbm>> -> memref<32768x128xf32, #tpu.memory_space<hbm>>
    tpu.wait_indirect_dma semaphore(%arg7 : memref<!tpu.dma_semaphore, #tpu.memory_space<semaphore_mem>>) src(%dma_wait3A_28 : memref<32768x128xf32, #tpu.memory_space<hbm>>) dst(%arg6 : memref<512x128xf32, #tpu.memory_space<vmem>>)
    "tpu.region"() ({
      %run_scoped3A = tpu.sem_alloc : memref<!tpu.dma_semaphore, #tpu.memory_space<semaphore_mem>>
      %dma_start3A_79 = arith.constant 0 : i32
      %dma_start3A_80 = tpu.memref_slice %arg4[%add3A_22, %dma_start3A_79] : memref<131072x128xf32, #tpu.memory_space<hbm>> -> memref<512x128xf32, #tpu.memory_space<hbm>>
      %dma_start3A_81 = arith.constant 0 : i32
      %dma_start3A_82 = tpu.memref_slice %arg4[%add3A_22, %dma_start3A_81] : memref<131072x128xf32, #tpu.memory_space<hbm>> -> memref<512x128xf32, #tpu.memory_space<hbm>>
      tpu.enqueue_dma source(%arg6 : memref<512x128xf32, #tpu.memory_space<vmem>>) target(%dma_start3A_82 : memref<512x128xf32, #tpu.memory_space<hbm>>) target_semaphore(%run_scoped3A : memref<!tpu.dma_semaphore, #tpu.memory_space<semaphore_mem>>)
      %dma_wait3A_83 = arith.constant 0 : i32
      %dma_wait3A_84 = tpu.memref_slice %arg4[%add3A_22, %dma_wait3A_83] : memref<131072x128xf32, #tpu.memory_space<hbm>> -> memref<512x128xf32, #tpu.memory_space<hbm>>
      %dma_wait3A_85 = arith.constant 0 : i32
      %dma_wait3A_86 = tpu.memref_slice %arg4[%add3A_22, %dma_wait3A_85] : memref<131072x128xf32, #tpu.memory_space<hbm>> -> memref<512x128xf32, #tpu.memory_space<hbm>>
      tpu.wait_dma2 semaphore(%run_scoped3A : memref<!tpu.dma_semaphore, #tpu.memory_space<semaphore_mem>>) src(%arg6 : memref<512x128xf32, #tpu.memory_space<vmem>>) dst(%dma_wait3A_86 : memref<512x128xf32, #tpu.memory_space<hbm>>)
      tpu.yield
    }) : () -> ()
    %mul3A_29 = arith.constant 4096 : i32
    %mul3A_30 = arith.muli %add3A, %mul3A_29 : i32
    %add3A_31 = arith.constant 1536 : i32
    %add3A_32 = arith.addi %mul3A_30, %add3A_31 : i32
    "tpu.region"() ({
      %run_scoped3A = tpu.sem_alloc : memref<!tpu.dma_semaphore, #tpu.memory_space<semaphore_mem>>
      %dma_start3A_79 = tpu.memref_slice %arg3[%add3A_32] : memref<131072xi32, #tpu.memory_space<hbm>> -> memref<512xi32, #tpu.memory_space<hbm>>
      %dma_start3A_80 = tpu.memref_slice %arg3[%add3A_32] : memref<131072xi32, #tpu.memory_space<hbm>> -> memref<512xi32, #tpu.memory_space<hbm>>
      tpu.enqueue_dma source(%dma_start3A_80 : memref<512xi32, #tpu.memory_space<hbm>>) target(%arg5 : memref<512xi32, #tpu.memory_space<vmem>>) target_semaphore(%run_scoped3A : memref<!tpu.dma_semaphore, #tpu.memory_space<semaphore_mem>>)
      %dma_wait3A_81 = tpu.memref_slice %arg3[%add3A_32] : memref<131072xi32, #tpu.memory_space<hbm>> -> memref<512xi32, #tpu.memory_space<hbm>>
      %dma_wait3A_82 = tpu.memref_slice %arg3[%add3A_32] : memref<131072xi32, #tpu.memory_space<hbm>> -> memref<512xi32, #tpu.memory_space<hbm>>
      tpu.wait_dma2 semaphore(%run_scoped3A : memref<!tpu.dma_semaphore, #tpu.memory_space<semaphore_mem>>) src(%dma_wait3A_82 : memref<512xi32, #tpu.memory_space<hbm>>) dst(%arg5 : memref<512xi32, #tpu.memory_space<vmem>>)
      tpu.yield
    }) : () -> ()
    %dma_start3A_33 = arith.constant 0 : i32
    %dma_start3A_34 = arith.constant 0 : i32
    %dma_start3A_35 = tpu.memref_slice %arg2[%dma_start3A_33, %dma_start3A_34] : memref<32768x128xf32, #tpu.memory_space<hbm>> -> memref<32768x128xf32, #tpu.memory_space<hbm>>
    tpu.enqueue_indirect_dma source(%dma_start3A_35 : memref<32768x128xf32, #tpu.memory_space<hbm>>) target(%arg6 : memref<512x128xf32, #tpu.memory_space<vmem>>) offsets(%arg5 : memref<512xi32, #tpu.memory_space<vmem>>) semaphore(%arg7 : memref<!tpu.dma_semaphore, #tpu.memory_space<semaphore_mem>>)
    %dma_wait3A_36 = arith.constant 0 : i32
    %dma_wait3A_37 = arith.constant 0 : i32
    %dma_wait3A_38 = tpu.memref_slice %arg2[%dma_wait3A_36, %dma_wait3A_37] : memref<32768x128xf32, #tpu.memory_space<hbm>> -> memref<32768x128xf32, #tpu.memory_space<hbm>>
    tpu.wait_indirect_dma semaphore(%arg7 : memref<!tpu.dma_semaphore, #tpu.memory_space<semaphore_mem>>) src(%dma_wait3A_38 : memref<32768x128xf32, #tpu.memory_space<hbm>>) dst(%arg6 : memref<512x128xf32, #tpu.memory_space<vmem>>)
    "tpu.region"() ({
      %run_scoped3A = tpu.sem_alloc : memref<!tpu.dma_semaphore, #tpu.memory_space<semaphore_mem>>
      %dma_start3A_79 = arith.constant 0 : i32
      %dma_start3A_80 = tpu.memref_slice %arg4[%add3A_32, %dma_start3A_79] : memref<131072x128xf32, #tpu.memory_space<hbm>> -> memref<512x128xf32, #tpu.memory_space<hbm>>
      %dma_start3A_81 = arith.constant 0 : i32
      %dma_start3A_82 = tpu.memref_slice %arg4[%add3A_32, %dma_start3A_81] : memref<131072x128xf32, #tpu.memory_space<hbm>> -> memref<512x128xf32, #tpu.memory_space<hbm>>
      tpu.enqueue_dma source(%arg6 : memref<512x128xf32, #tpu.memory_space<vmem>>) target(%dma_start3A_82 : memref<512x128xf32, #tpu.memory_space<hbm>>) target_semaphore(%run_scoped3A : memref<!tpu.dma_semaphore, #tpu.memory_space<semaphore_mem>>)
      %dma_wait3A_83 = arith.constant 0 : i32
      %dma_wait3A_84 = tpu.memref_slice %arg4[%add3A_32, %dma_wait3A_83] : memref<131072x128xf32, #tpu.memory_space<hbm>> -> memref<512x128xf32, #tpu.memory_space<hbm>>
      %dma_wait3A_85 = arith.constant 0 : i32
      %dma_wait3A_86 = tpu.memref_slice %arg4[%add3A_32, %dma_wait3A_85] : memref<131072x128xf32, #tpu.memory_space<hbm>> -> memref<512x128xf32, #tpu.memory_space<hbm>>
      tpu.wait_dma2 semaphore(%run_scoped3A : memref<!tpu.dma_semaphore, #tpu.memory_space<semaphore_mem>>) src(%arg6 : memref<512x128xf32, #tpu.memory_space<vmem>>) dst(%dma_wait3A_86 : memref<512x128xf32, #tpu.memory_space<hbm>>)
      tpu.yield
    }) : () -> ()
    %mul3A_39 = arith.constant 4096 : i32
    %mul3A_40 = arith.muli %add3A, %mul3A_39 : i32
    %add3A_41 = arith.constant 2048 : i32
    %add3A_42 = arith.addi %mul3A_40, %add3A_41 : i32
    "tpu.region"() ({
      %run_scoped3A = tpu.sem_alloc : memref<!tpu.dma_semaphore, #tpu.memory_space<semaphore_mem>>
      %dma_start3A_79 = tpu.memref_slice %arg3[%add3A_42] : memref<131072xi32, #tpu.memory_space<hbm>> -> memref<512xi32, #tpu.memory_space<hbm>>
      %dma_start3A_80 = tpu.memref_slice %arg3[%add3A_42] : memref<131072xi32, #tpu.memory_space<hbm>> -> memref<512xi32, #tpu.memory_space<hbm>>
      tpu.enqueue_dma source(%dma_start3A_80 : memref<512xi32, #tpu.memory_space<hbm>>) target(%arg5 : memref<512xi32, #tpu.memory_space<vmem>>) target_semaphore(%run_scoped3A : memref<!tpu.dma_semaphore, #tpu.memory_space<semaphore_mem>>)
      %dma_wait3A_81 = tpu.memref_slice %arg3[%add3A_42] : memref<131072xi32, #tpu.memory_space<hbm>> -> memref<512xi32, #tpu.memory_space<hbm>>
      %dma_wait3A_82 = tpu.memref_slice %arg3[%add3A_42] : memref<131072xi32, #tpu.memory_space<hbm>> -> memref<512xi32, #tpu.memory_space<hbm>>
      tpu.wait_dma2 semaphore(%run_scoped3A : memref<!tpu.dma_semaphore, #tpu.memory_space<semaphore_mem>>) src(%dma_wait3A_82 : memref<512xi32, #tpu.memory_space<hbm>>) dst(%arg5 : memref<512xi32, #tpu.memory_space<vmem>>)
      tpu.yield
    }) : () -> ()
    %dma_start3A_43 = arith.constant 0 : i32
    %dma_start3A_44 = arith.constant 0 : i32
    %dma_start3A_45 = tpu.memref_slice %arg2[%dma_start3A_43, %dma_start3A_44] : memref<32768x128xf32, #tpu.memory_space<hbm>> -> memref<32768x128xf32, #tpu.memory_space<hbm>>
    tpu.enqueue_indirect_dma source(%dma_start3A_45 : memref<32768x128xf32, #tpu.memory_space<hbm>>) target(%arg6 : memref<512x128xf32, #tpu.memory_space<vmem>>) offsets(%arg5 : memref<512xi32, #tpu.memory_space<vmem>>) semaphore(%arg7 : memref<!tpu.dma_semaphore, #tpu.memory_space<semaphore_mem>>)
    %dma_wait3A_46 = arith.constant 0 : i32
    %dma_wait3A_47 = arith.constant 0 : i32
    %dma_wait3A_48 = tpu.memref_slice %arg2[%dma_wait3A_46, %dma_wait3A_47] : memref<32768x128xf32, #tpu.memory_space<hbm>> -> memref<32768x128xf32, #tpu.memory_space<hbm>>
    tpu.wait_indirect_dma semaphore(%arg7 : memref<!tpu.dma_semaphore, #tpu.memory_space<semaphore_mem>>) src(%dma_wait3A_48 : memref<32768x128xf32, #tpu.memory_space<hbm>>) dst(%arg6 : memref<512x128xf32, #tpu.memory_space<vmem>>)
    "tpu.region"() ({
      %run_scoped3A = tpu.sem_alloc : memref<!tpu.dma_semaphore, #tpu.memory_space<semaphore_mem>>
      %dma_start3A_79 = arith.constant 0 : i32
      %dma_start3A_80 = tpu.memref_slice %arg4[%add3A_42, %dma_start3A_79] : memref<131072x128xf32, #tpu.memory_space<hbm>> -> memref<512x128xf32, #tpu.memory_space<hbm>>
      %dma_start3A_81 = arith.constant 0 : i32
      %dma_start3A_82 = tpu.memref_slice %arg4[%add3A_42, %dma_start3A_81] : memref<131072x128xf32, #tpu.memory_space<hbm>> -> memref<512x128xf32, #tpu.memory_space<hbm>>
      tpu.enqueue_dma source(%arg6 : memref<512x128xf32, #tpu.memory_space<vmem>>) target(%dma_start3A_82 : memref<512x128xf32, #tpu.memory_space<hbm>>) target_semaphore(%run_scoped3A : memref<!tpu.dma_semaphore, #tpu.memory_space<semaphore_mem>>)
      %dma_wait3A_83 = arith.constant 0 : i32
      %dma_wait3A_84 = tpu.memref_slice %arg4[%add3A_42, %dma_wait3A_83] : memref<131072x128xf32, #tpu.memory_space<hbm>> -> memref<512x128xf32, #tpu.memory_space<hbm>>
      %dma_wait3A_85 = arith.constant 0 : i32
      %dma_wait3A_86 = tpu.memref_slice %arg4[%add3A_42, %dma_wait3A_85] : memref<131072x128xf32, #tpu.memory_space<hbm>> -> memref<512x128xf32, #tpu.memory_space<hbm>>
      tpu.wait_dma2 semaphore(%run_scoped3A : memref<!tpu.dma_semaphore, #tpu.memory_space<semaphore_mem>>) src(%arg6 : memref<512x128xf32, #tpu.memory_space<vmem>>) dst(%dma_wait3A_86 : memref<512x128xf32, #tpu.memory_space<hbm>>)
      tpu.yield
    }) : () -> ()
    %mul3A_49 = arith.constant 4096 : i32
    %mul3A_50 = arith.muli %add3A, %mul3A_49 : i32
    %add3A_51 = arith.constant 2560 : i32
    %add3A_52 = arith.addi %mul3A_50, %add3A_51 : i32
    "tpu.region"() ({
      %run_scoped3A = tpu.sem_alloc : memref<!tpu.dma_semaphore, #tpu.memory_space<semaphore_mem>>
      %dma_start3A_79 = tpu.memref_slice %arg3[%add3A_52] : memref<131072xi32, #tpu.memory_space<hbm>> -> memref<512xi32, #tpu.memory_space<hbm>>
      %dma_start3A_80 = tpu.memref_slice %arg3[%add3A_52] : memref<131072xi32, #tpu.memory_space<hbm>> -> memref<512xi32, #tpu.memory_space<hbm>>
      tpu.enqueue_dma source(%dma_start3A_80 : memref<512xi32, #tpu.memory_space<hbm>>) target(%arg5 : memref<512xi32, #tpu.memory_space<vmem>>) target_semaphore(%run_scoped3A : memref<!tpu.dma_semaphore, #tpu.memory_space<semaphore_mem>>)
      %dma_wait3A_81 = tpu.memref_slice %arg3[%add3A_52] : memref<131072xi32, #tpu.memory_space<hbm>> -> memref<512xi32, #tpu.memory_space<hbm>>
      %dma_wait3A_82 = tpu.memref_slice %arg3[%add3A_52] : memref<131072xi32, #tpu.memory_space<hbm>> -> memref<512xi32, #tpu.memory_space<hbm>>
      tpu.wait_dma2 semaphore(%run_scoped3A : memref<!tpu.dma_semaphore, #tpu.memory_space<semaphore_mem>>) src(%dma_wait3A_82 : memref<512xi32, #tpu.memory_space<hbm>>) dst(%arg5 : memref<512xi32, #tpu.memory_space<vmem>>)
      tpu.yield
    }) : () -> ()
    %dma_start3A_53 = arith.constant 0 : i32
    %dma_start3A_54 = arith.constant 0 : i32
    %dma_start3A_55 = tpu.memref_slice %arg2[%dma_start3A_53, %dma_start3A_54] : memref<32768x128xf32, #tpu.memory_space<hbm>> -> memref<32768x128xf32, #tpu.memory_space<hbm>>
    tpu.enqueue_indirect_dma source(%dma_start3A_55 : memref<32768x128xf32, #tpu.memory_space<hbm>>) target(%arg6 : memref<512x128xf32, #tpu.memory_space<vmem>>) offsets(%arg5 : memref<512xi32, #tpu.memory_space<vmem>>) semaphore(%arg7 : memref<!tpu.dma_semaphore, #tpu.memory_space<semaphore_mem>>)
    %dma_wait3A_56 = arith.constant 0 : i32
    %dma_wait3A_57 = arith.constant 0 : i32
    %dma_wait3A_58 = tpu.memref_slice %arg2[%dma_wait3A_56, %dma_wait3A_57] : memref<32768x128xf32, #tpu.memory_space<hbm>> -> memref<32768x128xf32, #tpu.memory_space<hbm>>
    tpu.wait_indirect_dma semaphore(%arg7 : memref<!tpu.dma_semaphore, #tpu.memory_space<semaphore_mem>>) src(%dma_wait3A_58 : memref<32768x128xf32, #tpu.memory_space<hbm>>) dst(%arg6 : memref<512x128xf32, #tpu.memory_space<vmem>>)
    "tpu.region"() ({
      %run_scoped3A = tpu.sem_alloc : memref<!tpu.dma_semaphore, #tpu.memory_space<semaphore_mem>>
      %dma_start3A_79 = arith.constant 0 : i32
      %dma_start3A_80 = tpu.memref_slice %arg4[%add3A_52, %dma_start3A_79] : memref<131072x128xf32, #tpu.memory_space<hbm>> -> memref<512x128xf32, #tpu.memory_space<hbm>>
      %dma_start3A_81 = arith.constant 0 : i32
      %dma_start3A_82 = tpu.memref_slice %arg4[%add3A_52, %dma_start3A_81] : memref<131072x128xf32, #tpu.memory_space<hbm>> -> memref<512x128xf32, #tpu.memory_space<hbm>>
      tpu.enqueue_dma source(%arg6 : memref<512x128xf32, #tpu.memory_space<vmem>>) target(%dma_start3A_82 : memref<512x128xf32, #tpu.memory_space<hbm>>) target_semaphore(%run_scoped3A : memref<!tpu.dma_semaphore, #tpu.memory_space<semaphore_mem>>)
      %dma_wait3A_83 = arith.constant 0 : i32
      %dma_wait3A_84 = tpu.memref_slice %arg4[%add3A_52, %dma_wait3A_83] : memref<131072x128xf32, #tpu.memory_space<hbm>> -> memref<512x128xf32, #tpu.memory_space<hbm>>
      %dma_wait3A_85 = arith.constant 0 : i32
      %dma_wait3A_86 = tpu.memref_slice %arg4[%add3A_52, %dma_wait3A_85] : memref<131072x128xf32, #tpu.memory_space<hbm>> -> memref<512x128xf32, #tpu.memory_space<hbm>>
      tpu.wait_dma2 semaphore(%run_scoped3A : memref<!tpu.dma_semaphore, #tpu.memory_space<semaphore_mem>>) src(%arg6 : memref<512x128xf32, #tpu.memory_space<vmem>>) dst(%dma_wait3A_86 : memref<512x128xf32, #tpu.memory_space<hbm>>)
      tpu.yield
    }) : () -> ()
    %mul3A_59 = arith.constant 4096 : i32
    %mul3A_60 = arith.muli %add3A, %mul3A_59 : i32
    %add3A_61 = arith.constant 3072 : i32
    %add3A_62 = arith.addi %mul3A_60, %add3A_61 : i32
    "tpu.region"() ({
      %run_scoped3A = tpu.sem_alloc : memref<!tpu.dma_semaphore, #tpu.memory_space<semaphore_mem>>
      %dma_start3A_79 = tpu.memref_slice %arg3[%add3A_62] : memref<131072xi32, #tpu.memory_space<hbm>> -> memref<512xi32, #tpu.memory_space<hbm>>
      %dma_start3A_80 = tpu.memref_slice %arg3[%add3A_62] : memref<131072xi32, #tpu.memory_space<hbm>> -> memref<512xi32, #tpu.memory_space<hbm>>
      tpu.enqueue_dma source(%dma_start3A_80 : memref<512xi32, #tpu.memory_space<hbm>>) target(%arg5 : memref<512xi32, #tpu.memory_space<vmem>>) target_semaphore(%run_scoped3A : memref<!tpu.dma_semaphore, #tpu.memory_space<semaphore_mem>>)
      %dma_wait3A_81 = tpu.memref_slice %arg3[%add3A_62] : memref<131072xi32, #tpu.memory_space<hbm>> -> memref<512xi32, #tpu.memory_space<hbm>>
      %dma_wait3A_82 = tpu.memref_slice %arg3[%add3A_62] : memref<131072xi32, #tpu.memory_space<hbm>> -> memref<512xi32, #tpu.memory_space<hbm>>
      tpu.wait_dma2 semaphore(%run_scoped3A : memref<!tpu.dma_semaphore, #tpu.memory_space<semaphore_mem>>) src(%dma_wait3A_82 : memref<512xi32, #tpu.memory_space<hbm>>) dst(%arg5 : memref<512xi32, #tpu.memory_space<vmem>>)
      tpu.yield
    }) : () -> ()
    %dma_start3A_63 = arith.constant 0 : i32
    %dma_start3A_64 = arith.constant 0 : i32
    %dma_start3A_65 = tpu.memref_slice %arg2[%dma_start3A_63, %dma_start3A_64] : memref<32768x128xf32, #tpu.memory_space<hbm>> -> memref<32768x128xf32, #tpu.memory_space<hbm>>
    tpu.enqueue_indirect_dma source(%dma_start3A_65 : memref<32768x128xf32, #tpu.memory_space<hbm>>) target(%arg6 : memref<512x128xf32, #tpu.memory_space<vmem>>) offsets(%arg5 : memref<512xi32, #tpu.memory_space<vmem>>) semaphore(%arg7 : memref<!tpu.dma_semaphore, #tpu.memory_space<semaphore_mem>>)
    %dma_wait3A_66 = arith.constant 0 : i32
    %dma_wait3A_67 = arith.constant 0 : i32
    %dma_wait3A_68 = tpu.memref_slice %arg2[%dma_wait3A_66, %dma_wait3A_67] : memref<32768x128xf32, #tpu.memory_space<hbm>> -> memref<32768x128xf32, #tpu.memory_space<hbm>>
    tpu.wait_indirect_dma semaphore(%arg7 : memref<!tpu.dma_semaphore, #tpu.memory_space<semaphore_mem>>) src(%dma_wait3A_68 : memref<32768x128xf32, #tpu.memory_space<hbm>>) dst(%arg6 : memref<512x128xf32, #tpu.memory_space<vmem>>)
    "tpu.region"() ({
      %run_scoped3A = tpu.sem_alloc : memref<!tpu.dma_semaphore, #tpu.memory_space<semaphore_mem>>
      %dma_start3A_79 = arith.constant 0 : i32
      %dma_start3A_80 = tpu.memref_slice %arg4[%add3A_62, %dma_start3A_79] : memref<131072x128xf32, #tpu.memory_space<hbm>> -> memref<512x128xf32, #tpu.memory_space<hbm>>
      %dma_start3A_81 = arith.constant 0 : i32
      %dma_start3A_82 = tpu.memref_slice %arg4[%add3A_62, %dma_start3A_81] : memref<131072x128xf32, #tpu.memory_space<hbm>> -> memref<512x128xf32, #tpu.memory_space<hbm>>
      tpu.enqueue_dma source(%arg6 : memref<512x128xf32, #tpu.memory_space<vmem>>) target(%dma_start3A_82 : memref<512x128xf32, #tpu.memory_space<hbm>>) target_semaphore(%run_scoped3A : memref<!tpu.dma_semaphore, #tpu.memory_space<semaphore_mem>>)
      %dma_wait3A_83 = arith.constant 0 : i32
      %dma_wait3A_84 = tpu.memref_slice %arg4[%add3A_62, %dma_wait3A_83] : memref<131072x128xf32, #tpu.memory_space<hbm>> -> memref<512x128xf32, #tpu.memory_space<hbm>>
      %dma_wait3A_85 = arith.constant 0 : i32
      %dma_wait3A_86 = tpu.memref_slice %arg4[%add3A_62, %dma_wait3A_85] : memref<131072x128xf32, #tpu.memory_space<hbm>> -> memref<512x128xf32, #tpu.memory_space<hbm>>
      tpu.wait_dma2 semaphore(%run_scoped3A : memref<!tpu.dma_semaphore, #tpu.memory_space<semaphore_mem>>) src(%arg6 : memref<512x128xf32, #tpu.memory_space<vmem>>) dst(%dma_wait3A_86 : memref<512x128xf32, #tpu.memory_space<hbm>>)
      tpu.yield
    }) : () -> ()
    %mul3A_69 = arith.constant 4096 : i32
    %mul3A_70 = arith.muli %add3A, %mul3A_69 : i32
    %add3A_71 = arith.constant 3584 : i32
    %add3A_72 = arith.addi %mul3A_70, %add3A_71 : i32
    "tpu.region"() ({
      %run_scoped3A = tpu.sem_alloc : memref<!tpu.dma_semaphore, #tpu.memory_space<semaphore_mem>>
      %dma_start3A_79 = tpu.memref_slice %arg3[%add3A_72] : memref<131072xi32, #tpu.memory_space<hbm>> -> memref<512xi32, #tpu.memory_space<hbm>>
      %dma_start3A_80 = tpu.memref_slice %arg3[%add3A_72] : memref<131072xi32, #tpu.memory_space<hbm>> -> memref<512xi32, #tpu.memory_space<hbm>>
      tpu.enqueue_dma source(%dma_start3A_80 : memref<512xi32, #tpu.memory_space<hbm>>) target(%arg5 : memref<512xi32, #tpu.memory_space<vmem>>) target_semaphore(%run_scoped3A : memref<!tpu.dma_semaphore, #tpu.memory_space<semaphore_mem>>)
      %dma_wait3A_81 = tpu.memref_slice %arg3[%add3A_72] : memref<131072xi32, #tpu.memory_space<hbm>> -> memref<512xi32, #tpu.memory_space<hbm>>
      %dma_wait3A_82 = tpu.memref_slice %arg3[%add3A_72] : memref<131072xi32, #tpu.memory_space<hbm>> -> memref<512xi32, #tpu.memory_space<hbm>>
      tpu.wait_dma2 semaphore(%run_scoped3A : memref<!tpu.dma_semaphore, #tpu.memory_space<semaphore_mem>>) src(%dma_wait3A_82 : memref<512xi32, #tpu.memory_space<hbm>>) dst(%arg5 : memref<512xi32, #tpu.memory_space<vmem>>)
      tpu.yield
    }) : () -> ()
    %dma_start3A_73 = arith.constant 0 : i32
    %dma_start3A_74 = arith.constant 0 : i32
    %dma_start3A_75 = tpu.memref_slice %arg2[%dma_start3A_73, %dma_start3A_74] : memref<32768x128xf32, #tpu.memory_space<hbm>> -> memref<32768x128xf32, #tpu.memory_space<hbm>>
    tpu.enqueue_indirect_dma source(%dma_start3A_75 : memref<32768x128xf32, #tpu.memory_space<hbm>>) target(%arg6 : memref<512x128xf32, #tpu.memory_space<vmem>>) offsets(%arg5 : memref<512xi32, #tpu.memory_space<vmem>>) semaphore(%arg7 : memref<!tpu.dma_semaphore, #tpu.memory_space<semaphore_mem>>)
    %dma_wait3A_76 = arith.constant 0 : i32
    %dma_wait3A_77 = arith.constant 0 : i32
    %dma_wait3A_78 = tpu.memref_slice %arg2[%dma_wait3A_76, %dma_wait3A_77] : memref<32768x128xf32, #tpu.memory_space<hbm>> -> memref<32768x128xf32, #tpu.memory_space<hbm>>
    tpu.wait_indirect_dma semaphore(%arg7 : memref<!tpu.dma_semaphore, #tpu.memory_space<semaphore_mem>>) src(%dma_wait3A_78 : memref<32768x128xf32, #tpu.memory_space<hbm>>) dst(%arg6 : memref<512x128xf32, #tpu.memory_space<vmem>>)
    "tpu.region"() ({
      %run_scoped3A = tpu.sem_alloc : memref<!tpu.dma_semaphore, #tpu.memory_space<semaphore_mem>>
      %dma_start3A_79 = arith.constant 0 : i32
      %dma_start3A_80 = tpu.memref_slice %arg4[%add3A_72, %dma_start3A_79] : memref<131072x128xf32, #tpu.memory_space<hbm>> -> memref<512x128xf32, #tpu.memory_space<hbm>>
      %dma_start3A_81 = arith.constant 0 : i32
      %dma_start3A_82 = tpu.memref_slice %arg4[%add3A_72, %dma_start3A_81] : memref<131072x128xf32, #tpu.memory_space<hbm>> -> memref<512x128xf32, #tpu.memory_space<hbm>>
      tpu.enqueue_dma source(%arg6 : memref<512x128xf32, #tpu.memory_space<vmem>>) target(%dma_start3A_82 : memref<512x128xf32, #tpu.memory_space<hbm>>) target_semaphore(%run_scoped3A : memref<!tpu.dma_semaphore, #tpu.memory_space<semaphore_mem>>)
      %dma_wait3A_83 = arith.constant 0 : i32
      %dma_wait3A_84 = tpu.memref_slice %arg4[%add3A_72, %dma_wait3A_83] : memref<131072x128xf32, #tpu.memory_space<hbm>> -> memref<512x128xf32, #tpu.memory_space<hbm>>
      %dma_wait3A_85 = arith.constant 0 : i32
      %dma_wait3A_86 = tpu.memref_slice %arg4[%add3A_72, %dma_wait3A_85] : memref<131072x128xf32, #tpu.memory_space<hbm>> -> memref<512x128xf32, #tpu.memory_space<hbm>>
      tpu.wait_dma2 semaphore(%run_scoped3A : memref<!tpu.dma_semaphore, #tpu.memory_space<semaphore_mem>>) src(%arg6 : memref<512x128xf32, #tpu.memory_space<vmem>>) dst(%dma_wait3A_86 : memref<512x128xf32, #tpu.memory_space<hbm>>)
      tpu.yield
    }) : () -> ()
    return
  }
}

module attributes {stable_mosaic.version = 14 : i64} {
  func.func @_knn_body(%arg0: i32, %arg1: i32, %arg2: memref<1x3x8192xf32, #tpu.memory_space<vmem>>, %arg3: memref<1x256x3xf32, #tpu.memory_space<vmem>>, %arg4: memref<1x256x16xi32, #tpu.memory_space<vmem>>, %arg5: memref<1x256x16xi32, #tpu.memory_space<vmem>>) attributes {dimension_semantics = [#tpu.dimension_semantics<arbitrary>, #tpu.dimension_semantics<arbitrary>], iteration_bounds = array<i64: 4, 8>, scalar_prefetch = 0 : i64, scratch_operands = 0 : i64, tpu.core_type = #tpu.core_type<tc>, window_params = [{transform_indices = @transform_0, window_bounds = array<i64: 1, 3, 8192>}, {transform_indices = @transform_1, window_bounds = array<i64: 1, 256, 3>}, {transform_indices = @transform_2, window_bounds = array<i64: 1, 256, 16>}, {transform_indices = @transform_3, window_bounds = array<i64: 1, 256, 16>}]} {
    %get3A = arith.constant 0 : index
    %get3A_0 = arith.constant 0 : index
    %get3A_1 = arith.constant 0 : index
    %get3A_2 = vector.load %arg2[%get3A, %get3A_0, %get3A_1] : memref<1x3x8192xf32, #tpu.memory_space<vmem>>, vector<1x3x8192xf32>
    %get3A_3 = vector.shape_cast %get3A_2 : vector<1x3x8192xf32> to vector<3x8192xf32>
    %get3A_4 = arith.constant 0 : index
    %get3A_5 = arith.constant 0 : index
    %get3A_6 = arith.constant 0 : index
    %get3A_7 = vector.load %arg3[%get3A_4, %get3A_5, %get3A_6] : memref<1x256x3xf32, #tpu.memory_space<vmem>>, vector<1x256x3xf32>
    %get3A_8 = vector.shape_cast %get3A_7 : vector<1x256x3xf32> to vector<256x3xf32>
    %convert_element_type3A = arith.truncf %get3A_3 : vector<3x8192xf32> to vector<3x8192xbf16>
    %convert_element_type3A_9 = arith.truncf %get3A_8 : vector<256x3xf32> to vector<256x3xbf16>
    %mul3A = arith.mulf %get3A_3, %get3A_3 : vector<3x8192xf32>
    %reduce_sum3A = arith.constant dense<0.000000e+00> : vector<8192xf32>
    %reduce_sum3A_10 = vector.multi_reduction <add>, %mul3A, %reduce_sum3A [0] : vector<3x8192xf32> to vector<8192xf32>
    %broadcast_in_dim3A = vector.shape_cast %reduce_sum3A_10 : vector<8192xf32> to vector<1x8192xf32>
    %mul3A_11 = arith.mulf %get3A_8, %get3A_8 : vector<256x3xf32>
    %reduce_sum3A_12 = arith.constant dense<0.000000e+00> : vector<256xf32>
    %reduce_sum3A_13 = vector.multi_reduction <add>, %mul3A_11, %reduce_sum3A_12 [1] : vector<256x3xf32> to vector<256xf32>
    %broadcast_in_dim3A_14 = vector.shape_cast %reduce_sum3A_13 : vector<256xf32> to vector<256x1xf32>
    %iota3A = tpu.iota {dimensions = array<i32: 1>} : vector<256x128xi32>
    %broadcast_in_dim3A_15 = arith.constant 2147483647 : i32
    %broadcast_in_dim3A_16 = vector.broadcast %broadcast_in_dim3A_15 : i32 to vector<256x128xi32>
    %broadcast_in_dim3A_17 = arith.constant 2147483647 : i32
    %broadcast_in_dim3A_18 = vector.broadcast %broadcast_in_dim3A_17 : i32 to vector<256x128xi32>
    %broadcast_in_dim3A_19 = arith.constant 2147483647 : i32
    %broadcast_in_dim3A_20 = vector.broadcast %broadcast_in_dim3A_19 : i32 to vector<256x128xi32>
    %broadcast_in_dim3A_21 = arith.constant 2147483647 : i32
    %broadcast_in_dim3A_22 = vector.broadcast %broadcast_in_dim3A_21 : i32 to vector<256x128xi32>
    %broadcast_in_dim3A_23 = arith.constant 2147483647 : i32
    %broadcast_in_dim3A_24 = vector.broadcast %broadcast_in_dim3A_23 : i32 to vector<256x128xi32>
    %broadcast_in_dim3A_25 = arith.constant 2147483647 : i32
    %broadcast_in_dim3A_26 = vector.broadcast %broadcast_in_dim3A_25 : i32 to vector<256x128xi32>
    %broadcast_in_dim3A_27 = arith.constant 0 : i32
    %broadcast_in_dim3A_28 = vector.broadcast %broadcast_in_dim3A_27 : i32 to vector<256x128xi32>
    %broadcast_in_dim3A_29 = arith.constant 0 : i32
    %broadcast_in_dim3A_30 = vector.broadcast %broadcast_in_dim3A_29 : i32 to vector<256x128xi32>
    %broadcast_in_dim3A_31 = arith.constant 0 : i32
    %broadcast_in_dim3A_32 = vector.broadcast %broadcast_in_dim3A_31 : i32 to vector<256x128xi32>
    %broadcast_in_dim3A_33 = arith.constant 0 : i32
    %broadcast_in_dim3A_34 = vector.broadcast %broadcast_in_dim3A_33 : i32 to vector<256x128xi32>
    %broadcast_in_dim3A_35 = arith.constant 0 : i32
    %broadcast_in_dim3A_36 = vector.broadcast %broadcast_in_dim3A_35 : i32 to vector<256x128xi32>
    %broadcast_in_dim3A_37 = arith.constant 0 : i32
    %broadcast_in_dim3A_38 = vector.broadcast %broadcast_in_dim3A_37 : i32 to vector<256x128xi32>
    %slice3A = vector.extract_strided_slice %convert_element_type3A {offsets = [0, 0], sizes = [3, 128], strides = [1, 1]} : vector<3x8192xbf16> to vector<3x128xbf16>
    %dot_general3A = arith.constant dense<0.000000e+00> : vector<256x128xf32>
    %dot_general3A_39 = tpu.matmul %convert_element_type3A_9, %slice3A, %dot_general3A {dimension_numbers = #tpu.dot_dimension_numbers<[1], [0], [0], [1], [0, 0, 1, 1], [], []>, transpose_lhs_hint = false} : vector<256x3xbf16>, vector<3x128xbf16>, vector<256x128xf32> -> vector<256x128xf32>
    %slice3A_40 = vector.extract_strided_slice %broadcast_in_dim3A {offsets = [0, 0], sizes = [1, 128], strides = [1, 1]} : vector<1x8192xf32> to vector<1x128xf32>
    %add3A = vector.broadcast %broadcast_in_dim3A_14 : vector<256x1xf32> to vector<256x128xf32>
    %add3A_41 = vector.broadcast %slice3A_40 : vector<1x128xf32> to vector<256x128xf32>
    %add3A_42 = arith.addf %add3A, %add3A_41 : vector<256x128xf32>
    %mul3A_43 = arith.constant 2.000000e+00 : f32
    %mul3A_44 = vector.broadcast %mul3A_43 : f32 to vector<256x128xf32>
    %mul3A_45 = arith.mulf %mul3A_44, %dot_general3A_39 : vector<256x128xf32>
    %sub3A = arith.subf %add3A_42, %mul3A_45 : vector<256x128xf32>
    %bitcast_convert_type3A = tpu.bitcast %sub3A : vector<256x128xf32> -> vector<256x128xi32>
    %shift_right_arithmetic3A = arith.constant 31 : i32
    %shift_right_arithmetic3A_46 = vector.broadcast %shift_right_arithmetic3A : i32 to vector<256x128xi32>
    %shift_right_arithmetic3A_47 = arith.shrsi %bitcast_convert_type3A, %shift_right_arithmetic3A_46 : vector<256x128xi32>
    %and3A = arith.constant 2147483647 : i32
    %and3A_48 = vector.broadcast %and3A : i32 to vector<256x128xi32>
    %and3A_49 = arith.andi %shift_right_arithmetic3A_47, %and3A_48 : vector<256x128xi32>
    %xor3A = arith.xori %bitcast_convert_type3A, %and3A_49 : vector<256x128xi32>
    %add3A_50 = arith.constant 0 : i32
    %add3A_51 = vector.broadcast %add3A_50 : i32 to vector<256x128xi32>
    %add3A_52 = arith.addi %iota3A, %add3A_51 : vector<256x128xi32>
    %lt3A = arith.cmpi slt, %xor3A, %broadcast_in_dim3A_16 : vector<256x128xi32>
    %min3A = arith.minsi %xor3A, %broadcast_in_dim3A_16 : vector<256x128xi32>
    %max3A = arith.maxsi %xor3A, %broadcast_in_dim3A_16 : vector<256x128xi32>
    %select_n3A = arith.select %lt3A, %add3A_52, %broadcast_in_dim3A_28 : vector<256x128xi1>, vector<256x128xi32>
    %select_n3A_53 = arith.select %lt3A, %broadcast_in_dim3A_28, %add3A_52 : vector<256x128xi1>, vector<256x128xi32>
    %lt3A_54 = arith.cmpi slt, %max3A, %broadcast_in_dim3A_18 : vector<256x128xi32>
    %min3A_55 = arith.minsi %max3A, %broadcast_in_dim3A_18 : vector<256x128xi32>
    %max3A_56 = arith.maxsi %max3A, %broadcast_in_dim3A_18 : vector<256x128xi32>
    %select_n3A_57 = arith.select %lt3A_54, %select_n3A_53, %broadcast_in_dim3A_30 : vector<256x128xi1>, vector<256x128xi32>
    %select_n3A_58 = arith.select %lt3A_54, %broadcast_in_dim3A_30, %select_n3A_53 : vector<256x128xi1>, vector<256x128xi32>
    %lt3A_59 = arith.cmpi slt, %max3A_56, %broadcast_in_dim3A_20 : vector<256x128xi32>
    %min3A_60 = arith.minsi %max3A_56, %broadcast_in_dim3A_20 : vector<256x128xi32>
    %max3A_61 = arith.maxsi %max3A_56, %broadcast_in_dim3A_20 : vector<256x128xi32>
    %select_n3A_62 = arith.select %lt3A_59, %select_n3A_58, %broadcast_in_dim3A_32 : vector<256x128xi1>, vector<256x128xi32>
    %select_n3A_63 = arith.select %lt3A_59, %broadcast_in_dim3A_32, %select_n3A_58 : vector<256x128xi1>, vector<256x128xi32>
    %lt3A_64 = arith.cmpi slt, %max3A_61, %broadcast_in_dim3A_22 : vector<256x128xi32>
    %min3A_65 = arith.minsi %max3A_61, %broadcast_in_dim3A_22 : vector<256x128xi32>
    %max3A_66 = arith.maxsi %max3A_61, %broadcast_in_dim3A_22 : vector<256x128xi32>
    %select_n3A_67 = arith.select %lt3A_64, %select_n3A_63, %broadcast_in_dim3A_34 : vector<256x128xi1>, vector<256x128xi32>
    %select_n3A_68 = arith.select %lt3A_64, %broadcast_in_dim3A_34, %select_n3A_63 : vector<256x128xi1>, vector<256x128xi32>
    %lt3A_69 = arith.cmpi slt, %max3A_66, %broadcast_in_dim3A_24 : vector<256x128xi32>
    %min3A_70 = arith.minsi %max3A_66, %broadcast_in_dim3A_24 : vector<256x128xi32>
    %max3A_71 = arith.maxsi %max3A_66, %broadcast_in_dim3A_24 : vector<256x128xi32>
    %select_n3A_72 = arith.select %lt3A_69, %select_n3A_68, %broadcast_in_dim3A_36 : vector<256x128xi1>, vector<256x128xi32>
    %select_n3A_73 = arith.select %lt3A_69, %broadcast_in_dim3A_36, %select_n3A_68 : vector<256x128xi1>, vector<256x128xi32>
    %lt3A_74 = arith.cmpi slt, %max3A_71, %broadcast_in_dim3A_26 : vector<256x128xi32>
    %min3A_75 = arith.minsi %max3A_71, %broadcast_in_dim3A_26 : vector<256x128xi32>
    %select_n3A_76 = arith.select %lt3A_74, %select_n3A_73, %broadcast_in_dim3A_38 : vector<256x128xi1>, vector<256x128xi32>
    %slice3A_77 = vector.extract_strided_slice %convert_element_type3A {offsets = [0, 128], sizes = [3, 128], strides = [1, 1]} : vector<3x8192xbf16> to vector<3x128xbf16>
    %dot_general3A_78 = arith.constant dense<0.000000e+00> : vector<256x128xf32>
    %dot_general3A_79 = tpu.matmul %convert_element_type3A_9, %slice3A_77, %dot_general3A_78 {dimension_numbers = #tpu.dot_dimension_numbers<[1], [0], [0], [1], [0, 0, 1, 1], [], []>, transpose_lhs_hint = false} : vector<256x3xbf16>, vector<3x128xbf16>, vector<256x128xf32> -> vector<256x128xf32>
    %slice3A_80 = vector.extract_strided_slice %broadcast_in_dim3A {offsets = [0, 128], sizes = [1, 128], strides = [1, 1]} : vector<1x8192xf32> to vector<1x128xf32>
    %add3A_81 = vector.broadcast %broadcast_in_dim3A_14 : vector<256x1xf32> to vector<256x128xf32>
    %add3A_82 = vector.broadcast %slice3A_80 : vector<1x128xf32> to vector<256x128xf32>
    %add3A_83 = arith.addf %add3A_81, %add3A_82 : vector<256x128xf32>
    %mul3A_84 = arith.constant 2.000000e+00 : f32
    %mul3A_85 = vector.broadcast %mul3A_84 : f32 to vector<256x128xf32>
    %mul3A_86 = arith.mulf %mul3A_85, %dot_general3A_79 : vector<256x128xf32>
    %sub3A_87 = arith.subf %add3A_83, %mul3A_86 : vector<256x128xf32>
    %bitcast_convert_type3A_88 = tpu.bitcast %sub3A_87 : vector<256x128xf32> -> vector<256x128xi32>
    %shift_right_arithmetic3A_89 = arith.constant 31 : i32
    %shift_right_arithmetic3A_90 = vector.broadcast %shift_right_arithmetic3A_89 : i32 to vector<256x128xi32>
    %shift_right_arithmetic3A_91 = arith.shrsi %bitcast_convert_type3A_88, %shift_right_arithmetic3A_90 : vector<256x128xi32>
    %and3A_92 = arith.constant 2147483647 : i32
    %and3A_93 = vector.broadcast %and3A_92 : i32 to vector<256x128xi32>
    %and3A_94 = arith.andi %shift_right_arithmetic3A_91, %and3A_93 : vector<256x128xi32>
    %xor3A_95 = arith.xori %bitcast_convert_type3A_88, %and3A_94 : vector<256x128xi32>
    %add3A_96 = arith.constant 128 : i32
    %add3A_97 = vector.broadcast %add3A_96 : i32 to vector<256x128xi32>
    %add3A_98 = arith.addi %iota3A, %add3A_97 : vector<256x128xi32>
    %lt3A_99 = arith.cmpi slt, %xor3A_95, %min3A : vector<256x128xi32>
    %min3A_100 = arith.minsi %xor3A_95, %min3A : vector<256x128xi32>
    %max3A_101 = arith.maxsi %xor3A_95, %min3A : vector<256x128xi32>
    %select_n3A_102 = arith.select %lt3A_99, %add3A_98, %select_n3A : vector<256x128xi1>, vector<256x128xi32>
    %select_n3A_103 = arith.select %lt3A_99, %select_n3A, %add3A_98 : vector<256x128xi1>, vector<256x128xi32>
    %lt3A_104 = arith.cmpi slt, %max3A_101, %min3A_55 : vector<256x128xi32>
    %min3A_105 = arith.minsi %max3A_101, %min3A_55 : vector<256x128xi32>
    %max3A_106 = arith.maxsi %max3A_101, %min3A_55 : vector<256x128xi32>
    %select_n3A_107 = arith.select %lt3A_104, %select_n3A_103, %select_n3A_57 : vector<256x128xi1>, vector<256x128xi32>
    %select_n3A_108 = arith.select %lt3A_104, %select_n3A_57, %select_n3A_103 : vector<256x128xi1>, vector<256x128xi32>
    %lt3A_109 = arith.cmpi slt, %max3A_106, %min3A_60 : vector<256x128xi32>
    %min3A_110 = arith.minsi %max3A_106, %min3A_60 : vector<256x128xi32>
    %max3A_111 = arith.maxsi %max3A_106, %min3A_60 : vector<256x128xi32>
    %select_n3A_112 = arith.select %lt3A_109, %select_n3A_108, %select_n3A_62 : vector<256x128xi1>, vector<256x128xi32>
    %select_n3A_113 = arith.select %lt3A_109, %select_n3A_62, %select_n3A_108 : vector<256x128xi1>, vector<256x128xi32>
    %lt3A_114 = arith.cmpi slt, %max3A_111, %min3A_65 : vector<256x128xi32>
    %min3A_115 = arith.minsi %max3A_111, %min3A_65 : vector<256x128xi32>
    %max3A_116 = arith.maxsi %max3A_111, %min3A_65 : vector<256x128xi32>
    %select_n3A_117 = arith.select %lt3A_114, %select_n3A_113, %select_n3A_67 : vector<256x128xi1>, vector<256x128xi32>
    %select_n3A_118 = arith.select %lt3A_114, %select_n3A_67, %select_n3A_113 : vector<256x128xi1>, vector<256x128xi32>
    %lt3A_119 = arith.cmpi slt, %max3A_116, %min3A_70 : vector<256x128xi32>
    %min3A_120 = arith.minsi %max3A_116, %min3A_70 : vector<256x128xi32>
    %max3A_121 = arith.maxsi %max3A_116, %min3A_70 : vector<256x128xi32>
    %select_n3A_122 = arith.select %lt3A_119, %select_n3A_118, %select_n3A_72 : vector<256x128xi1>, vector<256x128xi32>
    %select_n3A_123 = arith.select %lt3A_119, %select_n3A_72, %select_n3A_118 : vector<256x128xi1>, vector<256x128xi32>
    %lt3A_124 = arith.cmpi slt, %max3A_121, %min3A_75 : vector<256x128xi32>
    %min3A_125 = arith.minsi %max3A_121, %min3A_75 : vector<256x128xi32>
    %select_n3A_126 = arith.select %lt3A_124, %select_n3A_123, %select_n3A_76 : vector<256x128xi1>, vector<256x128xi32>
    %slice3A_127 = vector.extract_strided_slice %convert_element_type3A {offsets = [0, 256], sizes = [3, 128], strides = [1, 1]} : vector<3x8192xbf16> to vector<3x128xbf16>
    %dot_general3A_128 = arith.constant dense<0.000000e+00> : vector<256x128xf32>
    %dot_general3A_129 = tpu.matmul %convert_element_type3A_9, %slice3A_127, %dot_general3A_128 {dimension_numbers = #tpu.dot_dimension_numbers<[1], [0], [0], [1], [0, 0, 1, 1], [], []>, transpose_lhs_hint = false} : vector<256x3xbf16>, vector<3x128xbf16>, vector<256x128xf32> -> vector<256x128xf32>
    %slice3A_130 = vector.extract_strided_slice %broadcast_in_dim3A {offsets = [0, 256], sizes = [1, 128], strides = [1, 1]} : vector<1x8192xf32> to vector<1x128xf32>
    %add3A_131 = vector.broadcast %broadcast_in_dim3A_14 : vector<256x1xf32> to vector<256x128xf32>
    %add3A_132 = vector.broadcast %slice3A_130 : vector<1x128xf32> to vector<256x128xf32>
    %add3A_133 = arith.addf %add3A_131, %add3A_132 : vector<256x128xf32>
    %mul3A_134 = arith.constant 2.000000e+00 : f32
    %mul3A_135 = vector.broadcast %mul3A_134 : f32 to vector<256x128xf32>
    %mul3A_136 = arith.mulf %mul3A_135, %dot_general3A_129 : vector<256x128xf32>
    %sub3A_137 = arith.subf %add3A_133, %mul3A_136 : vector<256x128xf32>
    %bitcast_convert_type3A_138 = tpu.bitcast %sub3A_137 : vector<256x128xf32> -> vector<256x128xi32>
    %shift_right_arithmetic3A_139 = arith.constant 31 : i32
    %shift_right_arithmetic3A_140 = vector.broadcast %shift_right_arithmetic3A_139 : i32 to vector<256x128xi32>
    %shift_right_arithmetic3A_141 = arith.shrsi %bitcast_convert_type3A_138, %shift_right_arithmetic3A_140 : vector<256x128xi32>
    %and3A_142 = arith.constant 2147483647 : i32
    %and3A_143 = vector.broadcast %and3A_142 : i32 to vector<256x128xi32>
    %and3A_144 = arith.andi %shift_right_arithmetic3A_141, %and3A_143 : vector<256x128xi32>
    %xor3A_145 = arith.xori %bitcast_convert_type3A_138, %and3A_144 : vector<256x128xi32>
    %add3A_146 = arith.constant 256 : i32
    %add3A_147 = vector.broadcast %add3A_146 : i32 to vector<256x128xi32>
    %add3A_148 = arith.addi %iota3A, %add3A_147 : vector<256x128xi32>
    %lt3A_149 = arith.cmpi slt, %xor3A_145, %min3A_100 : vector<256x128xi32>
    %min3A_150 = arith.minsi %xor3A_145, %min3A_100 : vector<256x128xi32>
    %max3A_151 = arith.maxsi %xor3A_145, %min3A_100 : vector<256x128xi32>
    %select_n3A_152 = arith.select %lt3A_149, %add3A_148, %select_n3A_102 : vector<256x128xi1>, vector<256x128xi32>
    %select_n3A_153 = arith.select %lt3A_149, %select_n3A_102, %add3A_148 : vector<256x128xi1>, vector<256x128xi32>
    %lt3A_154 = arith.cmpi slt, %max3A_151, %min3A_105 : vector<256x128xi32>
    %min3A_155 = arith.minsi %max3A_151, %min3A_105 : vector<256x128xi32>
    %max3A_156 = arith.maxsi %max3A_151, %min3A_105 : vector<256x128xi32>
    %select_n3A_157 = arith.select %lt3A_154, %select_n3A_153, %select_n3A_107 : vector<256x128xi1>, vector<256x128xi32>
    %select_n3A_158 = arith.select %lt3A_154, %select_n3A_107, %select_n3A_153 : vector<256x128xi1>, vector<256x128xi32>
    %lt3A_159 = arith.cmpi slt, %max3A_156, %min3A_110 : vector<256x128xi32>
    %min3A_160 = arith.minsi %max3A_156, %min3A_110 : vector<256x128xi32>
    %max3A_161 = arith.maxsi %max3A_156, %min3A_110 : vector<256x128xi32>
    %select_n3A_162 = arith.select %lt3A_159, %select_n3A_158, %select_n3A_112 : vector<256x128xi1>, vector<256x128xi32>
    %select_n3A_163 = arith.select %lt3A_159, %select_n3A_112, %select_n3A_158 : vector<256x128xi1>, vector<256x128xi32>
    %lt3A_164 = arith.cmpi slt, %max3A_161, %min3A_115 : vector<256x128xi32>
    %min3A_165 = arith.minsi %max3A_161, %min3A_115 : vector<256x128xi32>
    %max3A_166 = arith.maxsi %max3A_161, %min3A_115 : vector<256x128xi32>
    %select_n3A_167 = arith.select %lt3A_164, %select_n3A_163, %select_n3A_117 : vector<256x128xi1>, vector<256x128xi32>
    %select_n3A_168 = arith.select %lt3A_164, %select_n3A_117, %select_n3A_163 : vector<256x128xi1>, vector<256x128xi32>
    %lt3A_169 = arith.cmpi slt, %max3A_166, %min3A_120 : vector<256x128xi32>
    %min3A_170 = arith.minsi %max3A_166, %min3A_120 : vector<256x128xi32>
    %max3A_171 = arith.maxsi %max3A_166, %min3A_120 : vector<256x128xi32>
    %select_n3A_172 = arith.select %lt3A_169, %select_n3A_168, %select_n3A_122 : vector<256x128xi1>, vector<256x128xi32>
    %select_n3A_173 = arith.select %lt3A_169, %select_n3A_122, %select_n3A_168 : vector<256x128xi1>, vector<256x128xi32>
    %lt3A_174 = arith.cmpi slt, %max3A_171, %min3A_125 : vector<256x128xi32>
    %min3A_175 = arith.minsi %max3A_171, %min3A_125 : vector<256x128xi32>
    %select_n3A_176 = arith.select %lt3A_174, %select_n3A_173, %select_n3A_126 : vector<256x128xi1>, vector<256x128xi32>
    %slice3A_177 = vector.extract_strided_slice %convert_element_type3A {offsets = [0, 384], sizes = [3, 128], strides = [1, 1]} : vector<3x8192xbf16> to vector<3x128xbf16>
    %dot_general3A_178 = arith.constant dense<0.000000e+00> : vector<256x128xf32>
    %dot_general3A_179 = tpu.matmul %convert_element_type3A_9, %slice3A_177, %dot_general3A_178 {dimension_numbers = #tpu.dot_dimension_numbers<[1], [0], [0], [1], [0, 0, 1, 1], [], []>, transpose_lhs_hint = false} : vector<256x3xbf16>, vector<3x128xbf16>, vector<256x128xf32> -> vector<256x128xf32>
    %slice3A_180 = vector.extract_strided_slice %broadcast_in_dim3A {offsets = [0, 384], sizes = [1, 128], strides = [1, 1]} : vector<1x8192xf32> to vector<1x128xf32>
    %add3A_181 = vector.broadcast %broadcast_in_dim3A_14 : vector<256x1xf32> to vector<256x128xf32>
    %add3A_182 = vector.broadcast %slice3A_180 : vector<1x128xf32> to vector<256x128xf32>
    %add3A_183 = arith.addf %add3A_181, %add3A_182 : vector<256x128xf32>
    %mul3A_184 = arith.constant 2.000000e+00 : f32
    %mul3A_185 = vector.broadcast %mul3A_184 : f32 to vector<256x128xf32>
    %mul3A_186 = arith.mulf %mul3A_185, %dot_general3A_179 : vector<256x128xf32>
    %sub3A_187 = arith.subf %add3A_183, %mul3A_186 : vector<256x128xf32>
    %bitcast_convert_type3A_188 = tpu.bitcast %sub3A_187 : vector<256x128xf32> -> vector<256x128xi32>
    %shift_right_arithmetic3A_189 = arith.constant 31 : i32
    %shift_right_arithmetic3A_190 = vector.broadcast %shift_right_arithmetic3A_189 : i32 to vector<256x128xi32>
    %shift_right_arithmetic3A_191 = arith.shrsi %bitcast_convert_type3A_188, %shift_right_arithmetic3A_190 : vector<256x128xi32>
    %and3A_192 = arith.constant 2147483647 : i32
    %and3A_193 = vector.broadcast %and3A_192 : i32 to vector<256x128xi32>
    %and3A_194 = arith.andi %shift_right_arithmetic3A_191, %and3A_193 : vector<256x128xi32>
    %xor3A_195 = arith.xori %bitcast_convert_type3A_188, %and3A_194 : vector<256x128xi32>
    %add3A_196 = arith.constant 384 : i32
    %add3A_197 = vector.broadcast %add3A_196 : i32 to vector<256x128xi32>
    %add3A_198 = arith.addi %iota3A, %add3A_197 : vector<256x128xi32>
    %lt3A_199 = arith.cmpi slt, %xor3A_195, %min3A_150 : vector<256x128xi32>
    %min3A_200 = arith.minsi %xor3A_195, %min3A_150 : vector<256x128xi32>
    %max3A_201 = arith.maxsi %xor3A_195, %min3A_150 : vector<256x128xi32>
    %select_n3A_202 = arith.select %lt3A_199, %add3A_198, %select_n3A_152 : vector<256x128xi1>, vector<256x128xi32>
    %select_n3A_203 = arith.select %lt3A_199, %select_n3A_152, %add3A_198 : vector<256x128xi1>, vector<256x128xi32>
    %lt3A_204 = arith.cmpi slt, %max3A_201, %min3A_155 : vector<256x128xi32>
    %min3A_205 = arith.minsi %max3A_201, %min3A_155 : vector<256x128xi32>
    %max3A_206 = arith.maxsi %max3A_201, %min3A_155 : vector<256x128xi32>
    %select_n3A_207 = arith.select %lt3A_204, %select_n3A_203, %select_n3A_157 : vector<256x128xi1>, vector<256x128xi32>
    %select_n3A_208 = arith.select %lt3A_204, %select_n3A_157, %select_n3A_203 : vector<256x128xi1>, vector<256x128xi32>
    %lt3A_209 = arith.cmpi slt, %max3A_206, %min3A_160 : vector<256x128xi32>
    %min3A_210 = arith.minsi %max3A_206, %min3A_160 : vector<256x128xi32>
    %max3A_211 = arith.maxsi %max3A_206, %min3A_160 : vector<256x128xi32>
    %select_n3A_212 = arith.select %lt3A_209, %select_n3A_208, %select_n3A_162 : vector<256x128xi1>, vector<256x128xi32>
    %select_n3A_213 = arith.select %lt3A_209, %select_n3A_162, %select_n3A_208 : vector<256x128xi1>, vector<256x128xi32>
    %lt3A_214 = arith.cmpi slt, %max3A_211, %min3A_165 : vector<256x128xi32>
    %min3A_215 = arith.minsi %max3A_211, %min3A_165 : vector<256x128xi32>
    %max3A_216 = arith.maxsi %max3A_211, %min3A_165 : vector<256x128xi32>
    %select_n3A_217 = arith.select %lt3A_214, %select_n3A_213, %select_n3A_167 : vector<256x128xi1>, vector<256x128xi32>
    %select_n3A_218 = arith.select %lt3A_214, %select_n3A_167, %select_n3A_213 : vector<256x128xi1>, vector<256x128xi32>
    %lt3A_219 = arith.cmpi slt, %max3A_216, %min3A_170 : vector<256x128xi32>
    %min3A_220 = arith.minsi %max3A_216, %min3A_170 : vector<256x128xi32>
    %max3A_221 = arith.maxsi %max3A_216, %min3A_170 : vector<256x128xi32>
    %select_n3A_222 = arith.select %lt3A_219, %select_n3A_218, %select_n3A_172 : vector<256x128xi1>, vector<256x128xi32>
    %select_n3A_223 = arith.select %lt3A_219, %select_n3A_172, %select_n3A_218 : vector<256x128xi1>, vector<256x128xi32>
    %lt3A_224 = arith.cmpi slt, %max3A_221, %min3A_175 : vector<256x128xi32>
    %min3A_225 = arith.minsi %max3A_221, %min3A_175 : vector<256x128xi32>
    %select_n3A_226 = arith.select %lt3A_224, %select_n3A_223, %select_n3A_176 : vector<256x128xi1>, vector<256x128xi32>
    %slice3A_227 = vector.extract_strided_slice %convert_element_type3A {offsets = [0, 512], sizes = [3, 128], strides = [1, 1]} : vector<3x8192xbf16> to vector<3x128xbf16>
    %dot_general3A_228 = arith.constant dense<0.000000e+00> : vector<256x128xf32>
    %dot_general3A_229 = tpu.matmul %convert_element_type3A_9, %slice3A_227, %dot_general3A_228 {dimension_numbers = #tpu.dot_dimension_numbers<[1], [0], [0], [1], [0, 0, 1, 1], [], []>, transpose_lhs_hint = false} : vector<256x3xbf16>, vector<3x128xbf16>, vector<256x128xf32> -> vector<256x128xf32>
    %slice3A_230 = vector.extract_strided_slice %broadcast_in_dim3A {offsets = [0, 512], sizes = [1, 128], strides = [1, 1]} : vector<1x8192xf32> to vector<1x128xf32>
    %add3A_231 = vector.broadcast %broadcast_in_dim3A_14 : vector<256x1xf32> to vector<256x128xf32>
    %add3A_232 = vector.broadcast %slice3A_230 : vector<1x128xf32> to vector<256x128xf32>
    %add3A_233 = arith.addf %add3A_231, %add3A_232 : vector<256x128xf32>
    %mul3A_234 = arith.constant 2.000000e+00 : f32
    %mul3A_235 = vector.broadcast %mul3A_234 : f32 to vector<256x128xf32>
    %mul3A_236 = arith.mulf %mul3A_235, %dot_general3A_229 : vector<256x128xf32>
    %sub3A_237 = arith.subf %add3A_233, %mul3A_236 : vector<256x128xf32>
    %bitcast_convert_type3A_238 = tpu.bitcast %sub3A_237 : vector<256x128xf32> -> vector<256x128xi32>
    %shift_right_arithmetic3A_239 = arith.constant 31 : i32
    %shift_right_arithmetic3A_240 = vector.broadcast %shift_right_arithmetic3A_239 : i32 to vector<256x128xi32>
    %shift_right_arithmetic3A_241 = arith.shrsi %bitcast_convert_type3A_238, %shift_right_arithmetic3A_240 : vector<256x128xi32>
    %and3A_242 = arith.constant 2147483647 : i32
    %and3A_243 = vector.broadcast %and3A_242 : i32 to vector<256x128xi32>
    %and3A_244 = arith.andi %shift_right_arithmetic3A_241, %and3A_243 : vector<256x128xi32>
    %xor3A_245 = arith.xori %bitcast_convert_type3A_238, %and3A_244 : vector<256x128xi32>
    %add3A_246 = arith.constant 512 : i32
    %add3A_247 = vector.broadcast %add3A_246 : i32 to vector<256x128xi32>
    %add3A_248 = arith.addi %iota3A, %add3A_247 : vector<256x128xi32>
    %lt3A_249 = arith.cmpi slt, %xor3A_245, %min3A_200 : vector<256x128xi32>
    %min3A_250 = arith.minsi %xor3A_245, %min3A_200 : vector<256x128xi32>
    %max3A_251 = arith.maxsi %xor3A_245, %min3A_200 : vector<256x128xi32>
    %select_n3A_252 = arith.select %lt3A_249, %add3A_248, %select_n3A_202 : vector<256x128xi1>, vector<256x128xi32>
    %select_n3A_253 = arith.select %lt3A_249, %select_n3A_202, %add3A_248 : vector<256x128xi1>, vector<256x128xi32>
    %lt3A_254 = arith.cmpi slt, %max3A_251, %min3A_205 : vector<256x128xi32>
    %min3A_255 = arith.minsi %max3A_251, %min3A_205 : vector<256x128xi32>
    %max3A_256 = arith.maxsi %max3A_251, %min3A_205 : vector<256x128xi32>
    %select_n3A_257 = arith.select %lt3A_254, %select_n3A_253, %select_n3A_207 : vector<256x128xi1>, vector<256x128xi32>
    %select_n3A_258 = arith.select %lt3A_254, %select_n3A_207, %select_n3A_253 : vector<256x128xi1>, vector<256x128xi32>
    %lt3A_259 = arith.cmpi slt, %max3A_256, %min3A_210 : vector<256x128xi32>
    %min3A_260 = arith.minsi %max3A_256, %min3A_210 : vector<256x128xi32>
    %max3A_261 = arith.maxsi %max3A_256, %min3A_210 : vector<256x128xi32>
    %select_n3A_262 = arith.select %lt3A_259, %select_n3A_258, %select_n3A_212 : vector<256x128xi1>, vector<256x128xi32>
    %select_n3A_263 = arith.select %lt3A_259, %select_n3A_212, %select_n3A_258 : vector<256x128xi1>, vector<256x128xi32>
    %lt3A_264 = arith.cmpi slt, %max3A_261, %min3A_215 : vector<256x128xi32>
    %min3A_265 = arith.minsi %max3A_261, %min3A_215 : vector<256x128xi32>
    %max3A_266 = arith.maxsi %max3A_261, %min3A_215 : vector<256x128xi32>
    %select_n3A_267 = arith.select %lt3A_264, %select_n3A_263, %select_n3A_217 : vector<256x128xi1>, vector<256x128xi32>
    %select_n3A_268 = arith.select %lt3A_264, %select_n3A_217, %select_n3A_263 : vector<256x128xi1>, vector<256x128xi32>
    %lt3A_269 = arith.cmpi slt, %max3A_266, %min3A_220 : vector<256x128xi32>
    %min3A_270 = arith.minsi %max3A_266, %min3A_220 : vector<256x128xi32>
    %max3A_271 = arith.maxsi %max3A_266, %min3A_220 : vector<256x128xi32>
    %select_n3A_272 = arith.select %lt3A_269, %select_n3A_268, %select_n3A_222 : vector<256x128xi1>, vector<256x128xi32>
    %select_n3A_273 = arith.select %lt3A_269, %select_n3A_222, %select_n3A_268 : vector<256x128xi1>, vector<256x128xi32>
    %lt3A_274 = arith.cmpi slt, %max3A_271, %min3A_225 : vector<256x128xi32>
    %min3A_275 = arith.minsi %max3A_271, %min3A_225 : vector<256x128xi32>
    %select_n3A_276 = arith.select %lt3A_274, %select_n3A_273, %select_n3A_226 : vector<256x128xi1>, vector<256x128xi32>
    %slice3A_277 = vector.extract_strided_slice %convert_element_type3A {offsets = [0, 640], sizes = [3, 128], strides = [1, 1]} : vector<3x8192xbf16> to vector<3x128xbf16>
    %dot_general3A_278 = arith.constant dense<0.000000e+00> : vector<256x128xf32>
    %dot_general3A_279 = tpu.matmul %convert_element_type3A_9, %slice3A_277, %dot_general3A_278 {dimension_numbers = #tpu.dot_dimension_numbers<[1], [0], [0], [1], [0, 0, 1, 1], [], []>, transpose_lhs_hint = false} : vector<256x3xbf16>, vector<3x128xbf16>, vector<256x128xf32> -> vector<256x128xf32>
    %slice3A_280 = vector.extract_strided_slice %broadcast_in_dim3A {offsets = [0, 640], sizes = [1, 128], strides = [1, 1]} : vector<1x8192xf32> to vector<1x128xf32>
    %add3A_281 = vector.broadcast %broadcast_in_dim3A_14 : vector<256x1xf32> to vector<256x128xf32>
    %add3A_282 = vector.broadcast %slice3A_280 : vector<1x128xf32> to vector<256x128xf32>
    %add3A_283 = arith.addf %add3A_281, %add3A_282 : vector<256x128xf32>
    %mul3A_284 = arith.constant 2.000000e+00 : f32
    %mul3A_285 = vector.broadcast %mul3A_284 : f32 to vector<256x128xf32>
    %mul3A_286 = arith.mulf %mul3A_285, %dot_general3A_279 : vector<256x128xf32>
    %sub3A_287 = arith.subf %add3A_283, %mul3A_286 : vector<256x128xf32>
    %bitcast_convert_type3A_288 = tpu.bitcast %sub3A_287 : vector<256x128xf32> -> vector<256x128xi32>
    %shift_right_arithmetic3A_289 = arith.constant 31 : i32
    %shift_right_arithmetic3A_290 = vector.broadcast %shift_right_arithmetic3A_289 : i32 to vector<256x128xi32>
    %shift_right_arithmetic3A_291 = arith.shrsi %bitcast_convert_type3A_288, %shift_right_arithmetic3A_290 : vector<256x128xi32>
    %and3A_292 = arith.constant 2147483647 : i32
    %and3A_293 = vector.broadcast %and3A_292 : i32 to vector<256x128xi32>
    %and3A_294 = arith.andi %shift_right_arithmetic3A_291, %and3A_293 : vector<256x128xi32>
    %xor3A_295 = arith.xori %bitcast_convert_type3A_288, %and3A_294 : vector<256x128xi32>
    %add3A_296 = arith.constant 640 : i32
    %add3A_297 = vector.broadcast %add3A_296 : i32 to vector<256x128xi32>
    %add3A_298 = arith.addi %iota3A, %add3A_297 : vector<256x128xi32>
    %lt3A_299 = arith.cmpi slt, %xor3A_295, %min3A_250 : vector<256x128xi32>
    %min3A_300 = arith.minsi %xor3A_295, %min3A_250 : vector<256x128xi32>
    %max3A_301 = arith.maxsi %xor3A_295, %min3A_250 : vector<256x128xi32>
    %select_n3A_302 = arith.select %lt3A_299, %add3A_298, %select_n3A_252 : vector<256x128xi1>, vector<256x128xi32>
    %select_n3A_303 = arith.select %lt3A_299, %select_n3A_252, %add3A_298 : vector<256x128xi1>, vector<256x128xi32>
    %lt3A_304 = arith.cmpi slt, %max3A_301, %min3A_255 : vector<256x128xi32>
    %min3A_305 = arith.minsi %max3A_301, %min3A_255 : vector<256x128xi32>
    %max3A_306 = arith.maxsi %max3A_301, %min3A_255 : vector<256x128xi32>
    %select_n3A_307 = arith.select %lt3A_304, %select_n3A_303, %select_n3A_257 : vector<256x128xi1>, vector<256x128xi32>
    %select_n3A_308 = arith.select %lt3A_304, %select_n3A_257, %select_n3A_303 : vector<256x128xi1>, vector<256x128xi32>
    %lt3A_309 = arith.cmpi slt, %max3A_306, %min3A_260 : vector<256x128xi32>
    %min3A_310 = arith.minsi %max3A_306, %min3A_260 : vector<256x128xi32>
    %max3A_311 = arith.maxsi %max3A_306, %min3A_260 : vector<256x128xi32>
    %select_n3A_312 = arith.select %lt3A_309, %select_n3A_308, %select_n3A_262 : vector<256x128xi1>, vector<256x128xi32>
    %select_n3A_313 = arith.select %lt3A_309, %select_n3A_262, %select_n3A_308 : vector<256x128xi1>, vector<256x128xi32>
    %lt3A_314 = arith.cmpi slt, %max3A_311, %min3A_265 : vector<256x128xi32>
    %min3A_315 = arith.minsi %max3A_311, %min3A_265 : vector<256x128xi32>
    %max3A_316 = arith.maxsi %max3A_311, %min3A_265 : vector<256x128xi32>
    %select_n3A_317 = arith.select %lt3A_314, %select_n3A_313, %select_n3A_267 : vector<256x128xi1>, vector<256x128xi32>
    %select_n3A_318 = arith.select %lt3A_314, %select_n3A_267, %select_n3A_313 : vector<256x128xi1>, vector<256x128xi32>
    %lt3A_319 = arith.cmpi slt, %max3A_316, %min3A_270 : vector<256x128xi32>
    %min3A_320 = arith.minsi %max3A_316, %min3A_270 : vector<256x128xi32>
    %max3A_321 = arith.maxsi %max3A_316, %min3A_270 : vector<256x128xi32>
    %select_n3A_322 = arith.select %lt3A_319, %select_n3A_318, %select_n3A_272 : vector<256x128xi1>, vector<256x128xi32>
    %select_n3A_323 = arith.select %lt3A_319, %select_n3A_272, %select_n3A_318 : vector<256x128xi1>, vector<256x128xi32>
    %lt3A_324 = arith.cmpi slt, %max3A_321, %min3A_275 : vector<256x128xi32>
    %min3A_325 = arith.minsi %max3A_321, %min3A_275 : vector<256x128xi32>
    %select_n3A_326 = arith.select %lt3A_324, %select_n3A_323, %select_n3A_276 : vector<256x128xi1>, vector<256x128xi32>
    %slice3A_327 = vector.extract_strided_slice %convert_element_type3A {offsets = [0, 768], sizes = [3, 128], strides = [1, 1]} : vector<3x8192xbf16> to vector<3x128xbf16>
    %dot_general3A_328 = arith.constant dense<0.000000e+00> : vector<256x128xf32>
    %dot_general3A_329 = tpu.matmul %convert_element_type3A_9, %slice3A_327, %dot_general3A_328 {dimension_numbers = #tpu.dot_dimension_numbers<[1], [0], [0], [1], [0, 0, 1, 1], [], []>, transpose_lhs_hint = false} : vector<256x3xbf16>, vector<3x128xbf16>, vector<256x128xf32> -> vector<256x128xf32>
    %slice3A_330 = vector.extract_strided_slice %broadcast_in_dim3A {offsets = [0, 768], sizes = [1, 128], strides = [1, 1]} : vector<1x8192xf32> to vector<1x128xf32>
    %add3A_331 = vector.broadcast %broadcast_in_dim3A_14 : vector<256x1xf32> to vector<256x128xf32>
    %add3A_332 = vector.broadcast %slice3A_330 : vector<1x128xf32> to vector<256x128xf32>
    %add3A_333 = arith.addf %add3A_331, %add3A_332 : vector<256x128xf32>
    %mul3A_334 = arith.constant 2.000000e+00 : f32
    %mul3A_335 = vector.broadcast %mul3A_334 : f32 to vector<256x128xf32>
    %mul3A_336 = arith.mulf %mul3A_335, %dot_general3A_329 : vector<256x128xf32>
    %sub3A_337 = arith.subf %add3A_333, %mul3A_336 : vector<256x128xf32>
    %bitcast_convert_type3A_338 = tpu.bitcast %sub3A_337 : vector<256x128xf32> -> vector<256x128xi32>
    %shift_right_arithmetic3A_339 = arith.constant 31 : i32
    %shift_right_arithmetic3A_340 = vector.broadcast %shift_right_arithmetic3A_339 : i32 to vector<256x128xi32>
    %shift_right_arithmetic3A_341 = arith.shrsi %bitcast_convert_type3A_338, %shift_right_arithmetic3A_340 : vector<256x128xi32>
    %and3A_342 = arith.constant 2147483647 : i32
    %and3A_343 = vector.broadcast %and3A_342 : i32 to vector<256x128xi32>
    %and3A_344 = arith.andi %shift_right_arithmetic3A_341, %and3A_343 : vector<256x128xi32>
    %xor3A_345 = arith.xori %bitcast_convert_type3A_338, %and3A_344 : vector<256x128xi32>
    %add3A_346 = arith.constant 768 : i32
    %add3A_347 = vector.broadcast %add3A_346 : i32 to vector<256x128xi32>
    %add3A_348 = arith.addi %iota3A, %add3A_347 : vector<256x128xi32>
    %lt3A_349 = arith.cmpi slt, %xor3A_345, %min3A_300 : vector<256x128xi32>
    %min3A_350 = arith.minsi %xor3A_345, %min3A_300 : vector<256x128xi32>
    %max3A_351 = arith.maxsi %xor3A_345, %min3A_300 : vector<256x128xi32>
    %select_n3A_352 = arith.select %lt3A_349, %add3A_348, %select_n3A_302 : vector<256x128xi1>, vector<256x128xi32>
    %select_n3A_353 = arith.select %lt3A_349, %select_n3A_302, %add3A_348 : vector<256x128xi1>, vector<256x128xi32>
    %lt3A_354 = arith.cmpi slt, %max3A_351, %min3A_305 : vector<256x128xi32>
    %min3A_355 = arith.minsi %max3A_351, %min3A_305 : vector<256x128xi32>
    %max3A_356 = arith.maxsi %max3A_351, %min3A_305 : vector<256x128xi32>
    %select_n3A_357 = arith.select %lt3A_354, %select_n3A_353, %select_n3A_307 : vector<256x128xi1>, vector<256x128xi32>
    %select_n3A_358 = arith.select %lt3A_354, %select_n3A_307, %select_n3A_353 : vector<256x128xi1>, vector<256x128xi32>
    %lt3A_359 = arith.cmpi slt, %max3A_356, %min3A_310 : vector<256x128xi32>
    %min3A_360 = arith.minsi %max3A_356, %min3A_310 : vector<256x128xi32>
    %max3A_361 = arith.maxsi %max3A_356, %min3A_310 : vector<256x128xi32>
    %select_n3A_362 = arith.select %lt3A_359, %select_n3A_358, %select_n3A_312 : vector<256x128xi1>, vector<256x128xi32>
    %select_n3A_363 = arith.select %lt3A_359, %select_n3A_312, %select_n3A_358 : vector<256x128xi1>, vector<256x128xi32>
    %lt3A_364 = arith.cmpi slt, %max3A_361, %min3A_315 : vector<256x128xi32>
    %min3A_365 = arith.minsi %max3A_361, %min3A_315 : vector<256x128xi32>
    %max3A_366 = arith.maxsi %max3A_361, %min3A_315 : vector<256x128xi32>
    %select_n3A_367 = arith.select %lt3A_364, %select_n3A_363, %select_n3A_317 : vector<256x128xi1>, vector<256x128xi32>
    %select_n3A_368 = arith.select %lt3A_364, %select_n3A_317, %select_n3A_363 : vector<256x128xi1>, vector<256x128xi32>
    %lt3A_369 = arith.cmpi slt, %max3A_366, %min3A_320 : vector<256x128xi32>
    %min3A_370 = arith.minsi %max3A_366, %min3A_320 : vector<256x128xi32>
    %max3A_371 = arith.maxsi %max3A_366, %min3A_320 : vector<256x128xi32>
    %select_n3A_372 = arith.select %lt3A_369, %select_n3A_368, %select_n3A_322 : vector<256x128xi1>, vector<256x128xi32>
    %select_n3A_373 = arith.select %lt3A_369, %select_n3A_322, %select_n3A_368 : vector<256x128xi1>, vector<256x128xi32>
    %lt3A_374 = arith.cmpi slt, %max3A_371, %min3A_325 : vector<256x128xi32>
    %min3A_375 = arith.minsi %max3A_371, %min3A_325 : vector<256x128xi32>
    %select_n3A_376 = arith.select %lt3A_374, %select_n3A_373, %select_n3A_326 : vector<256x128xi1>, vector<256x128xi32>
    %slice3A_377 = vector.extract_strided_slice %convert_element_type3A {offsets = [0, 896], sizes = [3, 128], strides = [1, 1]} : vector<3x8192xbf16> to vector<3x128xbf16>
    %dot_general3A_378 = arith.constant dense<0.000000e+00> : vector<256x128xf32>
    %dot_general3A_379 = tpu.matmul %convert_element_type3A_9, %slice3A_377, %dot_general3A_378 {dimension_numbers = #tpu.dot_dimension_numbers<[1], [0], [0], [1], [0, 0, 1, 1], [], []>, transpose_lhs_hint = false} : vector<256x3xbf16>, vector<3x128xbf16>, vector<256x128xf32> -> vector<256x128xf32>
    %slice3A_380 = vector.extract_strided_slice %broadcast_in_dim3A {offsets = [0, 896], sizes = [1, 128], strides = [1, 1]} : vector<1x8192xf32> to vector<1x128xf32>
    %add3A_381 = vector.broadcast %broadcast_in_dim3A_14 : vector<256x1xf32> to vector<256x128xf32>
    %add3A_382 = vector.broadcast %slice3A_380 : vector<1x128xf32> to vector<256x128xf32>
    %add3A_383 = arith.addf %add3A_381, %add3A_382 : vector<256x128xf32>
    %mul3A_384 = arith.constant 2.000000e+00 : f32
    %mul3A_385 = vector.broadcast %mul3A_384 : f32 to vector<256x128xf32>
    %mul3A_386 = arith.mulf %mul3A_385, %dot_general3A_379 : vector<256x128xf32>
    %sub3A_387 = arith.subf %add3A_383, %mul3A_386 : vector<256x128xf32>
    %bitcast_convert_type3A_388 = tpu.bitcast %sub3A_387 : vector<256x128xf32> -> vector<256x128xi32>
    %shift_right_arithmetic3A_389 = arith.constant 31 : i32
    %shift_right_arithmetic3A_390 = vector.broadcast %shift_right_arithmetic3A_389 : i32 to vector<256x128xi32>
    %shift_right_arithmetic3A_391 = arith.shrsi %bitcast_convert_type3A_388, %shift_right_arithmetic3A_390 : vector<256x128xi32>
    %and3A_392 = arith.constant 2147483647 : i32
    %and3A_393 = vector.broadcast %and3A_392 : i32 to vector<256x128xi32>
    %and3A_394 = arith.andi %shift_right_arithmetic3A_391, %and3A_393 : vector<256x128xi32>
    %xor3A_395 = arith.xori %bitcast_convert_type3A_388, %and3A_394 : vector<256x128xi32>
    %add3A_396 = arith.constant 896 : i32
    %add3A_397 = vector.broadcast %add3A_396 : i32 to vector<256x128xi32>
    %add3A_398 = arith.addi %iota3A, %add3A_397 : vector<256x128xi32>
    %lt3A_399 = arith.cmpi slt, %xor3A_395, %min3A_350 : vector<256x128xi32>
    %min3A_400 = arith.minsi %xor3A_395, %min3A_350 : vector<256x128xi32>
    %max3A_401 = arith.maxsi %xor3A_395, %min3A_350 : vector<256x128xi32>
    %select_n3A_402 = arith.select %lt3A_399, %add3A_398, %select_n3A_352 : vector<256x128xi1>, vector<256x128xi32>
    %select_n3A_403 = arith.select %lt3A_399, %select_n3A_352, %add3A_398 : vector<256x128xi1>, vector<256x128xi32>
    %lt3A_404 = arith.cmpi slt, %max3A_401, %min3A_355 : vector<256x128xi32>
    %min3A_405 = arith.minsi %max3A_401, %min3A_355 : vector<256x128xi32>
    %max3A_406 = arith.maxsi %max3A_401, %min3A_355 : vector<256x128xi32>
    %select_n3A_407 = arith.select %lt3A_404, %select_n3A_403, %select_n3A_357 : vector<256x128xi1>, vector<256x128xi32>
    %select_n3A_408 = arith.select %lt3A_404, %select_n3A_357, %select_n3A_403 : vector<256x128xi1>, vector<256x128xi32>
    %lt3A_409 = arith.cmpi slt, %max3A_406, %min3A_360 : vector<256x128xi32>
    %min3A_410 = arith.minsi %max3A_406, %min3A_360 : vector<256x128xi32>
    %max3A_411 = arith.maxsi %max3A_406, %min3A_360 : vector<256x128xi32>
    %select_n3A_412 = arith.select %lt3A_409, %select_n3A_408, %select_n3A_362 : vector<256x128xi1>, vector<256x128xi32>
    %select_n3A_413 = arith.select %lt3A_409, %select_n3A_362, %select_n3A_408 : vector<256x128xi1>, vector<256x128xi32>
    %lt3A_414 = arith.cmpi slt, %max3A_411, %min3A_365 : vector<256x128xi32>
    %min3A_415 = arith.minsi %max3A_411, %min3A_365 : vector<256x128xi32>
    %max3A_416 = arith.maxsi %max3A_411, %min3A_365 : vector<256x128xi32>
    %select_n3A_417 = arith.select %lt3A_414, %select_n3A_413, %select_n3A_367 : vector<256x128xi1>, vector<256x128xi32>
    %select_n3A_418 = arith.select %lt3A_414, %select_n3A_367, %select_n3A_413 : vector<256x128xi1>, vector<256x128xi32>
    %lt3A_419 = arith.cmpi slt, %max3A_416, %min3A_370 : vector<256x128xi32>
    %min3A_420 = arith.minsi %max3A_416, %min3A_370 : vector<256x128xi32>
    %max3A_421 = arith.maxsi %max3A_416, %min3A_370 : vector<256x128xi32>
    %select_n3A_422 = arith.select %lt3A_419, %select_n3A_418, %select_n3A_372 : vector<256x128xi1>, vector<256x128xi32>
    %select_n3A_423 = arith.select %lt3A_419, %select_n3A_372, %select_n3A_418 : vector<256x128xi1>, vector<256x128xi32>
    %lt3A_424 = arith.cmpi slt, %max3A_421, %min3A_375 : vector<256x128xi32>
    %min3A_425 = arith.minsi %max3A_421, %min3A_375 : vector<256x128xi32>
    %select_n3A_426 = arith.select %lt3A_424, %select_n3A_423, %select_n3A_376 : vector<256x128xi1>, vector<256x128xi32>
    %slice3A_427 = vector.extract_strided_slice %convert_element_type3A {offsets = [0, 1024], sizes = [3, 128], strides = [1, 1]} : vector<3x8192xbf16> to vector<3x128xbf16>
    %dot_general3A_428 = arith.constant dense<0.000000e+00> : vector<256x128xf32>
    %dot_general3A_429 = tpu.matmul %convert_element_type3A_9, %slice3A_427, %dot_general3A_428 {dimension_numbers = #tpu.dot_dimension_numbers<[1], [0], [0], [1], [0, 0, 1, 1], [], []>, transpose_lhs_hint = false} : vector<256x3xbf16>, vector<3x128xbf16>, vector<256x128xf32> -> vector<256x128xf32>
    %slice3A_430 = vector.extract_strided_slice %broadcast_in_dim3A {offsets = [0, 1024], sizes = [1, 128], strides = [1, 1]} : vector<1x8192xf32> to vector<1x128xf32>
    %add3A_431 = vector.broadcast %broadcast_in_dim3A_14 : vector<256x1xf32> to vector<256x128xf32>
    %add3A_432 = vector.broadcast %slice3A_430 : vector<1x128xf32> to vector<256x128xf32>
    %add3A_433 = arith.addf %add3A_431, %add3A_432 : vector<256x128xf32>
    %mul3A_434 = arith.constant 2.000000e+00 : f32
    %mul3A_435 = vector.broadcast %mul3A_434 : f32 to vector<256x128xf32>
    %mul3A_436 = arith.mulf %mul3A_435, %dot_general3A_429 : vector<256x128xf32>
    %sub3A_437 = arith.subf %add3A_433, %mul3A_436 : vector<256x128xf32>
    %bitcast_convert_type3A_438 = tpu.bitcast %sub3A_437 : vector<256x128xf32> -> vector<256x128xi32>
    %shift_right_arithmetic3A_439 = arith.constant 31 : i32
    %shift_right_arithmetic3A_440 = vector.broadcast %shift_right_arithmetic3A_439 : i32 to vector<256x128xi32>
    %shift_right_arithmetic3A_441 = arith.shrsi %bitcast_convert_type3A_438, %shift_right_arithmetic3A_440 : vector<256x128xi32>
    %and3A_442 = arith.constant 2147483647 : i32
    %and3A_443 = vector.broadcast %and3A_442 : i32 to vector<256x128xi32>
    %and3A_444 = arith.andi %shift_right_arithmetic3A_441, %and3A_443 : vector<256x128xi32>
    %xor3A_445 = arith.xori %bitcast_convert_type3A_438, %and3A_444 : vector<256x128xi32>
    %add3A_446 = arith.constant 1024 : i32
    %add3A_447 = vector.broadcast %add3A_446 : i32 to vector<256x128xi32>
    %add3A_448 = arith.addi %iota3A, %add3A_447 : vector<256x128xi32>
    %lt3A_449 = arith.cmpi slt, %xor3A_445, %min3A_400 : vector<256x128xi32>
    %min3A_450 = arith.minsi %xor3A_445, %min3A_400 : vector<256x128xi32>
    %max3A_451 = arith.maxsi %xor3A_445, %min3A_400 : vector<256x128xi32>
    %select_n3A_452 = arith.select %lt3A_449, %add3A_448, %select_n3A_402 : vector<256x128xi1>, vector<256x128xi32>
    %select_n3A_453 = arith.select %lt3A_449, %select_n3A_402, %add3A_448 : vector<256x128xi1>, vector<256x128xi32>
    %lt3A_454 = arith.cmpi slt, %max3A_451, %min3A_405 : vector<256x128xi32>
    %min3A_455 = arith.minsi %max3A_451, %min3A_405 : vector<256x128xi32>
    %max3A_456 = arith.maxsi %max3A_451, %min3A_405 : vector<256x128xi32>
    %select_n3A_457 = arith.select %lt3A_454, %select_n3A_453, %select_n3A_407 : vector<256x128xi1>, vector<256x128xi32>
    %select_n3A_458 = arith.select %lt3A_454, %select_n3A_407, %select_n3A_453 : vector<256x128xi1>, vector<256x128xi32>
    %lt3A_459 = arith.cmpi slt, %max3A_456, %min3A_410 : vector<256x128xi32>
    %min3A_460 = arith.minsi %max3A_456, %min3A_410 : vector<256x128xi32>
    %max3A_461 = arith.maxsi %max3A_456, %min3A_410 : vector<256x128xi32>
    %select_n3A_462 = arith.select %lt3A_459, %select_n3A_458, %select_n3A_412 : vector<256x128xi1>, vector<256x128xi32>
    %select_n3A_463 = arith.select %lt3A_459, %select_n3A_412, %select_n3A_458 : vector<256x128xi1>, vector<256x128xi32>
    %lt3A_464 = arith.cmpi slt, %max3A_461, %min3A_415 : vector<256x128xi32>
    %min3A_465 = arith.minsi %max3A_461, %min3A_415 : vector<256x128xi32>
    %max3A_466 = arith.maxsi %max3A_461, %min3A_415 : vector<256x128xi32>
    %select_n3A_467 = arith.select %lt3A_464, %select_n3A_463, %select_n3A_417 : vector<256x128xi1>, vector<256x128xi32>
    %select_n3A_468 = arith.select %lt3A_464, %select_n3A_417, %select_n3A_463 : vector<256x128xi1>, vector<256x128xi32>
    %lt3A_469 = arith.cmpi slt, %max3A_466, %min3A_420 : vector<256x128xi32>
    %min3A_470 = arith.minsi %max3A_466, %min3A_420 : vector<256x128xi32>
    %max3A_471 = arith.maxsi %max3A_466, %min3A_420 : vector<256x128xi32>
    %select_n3A_472 = arith.select %lt3A_469, %select_n3A_468, %select_n3A_422 : vector<256x128xi1>, vector<256x128xi32>
    %select_n3A_473 = arith.select %lt3A_469, %select_n3A_422, %select_n3A_468 : vector<256x128xi1>, vector<256x128xi32>
    %lt3A_474 = arith.cmpi slt, %max3A_471, %min3A_425 : vector<256x128xi32>
    %min3A_475 = arith.minsi %max3A_471, %min3A_425 : vector<256x128xi32>
    %select_n3A_476 = arith.select %lt3A_474, %select_n3A_473, %select_n3A_426 : vector<256x128xi1>, vector<256x128xi32>
    %slice3A_477 = vector.extract_strided_slice %convert_element_type3A {offsets = [0, 1152], sizes = [3, 128], strides = [1, 1]} : vector<3x8192xbf16> to vector<3x128xbf16>
    %dot_general3A_478 = arith.constant dense<0.000000e+00> : vector<256x128xf32>
    %dot_general3A_479 = tpu.matmul %convert_element_type3A_9, %slice3A_477, %dot_general3A_478 {dimension_numbers = #tpu.dot_dimension_numbers<[1], [0], [0], [1], [0, 0, 1, 1], [], []>, transpose_lhs_hint = false} : vector<256x3xbf16>, vector<3x128xbf16>, vector<256x128xf32> -> vector<256x128xf32>
    %slice3A_480 = vector.extract_strided_slice %broadcast_in_dim3A {offsets = [0, 1152], sizes = [1, 128], strides = [1, 1]} : vector<1x8192xf32> to vector<1x128xf32>
    %add3A_481 = vector.broadcast %broadcast_in_dim3A_14 : vector<256x1xf32> to vector<256x128xf32>
    %add3A_482 = vector.broadcast %slice3A_480 : vector<1x128xf32> to vector<256x128xf32>
    %add3A_483 = arith.addf %add3A_481, %add3A_482 : vector<256x128xf32>
    %mul3A_484 = arith.constant 2.000000e+00 : f32
    %mul3A_485 = vector.broadcast %mul3A_484 : f32 to vector<256x128xf32>
    %mul3A_486 = arith.mulf %mul3A_485, %dot_general3A_479 : vector<256x128xf32>
    %sub3A_487 = arith.subf %add3A_483, %mul3A_486 : vector<256x128xf32>
    %bitcast_convert_type3A_488 = tpu.bitcast %sub3A_487 : vector<256x128xf32> -> vector<256x128xi32>
    %shift_right_arithmetic3A_489 = arith.constant 31 : i32
    %shift_right_arithmetic3A_490 = vector.broadcast %shift_right_arithmetic3A_489 : i32 to vector<256x128xi32>
    %shift_right_arithmetic3A_491 = arith.shrsi %bitcast_convert_type3A_488, %shift_right_arithmetic3A_490 : vector<256x128xi32>
    %and3A_492 = arith.constant 2147483647 : i32
    %and3A_493 = vector.broadcast %and3A_492 : i32 to vector<256x128xi32>
    %and3A_494 = arith.andi %shift_right_arithmetic3A_491, %and3A_493 : vector<256x128xi32>
    %xor3A_495 = arith.xori %bitcast_convert_type3A_488, %and3A_494 : vector<256x128xi32>
    %add3A_496 = arith.constant 1152 : i32
    %add3A_497 = vector.broadcast %add3A_496 : i32 to vector<256x128xi32>
    %add3A_498 = arith.addi %iota3A, %add3A_497 : vector<256x128xi32>
    %lt3A_499 = arith.cmpi slt, %xor3A_495, %min3A_450 : vector<256x128xi32>
    %min3A_500 = arith.minsi %xor3A_495, %min3A_450 : vector<256x128xi32>
    %max3A_501 = arith.maxsi %xor3A_495, %min3A_450 : vector<256x128xi32>
    %select_n3A_502 = arith.select %lt3A_499, %add3A_498, %select_n3A_452 : vector<256x128xi1>, vector<256x128xi32>
    %select_n3A_503 = arith.select %lt3A_499, %select_n3A_452, %add3A_498 : vector<256x128xi1>, vector<256x128xi32>
    %lt3A_504 = arith.cmpi slt, %max3A_501, %min3A_455 : vector<256x128xi32>
    %min3A_505 = arith.minsi %max3A_501, %min3A_455 : vector<256x128xi32>
    %max3A_506 = arith.maxsi %max3A_501, %min3A_455 : vector<256x128xi32>
    %select_n3A_507 = arith.select %lt3A_504, %select_n3A_503, %select_n3A_457 : vector<256x128xi1>, vector<256x128xi32>
    %select_n3A_508 = arith.select %lt3A_504, %select_n3A_457, %select_n3A_503 : vector<256x128xi1>, vector<256x128xi32>
    %lt3A_509 = arith.cmpi slt, %max3A_506, %min3A_460 : vector<256x128xi32>
    %min3A_510 = arith.minsi %max3A_506, %min3A_460 : vector<256x128xi32>
    %max3A_511 = arith.maxsi %max3A_506, %min3A_460 : vector<256x128xi32>
    %select_n3A_512 = arith.select %lt3A_509, %select_n3A_508, %select_n3A_462 : vector<256x128xi1>, vector<256x128xi32>
    %select_n3A_513 = arith.select %lt3A_509, %select_n3A_462, %select_n3A_508 : vector<256x128xi1>, vector<256x128xi32>
    %lt3A_514 = arith.cmpi slt, %max3A_511, %min3A_465 : vector<256x128xi32>
    %min3A_515 = arith.minsi %max3A_511, %min3A_465 : vector<256x128xi32>
    %max3A_516 = arith.maxsi %max3A_511, %min3A_465 : vector<256x128xi32>
    %select_n3A_517 = arith.select %lt3A_514, %select_n3A_513, %select_n3A_467 : vector<256x128xi1>, vector<256x128xi32>
    %select_n3A_518 = arith.select %lt3A_514, %select_n3A_467, %select_n3A_513 : vector<256x128xi1>, vector<256x128xi32>
    %lt3A_519 = arith.cmpi slt, %max3A_516, %min3A_470 : vector<256x128xi32>
    %min3A_520 = arith.minsi %max3A_516, %min3A_470 : vector<256x128xi32>
    %max3A_521 = arith.maxsi %max3A_516, %min3A_470 : vector<256x128xi32>
    %select_n3A_522 = arith.select %lt3A_519, %select_n3A_518, %select_n3A_472 : vector<256x128xi1>, vector<256x128xi32>
    %select_n3A_523 = arith.select %lt3A_519, %select_n3A_472, %select_n3A_518 : vector<256x128xi1>, vector<256x128xi32>
    %lt3A_524 = arith.cmpi slt, %max3A_521, %min3A_475 : vector<256x128xi32>
    %min3A_525 = arith.minsi %max3A_521, %min3A_475 : vector<256x128xi32>
    %select_n3A_526 = arith.select %lt3A_524, %select_n3A_523, %select_n3A_476 : vector<256x128xi1>, vector<256x128xi32>
    %slice3A_527 = vector.extract_strided_slice %convert_element_type3A {offsets = [0, 1280], sizes = [3, 128], strides = [1, 1]} : vector<3x8192xbf16> to vector<3x128xbf16>
    %dot_general3A_528 = arith.constant dense<0.000000e+00> : vector<256x128xf32>
    %dot_general3A_529 = tpu.matmul %convert_element_type3A_9, %slice3A_527, %dot_general3A_528 {dimension_numbers = #tpu.dot_dimension_numbers<[1], [0], [0], [1], [0, 0, 1, 1], [], []>, transpose_lhs_hint = false} : vector<256x3xbf16>, vector<3x128xbf16>, vector<256x128xf32> -> vector<256x128xf32>
    %slice3A_530 = vector.extract_strided_slice %broadcast_in_dim3A {offsets = [0, 1280], sizes = [1, 128], strides = [1, 1]} : vector<1x8192xf32> to vector<1x128xf32>
    %add3A_531 = vector.broadcast %broadcast_in_dim3A_14 : vector<256x1xf32> to vector<256x128xf32>
    %add3A_532 = vector.broadcast %slice3A_530 : vector<1x128xf32> to vector<256x128xf32>
    %add3A_533 = arith.addf %add3A_531, %add3A_532 : vector<256x128xf32>
    %mul3A_534 = arith.constant 2.000000e+00 : f32
    %mul3A_535 = vector.broadcast %mul3A_534 : f32 to vector<256x128xf32>
    %mul3A_536 = arith.mulf %mul3A_535, %dot_general3A_529 : vector<256x128xf32>
    %sub3A_537 = arith.subf %add3A_533, %mul3A_536 : vector<256x128xf32>
    %bitcast_convert_type3A_538 = tpu.bitcast %sub3A_537 : vector<256x128xf32> -> vector<256x128xi32>
    %shift_right_arithmetic3A_539 = arith.constant 31 : i32
    %shift_right_arithmetic3A_540 = vector.broadcast %shift_right_arithmetic3A_539 : i32 to vector<256x128xi32>
    %shift_right_arithmetic3A_541 = arith.shrsi %bitcast_convert_type3A_538, %shift_right_arithmetic3A_540 : vector<256x128xi32>
    %and3A_542 = arith.constant 2147483647 : i32
    %and3A_543 = vector.broadcast %and3A_542 : i32 to vector<256x128xi32>
    %and3A_544 = arith.andi %shift_right_arithmetic3A_541, %and3A_543 : vector<256x128xi32>
    %xor3A_545 = arith.xori %bitcast_convert_type3A_538, %and3A_544 : vector<256x128xi32>
    %add3A_546 = arith.constant 1280 : i32
    %add3A_547 = vector.broadcast %add3A_546 : i32 to vector<256x128xi32>
    %add3A_548 = arith.addi %iota3A, %add3A_547 : vector<256x128xi32>
    %lt3A_549 = arith.cmpi slt, %xor3A_545, %min3A_500 : vector<256x128xi32>
    %min3A_550 = arith.minsi %xor3A_545, %min3A_500 : vector<256x128xi32>
    %max3A_551 = arith.maxsi %xor3A_545, %min3A_500 : vector<256x128xi32>
    %select_n3A_552 = arith.select %lt3A_549, %add3A_548, %select_n3A_502 : vector<256x128xi1>, vector<256x128xi32>
    %select_n3A_553 = arith.select %lt3A_549, %select_n3A_502, %add3A_548 : vector<256x128xi1>, vector<256x128xi32>
    %lt3A_554 = arith.cmpi slt, %max3A_551, %min3A_505 : vector<256x128xi32>
    %min3A_555 = arith.minsi %max3A_551, %min3A_505 : vector<256x128xi32>
    %max3A_556 = arith.maxsi %max3A_551, %min3A_505 : vector<256x128xi32>
    %select_n3A_557 = arith.select %lt3A_554, %select_n3A_553, %select_n3A_507 : vector<256x128xi1>, vector<256x128xi32>
    %select_n3A_558 = arith.select %lt3A_554, %select_n3A_507, %select_n3A_553 : vector<256x128xi1>, vector<256x128xi32>
    %lt3A_559 = arith.cmpi slt, %max3A_556, %min3A_510 : vector<256x128xi32>
    %min3A_560 = arith.minsi %max3A_556, %min3A_510 : vector<256x128xi32>
    %max3A_561 = arith.maxsi %max3A_556, %min3A_510 : vector<256x128xi32>
    %select_n3A_562 = arith.select %lt3A_559, %select_n3A_558, %select_n3A_512 : vector<256x128xi1>, vector<256x128xi32>
    %select_n3A_563 = arith.select %lt3A_559, %select_n3A_512, %select_n3A_558 : vector<256x128xi1>, vector<256x128xi32>
    %lt3A_564 = arith.cmpi slt, %max3A_561, %min3A_515 : vector<256x128xi32>
    %min3A_565 = arith.minsi %max3A_561, %min3A_515 : vector<256x128xi32>
    %max3A_566 = arith.maxsi %max3A_561, %min3A_515 : vector<256x128xi32>
    %select_n3A_567 = arith.select %lt3A_564, %select_n3A_563, %select_n3A_517 : vector<256x128xi1>, vector<256x128xi32>
    %select_n3A_568 = arith.select %lt3A_564, %select_n3A_517, %select_n3A_563 : vector<256x128xi1>, vector<256x128xi32>
    %lt3A_569 = arith.cmpi slt, %max3A_566, %min3A_520 : vector<256x128xi32>
    %min3A_570 = arith.minsi %max3A_566, %min3A_520 : vector<256x128xi32>
    %max3A_571 = arith.maxsi %max3A_566, %min3A_520 : vector<256x128xi32>
    %select_n3A_572 = arith.select %lt3A_569, %select_n3A_568, %select_n3A_522 : vector<256x128xi1>, vector<256x128xi32>
    %select_n3A_573 = arith.select %lt3A_569, %select_n3A_522, %select_n3A_568 : vector<256x128xi1>, vector<256x128xi32>
    %lt3A_574 = arith.cmpi slt, %max3A_571, %min3A_525 : vector<256x128xi32>
    %min3A_575 = arith.minsi %max3A_571, %min3A_525 : vector<256x128xi32>
    %select_n3A_576 = arith.select %lt3A_574, %select_n3A_573, %select_n3A_526 : vector<256x128xi1>, vector<256x128xi32>
    %slice3A_577 = vector.extract_strided_slice %convert_element_type3A {offsets = [0, 1408], sizes = [3, 128], strides = [1, 1]} : vector<3x8192xbf16> to vector<3x128xbf16>
    %dot_general3A_578 = arith.constant dense<0.000000e+00> : vector<256x128xf32>
    %dot_general3A_579 = tpu.matmul %convert_element_type3A_9, %slice3A_577, %dot_general3A_578 {dimension_numbers = #tpu.dot_dimension_numbers<[1], [0], [0], [1], [0, 0, 1, 1], [], []>, transpose_lhs_hint = false} : vector<256x3xbf16>, vector<3x128xbf16>, vector<256x128xf32> -> vector<256x128xf32>
    %slice3A_580 = vector.extract_strided_slice %broadcast_in_dim3A {offsets = [0, 1408], sizes = [1, 128], strides = [1, 1]} : vector<1x8192xf32> to vector<1x128xf32>
    %add3A_581 = vector.broadcast %broadcast_in_dim3A_14 : vector<256x1xf32> to vector<256x128xf32>
    %add3A_582 = vector.broadcast %slice3A_580 : vector<1x128xf32> to vector<256x128xf32>
    %add3A_583 = arith.addf %add3A_581, %add3A_582 : vector<256x128xf32>
    %mul3A_584 = arith.constant 2.000000e+00 : f32
    %mul3A_585 = vector.broadcast %mul3A_584 : f32 to vector<256x128xf32>
    %mul3A_586 = arith.mulf %mul3A_585, %dot_general3A_579 : vector<256x128xf32>
    %sub3A_587 = arith.subf %add3A_583, %mul3A_586 : vector<256x128xf32>
    %bitcast_convert_type3A_588 = tpu.bitcast %sub3A_587 : vector<256x128xf32> -> vector<256x128xi32>
    %shift_right_arithmetic3A_589 = arith.constant 31 : i32
    %shift_right_arithmetic3A_590 = vector.broadcast %shift_right_arithmetic3A_589 : i32 to vector<256x128xi32>
    %shift_right_arithmetic3A_591 = arith.shrsi %bitcast_convert_type3A_588, %shift_right_arithmetic3A_590 : vector<256x128xi32>
    %and3A_592 = arith.constant 2147483647 : i32
    %and3A_593 = vector.broadcast %and3A_592 : i32 to vector<256x128xi32>
    %and3A_594 = arith.andi %shift_right_arithmetic3A_591, %and3A_593 : vector<256x128xi32>
    %xor3A_595 = arith.xori %bitcast_convert_type3A_588, %and3A_594 : vector<256x128xi32>
    %add3A_596 = arith.constant 1408 : i32
    %add3A_597 = vector.broadcast %add3A_596 : i32 to vector<256x128xi32>
    %add3A_598 = arith.addi %iota3A, %add3A_597 : vector<256x128xi32>
    %lt3A_599 = arith.cmpi slt, %xor3A_595, %min3A_550 : vector<256x128xi32>
    %min3A_600 = arith.minsi %xor3A_595, %min3A_550 : vector<256x128xi32>
    %max3A_601 = arith.maxsi %xor3A_595, %min3A_550 : vector<256x128xi32>
    %select_n3A_602 = arith.select %lt3A_599, %add3A_598, %select_n3A_552 : vector<256x128xi1>, vector<256x128xi32>
    %select_n3A_603 = arith.select %lt3A_599, %select_n3A_552, %add3A_598 : vector<256x128xi1>, vector<256x128xi32>
    %lt3A_604 = arith.cmpi slt, %max3A_601, %min3A_555 : vector<256x128xi32>
    %min3A_605 = arith.minsi %max3A_601, %min3A_555 : vector<256x128xi32>
    %max3A_606 = arith.maxsi %max3A_601, %min3A_555 : vector<256x128xi32>
    %select_n3A_607 = arith.select %lt3A_604, %select_n3A_603, %select_n3A_557 : vector<256x128xi1>, vector<256x128xi32>
    %select_n3A_608 = arith.select %lt3A_604, %select_n3A_557, %select_n3A_603 : vector<256x128xi1>, vector<256x128xi32>
    %lt3A_609 = arith.cmpi slt, %max3A_606, %min3A_560 : vector<256x128xi32>
    %min3A_610 = arith.minsi %max3A_606, %min3A_560 : vector<256x128xi32>
    %max3A_611 = arith.maxsi %max3A_606, %min3A_560 : vector<256x128xi32>
    %select_n3A_612 = arith.select %lt3A_609, %select_n3A_608, %select_n3A_562 : vector<256x128xi1>, vector<256x128xi32>
    %select_n3A_613 = arith.select %lt3A_609, %select_n3A_562, %select_n3A_608 : vector<256x128xi1>, vector<256x128xi32>
    %lt3A_614 = arith.cmpi slt, %max3A_611, %min3A_565 : vector<256x128xi32>
    %min3A_615 = arith.minsi %max3A_611, %min3A_565 : vector<256x128xi32>
    %max3A_616 = arith.maxsi %max3A_611, %min3A_565 : vector<256x128xi32>
    %select_n3A_617 = arith.select %lt3A_614, %select_n3A_613, %select_n3A_567 : vector<256x128xi1>, vector<256x128xi32>
    %select_n3A_618 = arith.select %lt3A_614, %select_n3A_567, %select_n3A_613 : vector<256x128xi1>, vector<256x128xi32>
    %lt3A_619 = arith.cmpi slt, %max3A_616, %min3A_570 : vector<256x128xi32>
    %min3A_620 = arith.minsi %max3A_616, %min3A_570 : vector<256x128xi32>
    %max3A_621 = arith.maxsi %max3A_616, %min3A_570 : vector<256x128xi32>
    %select_n3A_622 = arith.select %lt3A_619, %select_n3A_618, %select_n3A_572 : vector<256x128xi1>, vector<256x128xi32>
    %select_n3A_623 = arith.select %lt3A_619, %select_n3A_572, %select_n3A_618 : vector<256x128xi1>, vector<256x128xi32>
    %lt3A_624 = arith.cmpi slt, %max3A_621, %min3A_575 : vector<256x128xi32>
    %min3A_625 = arith.minsi %max3A_621, %min3A_575 : vector<256x128xi32>
    %select_n3A_626 = arith.select %lt3A_624, %select_n3A_623, %select_n3A_576 : vector<256x128xi1>, vector<256x128xi32>
    %slice3A_627 = vector.extract_strided_slice %convert_element_type3A {offsets = [0, 1536], sizes = [3, 128], strides = [1, 1]} : vector<3x8192xbf16> to vector<3x128xbf16>
    %dot_general3A_628 = arith.constant dense<0.000000e+00> : vector<256x128xf32>
    %dot_general3A_629 = tpu.matmul %convert_element_type3A_9, %slice3A_627, %dot_general3A_628 {dimension_numbers = #tpu.dot_dimension_numbers<[1], [0], [0], [1], [0, 0, 1, 1], [], []>, transpose_lhs_hint = false} : vector<256x3xbf16>, vector<3x128xbf16>, vector<256x128xf32> -> vector<256x128xf32>
    %slice3A_630 = vector.extract_strided_slice %broadcast_in_dim3A {offsets = [0, 1536], sizes = [1, 128], strides = [1, 1]} : vector<1x8192xf32> to vector<1x128xf32>
    %add3A_631 = vector.broadcast %broadcast_in_dim3A_14 : vector<256x1xf32> to vector<256x128xf32>
    %add3A_632 = vector.broadcast %slice3A_630 : vector<1x128xf32> to vector<256x128xf32>
    %add3A_633 = arith.addf %add3A_631, %add3A_632 : vector<256x128xf32>
    %mul3A_634 = arith.constant 2.000000e+00 : f32
    %mul3A_635 = vector.broadcast %mul3A_634 : f32 to vector<256x128xf32>
    %mul3A_636 = arith.mulf %mul3A_635, %dot_general3A_629 : vector<256x128xf32>
    %sub3A_637 = arith.subf %add3A_633, %mul3A_636 : vector<256x128xf32>
    %bitcast_convert_type3A_638 = tpu.bitcast %sub3A_637 : vector<256x128xf32> -> vector<256x128xi32>
    %shift_right_arithmetic3A_639 = arith.constant 31 : i32
    %shift_right_arithmetic3A_640 = vector.broadcast %shift_right_arithmetic3A_639 : i32 to vector<256x128xi32>
    %shift_right_arithmetic3A_641 = arith.shrsi %bitcast_convert_type3A_638, %shift_right_arithmetic3A_640 : vector<256x128xi32>
    %and3A_642 = arith.constant 2147483647 : i32
    %and3A_643 = vector.broadcast %and3A_642 : i32 to vector<256x128xi32>
    %and3A_644 = arith.andi %shift_right_arithmetic3A_641, %and3A_643 : vector<256x128xi32>
    %xor3A_645 = arith.xori %bitcast_convert_type3A_638, %and3A_644 : vector<256x128xi32>
    %add3A_646 = arith.constant 1536 : i32
    %add3A_647 = vector.broadcast %add3A_646 : i32 to vector<256x128xi32>
    %add3A_648 = arith.addi %iota3A, %add3A_647 : vector<256x128xi32>
    %lt3A_649 = arith.cmpi slt, %xor3A_645, %min3A_600 : vector<256x128xi32>
    %min3A_650 = arith.minsi %xor3A_645, %min3A_600 : vector<256x128xi32>
    %max3A_651 = arith.maxsi %xor3A_645, %min3A_600 : vector<256x128xi32>
    %select_n3A_652 = arith.select %lt3A_649, %add3A_648, %select_n3A_602 : vector<256x128xi1>, vector<256x128xi32>
    %select_n3A_653 = arith.select %lt3A_649, %select_n3A_602, %add3A_648 : vector<256x128xi1>, vector<256x128xi32>
    %lt3A_654 = arith.cmpi slt, %max3A_651, %min3A_605 : vector<256x128xi32>
    %min3A_655 = arith.minsi %max3A_651, %min3A_605 : vector<256x128xi32>
    %max3A_656 = arith.maxsi %max3A_651, %min3A_605 : vector<256x128xi32>
    %select_n3A_657 = arith.select %lt3A_654, %select_n3A_653, %select_n3A_607 : vector<256x128xi1>, vector<256x128xi32>
    %select_n3A_658 = arith.select %lt3A_654, %select_n3A_607, %select_n3A_653 : vector<256x128xi1>, vector<256x128xi32>
    %lt3A_659 = arith.cmpi slt, %max3A_656, %min3A_610 : vector<256x128xi32>
    %min3A_660 = arith.minsi %max3A_656, %min3A_610 : vector<256x128xi32>
    %max3A_661 = arith.maxsi %max3A_656, %min3A_610 : vector<256x128xi32>
    %select_n3A_662 = arith.select %lt3A_659, %select_n3A_658, %select_n3A_612 : vector<256x128xi1>, vector<256x128xi32>
    %select_n3A_663 = arith.select %lt3A_659, %select_n3A_612, %select_n3A_658 : vector<256x128xi1>, vector<256x128xi32>
    %lt3A_664 = arith.cmpi slt, %max3A_661, %min3A_615 : vector<256x128xi32>
    %min3A_665 = arith.minsi %max3A_661, %min3A_615 : vector<256x128xi32>
    %max3A_666 = arith.maxsi %max3A_661, %min3A_615 : vector<256x128xi32>
    %select_n3A_667 = arith.select %lt3A_664, %select_n3A_663, %select_n3A_617 : vector<256x128xi1>, vector<256x128xi32>
    %select_n3A_668 = arith.select %lt3A_664, %select_n3A_617, %select_n3A_663 : vector<256x128xi1>, vector<256x128xi32>
    %lt3A_669 = arith.cmpi slt, %max3A_666, %min3A_620 : vector<256x128xi32>
    %min3A_670 = arith.minsi %max3A_666, %min3A_620 : vector<256x128xi32>
    %max3A_671 = arith.maxsi %max3A_666, %min3A_620 : vector<256x128xi32>
    %select_n3A_672 = arith.select %lt3A_669, %select_n3A_668, %select_n3A_622 : vector<256x128xi1>, vector<256x128xi32>
    %select_n3A_673 = arith.select %lt3A_669, %select_n3A_622, %select_n3A_668 : vector<256x128xi1>, vector<256x128xi32>
    %lt3A_674 = arith.cmpi slt, %max3A_671, %min3A_625 : vector<256x128xi32>
    %min3A_675 = arith.minsi %max3A_671, %min3A_625 : vector<256x128xi32>
    %select_n3A_676 = arith.select %lt3A_674, %select_n3A_673, %select_n3A_626 : vector<256x128xi1>, vector<256x128xi32>
    %slice3A_677 = vector.extract_strided_slice %convert_element_type3A {offsets = [0, 1664], sizes = [3, 128], strides = [1, 1]} : vector<3x8192xbf16> to vector<3x128xbf16>
    %dot_general3A_678 = arith.constant dense<0.000000e+00> : vector<256x128xf32>
    %dot_general3A_679 = tpu.matmul %convert_element_type3A_9, %slice3A_677, %dot_general3A_678 {dimension_numbers = #tpu.dot_dimension_numbers<[1], [0], [0], [1], [0, 0, 1, 1], [], []>, transpose_lhs_hint = false} : vector<256x3xbf16>, vector<3x128xbf16>, vector<256x128xf32> -> vector<256x128xf32>
    %slice3A_680 = vector.extract_strided_slice %broadcast_in_dim3A {offsets = [0, 1664], sizes = [1, 128], strides = [1, 1]} : vector<1x8192xf32> to vector<1x128xf32>
    %add3A_681 = vector.broadcast %broadcast_in_dim3A_14 : vector<256x1xf32> to vector<256x128xf32>
    %add3A_682 = vector.broadcast %slice3A_680 : vector<1x128xf32> to vector<256x128xf32>
    %add3A_683 = arith.addf %add3A_681, %add3A_682 : vector<256x128xf32>
    %mul3A_684 = arith.constant 2.000000e+00 : f32
    %mul3A_685 = vector.broadcast %mul3A_684 : f32 to vector<256x128xf32>
    %mul3A_686 = arith.mulf %mul3A_685, %dot_general3A_679 : vector<256x128xf32>
    %sub3A_687 = arith.subf %add3A_683, %mul3A_686 : vector<256x128xf32>
    %bitcast_convert_type3A_688 = tpu.bitcast %sub3A_687 : vector<256x128xf32> -> vector<256x128xi32>
    %shift_right_arithmetic3A_689 = arith.constant 31 : i32
    %shift_right_arithmetic3A_690 = vector.broadcast %shift_right_arithmetic3A_689 : i32 to vector<256x128xi32>
    %shift_right_arithmetic3A_691 = arith.shrsi %bitcast_convert_type3A_688, %shift_right_arithmetic3A_690 : vector<256x128xi32>
    %and3A_692 = arith.constant 2147483647 : i32
    %and3A_693 = vector.broadcast %and3A_692 : i32 to vector<256x128xi32>
    %and3A_694 = arith.andi %shift_right_arithmetic3A_691, %and3A_693 : vector<256x128xi32>
    %xor3A_695 = arith.xori %bitcast_convert_type3A_688, %and3A_694 : vector<256x128xi32>
    %add3A_696 = arith.constant 1664 : i32
    %add3A_697 = vector.broadcast %add3A_696 : i32 to vector<256x128xi32>
    %add3A_698 = arith.addi %iota3A, %add3A_697 : vector<256x128xi32>
    %lt3A_699 = arith.cmpi slt, %xor3A_695, %min3A_650 : vector<256x128xi32>
    %min3A_700 = arith.minsi %xor3A_695, %min3A_650 : vector<256x128xi32>
    %max3A_701 = arith.maxsi %xor3A_695, %min3A_650 : vector<256x128xi32>
    %select_n3A_702 = arith.select %lt3A_699, %add3A_698, %select_n3A_652 : vector<256x128xi1>, vector<256x128xi32>
    %select_n3A_703 = arith.select %lt3A_699, %select_n3A_652, %add3A_698 : vector<256x128xi1>, vector<256x128xi32>
    %lt3A_704 = arith.cmpi slt, %max3A_701, %min3A_655 : vector<256x128xi32>
    %min3A_705 = arith.minsi %max3A_701, %min3A_655 : vector<256x128xi32>
    %max3A_706 = arith.maxsi %max3A_701, %min3A_655 : vector<256x128xi32>
    %select_n3A_707 = arith.select %lt3A_704, %select_n3A_703, %select_n3A_657 : vector<256x128xi1>, vector<256x128xi32>
    %select_n3A_708 = arith.select %lt3A_704, %select_n3A_657, %select_n3A_703 : vector<256x128xi1>, vector<256x128xi32>
    %lt3A_709 = arith.cmpi slt, %max3A_706, %min3A_660 : vector<256x128xi32>
    %min3A_710 = arith.minsi %max3A_706, %min3A_660 : vector<256x128xi32>
    %max3A_711 = arith.maxsi %max3A_706, %min3A_660 : vector<256x128xi32>
    %select_n3A_712 = arith.select %lt3A_709, %select_n3A_708, %select_n3A_662 : vector<256x128xi1>, vector<256x128xi32>
    %select_n3A_713 = arith.select %lt3A_709, %select_n3A_662, %select_n3A_708 : vector<256x128xi1>, vector<256x128xi32>
    %lt3A_714 = arith.cmpi slt, %max3A_711, %min3A_665 : vector<256x128xi32>
    %min3A_715 = arith.minsi %max3A_711, %min3A_665 : vector<256x128xi32>
    %max3A_716 = arith.maxsi %max3A_711, %min3A_665 : vector<256x128xi32>
    %select_n3A_717 = arith.select %lt3A_714, %select_n3A_713, %select_n3A_667 : vector<256x128xi1>, vector<256x128xi32>
    %select_n3A_718 = arith.select %lt3A_714, %select_n3A_667, %select_n3A_713 : vector<256x128xi1>, vector<256x128xi32>
    %lt3A_719 = arith.cmpi slt, %max3A_716, %min3A_670 : vector<256x128xi32>
    %min3A_720 = arith.minsi %max3A_716, %min3A_670 : vector<256x128xi32>
    %max3A_721 = arith.maxsi %max3A_716, %min3A_670 : vector<256x128xi32>
    %select_n3A_722 = arith.select %lt3A_719, %select_n3A_718, %select_n3A_672 : vector<256x128xi1>, vector<256x128xi32>
    %select_n3A_723 = arith.select %lt3A_719, %select_n3A_672, %select_n3A_718 : vector<256x128xi1>, vector<256x128xi32>
    %lt3A_724 = arith.cmpi slt, %max3A_721, %min3A_675 : vector<256x128xi32>
    %min3A_725 = arith.minsi %max3A_721, %min3A_675 : vector<256x128xi32>
    %select_n3A_726 = arith.select %lt3A_724, %select_n3A_723, %select_n3A_676 : vector<256x128xi1>, vector<256x128xi32>
    %slice3A_727 = vector.extract_strided_slice %convert_element_type3A {offsets = [0, 1792], sizes = [3, 128], strides = [1, 1]} : vector<3x8192xbf16> to vector<3x128xbf16>
    %dot_general3A_728 = arith.constant dense<0.000000e+00> : vector<256x128xf32>
    %dot_general3A_729 = tpu.matmul %convert_element_type3A_9, %slice3A_727, %dot_general3A_728 {dimension_numbers = #tpu.dot_dimension_numbers<[1], [0], [0], [1], [0, 0, 1, 1], [], []>, transpose_lhs_hint = false} : vector<256x3xbf16>, vector<3x128xbf16>, vector<256x128xf32> -> vector<256x128xf32>
    %slice3A_730 = vector.extract_strided_slice %broadcast_in_dim3A {offsets = [0, 1792], sizes = [1, 128], strides = [1, 1]} : vector<1x8192xf32> to vector<1x128xf32>
    %add3A_731 = vector.broadcast %broadcast_in_dim3A_14 : vector<256x1xf32> to vector<256x128xf32>
    %add3A_732 = vector.broadcast %slice3A_730 : vector<1x128xf32> to vector<256x128xf32>
    %add3A_733 = arith.addf %add3A_731, %add3A_732 : vector<256x128xf32>
    %mul3A_734 = arith.constant 2.000000e+00 : f32
    %mul3A_735 = vector.broadcast %mul3A_734 : f32 to vector<256x128xf32>
    %mul3A_736 = arith.mulf %mul3A_735, %dot_general3A_729 : vector<256x128xf32>
    %sub3A_737 = arith.subf %add3A_733, %mul3A_736 : vector<256x128xf32>
    %bitcast_convert_type3A_738 = tpu.bitcast %sub3A_737 : vector<256x128xf32> -> vector<256x128xi32>
    %shift_right_arithmetic3A_739 = arith.constant 31 : i32
    %shift_right_arithmetic3A_740 = vector.broadcast %shift_right_arithmetic3A_739 : i32 to vector<256x128xi32>
    %shift_right_arithmetic3A_741 = arith.shrsi %bitcast_convert_type3A_738, %shift_right_arithmetic3A_740 : vector<256x128xi32>
    %and3A_742 = arith.constant 2147483647 : i32
    %and3A_743 = vector.broadcast %and3A_742 : i32 to vector<256x128xi32>
    %and3A_744 = arith.andi %shift_right_arithmetic3A_741, %and3A_743 : vector<256x128xi32>
    %xor3A_745 = arith.xori %bitcast_convert_type3A_738, %and3A_744 : vector<256x128xi32>
    %add3A_746 = arith.constant 1792 : i32
    %add3A_747 = vector.broadcast %add3A_746 : i32 to vector<256x128xi32>
    %add3A_748 = arith.addi %iota3A, %add3A_747 : vector<256x128xi32>
    %lt3A_749 = arith.cmpi slt, %xor3A_745, %min3A_700 : vector<256x128xi32>
    %min3A_750 = arith.minsi %xor3A_745, %min3A_700 : vector<256x128xi32>
    %max3A_751 = arith.maxsi %xor3A_745, %min3A_700 : vector<256x128xi32>
    %select_n3A_752 = arith.select %lt3A_749, %add3A_748, %select_n3A_702 : vector<256x128xi1>, vector<256x128xi32>
    %select_n3A_753 = arith.select %lt3A_749, %select_n3A_702, %add3A_748 : vector<256x128xi1>, vector<256x128xi32>
    %lt3A_754 = arith.cmpi slt, %max3A_751, %min3A_705 : vector<256x128xi32>
    %min3A_755 = arith.minsi %max3A_751, %min3A_705 : vector<256x128xi32>
    %max3A_756 = arith.maxsi %max3A_751, %min3A_705 : vector<256x128xi32>
    %select_n3A_757 = arith.select %lt3A_754, %select_n3A_753, %select_n3A_707 : vector<256x128xi1>, vector<256x128xi32>
    %select_n3A_758 = arith.select %lt3A_754, %select_n3A_707, %select_n3A_753 : vector<256x128xi1>, vector<256x128xi32>
    %lt3A_759 = arith.cmpi slt, %max3A_756, %min3A_710 : vector<256x128xi32>
    %min3A_760 = arith.minsi %max3A_756, %min3A_710 : vector<256x128xi32>
    %max3A_761 = arith.maxsi %max3A_756, %min3A_710 : vector<256x128xi32>
    %select_n3A_762 = arith.select %lt3A_759, %select_n3A_758, %select_n3A_712 : vector<256x128xi1>, vector<256x128xi32>
    %select_n3A_763 = arith.select %lt3A_759, %select_n3A_712, %select_n3A_758 : vector<256x128xi1>, vector<256x128xi32>
    %lt3A_764 = arith.cmpi slt, %max3A_761, %min3A_715 : vector<256x128xi32>
    %min3A_765 = arith.minsi %max3A_761, %min3A_715 : vector<256x128xi32>
    %max3A_766 = arith.maxsi %max3A_761, %min3A_715 : vector<256x128xi32>
    %select_n3A_767 = arith.select %lt3A_764, %select_n3A_763, %select_n3A_717 : vector<256x128xi1>, vector<256x128xi32>
    %select_n3A_768 = arith.select %lt3A_764, %select_n3A_717, %select_n3A_763 : vector<256x128xi1>, vector<256x128xi32>
    %lt3A_769 = arith.cmpi slt, %max3A_766, %min3A_720 : vector<256x128xi32>
    %min3A_770 = arith.minsi %max3A_766, %min3A_720 : vector<256x128xi32>
    %max3A_771 = arith.maxsi %max3A_766, %min3A_720 : vector<256x128xi32>
    %select_n3A_772 = arith.select %lt3A_769, %select_n3A_768, %select_n3A_722 : vector<256x128xi1>, vector<256x128xi32>
    %select_n3A_773 = arith.select %lt3A_769, %select_n3A_722, %select_n3A_768 : vector<256x128xi1>, vector<256x128xi32>
    %lt3A_774 = arith.cmpi slt, %max3A_771, %min3A_725 : vector<256x128xi32>
    %min3A_775 = arith.minsi %max3A_771, %min3A_725 : vector<256x128xi32>
    %select_n3A_776 = arith.select %lt3A_774, %select_n3A_773, %select_n3A_726 : vector<256x128xi1>, vector<256x128xi32>
    %slice3A_777 = vector.extract_strided_slice %convert_element_type3A {offsets = [0, 1920], sizes = [3, 128], strides = [1, 1]} : vector<3x8192xbf16> to vector<3x128xbf16>
    %dot_general3A_778 = arith.constant dense<0.000000e+00> : vector<256x128xf32>
    %dot_general3A_779 = tpu.matmul %convert_element_type3A_9, %slice3A_777, %dot_general3A_778 {dimension_numbers = #tpu.dot_dimension_numbers<[1], [0], [0], [1], [0, 0, 1, 1], [], []>, transpose_lhs_hint = false} : vector<256x3xbf16>, vector<3x128xbf16>, vector<256x128xf32> -> vector<256x128xf32>
    %slice3A_780 = vector.extract_strided_slice %broadcast_in_dim3A {offsets = [0, 1920], sizes = [1, 128], strides = [1, 1]} : vector<1x8192xf32> to vector<1x128xf32>
    %add3A_781 = vector.broadcast %broadcast_in_dim3A_14 : vector<256x1xf32> to vector<256x128xf32>
    %add3A_782 = vector.broadcast %slice3A_780 : vector<1x128xf32> to vector<256x128xf32>
    %add3A_783 = arith.addf %add3A_781, %add3A_782 : vector<256x128xf32>
    %mul3A_784 = arith.constant 2.000000e+00 : f32
    %mul3A_785 = vector.broadcast %mul3A_784 : f32 to vector<256x128xf32>
    %mul3A_786 = arith.mulf %mul3A_785, %dot_general3A_779 : vector<256x128xf32>
    %sub3A_787 = arith.subf %add3A_783, %mul3A_786 : vector<256x128xf32>
    %bitcast_convert_type3A_788 = tpu.bitcast %sub3A_787 : vector<256x128xf32> -> vector<256x128xi32>
    %shift_right_arithmetic3A_789 = arith.constant 31 : i32
    %shift_right_arithmetic3A_790 = vector.broadcast %shift_right_arithmetic3A_789 : i32 to vector<256x128xi32>
    %shift_right_arithmetic3A_791 = arith.shrsi %bitcast_convert_type3A_788, %shift_right_arithmetic3A_790 : vector<256x128xi32>
    %and3A_792 = arith.constant 2147483647 : i32
    %and3A_793 = vector.broadcast %and3A_792 : i32 to vector<256x128xi32>
    %and3A_794 = arith.andi %shift_right_arithmetic3A_791, %and3A_793 : vector<256x128xi32>
    %xor3A_795 = arith.xori %bitcast_convert_type3A_788, %and3A_794 : vector<256x128xi32>
    %add3A_796 = arith.constant 1920 : i32
    %add3A_797 = vector.broadcast %add3A_796 : i32 to vector<256x128xi32>
    %add3A_798 = arith.addi %iota3A, %add3A_797 : vector<256x128xi32>
    %lt3A_799 = arith.cmpi slt, %xor3A_795, %min3A_750 : vector<256x128xi32>
    %min3A_800 = arith.minsi %xor3A_795, %min3A_750 : vector<256x128xi32>
    %max3A_801 = arith.maxsi %xor3A_795, %min3A_750 : vector<256x128xi32>
    %select_n3A_802 = arith.select %lt3A_799, %add3A_798, %select_n3A_752 : vector<256x128xi1>, vector<256x128xi32>
    %select_n3A_803 = arith.select %lt3A_799, %select_n3A_752, %add3A_798 : vector<256x128xi1>, vector<256x128xi32>
    %lt3A_804 = arith.cmpi slt, %max3A_801, %min3A_755 : vector<256x128xi32>
    %min3A_805 = arith.minsi %max3A_801, %min3A_755 : vector<256x128xi32>
    %max3A_806 = arith.maxsi %max3A_801, %min3A_755 : vector<256x128xi32>
    %select_n3A_807 = arith.select %lt3A_804, %select_n3A_803, %select_n3A_757 : vector<256x128xi1>, vector<256x128xi32>
    %select_n3A_808 = arith.select %lt3A_804, %select_n3A_757, %select_n3A_803 : vector<256x128xi1>, vector<256x128xi32>
    %lt3A_809 = arith.cmpi slt, %max3A_806, %min3A_760 : vector<256x128xi32>
    %min3A_810 = arith.minsi %max3A_806, %min3A_760 : vector<256x128xi32>
    %max3A_811 = arith.maxsi %max3A_806, %min3A_760 : vector<256x128xi32>
    %select_n3A_812 = arith.select %lt3A_809, %select_n3A_808, %select_n3A_762 : vector<256x128xi1>, vector<256x128xi32>
    %select_n3A_813 = arith.select %lt3A_809, %select_n3A_762, %select_n3A_808 : vector<256x128xi1>, vector<256x128xi32>
    %lt3A_814 = arith.cmpi slt, %max3A_811, %min3A_765 : vector<256x128xi32>
    %min3A_815 = arith.minsi %max3A_811, %min3A_765 : vector<256x128xi32>
    %max3A_816 = arith.maxsi %max3A_811, %min3A_765 : vector<256x128xi32>
    %select_n3A_817 = arith.select %lt3A_814, %select_n3A_813, %select_n3A_767 : vector<256x128xi1>, vector<256x128xi32>
    %select_n3A_818 = arith.select %lt3A_814, %select_n3A_767, %select_n3A_813 : vector<256x128xi1>, vector<256x128xi32>
    %lt3A_819 = arith.cmpi slt, %max3A_816, %min3A_770 : vector<256x128xi32>
    %min3A_820 = arith.minsi %max3A_816, %min3A_770 : vector<256x128xi32>
    %max3A_821 = arith.maxsi %max3A_816, %min3A_770 : vector<256x128xi32>
    %select_n3A_822 = arith.select %lt3A_819, %select_n3A_818, %select_n3A_772 : vector<256x128xi1>, vector<256x128xi32>
    %select_n3A_823 = arith.select %lt3A_819, %select_n3A_772, %select_n3A_818 : vector<256x128xi1>, vector<256x128xi32>
    %lt3A_824 = arith.cmpi slt, %max3A_821, %min3A_775 : vector<256x128xi32>
    %min3A_825 = arith.minsi %max3A_821, %min3A_775 : vector<256x128xi32>
    %select_n3A_826 = arith.select %lt3A_824, %select_n3A_823, %select_n3A_776 : vector<256x128xi1>, vector<256x128xi32>
    %slice3A_827 = vector.extract_strided_slice %convert_element_type3A {offsets = [0, 2048], sizes = [3, 128], strides = [1, 1]} : vector<3x8192xbf16> to vector<3x128xbf16>
    %dot_general3A_828 = arith.constant dense<0.000000e+00> : vector<256x128xf32>
    %dot_general3A_829 = tpu.matmul %convert_element_type3A_9, %slice3A_827, %dot_general3A_828 {dimension_numbers = #tpu.dot_dimension_numbers<[1], [0], [0], [1], [0, 0, 1, 1], [], []>, transpose_lhs_hint = false} : vector<256x3xbf16>, vector<3x128xbf16>, vector<256x128xf32> -> vector<256x128xf32>
    %slice3A_830 = vector.extract_strided_slice %broadcast_in_dim3A {offsets = [0, 2048], sizes = [1, 128], strides = [1, 1]} : vector<1x8192xf32> to vector<1x128xf32>
    %add3A_831 = vector.broadcast %broadcast_in_dim3A_14 : vector<256x1xf32> to vector<256x128xf32>
    %add3A_832 = vector.broadcast %slice3A_830 : vector<1x128xf32> to vector<256x128xf32>
    %add3A_833 = arith.addf %add3A_831, %add3A_832 : vector<256x128xf32>
    %mul3A_834 = arith.constant 2.000000e+00 : f32
    %mul3A_835 = vector.broadcast %mul3A_834 : f32 to vector<256x128xf32>
    %mul3A_836 = arith.mulf %mul3A_835, %dot_general3A_829 : vector<256x128xf32>
    %sub3A_837 = arith.subf %add3A_833, %mul3A_836 : vector<256x128xf32>
    %bitcast_convert_type3A_838 = tpu.bitcast %sub3A_837 : vector<256x128xf32> -> vector<256x128xi32>
    %shift_right_arithmetic3A_839 = arith.constant 31 : i32
    %shift_right_arithmetic3A_840 = vector.broadcast %shift_right_arithmetic3A_839 : i32 to vector<256x128xi32>
    %shift_right_arithmetic3A_841 = arith.shrsi %bitcast_convert_type3A_838, %shift_right_arithmetic3A_840 : vector<256x128xi32>
    %and3A_842 = arith.constant 2147483647 : i32
    %and3A_843 = vector.broadcast %and3A_842 : i32 to vector<256x128xi32>
    %and3A_844 = arith.andi %shift_right_arithmetic3A_841, %and3A_843 : vector<256x128xi32>
    %xor3A_845 = arith.xori %bitcast_convert_type3A_838, %and3A_844 : vector<256x128xi32>
    %add3A_846 = arith.constant 2048 : i32
    %add3A_847 = vector.broadcast %add3A_846 : i32 to vector<256x128xi32>
    %add3A_848 = arith.addi %iota3A, %add3A_847 : vector<256x128xi32>
    %lt3A_849 = arith.cmpi slt, %xor3A_845, %min3A_800 : vector<256x128xi32>
    %min3A_850 = arith.minsi %xor3A_845, %min3A_800 : vector<256x128xi32>
    %max3A_851 = arith.maxsi %xor3A_845, %min3A_800 : vector<256x128xi32>
    %select_n3A_852 = arith.select %lt3A_849, %add3A_848, %select_n3A_802 : vector<256x128xi1>, vector<256x128xi32>
    %select_n3A_853 = arith.select %lt3A_849, %select_n3A_802, %add3A_848 : vector<256x128xi1>, vector<256x128xi32>
    %lt3A_854 = arith.cmpi slt, %max3A_851, %min3A_805 : vector<256x128xi32>
    %min3A_855 = arith.minsi %max3A_851, %min3A_805 : vector<256x128xi32>
    %max3A_856 = arith.maxsi %max3A_851, %min3A_805 : vector<256x128xi32>
    %select_n3A_857 = arith.select %lt3A_854, %select_n3A_853, %select_n3A_807 : vector<256x128xi1>, vector<256x128xi32>
    %select_n3A_858 = arith.select %lt3A_854, %select_n3A_807, %select_n3A_853 : vector<256x128xi1>, vector<256x128xi32>
    %lt3A_859 = arith.cmpi slt, %max3A_856, %min3A_810 : vector<256x128xi32>
    %min3A_860 = arith.minsi %max3A_856, %min3A_810 : vector<256x128xi32>
    %max3A_861 = arith.maxsi %max3A_856, %min3A_810 : vector<256x128xi32>
    %select_n3A_862 = arith.select %lt3A_859, %select_n3A_858, %select_n3A_812 : vector<256x128xi1>, vector<256x128xi32>
    %select_n3A_863 = arith.select %lt3A_859, %select_n3A_812, %select_n3A_858 : vector<256x128xi1>, vector<256x128xi32>
    %lt3A_864 = arith.cmpi slt, %max3A_861, %min3A_815 : vector<256x128xi32>
    %min3A_865 = arith.minsi %max3A_861, %min3A_815 : vector<256x128xi32>
    %max3A_866 = arith.maxsi %max3A_861, %min3A_815 : vector<256x128xi32>
    %select_n3A_867 = arith.select %lt3A_864, %select_n3A_863, %select_n3A_817 : vector<256x128xi1>, vector<256x128xi32>
    %select_n3A_868 = arith.select %lt3A_864, %select_n3A_817, %select_n3A_863 : vector<256x128xi1>, vector<256x128xi32>
    %lt3A_869 = arith.cmpi slt, %max3A_866, %min3A_820 : vector<256x128xi32>
    %min3A_870 = arith.minsi %max3A_866, %min3A_820 : vector<256x128xi32>
    %max3A_871 = arith.maxsi %max3A_866, %min3A_820 : vector<256x128xi32>
    %select_n3A_872 = arith.select %lt3A_869, %select_n3A_868, %select_n3A_822 : vector<256x128xi1>, vector<256x128xi32>
    %select_n3A_873 = arith.select %lt3A_869, %select_n3A_822, %select_n3A_868 : vector<256x128xi1>, vector<256x128xi32>
    %lt3A_874 = arith.cmpi slt, %max3A_871, %min3A_825 : vector<256x128xi32>
    %min3A_875 = arith.minsi %max3A_871, %min3A_825 : vector<256x128xi32>
    %select_n3A_876 = arith.select %lt3A_874, %select_n3A_873, %select_n3A_826 : vector<256x128xi1>, vector<256x128xi32>
    %slice3A_877 = vector.extract_strided_slice %convert_element_type3A {offsets = [0, 2176], sizes = [3, 128], strides = [1, 1]} : vector<3x8192xbf16> to vector<3x128xbf16>
    %dot_general3A_878 = arith.constant dense<0.000000e+00> : vector<256x128xf32>
    %dot_general3A_879 = tpu.matmul %convert_element_type3A_9, %slice3A_877, %dot_general3A_878 {dimension_numbers = #tpu.dot_dimension_numbers<[1], [0], [0], [1], [0, 0, 1, 1], [], []>, transpose_lhs_hint = false} : vector<256x3xbf16>, vector<3x128xbf16>, vector<256x128xf32> -> vector<256x128xf32>
    %slice3A_880 = vector.extract_strided_slice %broadcast_in_dim3A {offsets = [0, 2176], sizes = [1, 128], strides = [1, 1]} : vector<1x8192xf32> to vector<1x128xf32>
    %add3A_881 = vector.broadcast %broadcast_in_dim3A_14 : vector<256x1xf32> to vector<256x128xf32>
    %add3A_882 = vector.broadcast %slice3A_880 : vector<1x128xf32> to vector<256x128xf32>
    %add3A_883 = arith.addf %add3A_881, %add3A_882 : vector<256x128xf32>
    %mul3A_884 = arith.constant 2.000000e+00 : f32
    %mul3A_885 = vector.broadcast %mul3A_884 : f32 to vector<256x128xf32>
    %mul3A_886 = arith.mulf %mul3A_885, %dot_general3A_879 : vector<256x128xf32>
    %sub3A_887 = arith.subf %add3A_883, %mul3A_886 : vector<256x128xf32>
    %bitcast_convert_type3A_888 = tpu.bitcast %sub3A_887 : vector<256x128xf32> -> vector<256x128xi32>
    %shift_right_arithmetic3A_889 = arith.constant 31 : i32
    %shift_right_arithmetic3A_890 = vector.broadcast %shift_right_arithmetic3A_889 : i32 to vector<256x128xi32>
    %shift_right_arithmetic3A_891 = arith.shrsi %bitcast_convert_type3A_888, %shift_right_arithmetic3A_890 : vector<256x128xi32>
    %and3A_892 = arith.constant 2147483647 : i32
    %and3A_893 = vector.broadcast %and3A_892 : i32 to vector<256x128xi32>
    %and3A_894 = arith.andi %shift_right_arithmetic3A_891, %and3A_893 : vector<256x128xi32>
    %xor3A_895 = arith.xori %bitcast_convert_type3A_888, %and3A_894 : vector<256x128xi32>
    %add3A_896 = arith.constant 2176 : i32
    %add3A_897 = vector.broadcast %add3A_896 : i32 to vector<256x128xi32>
    %add3A_898 = arith.addi %iota3A, %add3A_897 : vector<256x128xi32>
    %lt3A_899 = arith.cmpi slt, %xor3A_895, %min3A_850 : vector<256x128xi32>
    %min3A_900 = arith.minsi %xor3A_895, %min3A_850 : vector<256x128xi32>
    %max3A_901 = arith.maxsi %xor3A_895, %min3A_850 : vector<256x128xi32>
    %select_n3A_902 = arith.select %lt3A_899, %add3A_898, %select_n3A_852 : vector<256x128xi1>, vector<256x128xi32>
    %select_n3A_903 = arith.select %lt3A_899, %select_n3A_852, %add3A_898 : vector<256x128xi1>, vector<256x128xi32>
    %lt3A_904 = arith.cmpi slt, %max3A_901, %min3A_855 : vector<256x128xi32>
    %min3A_905 = arith.minsi %max3A_901, %min3A_855 : vector<256x128xi32>
    %max3A_906 = arith.maxsi %max3A_901, %min3A_855 : vector<256x128xi32>
    %select_n3A_907 = arith.select %lt3A_904, %select_n3A_903, %select_n3A_857 : vector<256x128xi1>, vector<256x128xi32>
    %select_n3A_908 = arith.select %lt3A_904, %select_n3A_857, %select_n3A_903 : vector<256x128xi1>, vector<256x128xi32>
    %lt3A_909 = arith.cmpi slt, %max3A_906, %min3A_860 : vector<256x128xi32>
    %min3A_910 = arith.minsi %max3A_906, %min3A_860 : vector<256x128xi32>
    %max3A_911 = arith.maxsi %max3A_906, %min3A_860 : vector<256x128xi32>
    %select_n3A_912 = arith.select %lt3A_909, %select_n3A_908, %select_n3A_862 : vector<256x128xi1>, vector<256x128xi32>
    %select_n3A_913 = arith.select %lt3A_909, %select_n3A_862, %select_n3A_908 : vector<256x128xi1>, vector<256x128xi32>
    %lt3A_914 = arith.cmpi slt, %max3A_911, %min3A_865 : vector<256x128xi32>
    %min3A_915 = arith.minsi %max3A_911, %min3A_865 : vector<256x128xi32>
    %max3A_916 = arith.maxsi %max3A_911, %min3A_865 : vector<256x128xi32>
    %select_n3A_917 = arith.select %lt3A_914, %select_n3A_913, %select_n3A_867 : vector<256x128xi1>, vector<256x128xi32>
    %select_n3A_918 = arith.select %lt3A_914, %select_n3A_867, %select_n3A_913 : vector<256x128xi1>, vector<256x128xi32>
    %lt3A_919 = arith.cmpi slt, %max3A_916, %min3A_870 : vector<256x128xi32>
    %min3A_920 = arith.minsi %max3A_916, %min3A_870 : vector<256x128xi32>
    %max3A_921 = arith.maxsi %max3A_916, %min3A_870 : vector<256x128xi32>
    %select_n3A_922 = arith.select %lt3A_919, %select_n3A_918, %select_n3A_872 : vector<256x128xi1>, vector<256x128xi32>
    %select_n3A_923 = arith.select %lt3A_919, %select_n3A_872, %select_n3A_918 : vector<256x128xi1>, vector<256x128xi32>
    %lt3A_924 = arith.cmpi slt, %max3A_921, %min3A_875 : vector<256x128xi32>
    %min3A_925 = arith.minsi %max3A_921, %min3A_875 : vector<256x128xi32>
    %select_n3A_926 = arith.select %lt3A_924, %select_n3A_923, %select_n3A_876 : vector<256x128xi1>, vector<256x128xi32>
    %slice3A_927 = vector.extract_strided_slice %convert_element_type3A {offsets = [0, 2304], sizes = [3, 128], strides = [1, 1]} : vector<3x8192xbf16> to vector<3x128xbf16>
    %dot_general3A_928 = arith.constant dense<0.000000e+00> : vector<256x128xf32>
    %dot_general3A_929 = tpu.matmul %convert_element_type3A_9, %slice3A_927, %dot_general3A_928 {dimension_numbers = #tpu.dot_dimension_numbers<[1], [0], [0], [1], [0, 0, 1, 1], [], []>, transpose_lhs_hint = false} : vector<256x3xbf16>, vector<3x128xbf16>, vector<256x128xf32> -> vector<256x128xf32>
    %slice3A_930 = vector.extract_strided_slice %broadcast_in_dim3A {offsets = [0, 2304], sizes = [1, 128], strides = [1, 1]} : vector<1x8192xf32> to vector<1x128xf32>
    %add3A_931 = vector.broadcast %broadcast_in_dim3A_14 : vector<256x1xf32> to vector<256x128xf32>
    %add3A_932 = vector.broadcast %slice3A_930 : vector<1x128xf32> to vector<256x128xf32>
    %add3A_933 = arith.addf %add3A_931, %add3A_932 : vector<256x128xf32>
    %mul3A_934 = arith.constant 2.000000e+00 : f32
    %mul3A_935 = vector.broadcast %mul3A_934 : f32 to vector<256x128xf32>
    %mul3A_936 = arith.mulf %mul3A_935, %dot_general3A_929 : vector<256x128xf32>
    %sub3A_937 = arith.subf %add3A_933, %mul3A_936 : vector<256x128xf32>
    %bitcast_convert_type3A_938 = tpu.bitcast %sub3A_937 : vector<256x128xf32> -> vector<256x128xi32>
    %shift_right_arithmetic3A_939 = arith.constant 31 : i32
    %shift_right_arithmetic3A_940 = vector.broadcast %shift_right_arithmetic3A_939 : i32 to vector<256x128xi32>
    %shift_right_arithmetic3A_941 = arith.shrsi %bitcast_convert_type3A_938, %shift_right_arithmetic3A_940 : vector<256x128xi32>
    %and3A_942 = arith.constant 2147483647 : i32
    %and3A_943 = vector.broadcast %and3A_942 : i32 to vector<256x128xi32>
    %and3A_944 = arith.andi %shift_right_arithmetic3A_941, %and3A_943 : vector<256x128xi32>
    %xor3A_945 = arith.xori %bitcast_convert_type3A_938, %and3A_944 : vector<256x128xi32>
    %add3A_946 = arith.constant 2304 : i32
    %add3A_947 = vector.broadcast %add3A_946 : i32 to vector<256x128xi32>
    %add3A_948 = arith.addi %iota3A, %add3A_947 : vector<256x128xi32>
    %lt3A_949 = arith.cmpi slt, %xor3A_945, %min3A_900 : vector<256x128xi32>
    %min3A_950 = arith.minsi %xor3A_945, %min3A_900 : vector<256x128xi32>
    %max3A_951 = arith.maxsi %xor3A_945, %min3A_900 : vector<256x128xi32>
    %select_n3A_952 = arith.select %lt3A_949, %add3A_948, %select_n3A_902 : vector<256x128xi1>, vector<256x128xi32>
    %select_n3A_953 = arith.select %lt3A_949, %select_n3A_902, %add3A_948 : vector<256x128xi1>, vector<256x128xi32>
    %lt3A_954 = arith.cmpi slt, %max3A_951, %min3A_905 : vector<256x128xi32>
    %min3A_955 = arith.minsi %max3A_951, %min3A_905 : vector<256x128xi32>
    %max3A_956 = arith.maxsi %max3A_951, %min3A_905 : vector<256x128xi32>
    %select_n3A_957 = arith.select %lt3A_954, %select_n3A_953, %select_n3A_907 : vector<256x128xi1>, vector<256x128xi32>
    %select_n3A_958 = arith.select %lt3A_954, %select_n3A_907, %select_n3A_953 : vector<256x128xi1>, vector<256x128xi32>
    %lt3A_959 = arith.cmpi slt, %max3A_956, %min3A_910 : vector<256x128xi32>
    %min3A_960 = arith.minsi %max3A_956, %min3A_910 : vector<256x128xi32>
    %max3A_961 = arith.maxsi %max3A_956, %min3A_910 : vector<256x128xi32>
    %select_n3A_962 = arith.select %lt3A_959, %select_n3A_958, %select_n3A_912 : vector<256x128xi1>, vector<256x128xi32>
    %select_n3A_963 = arith.select %lt3A_959, %select_n3A_912, %select_n3A_958 : vector<256x128xi1>, vector<256x128xi32>
    %lt3A_964 = arith.cmpi slt, %max3A_961, %min3A_915 : vector<256x128xi32>
    %min3A_965 = arith.minsi %max3A_961, %min3A_915 : vector<256x128xi32>
    %max3A_966 = arith.maxsi %max3A_961, %min3A_915 : vector<256x128xi32>
    %select_n3A_967 = arith.select %lt3A_964, %select_n3A_963, %select_n3A_917 : vector<256x128xi1>, vector<256x128xi32>
    %select_n3A_968 = arith.select %lt3A_964, %select_n3A_917, %select_n3A_963 : vector<256x128xi1>, vector<256x128xi32>
    %lt3A_969 = arith.cmpi slt, %max3A_966, %min3A_920 : vector<256x128xi32>
    %min3A_970 = arith.minsi %max3A_966, %min3A_920 : vector<256x128xi32>
    %max3A_971 = arith.maxsi %max3A_966, %min3A_920 : vector<256x128xi32>
    %select_n3A_972 = arith.select %lt3A_969, %select_n3A_968, %select_n3A_922 : vector<256x128xi1>, vector<256x128xi32>
    %select_n3A_973 = arith.select %lt3A_969, %select_n3A_922, %select_n3A_968 : vector<256x128xi1>, vector<256x128xi32>
    %lt3A_974 = arith.cmpi slt, %max3A_971, %min3A_925 : vector<256x128xi32>
    %min3A_975 = arith.minsi %max3A_971, %min3A_925 : vector<256x128xi32>
    %select_n3A_976 = arith.select %lt3A_974, %select_n3A_973, %select_n3A_926 : vector<256x128xi1>, vector<256x128xi32>
    %slice3A_977 = vector.extract_strided_slice %convert_element_type3A {offsets = [0, 2432], sizes = [3, 128], strides = [1, 1]} : vector<3x8192xbf16> to vector<3x128xbf16>
    %dot_general3A_978 = arith.constant dense<0.000000e+00> : vector<256x128xf32>
    %dot_general3A_979 = tpu.matmul %convert_element_type3A_9, %slice3A_977, %dot_general3A_978 {dimension_numbers = #tpu.dot_dimension_numbers<[1], [0], [0], [1], [0, 0, 1, 1], [], []>, transpose_lhs_hint = false} : vector<256x3xbf16>, vector<3x128xbf16>, vector<256x128xf32> -> vector<256x128xf32>
    %slice3A_980 = vector.extract_strided_slice %broadcast_in_dim3A {offsets = [0, 2432], sizes = [1, 128], strides = [1, 1]} : vector<1x8192xf32> to vector<1x128xf32>
    %add3A_981 = vector.broadcast %broadcast_in_dim3A_14 : vector<256x1xf32> to vector<256x128xf32>
    %add3A_982 = vector.broadcast %slice3A_980 : vector<1x128xf32> to vector<256x128xf32>
    %add3A_983 = arith.addf %add3A_981, %add3A_982 : vector<256x128xf32>
    %mul3A_984 = arith.constant 2.000000e+00 : f32
    %mul3A_985 = vector.broadcast %mul3A_984 : f32 to vector<256x128xf32>
    %mul3A_986 = arith.mulf %mul3A_985, %dot_general3A_979 : vector<256x128xf32>
    %sub3A_987 = arith.subf %add3A_983, %mul3A_986 : vector<256x128xf32>
    %bitcast_convert_type3A_988 = tpu.bitcast %sub3A_987 : vector<256x128xf32> -> vector<256x128xi32>
    %shift_right_arithmetic3A_989 = arith.constant 31 : i32
    %shift_right_arithmetic3A_990 = vector.broadcast %shift_right_arithmetic3A_989 : i32 to vector<256x128xi32>
    %shift_right_arithmetic3A_991 = arith.shrsi %bitcast_convert_type3A_988, %shift_right_arithmetic3A_990 : vector<256x128xi32>
    %and3A_992 = arith.constant 2147483647 : i32
    %and3A_993 = vector.broadcast %and3A_992 : i32 to vector<256x128xi32>
    %and3A_994 = arith.andi %shift_right_arithmetic3A_991, %and3A_993 : vector<256x128xi32>
    %xor3A_995 = arith.xori %bitcast_convert_type3A_988, %and3A_994 : vector<256x128xi32>
    %add3A_996 = arith.constant 2432 : i32
    %add3A_997 = vector.broadcast %add3A_996 : i32 to vector<256x128xi32>
    %add3A_998 = arith.addi %iota3A, %add3A_997 : vector<256x128xi32>
    %lt3A_999 = arith.cmpi slt, %xor3A_995, %min3A_950 : vector<256x128xi32>
    %min3A_1000 = arith.minsi %xor3A_995, %min3A_950 : vector<256x128xi32>
    %max3A_1001 = arith.maxsi %xor3A_995, %min3A_950 : vector<256x128xi32>
    %select_n3A_1002 = arith.select %lt3A_999, %add3A_998, %select_n3A_952 : vector<256x128xi1>, vector<256x128xi32>
    %select_n3A_1003 = arith.select %lt3A_999, %select_n3A_952, %add3A_998 : vector<256x128xi1>, vector<256x128xi32>
    %lt3A_1004 = arith.cmpi slt, %max3A_1001, %min3A_955 : vector<256x128xi32>
    %min3A_1005 = arith.minsi %max3A_1001, %min3A_955 : vector<256x128xi32>
    %max3A_1006 = arith.maxsi %max3A_1001, %min3A_955 : vector<256x128xi32>
    %select_n3A_1007 = arith.select %lt3A_1004, %select_n3A_1003, %select_n3A_957 : vector<256x128xi1>, vector<256x128xi32>
    %select_n3A_1008 = arith.select %lt3A_1004, %select_n3A_957, %select_n3A_1003 : vector<256x128xi1>, vector<256x128xi32>
    %lt3A_1009 = arith.cmpi slt, %max3A_1006, %min3A_960 : vector<256x128xi32>
    %min3A_1010 = arith.minsi %max3A_1006, %min3A_960 : vector<256x128xi32>
    %max3A_1011 = arith.maxsi %max3A_1006, %min3A_960 : vector<256x128xi32>
    %select_n3A_1012 = arith.select %lt3A_1009, %select_n3A_1008, %select_n3A_962 : vector<256x128xi1>, vector<256x128xi32>
    %select_n3A_1013 = arith.select %lt3A_1009, %select_n3A_962, %select_n3A_1008 : vector<256x128xi1>, vector<256x128xi32>
    %lt3A_1014 = arith.cmpi slt, %max3A_1011, %min3A_965 : vector<256x128xi32>
    %min3A_1015 = arith.minsi %max3A_1011, %min3A_965 : vector<256x128xi32>
    %max3A_1016 = arith.maxsi %max3A_1011, %min3A_965 : vector<256x128xi32>
    %select_n3A_1017 = arith.select %lt3A_1014, %select_n3A_1013, %select_n3A_967 : vector<256x128xi1>, vector<256x128xi32>
    %select_n3A_1018 = arith.select %lt3A_1014, %select_n3A_967, %select_n3A_1013 : vector<256x128xi1>, vector<256x128xi32>
    %lt3A_1019 = arith.cmpi slt, %max3A_1016, %min3A_970 : vector<256x128xi32>
    %min3A_1020 = arith.minsi %max3A_1016, %min3A_970 : vector<256x128xi32>
    %max3A_1021 = arith.maxsi %max3A_1016, %min3A_970 : vector<256x128xi32>
    %select_n3A_1022 = arith.select %lt3A_1019, %select_n3A_1018, %select_n3A_972 : vector<256x128xi1>, vector<256x128xi32>
    %select_n3A_1023 = arith.select %lt3A_1019, %select_n3A_972, %select_n3A_1018 : vector<256x128xi1>, vector<256x128xi32>
    %lt3A_1024 = arith.cmpi slt, %max3A_1021, %min3A_975 : vector<256x128xi32>
    %min3A_1025 = arith.minsi %max3A_1021, %min3A_975 : vector<256x128xi32>
    %select_n3A_1026 = arith.select %lt3A_1024, %select_n3A_1023, %select_n3A_976 : vector<256x128xi1>, vector<256x128xi32>
    %slice3A_1027 = vector.extract_strided_slice %convert_element_type3A {offsets = [0, 2560], sizes = [3, 128], strides = [1, 1]} : vector<3x8192xbf16> to vector<3x128xbf16>
    %dot_general3A_1028 = arith.constant dense<0.000000e+00> : vector<256x128xf32>
    %dot_general3A_1029 = tpu.matmul %convert_element_type3A_9, %slice3A_1027, %dot_general3A_1028 {dimension_numbers = #tpu.dot_dimension_numbers<[1], [0], [0], [1], [0, 0, 1, 1], [], []>, transpose_lhs_hint = false} : vector<256x3xbf16>, vector<3x128xbf16>, vector<256x128xf32> -> vector<256x128xf32>
    %slice3A_1030 = vector.extract_strided_slice %broadcast_in_dim3A {offsets = [0, 2560], sizes = [1, 128], strides = [1, 1]} : vector<1x8192xf32> to vector<1x128xf32>
    %add3A_1031 = vector.broadcast %broadcast_in_dim3A_14 : vector<256x1xf32> to vector<256x128xf32>
    %add3A_1032 = vector.broadcast %slice3A_1030 : vector<1x128xf32> to vector<256x128xf32>
    %add3A_1033 = arith.addf %add3A_1031, %add3A_1032 : vector<256x128xf32>
    %mul3A_1034 = arith.constant 2.000000e+00 : f32
    %mul3A_1035 = vector.broadcast %mul3A_1034 : f32 to vector<256x128xf32>
    %mul3A_1036 = arith.mulf %mul3A_1035, %dot_general3A_1029 : vector<256x128xf32>
    %sub3A_1037 = arith.subf %add3A_1033, %mul3A_1036 : vector<256x128xf32>
    %bitcast_convert_type3A_1038 = tpu.bitcast %sub3A_1037 : vector<256x128xf32> -> vector<256x128xi32>
    %shift_right_arithmetic3A_1039 = arith.constant 31 : i32
    %shift_right_arithmetic3A_1040 = vector.broadcast %shift_right_arithmetic3A_1039 : i32 to vector<256x128xi32>
    %shift_right_arithmetic3A_1041 = arith.shrsi %bitcast_convert_type3A_1038, %shift_right_arithmetic3A_1040 : vector<256x128xi32>
    %and3A_1042 = arith.constant 2147483647 : i32
    %and3A_1043 = vector.broadcast %and3A_1042 : i32 to vector<256x128xi32>
    %and3A_1044 = arith.andi %shift_right_arithmetic3A_1041, %and3A_1043 : vector<256x128xi32>
    %xor3A_1045 = arith.xori %bitcast_convert_type3A_1038, %and3A_1044 : vector<256x128xi32>
    %add3A_1046 = arith.constant 2560 : i32
    %add3A_1047 = vector.broadcast %add3A_1046 : i32 to vector<256x128xi32>
    %add3A_1048 = arith.addi %iota3A, %add3A_1047 : vector<256x128xi32>
    %lt3A_1049 = arith.cmpi slt, %xor3A_1045, %min3A_1000 : vector<256x128xi32>
    %min3A_1050 = arith.minsi %xor3A_1045, %min3A_1000 : vector<256x128xi32>
    %max3A_1051 = arith.maxsi %xor3A_1045, %min3A_1000 : vector<256x128xi32>
    %select_n3A_1052 = arith.select %lt3A_1049, %add3A_1048, %select_n3A_1002 : vector<256x128xi1>, vector<256x128xi32>
    %select_n3A_1053 = arith.select %lt3A_1049, %select_n3A_1002, %add3A_1048 : vector<256x128xi1>, vector<256x128xi32>
    %lt3A_1054 = arith.cmpi slt, %max3A_1051, %min3A_1005 : vector<256x128xi32>
    %min3A_1055 = arith.minsi %max3A_1051, %min3A_1005 : vector<256x128xi32>
    %max3A_1056 = arith.maxsi %max3A_1051, %min3A_1005 : vector<256x128xi32>
    %select_n3A_1057 = arith.select %lt3A_1054, %select_n3A_1053, %select_n3A_1007 : vector<256x128xi1>, vector<256x128xi32>
    %select_n3A_1058 = arith.select %lt3A_1054, %select_n3A_1007, %select_n3A_1053 : vector<256x128xi1>, vector<256x128xi32>
    %lt3A_1059 = arith.cmpi slt, %max3A_1056, %min3A_1010 : vector<256x128xi32>
    %min3A_1060 = arith.minsi %max3A_1056, %min3A_1010 : vector<256x128xi32>
    %max3A_1061 = arith.maxsi %max3A_1056, %min3A_1010 : vector<256x128xi32>
    %select_n3A_1062 = arith.select %lt3A_1059, %select_n3A_1058, %select_n3A_1012 : vector<256x128xi1>, vector<256x128xi32>
    %select_n3A_1063 = arith.select %lt3A_1059, %select_n3A_1012, %select_n3A_1058 : vector<256x128xi1>, vector<256x128xi32>
    %lt3A_1064 = arith.cmpi slt, %max3A_1061, %min3A_1015 : vector<256x128xi32>
    %min3A_1065 = arith.minsi %max3A_1061, %min3A_1015 : vector<256x128xi32>
    %max3A_1066 = arith.maxsi %max3A_1061, %min3A_1015 : vector<256x128xi32>
    %select_n3A_1067 = arith.select %lt3A_1064, %select_n3A_1063, %select_n3A_1017 : vector<256x128xi1>, vector<256x128xi32>
    %select_n3A_1068 = arith.select %lt3A_1064, %select_n3A_1017, %select_n3A_1063 : vector<256x128xi1>, vector<256x128xi32>
    %lt3A_1069 = arith.cmpi slt, %max3A_1066, %min3A_1020 : vector<256x128xi32>
    %min3A_1070 = arith.minsi %max3A_1066, %min3A_1020 : vector<256x128xi32>
    %max3A_1071 = arith.maxsi %max3A_1066, %min3A_1020 : vector<256x128xi32>
    %select_n3A_1072 = arith.select %lt3A_1069, %select_n3A_1068, %select_n3A_1022 : vector<256x128xi1>, vector<256x128xi32>
    %select_n3A_1073 = arith.select %lt3A_1069, %select_n3A_1022, %select_n3A_1068 : vector<256x128xi1>, vector<256x128xi32>
    %lt3A_1074 = arith.cmpi slt, %max3A_1071, %min3A_1025 : vector<256x128xi32>
    %min3A_1075 = arith.minsi %max3A_1071, %min3A_1025 : vector<256x128xi32>
    %select_n3A_1076 = arith.select %lt3A_1074, %select_n3A_1073, %select_n3A_1026 : vector<256x128xi1>, vector<256x128xi32>
    %slice3A_1077 = vector.extract_strided_slice %convert_element_type3A {offsets = [0, 2688], sizes = [3, 128], strides = [1, 1]} : vector<3x8192xbf16> to vector<3x128xbf16>
    %dot_general3A_1078 = arith.constant dense<0.000000e+00> : vector<256x128xf32>
    %dot_general3A_1079 = tpu.matmul %convert_element_type3A_9, %slice3A_1077, %dot_general3A_1078 {dimension_numbers = #tpu.dot_dimension_numbers<[1], [0], [0], [1], [0, 0, 1, 1], [], []>, transpose_lhs_hint = false} : vector<256x3xbf16>, vector<3x128xbf16>, vector<256x128xf32> -> vector<256x128xf32>
    %slice3A_1080 = vector.extract_strided_slice %broadcast_in_dim3A {offsets = [0, 2688], sizes = [1, 128], strides = [1, 1]} : vector<1x8192xf32> to vector<1x128xf32>
    %add3A_1081 = vector.broadcast %broadcast_in_dim3A_14 : vector<256x1xf32> to vector<256x128xf32>
    %add3A_1082 = vector.broadcast %slice3A_1080 : vector<1x128xf32> to vector<256x128xf32>
    %add3A_1083 = arith.addf %add3A_1081, %add3A_1082 : vector<256x128xf32>
    %mul3A_1084 = arith.constant 2.000000e+00 : f32
    %mul3A_1085 = vector.broadcast %mul3A_1084 : f32 to vector<256x128xf32>
    %mul3A_1086 = arith.mulf %mul3A_1085, %dot_general3A_1079 : vector<256x128xf32>
    %sub3A_1087 = arith.subf %add3A_1083, %mul3A_1086 : vector<256x128xf32>
    %bitcast_convert_type3A_1088 = tpu.bitcast %sub3A_1087 : vector<256x128xf32> -> vector<256x128xi32>
    %shift_right_arithmetic3A_1089 = arith.constant 31 : i32
    %shift_right_arithmetic3A_1090 = vector.broadcast %shift_right_arithmetic3A_1089 : i32 to vector<256x128xi32>
    %shift_right_arithmetic3A_1091 = arith.shrsi %bitcast_convert_type3A_1088, %shift_right_arithmetic3A_1090 : vector<256x128xi32>
    %and3A_1092 = arith.constant 2147483647 : i32
    %and3A_1093 = vector.broadcast %and3A_1092 : i32 to vector<256x128xi32>
    %and3A_1094 = arith.andi %shift_right_arithmetic3A_1091, %and3A_1093 : vector<256x128xi32>
    %xor3A_1095 = arith.xori %bitcast_convert_type3A_1088, %and3A_1094 : vector<256x128xi32>
    %add3A_1096 = arith.constant 2688 : i32
    %add3A_1097 = vector.broadcast %add3A_1096 : i32 to vector<256x128xi32>
    %add3A_1098 = arith.addi %iota3A, %add3A_1097 : vector<256x128xi32>
    %lt3A_1099 = arith.cmpi slt, %xor3A_1095, %min3A_1050 : vector<256x128xi32>
    %min3A_1100 = arith.minsi %xor3A_1095, %min3A_1050 : vector<256x128xi32>
    %max3A_1101 = arith.maxsi %xor3A_1095, %min3A_1050 : vector<256x128xi32>
    %select_n3A_1102 = arith.select %lt3A_1099, %add3A_1098, %select_n3A_1052 : vector<256x128xi1>, vector<256x128xi32>
    %select_n3A_1103 = arith.select %lt3A_1099, %select_n3A_1052, %add3A_1098 : vector<256x128xi1>, vector<256x128xi32>
    %lt3A_1104 = arith.cmpi slt, %max3A_1101, %min3A_1055 : vector<256x128xi32>
    %min3A_1105 = arith.minsi %max3A_1101, %min3A_1055 : vector<256x128xi32>
    %max3A_1106 = arith.maxsi %max3A_1101, %min3A_1055 : vector<256x128xi32>
    %select_n3A_1107 = arith.select %lt3A_1104, %select_n3A_1103, %select_n3A_1057 : vector<256x128xi1>, vector<256x128xi32>
    %select_n3A_1108 = arith.select %lt3A_1104, %select_n3A_1057, %select_n3A_1103 : vector<256x128xi1>, vector<256x128xi32>
    %lt3A_1109 = arith.cmpi slt, %max3A_1106, %min3A_1060 : vector<256x128xi32>
    %min3A_1110 = arith.minsi %max3A_1106, %min3A_1060 : vector<256x128xi32>
    %max3A_1111 = arith.maxsi %max3A_1106, %min3A_1060 : vector<256x128xi32>
    %select_n3A_1112 = arith.select %lt3A_1109, %select_n3A_1108, %select_n3A_1062 : vector<256x128xi1>, vector<256x128xi32>
    %select_n3A_1113 = arith.select %lt3A_1109, %select_n3A_1062, %select_n3A_1108 : vector<256x128xi1>, vector<256x128xi32>
    %lt3A_1114 = arith.cmpi slt, %max3A_1111, %min3A_1065 : vector<256x128xi32>
    %min3A_1115 = arith.minsi %max3A_1111, %min3A_1065 : vector<256x128xi32>
    %max3A_1116 = arith.maxsi %max3A_1111, %min3A_1065 : vector<256x128xi32>
    %select_n3A_1117 = arith.select %lt3A_1114, %select_n3A_1113, %select_n3A_1067 : vector<256x128xi1>, vector<256x128xi32>
    %select_n3A_1118 = arith.select %lt3A_1114, %select_n3A_1067, %select_n3A_1113 : vector<256x128xi1>, vector<256x128xi32>
    %lt3A_1119 = arith.cmpi slt, %max3A_1116, %min3A_1070 : vector<256x128xi32>
    %min3A_1120 = arith.minsi %max3A_1116, %min3A_1070 : vector<256x128xi32>
    %max3A_1121 = arith.maxsi %max3A_1116, %min3A_1070 : vector<256x128xi32>
    %select_n3A_1122 = arith.select %lt3A_1119, %select_n3A_1118, %select_n3A_1072 : vector<256x128xi1>, vector<256x128xi32>
    %select_n3A_1123 = arith.select %lt3A_1119, %select_n3A_1072, %select_n3A_1118 : vector<256x128xi1>, vector<256x128xi32>
    %lt3A_1124 = arith.cmpi slt, %max3A_1121, %min3A_1075 : vector<256x128xi32>
    %min3A_1125 = arith.minsi %max3A_1121, %min3A_1075 : vector<256x128xi32>
    %select_n3A_1126 = arith.select %lt3A_1124, %select_n3A_1123, %select_n3A_1076 : vector<256x128xi1>, vector<256x128xi32>
    %slice3A_1127 = vector.extract_strided_slice %convert_element_type3A {offsets = [0, 2816], sizes = [3, 128], strides = [1, 1]} : vector<3x8192xbf16> to vector<3x128xbf16>
    %dot_general3A_1128 = arith.constant dense<0.000000e+00> : vector<256x128xf32>
    %dot_general3A_1129 = tpu.matmul %convert_element_type3A_9, %slice3A_1127, %dot_general3A_1128 {dimension_numbers = #tpu.dot_dimension_numbers<[1], [0], [0], [1], [0, 0, 1, 1], [], []>, transpose_lhs_hint = false} : vector<256x3xbf16>, vector<3x128xbf16>, vector<256x128xf32> -> vector<256x128xf32>
    %slice3A_1130 = vector.extract_strided_slice %broadcast_in_dim3A {offsets = [0, 2816], sizes = [1, 128], strides = [1, 1]} : vector<1x8192xf32> to vector<1x128xf32>
    %add3A_1131 = vector.broadcast %broadcast_in_dim3A_14 : vector<256x1xf32> to vector<256x128xf32>
    %add3A_1132 = vector.broadcast %slice3A_1130 : vector<1x128xf32> to vector<256x128xf32>
    %add3A_1133 = arith.addf %add3A_1131, %add3A_1132 : vector<256x128xf32>
    %mul3A_1134 = arith.constant 2.000000e+00 : f32
    %mul3A_1135 = vector.broadcast %mul3A_1134 : f32 to vector<256x128xf32>
    %mul3A_1136 = arith.mulf %mul3A_1135, %dot_general3A_1129 : vector<256x128xf32>
    %sub3A_1137 = arith.subf %add3A_1133, %mul3A_1136 : vector<256x128xf32>
    %bitcast_convert_type3A_1138 = tpu.bitcast %sub3A_1137 : vector<256x128xf32> -> vector<256x128xi32>
    %shift_right_arithmetic3A_1139 = arith.constant 31 : i32
    %shift_right_arithmetic3A_1140 = vector.broadcast %shift_right_arithmetic3A_1139 : i32 to vector<256x128xi32>
    %shift_right_arithmetic3A_1141 = arith.shrsi %bitcast_convert_type3A_1138, %shift_right_arithmetic3A_1140 : vector<256x128xi32>
    %and3A_1142 = arith.constant 2147483647 : i32
    %and3A_1143 = vector.broadcast %and3A_1142 : i32 to vector<256x128xi32>
    %and3A_1144 = arith.andi %shift_right_arithmetic3A_1141, %and3A_1143 : vector<256x128xi32>
    %xor3A_1145 = arith.xori %bitcast_convert_type3A_1138, %and3A_1144 : vector<256x128xi32>
    %add3A_1146 = arith.constant 2816 : i32
    %add3A_1147 = vector.broadcast %add3A_1146 : i32 to vector<256x128xi32>
    %add3A_1148 = arith.addi %iota3A, %add3A_1147 : vector<256x128xi32>
    %lt3A_1149 = arith.cmpi slt, %xor3A_1145, %min3A_1100 : vector<256x128xi32>
    %min3A_1150 = arith.minsi %xor3A_1145, %min3A_1100 : vector<256x128xi32>
    %max3A_1151 = arith.maxsi %xor3A_1145, %min3A_1100 : vector<256x128xi32>
    %select_n3A_1152 = arith.select %lt3A_1149, %add3A_1148, %select_n3A_1102 : vector<256x128xi1>, vector<256x128xi32>
    %select_n3A_1153 = arith.select %lt3A_1149, %select_n3A_1102, %add3A_1148 : vector<256x128xi1>, vector<256x128xi32>
    %lt3A_1154 = arith.cmpi slt, %max3A_1151, %min3A_1105 : vector<256x128xi32>
    %min3A_1155 = arith.minsi %max3A_1151, %min3A_1105 : vector<256x128xi32>
    %max3A_1156 = arith.maxsi %max3A_1151, %min3A_1105 : vector<256x128xi32>
    %select_n3A_1157 = arith.select %lt3A_1154, %select_n3A_1153, %select_n3A_1107 : vector<256x128xi1>, vector<256x128xi32>
    %select_n3A_1158 = arith.select %lt3A_1154, %select_n3A_1107, %select_n3A_1153 : vector<256x128xi1>, vector<256x128xi32>
    %lt3A_1159 = arith.cmpi slt, %max3A_1156, %min3A_1110 : vector<256x128xi32>
    %min3A_1160 = arith.minsi %max3A_1156, %min3A_1110 : vector<256x128xi32>
    %max3A_1161 = arith.maxsi %max3A_1156, %min3A_1110 : vector<256x128xi32>
    %select_n3A_1162 = arith.select %lt3A_1159, %select_n3A_1158, %select_n3A_1112 : vector<256x128xi1>, vector<256x128xi32>
    %select_n3A_1163 = arith.select %lt3A_1159, %select_n3A_1112, %select_n3A_1158 : vector<256x128xi1>, vector<256x128xi32>
    %lt3A_1164 = arith.cmpi slt, %max3A_1161, %min3A_1115 : vector<256x128xi32>
    %min3A_1165 = arith.minsi %max3A_1161, %min3A_1115 : vector<256x128xi32>
    %max3A_1166 = arith.maxsi %max3A_1161, %min3A_1115 : vector<256x128xi32>
    %select_n3A_1167 = arith.select %lt3A_1164, %select_n3A_1163, %select_n3A_1117 : vector<256x128xi1>, vector<256x128xi32>
    %select_n3A_1168 = arith.select %lt3A_1164, %select_n3A_1117, %select_n3A_1163 : vector<256x128xi1>, vector<256x128xi32>
    %lt3A_1169 = arith.cmpi slt, %max3A_1166, %min3A_1120 : vector<256x128xi32>
    %min3A_1170 = arith.minsi %max3A_1166, %min3A_1120 : vector<256x128xi32>
    %max3A_1171 = arith.maxsi %max3A_1166, %min3A_1120 : vector<256x128xi32>
    %select_n3A_1172 = arith.select %lt3A_1169, %select_n3A_1168, %select_n3A_1122 : vector<256x128xi1>, vector<256x128xi32>
    %select_n3A_1173 = arith.select %lt3A_1169, %select_n3A_1122, %select_n3A_1168 : vector<256x128xi1>, vector<256x128xi32>
    %lt3A_1174 = arith.cmpi slt, %max3A_1171, %min3A_1125 : vector<256x128xi32>
    %min3A_1175 = arith.minsi %max3A_1171, %min3A_1125 : vector<256x128xi32>
    %select_n3A_1176 = arith.select %lt3A_1174, %select_n3A_1173, %select_n3A_1126 : vector<256x128xi1>, vector<256x128xi32>
    %slice3A_1177 = vector.extract_strided_slice %convert_element_type3A {offsets = [0, 2944], sizes = [3, 128], strides = [1, 1]} : vector<3x8192xbf16> to vector<3x128xbf16>
    %dot_general3A_1178 = arith.constant dense<0.000000e+00> : vector<256x128xf32>
    %dot_general3A_1179 = tpu.matmul %convert_element_type3A_9, %slice3A_1177, %dot_general3A_1178 {dimension_numbers = #tpu.dot_dimension_numbers<[1], [0], [0], [1], [0, 0, 1, 1], [], []>, transpose_lhs_hint = false} : vector<256x3xbf16>, vector<3x128xbf16>, vector<256x128xf32> -> vector<256x128xf32>
    %slice3A_1180 = vector.extract_strided_slice %broadcast_in_dim3A {offsets = [0, 2944], sizes = [1, 128], strides = [1, 1]} : vector<1x8192xf32> to vector<1x128xf32>
    %add3A_1181 = vector.broadcast %broadcast_in_dim3A_14 : vector<256x1xf32> to vector<256x128xf32>
    %add3A_1182 = vector.broadcast %slice3A_1180 : vector<1x128xf32> to vector<256x128xf32>
    %add3A_1183 = arith.addf %add3A_1181, %add3A_1182 : vector<256x128xf32>
    %mul3A_1184 = arith.constant 2.000000e+00 : f32
    %mul3A_1185 = vector.broadcast %mul3A_1184 : f32 to vector<256x128xf32>
    %mul3A_1186 = arith.mulf %mul3A_1185, %dot_general3A_1179 : vector<256x128xf32>
    %sub3A_1187 = arith.subf %add3A_1183, %mul3A_1186 : vector<256x128xf32>
    %bitcast_convert_type3A_1188 = tpu.bitcast %sub3A_1187 : vector<256x128xf32> -> vector<256x128xi32>
    %shift_right_arithmetic3A_1189 = arith.constant 31 : i32
    %shift_right_arithmetic3A_1190 = vector.broadcast %shift_right_arithmetic3A_1189 : i32 to vector<256x128xi32>
    %shift_right_arithmetic3A_1191 = arith.shrsi %bitcast_convert_type3A_1188, %shift_right_arithmetic3A_1190 : vector<256x128xi32>
    %and3A_1192 = arith.constant 2147483647 : i32
    %and3A_1193 = vector.broadcast %and3A_1192 : i32 to vector<256x128xi32>
    %and3A_1194 = arith.andi %shift_right_arithmetic3A_1191, %and3A_1193 : vector<256x128xi32>
    %xor3A_1195 = arith.xori %bitcast_convert_type3A_1188, %and3A_1194 : vector<256x128xi32>
    %add3A_1196 = arith.constant 2944 : i32
    %add3A_1197 = vector.broadcast %add3A_1196 : i32 to vector<256x128xi32>
    %add3A_1198 = arith.addi %iota3A, %add3A_1197 : vector<256x128xi32>
    %lt3A_1199 = arith.cmpi slt, %xor3A_1195, %min3A_1150 : vector<256x128xi32>
    %min3A_1200 = arith.minsi %xor3A_1195, %min3A_1150 : vector<256x128xi32>
    %max3A_1201 = arith.maxsi %xor3A_1195, %min3A_1150 : vector<256x128xi32>
    %select_n3A_1202 = arith.select %lt3A_1199, %add3A_1198, %select_n3A_1152 : vector<256x128xi1>, vector<256x128xi32>
    %select_n3A_1203 = arith.select %lt3A_1199, %select_n3A_1152, %add3A_1198 : vector<256x128xi1>, vector<256x128xi32>
    %lt3A_1204 = arith.cmpi slt, %max3A_1201, %min3A_1155 : vector<256x128xi32>
    %min3A_1205 = arith.minsi %max3A_1201, %min3A_1155 : vector<256x128xi32>
    %max3A_1206 = arith.maxsi %max3A_1201, %min3A_1155 : vector<256x128xi32>
    %select_n3A_1207 = arith.select %lt3A_1204, %select_n3A_1203, %select_n3A_1157 : vector<256x128xi1>, vector<256x128xi32>
    %select_n3A_1208 = arith.select %lt3A_1204, %select_n3A_1157, %select_n3A_1203 : vector<256x128xi1>, vector<256x128xi32>
    %lt3A_1209 = arith.cmpi slt, %max3A_1206, %min3A_1160 : vector<256x128xi32>
    %min3A_1210 = arith.minsi %max3A_1206, %min3A_1160 : vector<256x128xi32>
    %max3A_1211 = arith.maxsi %max3A_1206, %min3A_1160 : vector<256x128xi32>
    %select_n3A_1212 = arith.select %lt3A_1209, %select_n3A_1208, %select_n3A_1162 : vector<256x128xi1>, vector<256x128xi32>
    %select_n3A_1213 = arith.select %lt3A_1209, %select_n3A_1162, %select_n3A_1208 : vector<256x128xi1>, vector<256x128xi32>
    %lt3A_1214 = arith.cmpi slt, %max3A_1211, %min3A_1165 : vector<256x128xi32>
    %min3A_1215 = arith.minsi %max3A_1211, %min3A_1165 : vector<256x128xi32>
    %max3A_1216 = arith.maxsi %max3A_1211, %min3A_1165 : vector<256x128xi32>
    %select_n3A_1217 = arith.select %lt3A_1214, %select_n3A_1213, %select_n3A_1167 : vector<256x128xi1>, vector<256x128xi32>
    %select_n3A_1218 = arith.select %lt3A_1214, %select_n3A_1167, %select_n3A_1213 : vector<256x128xi1>, vector<256x128xi32>
    %lt3A_1219 = arith.cmpi slt, %max3A_1216, %min3A_1170 : vector<256x128xi32>
    %min3A_1220 = arith.minsi %max3A_1216, %min3A_1170 : vector<256x128xi32>
    %max3A_1221 = arith.maxsi %max3A_1216, %min3A_1170 : vector<256x128xi32>
    %select_n3A_1222 = arith.select %lt3A_1219, %select_n3A_1218, %select_n3A_1172 : vector<256x128xi1>, vector<256x128xi32>
    %select_n3A_1223 = arith.select %lt3A_1219, %select_n3A_1172, %select_n3A_1218 : vector<256x128xi1>, vector<256x128xi32>
    %lt3A_1224 = arith.cmpi slt, %max3A_1221, %min3A_1175 : vector<256x128xi32>
    %min3A_1225 = arith.minsi %max3A_1221, %min3A_1175 : vector<256x128xi32>
    %select_n3A_1226 = arith.select %lt3A_1224, %select_n3A_1223, %select_n3A_1176 : vector<256x128xi1>, vector<256x128xi32>
    %slice3A_1227 = vector.extract_strided_slice %convert_element_type3A {offsets = [0, 3072], sizes = [3, 128], strides = [1, 1]} : vector<3x8192xbf16> to vector<3x128xbf16>
    %dot_general3A_1228 = arith.constant dense<0.000000e+00> : vector<256x128xf32>
    %dot_general3A_1229 = tpu.matmul %convert_element_type3A_9, %slice3A_1227, %dot_general3A_1228 {dimension_numbers = #tpu.dot_dimension_numbers<[1], [0], [0], [1], [0, 0, 1, 1], [], []>, transpose_lhs_hint = false} : vector<256x3xbf16>, vector<3x128xbf16>, vector<256x128xf32> -> vector<256x128xf32>
    %slice3A_1230 = vector.extract_strided_slice %broadcast_in_dim3A {offsets = [0, 3072], sizes = [1, 128], strides = [1, 1]} : vector<1x8192xf32> to vector<1x128xf32>
    %add3A_1231 = vector.broadcast %broadcast_in_dim3A_14 : vector<256x1xf32> to vector<256x128xf32>
    %add3A_1232 = vector.broadcast %slice3A_1230 : vector<1x128xf32> to vector<256x128xf32>
    %add3A_1233 = arith.addf %add3A_1231, %add3A_1232 : vector<256x128xf32>
    %mul3A_1234 = arith.constant 2.000000e+00 : f32
    %mul3A_1235 = vector.broadcast %mul3A_1234 : f32 to vector<256x128xf32>
    %mul3A_1236 = arith.mulf %mul3A_1235, %dot_general3A_1229 : vector<256x128xf32>
    %sub3A_1237 = arith.subf %add3A_1233, %mul3A_1236 : vector<256x128xf32>
    %bitcast_convert_type3A_1238 = tpu.bitcast %sub3A_1237 : vector<256x128xf32> -> vector<256x128xi32>
    %shift_right_arithmetic3A_1239 = arith.constant 31 : i32
    %shift_right_arithmetic3A_1240 = vector.broadcast %shift_right_arithmetic3A_1239 : i32 to vector<256x128xi32>
    %shift_right_arithmetic3A_1241 = arith.shrsi %bitcast_convert_type3A_1238, %shift_right_arithmetic3A_1240 : vector<256x128xi32>
    %and3A_1242 = arith.constant 2147483647 : i32
    %and3A_1243 = vector.broadcast %and3A_1242 : i32 to vector<256x128xi32>
    %and3A_1244 = arith.andi %shift_right_arithmetic3A_1241, %and3A_1243 : vector<256x128xi32>
    %xor3A_1245 = arith.xori %bitcast_convert_type3A_1238, %and3A_1244 : vector<256x128xi32>
    %add3A_1246 = arith.constant 3072 : i32
    %add3A_1247 = vector.broadcast %add3A_1246 : i32 to vector<256x128xi32>
    %add3A_1248 = arith.addi %iota3A, %add3A_1247 : vector<256x128xi32>
    %lt3A_1249 = arith.cmpi slt, %xor3A_1245, %min3A_1200 : vector<256x128xi32>
    %min3A_1250 = arith.minsi %xor3A_1245, %min3A_1200 : vector<256x128xi32>
    %max3A_1251 = arith.maxsi %xor3A_1245, %min3A_1200 : vector<256x128xi32>
    %select_n3A_1252 = arith.select %lt3A_1249, %add3A_1248, %select_n3A_1202 : vector<256x128xi1>, vector<256x128xi32>
    %select_n3A_1253 = arith.select %lt3A_1249, %select_n3A_1202, %add3A_1248 : vector<256x128xi1>, vector<256x128xi32>
    %lt3A_1254 = arith.cmpi slt, %max3A_1251, %min3A_1205 : vector<256x128xi32>
    %min3A_1255 = arith.minsi %max3A_1251, %min3A_1205 : vector<256x128xi32>
    %max3A_1256 = arith.maxsi %max3A_1251, %min3A_1205 : vector<256x128xi32>
    %select_n3A_1257 = arith.select %lt3A_1254, %select_n3A_1253, %select_n3A_1207 : vector<256x128xi1>, vector<256x128xi32>
    %select_n3A_1258 = arith.select %lt3A_1254, %select_n3A_1207, %select_n3A_1253 : vector<256x128xi1>, vector<256x128xi32>
    %lt3A_1259 = arith.cmpi slt, %max3A_1256, %min3A_1210 : vector<256x128xi32>
    %min3A_1260 = arith.minsi %max3A_1256, %min3A_1210 : vector<256x128xi32>
    %max3A_1261 = arith.maxsi %max3A_1256, %min3A_1210 : vector<256x128xi32>
    %select_n3A_1262 = arith.select %lt3A_1259, %select_n3A_1258, %select_n3A_1212 : vector<256x128xi1>, vector<256x128xi32>
    %select_n3A_1263 = arith.select %lt3A_1259, %select_n3A_1212, %select_n3A_1258 : vector<256x128xi1>, vector<256x128xi32>
    %lt3A_1264 = arith.cmpi slt, %max3A_1261, %min3A_1215 : vector<256x128xi32>
    %min3A_1265 = arith.minsi %max3A_1261, %min3A_1215 : vector<256x128xi32>
    %max3A_1266 = arith.maxsi %max3A_1261, %min3A_1215 : vector<256x128xi32>
    %select_n3A_1267 = arith.select %lt3A_1264, %select_n3A_1263, %select_n3A_1217 : vector<256x128xi1>, vector<256x128xi32>
    %select_n3A_1268 = arith.select %lt3A_1264, %select_n3A_1217, %select_n3A_1263 : vector<256x128xi1>, vector<256x128xi32>
    %lt3A_1269 = arith.cmpi slt, %max3A_1266, %min3A_1220 : vector<256x128xi32>
    %min3A_1270 = arith.minsi %max3A_1266, %min3A_1220 : vector<256x128xi32>
    %max3A_1271 = arith.maxsi %max3A_1266, %min3A_1220 : vector<256x128xi32>
    %select_n3A_1272 = arith.select %lt3A_1269, %select_n3A_1268, %select_n3A_1222 : vector<256x128xi1>, vector<256x128xi32>
    %select_n3A_1273 = arith.select %lt3A_1269, %select_n3A_1222, %select_n3A_1268 : vector<256x128xi1>, vector<256x128xi32>
    %lt3A_1274 = arith.cmpi slt, %max3A_1271, %min3A_1225 : vector<256x128xi32>
    %min3A_1275 = arith.minsi %max3A_1271, %min3A_1225 : vector<256x128xi32>
    %select_n3A_1276 = arith.select %lt3A_1274, %select_n3A_1273, %select_n3A_1226 : vector<256x128xi1>, vector<256x128xi32>
    %slice3A_1277 = vector.extract_strided_slice %convert_element_type3A {offsets = [0, 3200], sizes = [3, 128], strides = [1, 1]} : vector<3x8192xbf16> to vector<3x128xbf16>
    %dot_general3A_1278 = arith.constant dense<0.000000e+00> : vector<256x128xf32>
    %dot_general3A_1279 = tpu.matmul %convert_element_type3A_9, %slice3A_1277, %dot_general3A_1278 {dimension_numbers = #tpu.dot_dimension_numbers<[1], [0], [0], [1], [0, 0, 1, 1], [], []>, transpose_lhs_hint = false} : vector<256x3xbf16>, vector<3x128xbf16>, vector<256x128xf32> -> vector<256x128xf32>
    %slice3A_1280 = vector.extract_strided_slice %broadcast_in_dim3A {offsets = [0, 3200], sizes = [1, 128], strides = [1, 1]} : vector<1x8192xf32> to vector<1x128xf32>
    %add3A_1281 = vector.broadcast %broadcast_in_dim3A_14 : vector<256x1xf32> to vector<256x128xf32>
    %add3A_1282 = vector.broadcast %slice3A_1280 : vector<1x128xf32> to vector<256x128xf32>
    %add3A_1283 = arith.addf %add3A_1281, %add3A_1282 : vector<256x128xf32>
    %mul3A_1284 = arith.constant 2.000000e+00 : f32
    %mul3A_1285 = vector.broadcast %mul3A_1284 : f32 to vector<256x128xf32>
    %mul3A_1286 = arith.mulf %mul3A_1285, %dot_general3A_1279 : vector<256x128xf32>
    %sub3A_1287 = arith.subf %add3A_1283, %mul3A_1286 : vector<256x128xf32>
    %bitcast_convert_type3A_1288 = tpu.bitcast %sub3A_1287 : vector<256x128xf32> -> vector<256x128xi32>
    %shift_right_arithmetic3A_1289 = arith.constant 31 : i32
    %shift_right_arithmetic3A_1290 = vector.broadcast %shift_right_arithmetic3A_1289 : i32 to vector<256x128xi32>
    %shift_right_arithmetic3A_1291 = arith.shrsi %bitcast_convert_type3A_1288, %shift_right_arithmetic3A_1290 : vector<256x128xi32>
    %and3A_1292 = arith.constant 2147483647 : i32
    %and3A_1293 = vector.broadcast %and3A_1292 : i32 to vector<256x128xi32>
    %and3A_1294 = arith.andi %shift_right_arithmetic3A_1291, %and3A_1293 : vector<256x128xi32>
    %xor3A_1295 = arith.xori %bitcast_convert_type3A_1288, %and3A_1294 : vector<256x128xi32>
    %add3A_1296 = arith.constant 3200 : i32
    %add3A_1297 = vector.broadcast %add3A_1296 : i32 to vector<256x128xi32>
    %add3A_1298 = arith.addi %iota3A, %add3A_1297 : vector<256x128xi32>
    %lt3A_1299 = arith.cmpi slt, %xor3A_1295, %min3A_1250 : vector<256x128xi32>
    %min3A_1300 = arith.minsi %xor3A_1295, %min3A_1250 : vector<256x128xi32>
    %max3A_1301 = arith.maxsi %xor3A_1295, %min3A_1250 : vector<256x128xi32>
    %select_n3A_1302 = arith.select %lt3A_1299, %add3A_1298, %select_n3A_1252 : vector<256x128xi1>, vector<256x128xi32>
    %select_n3A_1303 = arith.select %lt3A_1299, %select_n3A_1252, %add3A_1298 : vector<256x128xi1>, vector<256x128xi32>
    %lt3A_1304 = arith.cmpi slt, %max3A_1301, %min3A_1255 : vector<256x128xi32>
    %min3A_1305 = arith.minsi %max3A_1301, %min3A_1255 : vector<256x128xi32>
    %max3A_1306 = arith.maxsi %max3A_1301, %min3A_1255 : vector<256x128xi32>
    %select_n3A_1307 = arith.select %lt3A_1304, %select_n3A_1303, %select_n3A_1257 : vector<256x128xi1>, vector<256x128xi32>
    %select_n3A_1308 = arith.select %lt3A_1304, %select_n3A_1257, %select_n3A_1303 : vector<256x128xi1>, vector<256x128xi32>
    %lt3A_1309 = arith.cmpi slt, %max3A_1306, %min3A_1260 : vector<256x128xi32>
    %min3A_1310 = arith.minsi %max3A_1306, %min3A_1260 : vector<256x128xi32>
    %max3A_1311 = arith.maxsi %max3A_1306, %min3A_1260 : vector<256x128xi32>
    %select_n3A_1312 = arith.select %lt3A_1309, %select_n3A_1308, %select_n3A_1262 : vector<256x128xi1>, vector<256x128xi32>
    %select_n3A_1313 = arith.select %lt3A_1309, %select_n3A_1262, %select_n3A_1308 : vector<256x128xi1>, vector<256x128xi32>
    %lt3A_1314 = arith.cmpi slt, %max3A_1311, %min3A_1265 : vector<256x128xi32>
    %min3A_1315 = arith.minsi %max3A_1311, %min3A_1265 : vector<256x128xi32>
    %max3A_1316 = arith.maxsi %max3A_1311, %min3A_1265 : vector<256x128xi32>
    %select_n3A_1317 = arith.select %lt3A_1314, %select_n3A_1313, %select_n3A_1267 : vector<256x128xi1>, vector<256x128xi32>
    %select_n3A_1318 = arith.select %lt3A_1314, %select_n3A_1267, %select_n3A_1313 : vector<256x128xi1>, vector<256x128xi32>
    %lt3A_1319 = arith.cmpi slt, %max3A_1316, %min3A_1270 : vector<256x128xi32>
    %min3A_1320 = arith.minsi %max3A_1316, %min3A_1270 : vector<256x128xi32>
    %max3A_1321 = arith.maxsi %max3A_1316, %min3A_1270 : vector<256x128xi32>
    %select_n3A_1322 = arith.select %lt3A_1319, %select_n3A_1318, %select_n3A_1272 : vector<256x128xi1>, vector<256x128xi32>
    %select_n3A_1323 = arith.select %lt3A_1319, %select_n3A_1272, %select_n3A_1318 : vector<256x128xi1>, vector<256x128xi32>
    %lt3A_1324 = arith.cmpi slt, %max3A_1321, %min3A_1275 : vector<256x128xi32>
    %min3A_1325 = arith.minsi %max3A_1321, %min3A_1275 : vector<256x128xi32>
    %select_n3A_1326 = arith.select %lt3A_1324, %select_n3A_1323, %select_n3A_1276 : vector<256x128xi1>, vector<256x128xi32>
    %slice3A_1327 = vector.extract_strided_slice %convert_element_type3A {offsets = [0, 3328], sizes = [3, 128], strides = [1, 1]} : vector<3x8192xbf16> to vector<3x128xbf16>
    %dot_general3A_1328 = arith.constant dense<0.000000e+00> : vector<256x128xf32>
    %dot_general3A_1329 = tpu.matmul %convert_element_type3A_9, %slice3A_1327, %dot_general3A_1328 {dimension_numbers = #tpu.dot_dimension_numbers<[1], [0], [0], [1], [0, 0, 1, 1], [], []>, transpose_lhs_hint = false} : vector<256x3xbf16>, vector<3x128xbf16>, vector<256x128xf32> -> vector<256x128xf32>
    %slice3A_1330 = vector.extract_strided_slice %broadcast_in_dim3A {offsets = [0, 3328], sizes = [1, 128], strides = [1, 1]} : vector<1x8192xf32> to vector<1x128xf32>
    %add3A_1331 = vector.broadcast %broadcast_in_dim3A_14 : vector<256x1xf32> to vector<256x128xf32>
    %add3A_1332 = vector.broadcast %slice3A_1330 : vector<1x128xf32> to vector<256x128xf32>
    %add3A_1333 = arith.addf %add3A_1331, %add3A_1332 : vector<256x128xf32>
    %mul3A_1334 = arith.constant 2.000000e+00 : f32
    %mul3A_1335 = vector.broadcast %mul3A_1334 : f32 to vector<256x128xf32>
    %mul3A_1336 = arith.mulf %mul3A_1335, %dot_general3A_1329 : vector<256x128xf32>
    %sub3A_1337 = arith.subf %add3A_1333, %mul3A_1336 : vector<256x128xf32>
    %bitcast_convert_type3A_1338 = tpu.bitcast %sub3A_1337 : vector<256x128xf32> -> vector<256x128xi32>
    %shift_right_arithmetic3A_1339 = arith.constant 31 : i32
    %shift_right_arithmetic3A_1340 = vector.broadcast %shift_right_arithmetic3A_1339 : i32 to vector<256x128xi32>
    %shift_right_arithmetic3A_1341 = arith.shrsi %bitcast_convert_type3A_1338, %shift_right_arithmetic3A_1340 : vector<256x128xi32>
    %and3A_1342 = arith.constant 2147483647 : i32
    %and3A_1343 = vector.broadcast %and3A_1342 : i32 to vector<256x128xi32>
    %and3A_1344 = arith.andi %shift_right_arithmetic3A_1341, %and3A_1343 : vector<256x128xi32>
    %xor3A_1345 = arith.xori %bitcast_convert_type3A_1338, %and3A_1344 : vector<256x128xi32>
    %add3A_1346 = arith.constant 3328 : i32
    %add3A_1347 = vector.broadcast %add3A_1346 : i32 to vector<256x128xi32>
    %add3A_1348 = arith.addi %iota3A, %add3A_1347 : vector<256x128xi32>
    %lt3A_1349 = arith.cmpi slt, %xor3A_1345, %min3A_1300 : vector<256x128xi32>
    %min3A_1350 = arith.minsi %xor3A_1345, %min3A_1300 : vector<256x128xi32>
    %max3A_1351 = arith.maxsi %xor3A_1345, %min3A_1300 : vector<256x128xi32>
    %select_n3A_1352 = arith.select %lt3A_1349, %add3A_1348, %select_n3A_1302 : vector<256x128xi1>, vector<256x128xi32>
    %select_n3A_1353 = arith.select %lt3A_1349, %select_n3A_1302, %add3A_1348 : vector<256x128xi1>, vector<256x128xi32>
    %lt3A_1354 = arith.cmpi slt, %max3A_1351, %min3A_1305 : vector<256x128xi32>
    %min3A_1355 = arith.minsi %max3A_1351, %min3A_1305 : vector<256x128xi32>
    %max3A_1356 = arith.maxsi %max3A_1351, %min3A_1305 : vector<256x128xi32>
    %select_n3A_1357 = arith.select %lt3A_1354, %select_n3A_1353, %select_n3A_1307 : vector<256x128xi1>, vector<256x128xi32>
    %select_n3A_1358 = arith.select %lt3A_1354, %select_n3A_1307, %select_n3A_1353 : vector<256x128xi1>, vector<256x128xi32>
    %lt3A_1359 = arith.cmpi slt, %max3A_1356, %min3A_1310 : vector<256x128xi32>
    %min3A_1360 = arith.minsi %max3A_1356, %min3A_1310 : vector<256x128xi32>
    %max3A_1361 = arith.maxsi %max3A_1356, %min3A_1310 : vector<256x128xi32>
    %select_n3A_1362 = arith.select %lt3A_1359, %select_n3A_1358, %select_n3A_1312 : vector<256x128xi1>, vector<256x128xi32>
    %select_n3A_1363 = arith.select %lt3A_1359, %select_n3A_1312, %select_n3A_1358 : vector<256x128xi1>, vector<256x128xi32>
    %lt3A_1364 = arith.cmpi slt, %max3A_1361, %min3A_1315 : vector<256x128xi32>
    %min3A_1365 = arith.minsi %max3A_1361, %min3A_1315 : vector<256x128xi32>
    %max3A_1366 = arith.maxsi %max3A_1361, %min3A_1315 : vector<256x128xi32>
    %select_n3A_1367 = arith.select %lt3A_1364, %select_n3A_1363, %select_n3A_1317 : vector<256x128xi1>, vector<256x128xi32>
    %select_n3A_1368 = arith.select %lt3A_1364, %select_n3A_1317, %select_n3A_1363 : vector<256x128xi1>, vector<256x128xi32>
    %lt3A_1369 = arith.cmpi slt, %max3A_1366, %min3A_1320 : vector<256x128xi32>
    %min3A_1370 = arith.minsi %max3A_1366, %min3A_1320 : vector<256x128xi32>
    %max3A_1371 = arith.maxsi %max3A_1366, %min3A_1320 : vector<256x128xi32>
    %select_n3A_1372 = arith.select %lt3A_1369, %select_n3A_1368, %select_n3A_1322 : vector<256x128xi1>, vector<256x128xi32>
    %select_n3A_1373 = arith.select %lt3A_1369, %select_n3A_1322, %select_n3A_1368 : vector<256x128xi1>, vector<256x128xi32>
    %lt3A_1374 = arith.cmpi slt, %max3A_1371, %min3A_1325 : vector<256x128xi32>
    %min3A_1375 = arith.minsi %max3A_1371, %min3A_1325 : vector<256x128xi32>
    %select_n3A_1376 = arith.select %lt3A_1374, %select_n3A_1373, %select_n3A_1326 : vector<256x128xi1>, vector<256x128xi32>
    %slice3A_1377 = vector.extract_strided_slice %convert_element_type3A {offsets = [0, 3456], sizes = [3, 128], strides = [1, 1]} : vector<3x8192xbf16> to vector<3x128xbf16>
    %dot_general3A_1378 = arith.constant dense<0.000000e+00> : vector<256x128xf32>
    %dot_general3A_1379 = tpu.matmul %convert_element_type3A_9, %slice3A_1377, %dot_general3A_1378 {dimension_numbers = #tpu.dot_dimension_numbers<[1], [0], [0], [1], [0, 0, 1, 1], [], []>, transpose_lhs_hint = false} : vector<256x3xbf16>, vector<3x128xbf16>, vector<256x128xf32> -> vector<256x128xf32>
    %slice3A_1380 = vector.extract_strided_slice %broadcast_in_dim3A {offsets = [0, 3456], sizes = [1, 128], strides = [1, 1]} : vector<1x8192xf32> to vector<1x128xf32>
    %add3A_1381 = vector.broadcast %broadcast_in_dim3A_14 : vector<256x1xf32> to vector<256x128xf32>
    %add3A_1382 = vector.broadcast %slice3A_1380 : vector<1x128xf32> to vector<256x128xf32>
    %add3A_1383 = arith.addf %add3A_1381, %add3A_1382 : vector<256x128xf32>
    %mul3A_1384 = arith.constant 2.000000e+00 : f32
    %mul3A_1385 = vector.broadcast %mul3A_1384 : f32 to vector<256x128xf32>
    %mul3A_1386 = arith.mulf %mul3A_1385, %dot_general3A_1379 : vector<256x128xf32>
    %sub3A_1387 = arith.subf %add3A_1383, %mul3A_1386 : vector<256x128xf32>
    %bitcast_convert_type3A_1388 = tpu.bitcast %sub3A_1387 : vector<256x128xf32> -> vector<256x128xi32>
    %shift_right_arithmetic3A_1389 = arith.constant 31 : i32
    %shift_right_arithmetic3A_1390 = vector.broadcast %shift_right_arithmetic3A_1389 : i32 to vector<256x128xi32>
    %shift_right_arithmetic3A_1391 = arith.shrsi %bitcast_convert_type3A_1388, %shift_right_arithmetic3A_1390 : vector<256x128xi32>
    %and3A_1392 = arith.constant 2147483647 : i32
    %and3A_1393 = vector.broadcast %and3A_1392 : i32 to vector<256x128xi32>
    %and3A_1394 = arith.andi %shift_right_arithmetic3A_1391, %and3A_1393 : vector<256x128xi32>
    %xor3A_1395 = arith.xori %bitcast_convert_type3A_1388, %and3A_1394 : vector<256x128xi32>
    %add3A_1396 = arith.constant 3456 : i32
    %add3A_1397 = vector.broadcast %add3A_1396 : i32 to vector<256x128xi32>
    %add3A_1398 = arith.addi %iota3A, %add3A_1397 : vector<256x128xi32>
    %lt3A_1399 = arith.cmpi slt, %xor3A_1395, %min3A_1350 : vector<256x128xi32>
    %min3A_1400 = arith.minsi %xor3A_1395, %min3A_1350 : vector<256x128xi32>
    %max3A_1401 = arith.maxsi %xor3A_1395, %min3A_1350 : vector<256x128xi32>
    %select_n3A_1402 = arith.select %lt3A_1399, %add3A_1398, %select_n3A_1352 : vector<256x128xi1>, vector<256x128xi32>
    %select_n3A_1403 = arith.select %lt3A_1399, %select_n3A_1352, %add3A_1398 : vector<256x128xi1>, vector<256x128xi32>
    %lt3A_1404 = arith.cmpi slt, %max3A_1401, %min3A_1355 : vector<256x128xi32>
    %min3A_1405 = arith.minsi %max3A_1401, %min3A_1355 : vector<256x128xi32>
    %max3A_1406 = arith.maxsi %max3A_1401, %min3A_1355 : vector<256x128xi32>
    %select_n3A_1407 = arith.select %lt3A_1404, %select_n3A_1403, %select_n3A_1357 : vector<256x128xi1>, vector<256x128xi32>
    %select_n3A_1408 = arith.select %lt3A_1404, %select_n3A_1357, %select_n3A_1403 : vector<256x128xi1>, vector<256x128xi32>
    %lt3A_1409 = arith.cmpi slt, %max3A_1406, %min3A_1360 : vector<256x128xi32>
    %min3A_1410 = arith.minsi %max3A_1406, %min3A_1360 : vector<256x128xi32>
    %max3A_1411 = arith.maxsi %max3A_1406, %min3A_1360 : vector<256x128xi32>
    %select_n3A_1412 = arith.select %lt3A_1409, %select_n3A_1408, %select_n3A_1362 : vector<256x128xi1>, vector<256x128xi32>
    %select_n3A_1413 = arith.select %lt3A_1409, %select_n3A_1362, %select_n3A_1408 : vector<256x128xi1>, vector<256x128xi32>
    %lt3A_1414 = arith.cmpi slt, %max3A_1411, %min3A_1365 : vector<256x128xi32>
    %min3A_1415 = arith.minsi %max3A_1411, %min3A_1365 : vector<256x128xi32>
    %max3A_1416 = arith.maxsi %max3A_1411, %min3A_1365 : vector<256x128xi32>
    %select_n3A_1417 = arith.select %lt3A_1414, %select_n3A_1413, %select_n3A_1367 : vector<256x128xi1>, vector<256x128xi32>
    %select_n3A_1418 = arith.select %lt3A_1414, %select_n3A_1367, %select_n3A_1413 : vector<256x128xi1>, vector<256x128xi32>
    %lt3A_1419 = arith.cmpi slt, %max3A_1416, %min3A_1370 : vector<256x128xi32>
    %min3A_1420 = arith.minsi %max3A_1416, %min3A_1370 : vector<256x128xi32>
    %max3A_1421 = arith.maxsi %max3A_1416, %min3A_1370 : vector<256x128xi32>
    %select_n3A_1422 = arith.select %lt3A_1419, %select_n3A_1418, %select_n3A_1372 : vector<256x128xi1>, vector<256x128xi32>
    %select_n3A_1423 = arith.select %lt3A_1419, %select_n3A_1372, %select_n3A_1418 : vector<256x128xi1>, vector<256x128xi32>
    %lt3A_1424 = arith.cmpi slt, %max3A_1421, %min3A_1375 : vector<256x128xi32>
    %min3A_1425 = arith.minsi %max3A_1421, %min3A_1375 : vector<256x128xi32>
    %select_n3A_1426 = arith.select %lt3A_1424, %select_n3A_1423, %select_n3A_1376 : vector<256x128xi1>, vector<256x128xi32>
    %slice3A_1427 = vector.extract_strided_slice %convert_element_type3A {offsets = [0, 3584], sizes = [3, 128], strides = [1, 1]} : vector<3x8192xbf16> to vector<3x128xbf16>
    %dot_general3A_1428 = arith.constant dense<0.000000e+00> : vector<256x128xf32>
    %dot_general3A_1429 = tpu.matmul %convert_element_type3A_9, %slice3A_1427, %dot_general3A_1428 {dimension_numbers = #tpu.dot_dimension_numbers<[1], [0], [0], [1], [0, 0, 1, 1], [], []>, transpose_lhs_hint = false} : vector<256x3xbf16>, vector<3x128xbf16>, vector<256x128xf32> -> vector<256x128xf32>
    %slice3A_1430 = vector.extract_strided_slice %broadcast_in_dim3A {offsets = [0, 3584], sizes = [1, 128], strides = [1, 1]} : vector<1x8192xf32> to vector<1x128xf32>
    %add3A_1431 = vector.broadcast %broadcast_in_dim3A_14 : vector<256x1xf32> to vector<256x128xf32>
    %add3A_1432 = vector.broadcast %slice3A_1430 : vector<1x128xf32> to vector<256x128xf32>
    %add3A_1433 = arith.addf %add3A_1431, %add3A_1432 : vector<256x128xf32>
    %mul3A_1434 = arith.constant 2.000000e+00 : f32
    %mul3A_1435 = vector.broadcast %mul3A_1434 : f32 to vector<256x128xf32>
    %mul3A_1436 = arith.mulf %mul3A_1435, %dot_general3A_1429 : vector<256x128xf32>
    %sub3A_1437 = arith.subf %add3A_1433, %mul3A_1436 : vector<256x128xf32>
    %bitcast_convert_type3A_1438 = tpu.bitcast %sub3A_1437 : vector<256x128xf32> -> vector<256x128xi32>
    %shift_right_arithmetic3A_1439 = arith.constant 31 : i32
    %shift_right_arithmetic3A_1440 = vector.broadcast %shift_right_arithmetic3A_1439 : i32 to vector<256x128xi32>
    %shift_right_arithmetic3A_1441 = arith.shrsi %bitcast_convert_type3A_1438, %shift_right_arithmetic3A_1440 : vector<256x128xi32>
    %and3A_1442 = arith.constant 2147483647 : i32
    %and3A_1443 = vector.broadcast %and3A_1442 : i32 to vector<256x128xi32>
    %and3A_1444 = arith.andi %shift_right_arithmetic3A_1441, %and3A_1443 : vector<256x128xi32>
    %xor3A_1445 = arith.xori %bitcast_convert_type3A_1438, %and3A_1444 : vector<256x128xi32>
    %add3A_1446 = arith.constant 3584 : i32
    %add3A_1447 = vector.broadcast %add3A_1446 : i32 to vector<256x128xi32>
    %add3A_1448 = arith.addi %iota3A, %add3A_1447 : vector<256x128xi32>
    %lt3A_1449 = arith.cmpi slt, %xor3A_1445, %min3A_1400 : vector<256x128xi32>
    %min3A_1450 = arith.minsi %xor3A_1445, %min3A_1400 : vector<256x128xi32>
    %max3A_1451 = arith.maxsi %xor3A_1445, %min3A_1400 : vector<256x128xi32>
    %select_n3A_1452 = arith.select %lt3A_1449, %add3A_1448, %select_n3A_1402 : vector<256x128xi1>, vector<256x128xi32>
    %select_n3A_1453 = arith.select %lt3A_1449, %select_n3A_1402, %add3A_1448 : vector<256x128xi1>, vector<256x128xi32>
    %lt3A_1454 = arith.cmpi slt, %max3A_1451, %min3A_1405 : vector<256x128xi32>
    %min3A_1455 = arith.minsi %max3A_1451, %min3A_1405 : vector<256x128xi32>
    %max3A_1456 = arith.maxsi %max3A_1451, %min3A_1405 : vector<256x128xi32>
    %select_n3A_1457 = arith.select %lt3A_1454, %select_n3A_1453, %select_n3A_1407 : vector<256x128xi1>, vector<256x128xi32>
    %select_n3A_1458 = arith.select %lt3A_1454, %select_n3A_1407, %select_n3A_1453 : vector<256x128xi1>, vector<256x128xi32>
    %lt3A_1459 = arith.cmpi slt, %max3A_1456, %min3A_1410 : vector<256x128xi32>
    %min3A_1460 = arith.minsi %max3A_1456, %min3A_1410 : vector<256x128xi32>
    %max3A_1461 = arith.maxsi %max3A_1456, %min3A_1410 : vector<256x128xi32>
    %select_n3A_1462 = arith.select %lt3A_1459, %select_n3A_1458, %select_n3A_1412 : vector<256x128xi1>, vector<256x128xi32>
    %select_n3A_1463 = arith.select %lt3A_1459, %select_n3A_1412, %select_n3A_1458 : vector<256x128xi1>, vector<256x128xi32>
    %lt3A_1464 = arith.cmpi slt, %max3A_1461, %min3A_1415 : vector<256x128xi32>
    %min3A_1465 = arith.minsi %max3A_1461, %min3A_1415 : vector<256x128xi32>
    %max3A_1466 = arith.maxsi %max3A_1461, %min3A_1415 : vector<256x128xi32>
    %select_n3A_1467 = arith.select %lt3A_1464, %select_n3A_1463, %select_n3A_1417 : vector<256x128xi1>, vector<256x128xi32>
    %select_n3A_1468 = arith.select %lt3A_1464, %select_n3A_1417, %select_n3A_1463 : vector<256x128xi1>, vector<256x128xi32>
    %lt3A_1469 = arith.cmpi slt, %max3A_1466, %min3A_1420 : vector<256x128xi32>
    %min3A_1470 = arith.minsi %max3A_1466, %min3A_1420 : vector<256x128xi32>
    %max3A_1471 = arith.maxsi %max3A_1466, %min3A_1420 : vector<256x128xi32>
    %select_n3A_1472 = arith.select %lt3A_1469, %select_n3A_1468, %select_n3A_1422 : vector<256x128xi1>, vector<256x128xi32>
    %select_n3A_1473 = arith.select %lt3A_1469, %select_n3A_1422, %select_n3A_1468 : vector<256x128xi1>, vector<256x128xi32>
    %lt3A_1474 = arith.cmpi slt, %max3A_1471, %min3A_1425 : vector<256x128xi32>
    %min3A_1475 = arith.minsi %max3A_1471, %min3A_1425 : vector<256x128xi32>
    %select_n3A_1476 = arith.select %lt3A_1474, %select_n3A_1473, %select_n3A_1426 : vector<256x128xi1>, vector<256x128xi32>
    %slice3A_1477 = vector.extract_strided_slice %convert_element_type3A {offsets = [0, 3712], sizes = [3, 128], strides = [1, 1]} : vector<3x8192xbf16> to vector<3x128xbf16>
    %dot_general3A_1478 = arith.constant dense<0.000000e+00> : vector<256x128xf32>
    %dot_general3A_1479 = tpu.matmul %convert_element_type3A_9, %slice3A_1477, %dot_general3A_1478 {dimension_numbers = #tpu.dot_dimension_numbers<[1], [0], [0], [1], [0, 0, 1, 1], [], []>, transpose_lhs_hint = false} : vector<256x3xbf16>, vector<3x128xbf16>, vector<256x128xf32> -> vector<256x128xf32>
    %slice3A_1480 = vector.extract_strided_slice %broadcast_in_dim3A {offsets = [0, 3712], sizes = [1, 128], strides = [1, 1]} : vector<1x8192xf32> to vector<1x128xf32>
    %add3A_1481 = vector.broadcast %broadcast_in_dim3A_14 : vector<256x1xf32> to vector<256x128xf32>
    %add3A_1482 = vector.broadcast %slice3A_1480 : vector<1x128xf32> to vector<256x128xf32>
    %add3A_1483 = arith.addf %add3A_1481, %add3A_1482 : vector<256x128xf32>
    %mul3A_1484 = arith.constant 2.000000e+00 : f32
    %mul3A_1485 = vector.broadcast %mul3A_1484 : f32 to vector<256x128xf32>
    %mul3A_1486 = arith.mulf %mul3A_1485, %dot_general3A_1479 : vector<256x128xf32>
    %sub3A_1487 = arith.subf %add3A_1483, %mul3A_1486 : vector<256x128xf32>
    %bitcast_convert_type3A_1488 = tpu.bitcast %sub3A_1487 : vector<256x128xf32> -> vector<256x128xi32>
    %shift_right_arithmetic3A_1489 = arith.constant 31 : i32
    %shift_right_arithmetic3A_1490 = vector.broadcast %shift_right_arithmetic3A_1489 : i32 to vector<256x128xi32>
    %shift_right_arithmetic3A_1491 = arith.shrsi %bitcast_convert_type3A_1488, %shift_right_arithmetic3A_1490 : vector<256x128xi32>
    %and3A_1492 = arith.constant 2147483647 : i32
    %and3A_1493 = vector.broadcast %and3A_1492 : i32 to vector<256x128xi32>
    %and3A_1494 = arith.andi %shift_right_arithmetic3A_1491, %and3A_1493 : vector<256x128xi32>
    %xor3A_1495 = arith.xori %bitcast_convert_type3A_1488, %and3A_1494 : vector<256x128xi32>
    %add3A_1496 = arith.constant 3712 : i32
    %add3A_1497 = vector.broadcast %add3A_1496 : i32 to vector<256x128xi32>
    %add3A_1498 = arith.addi %iota3A, %add3A_1497 : vector<256x128xi32>
    %lt3A_1499 = arith.cmpi slt, %xor3A_1495, %min3A_1450 : vector<256x128xi32>
    %min3A_1500 = arith.minsi %xor3A_1495, %min3A_1450 : vector<256x128xi32>
    %max3A_1501 = arith.maxsi %xor3A_1495, %min3A_1450 : vector<256x128xi32>
    %select_n3A_1502 = arith.select %lt3A_1499, %add3A_1498, %select_n3A_1452 : vector<256x128xi1>, vector<256x128xi32>
    %select_n3A_1503 = arith.select %lt3A_1499, %select_n3A_1452, %add3A_1498 : vector<256x128xi1>, vector<256x128xi32>
    %lt3A_1504 = arith.cmpi slt, %max3A_1501, %min3A_1455 : vector<256x128xi32>
    %min3A_1505 = arith.minsi %max3A_1501, %min3A_1455 : vector<256x128xi32>
    %max3A_1506 = arith.maxsi %max3A_1501, %min3A_1455 : vector<256x128xi32>
    %select_n3A_1507 = arith.select %lt3A_1504, %select_n3A_1503, %select_n3A_1457 : vector<256x128xi1>, vector<256x128xi32>
    %select_n3A_1508 = arith.select %lt3A_1504, %select_n3A_1457, %select_n3A_1503 : vector<256x128xi1>, vector<256x128xi32>
    %lt3A_1509 = arith.cmpi slt, %max3A_1506, %min3A_1460 : vector<256x128xi32>
    %min3A_1510 = arith.minsi %max3A_1506, %min3A_1460 : vector<256x128xi32>
    %max3A_1511 = arith.maxsi %max3A_1506, %min3A_1460 : vector<256x128xi32>
    %select_n3A_1512 = arith.select %lt3A_1509, %select_n3A_1508, %select_n3A_1462 : vector<256x128xi1>, vector<256x128xi32>
    %select_n3A_1513 = arith.select %lt3A_1509, %select_n3A_1462, %select_n3A_1508 : vector<256x128xi1>, vector<256x128xi32>
    %lt3A_1514 = arith.cmpi slt, %max3A_1511, %min3A_1465 : vector<256x128xi32>
    %min3A_1515 = arith.minsi %max3A_1511, %min3A_1465 : vector<256x128xi32>
    %max3A_1516 = arith.maxsi %max3A_1511, %min3A_1465 : vector<256x128xi32>
    %select_n3A_1517 = arith.select %lt3A_1514, %select_n3A_1513, %select_n3A_1467 : vector<256x128xi1>, vector<256x128xi32>
    %select_n3A_1518 = arith.select %lt3A_1514, %select_n3A_1467, %select_n3A_1513 : vector<256x128xi1>, vector<256x128xi32>
    %lt3A_1519 = arith.cmpi slt, %max3A_1516, %min3A_1470 : vector<256x128xi32>
    %min3A_1520 = arith.minsi %max3A_1516, %min3A_1470 : vector<256x128xi32>
    %max3A_1521 = arith.maxsi %max3A_1516, %min3A_1470 : vector<256x128xi32>
    %select_n3A_1522 = arith.select %lt3A_1519, %select_n3A_1518, %select_n3A_1472 : vector<256x128xi1>, vector<256x128xi32>
    %select_n3A_1523 = arith.select %lt3A_1519, %select_n3A_1472, %select_n3A_1518 : vector<256x128xi1>, vector<256x128xi32>
    %lt3A_1524 = arith.cmpi slt, %max3A_1521, %min3A_1475 : vector<256x128xi32>
    %min3A_1525 = arith.minsi %max3A_1521, %min3A_1475 : vector<256x128xi32>
    %select_n3A_1526 = arith.select %lt3A_1524, %select_n3A_1523, %select_n3A_1476 : vector<256x128xi1>, vector<256x128xi32>
    %slice3A_1527 = vector.extract_strided_slice %convert_element_type3A {offsets = [0, 3840], sizes = [3, 128], strides = [1, 1]} : vector<3x8192xbf16> to vector<3x128xbf16>
    %dot_general3A_1528 = arith.constant dense<0.000000e+00> : vector<256x128xf32>
    %dot_general3A_1529 = tpu.matmul %convert_element_type3A_9, %slice3A_1527, %dot_general3A_1528 {dimension_numbers = #tpu.dot_dimension_numbers<[1], [0], [0], [1], [0, 0, 1, 1], [], []>, transpose_lhs_hint = false} : vector<256x3xbf16>, vector<3x128xbf16>, vector<256x128xf32> -> vector<256x128xf32>
    %slice3A_1530 = vector.extract_strided_slice %broadcast_in_dim3A {offsets = [0, 3840], sizes = [1, 128], strides = [1, 1]} : vector<1x8192xf32> to vector<1x128xf32>
    %add3A_1531 = vector.broadcast %broadcast_in_dim3A_14 : vector<256x1xf32> to vector<256x128xf32>
    %add3A_1532 = vector.broadcast %slice3A_1530 : vector<1x128xf32> to vector<256x128xf32>
    %add3A_1533 = arith.addf %add3A_1531, %add3A_1532 : vector<256x128xf32>
    %mul3A_1534 = arith.constant 2.000000e+00 : f32
    %mul3A_1535 = vector.broadcast %mul3A_1534 : f32 to vector<256x128xf32>
    %mul3A_1536 = arith.mulf %mul3A_1535, %dot_general3A_1529 : vector<256x128xf32>
    %sub3A_1537 = arith.subf %add3A_1533, %mul3A_1536 : vector<256x128xf32>
    %bitcast_convert_type3A_1538 = tpu.bitcast %sub3A_1537 : vector<256x128xf32> -> vector<256x128xi32>
    %shift_right_arithmetic3A_1539 = arith.constant 31 : i32
    %shift_right_arithmetic3A_1540 = vector.broadcast %shift_right_arithmetic3A_1539 : i32 to vector<256x128xi32>
    %shift_right_arithmetic3A_1541 = arith.shrsi %bitcast_convert_type3A_1538, %shift_right_arithmetic3A_1540 : vector<256x128xi32>
    %and3A_1542 = arith.constant 2147483647 : i32
    %and3A_1543 = vector.broadcast %and3A_1542 : i32 to vector<256x128xi32>
    %and3A_1544 = arith.andi %shift_right_arithmetic3A_1541, %and3A_1543 : vector<256x128xi32>
    %xor3A_1545 = arith.xori %bitcast_convert_type3A_1538, %and3A_1544 : vector<256x128xi32>
    %add3A_1546 = arith.constant 3840 : i32
    %add3A_1547 = vector.broadcast %add3A_1546 : i32 to vector<256x128xi32>
    %add3A_1548 = arith.addi %iota3A, %add3A_1547 : vector<256x128xi32>
    %lt3A_1549 = arith.cmpi slt, %xor3A_1545, %min3A_1500 : vector<256x128xi32>
    %min3A_1550 = arith.minsi %xor3A_1545, %min3A_1500 : vector<256x128xi32>
    %max3A_1551 = arith.maxsi %xor3A_1545, %min3A_1500 : vector<256x128xi32>
    %select_n3A_1552 = arith.select %lt3A_1549, %add3A_1548, %select_n3A_1502 : vector<256x128xi1>, vector<256x128xi32>
    %select_n3A_1553 = arith.select %lt3A_1549, %select_n3A_1502, %add3A_1548 : vector<256x128xi1>, vector<256x128xi32>
    %lt3A_1554 = arith.cmpi slt, %max3A_1551, %min3A_1505 : vector<256x128xi32>
    %min3A_1555 = arith.minsi %max3A_1551, %min3A_1505 : vector<256x128xi32>
    %max3A_1556 = arith.maxsi %max3A_1551, %min3A_1505 : vector<256x128xi32>
    %select_n3A_1557 = arith.select %lt3A_1554, %select_n3A_1553, %select_n3A_1507 : vector<256x128xi1>, vector<256x128xi32>
    %select_n3A_1558 = arith.select %lt3A_1554, %select_n3A_1507, %select_n3A_1553 : vector<256x128xi1>, vector<256x128xi32>
    %lt3A_1559 = arith.cmpi slt, %max3A_1556, %min3A_1510 : vector<256x128xi32>
    %min3A_1560 = arith.minsi %max3A_1556, %min3A_1510 : vector<256x128xi32>
    %max3A_1561 = arith.maxsi %max3A_1556, %min3A_1510 : vector<256x128xi32>
    %select_n3A_1562 = arith.select %lt3A_1559, %select_n3A_1558, %select_n3A_1512 : vector<256x128xi1>, vector<256x128xi32>
    %select_n3A_1563 = arith.select %lt3A_1559, %select_n3A_1512, %select_n3A_1558 : vector<256x128xi1>, vector<256x128xi32>
    %lt3A_1564 = arith.cmpi slt, %max3A_1561, %min3A_1515 : vector<256x128xi32>
    %min3A_1565 = arith.minsi %max3A_1561, %min3A_1515 : vector<256x128xi32>
    %max3A_1566 = arith.maxsi %max3A_1561, %min3A_1515 : vector<256x128xi32>
    %select_n3A_1567 = arith.select %lt3A_1564, %select_n3A_1563, %select_n3A_1517 : vector<256x128xi1>, vector<256x128xi32>
    %select_n3A_1568 = arith.select %lt3A_1564, %select_n3A_1517, %select_n3A_1563 : vector<256x128xi1>, vector<256x128xi32>
    %lt3A_1569 = arith.cmpi slt, %max3A_1566, %min3A_1520 : vector<256x128xi32>
    %min3A_1570 = arith.minsi %max3A_1566, %min3A_1520 : vector<256x128xi32>
    %max3A_1571 = arith.maxsi %max3A_1566, %min3A_1520 : vector<256x128xi32>
    %select_n3A_1572 = arith.select %lt3A_1569, %select_n3A_1568, %select_n3A_1522 : vector<256x128xi1>, vector<256x128xi32>
    %select_n3A_1573 = arith.select %lt3A_1569, %select_n3A_1522, %select_n3A_1568 : vector<256x128xi1>, vector<256x128xi32>
    %lt3A_1574 = arith.cmpi slt, %max3A_1571, %min3A_1525 : vector<256x128xi32>
    %min3A_1575 = arith.minsi %max3A_1571, %min3A_1525 : vector<256x128xi32>
    %select_n3A_1576 = arith.select %lt3A_1574, %select_n3A_1573, %select_n3A_1526 : vector<256x128xi1>, vector<256x128xi32>
    %slice3A_1577 = vector.extract_strided_slice %convert_element_type3A {offsets = [0, 3968], sizes = [3, 128], strides = [1, 1]} : vector<3x8192xbf16> to vector<3x128xbf16>
    %dot_general3A_1578 = arith.constant dense<0.000000e+00> : vector<256x128xf32>
    %dot_general3A_1579 = tpu.matmul %convert_element_type3A_9, %slice3A_1577, %dot_general3A_1578 {dimension_numbers = #tpu.dot_dimension_numbers<[1], [0], [0], [1], [0, 0, 1, 1], [], []>, transpose_lhs_hint = false} : vector<256x3xbf16>, vector<3x128xbf16>, vector<256x128xf32> -> vector<256x128xf32>
    %slice3A_1580 = vector.extract_strided_slice %broadcast_in_dim3A {offsets = [0, 3968], sizes = [1, 128], strides = [1, 1]} : vector<1x8192xf32> to vector<1x128xf32>
    %add3A_1581 = vector.broadcast %broadcast_in_dim3A_14 : vector<256x1xf32> to vector<256x128xf32>
    %add3A_1582 = vector.broadcast %slice3A_1580 : vector<1x128xf32> to vector<256x128xf32>
    %add3A_1583 = arith.addf %add3A_1581, %add3A_1582 : vector<256x128xf32>
    %mul3A_1584 = arith.constant 2.000000e+00 : f32
    %mul3A_1585 = vector.broadcast %mul3A_1584 : f32 to vector<256x128xf32>
    %mul3A_1586 = arith.mulf %mul3A_1585, %dot_general3A_1579 : vector<256x128xf32>
    %sub3A_1587 = arith.subf %add3A_1583, %mul3A_1586 : vector<256x128xf32>
    %bitcast_convert_type3A_1588 = tpu.bitcast %sub3A_1587 : vector<256x128xf32> -> vector<256x128xi32>
    %shift_right_arithmetic3A_1589 = arith.constant 31 : i32
    %shift_right_arithmetic3A_1590 = vector.broadcast %shift_right_arithmetic3A_1589 : i32 to vector<256x128xi32>
    %shift_right_arithmetic3A_1591 = arith.shrsi %bitcast_convert_type3A_1588, %shift_right_arithmetic3A_1590 : vector<256x128xi32>
    %and3A_1592 = arith.constant 2147483647 : i32
    %and3A_1593 = vector.broadcast %and3A_1592 : i32 to vector<256x128xi32>
    %and3A_1594 = arith.andi %shift_right_arithmetic3A_1591, %and3A_1593 : vector<256x128xi32>
    %xor3A_1595 = arith.xori %bitcast_convert_type3A_1588, %and3A_1594 : vector<256x128xi32>
    %add3A_1596 = arith.constant 3968 : i32
    %add3A_1597 = vector.broadcast %add3A_1596 : i32 to vector<256x128xi32>
    %add3A_1598 = arith.addi %iota3A, %add3A_1597 : vector<256x128xi32>
    %lt3A_1599 = arith.cmpi slt, %xor3A_1595, %min3A_1550 : vector<256x128xi32>
    %min3A_1600 = arith.minsi %xor3A_1595, %min3A_1550 : vector<256x128xi32>
    %max3A_1601 = arith.maxsi %xor3A_1595, %min3A_1550 : vector<256x128xi32>
    %select_n3A_1602 = arith.select %lt3A_1599, %add3A_1598, %select_n3A_1552 : vector<256x128xi1>, vector<256x128xi32>
    %select_n3A_1603 = arith.select %lt3A_1599, %select_n3A_1552, %add3A_1598 : vector<256x128xi1>, vector<256x128xi32>
    %lt3A_1604 = arith.cmpi slt, %max3A_1601, %min3A_1555 : vector<256x128xi32>
    %min3A_1605 = arith.minsi %max3A_1601, %min3A_1555 : vector<256x128xi32>
    %max3A_1606 = arith.maxsi %max3A_1601, %min3A_1555 : vector<256x128xi32>
    %select_n3A_1607 = arith.select %lt3A_1604, %select_n3A_1603, %select_n3A_1557 : vector<256x128xi1>, vector<256x128xi32>
    %select_n3A_1608 = arith.select %lt3A_1604, %select_n3A_1557, %select_n3A_1603 : vector<256x128xi1>, vector<256x128xi32>
    %lt3A_1609 = arith.cmpi slt, %max3A_1606, %min3A_1560 : vector<256x128xi32>
    %min3A_1610 = arith.minsi %max3A_1606, %min3A_1560 : vector<256x128xi32>
    %max3A_1611 = arith.maxsi %max3A_1606, %min3A_1560 : vector<256x128xi32>
    %select_n3A_1612 = arith.select %lt3A_1609, %select_n3A_1608, %select_n3A_1562 : vector<256x128xi1>, vector<256x128xi32>
    %select_n3A_1613 = arith.select %lt3A_1609, %select_n3A_1562, %select_n3A_1608 : vector<256x128xi1>, vector<256x128xi32>
    %lt3A_1614 = arith.cmpi slt, %max3A_1611, %min3A_1565 : vector<256x128xi32>
    %min3A_1615 = arith.minsi %max3A_1611, %min3A_1565 : vector<256x128xi32>
    %max3A_1616 = arith.maxsi %max3A_1611, %min3A_1565 : vector<256x128xi32>
    %select_n3A_1617 = arith.select %lt3A_1614, %select_n3A_1613, %select_n3A_1567 : vector<256x128xi1>, vector<256x128xi32>
    %select_n3A_1618 = arith.select %lt3A_1614, %select_n3A_1567, %select_n3A_1613 : vector<256x128xi1>, vector<256x128xi32>
    %lt3A_1619 = arith.cmpi slt, %max3A_1616, %min3A_1570 : vector<256x128xi32>
    %min3A_1620 = arith.minsi %max3A_1616, %min3A_1570 : vector<256x128xi32>
    %max3A_1621 = arith.maxsi %max3A_1616, %min3A_1570 : vector<256x128xi32>
    %select_n3A_1622 = arith.select %lt3A_1619, %select_n3A_1618, %select_n3A_1572 : vector<256x128xi1>, vector<256x128xi32>
    %select_n3A_1623 = arith.select %lt3A_1619, %select_n3A_1572, %select_n3A_1618 : vector<256x128xi1>, vector<256x128xi32>
    %lt3A_1624 = arith.cmpi slt, %max3A_1621, %min3A_1575 : vector<256x128xi32>
    %min3A_1625 = arith.minsi %max3A_1621, %min3A_1575 : vector<256x128xi32>
    %select_n3A_1626 = arith.select %lt3A_1624, %select_n3A_1623, %select_n3A_1576 : vector<256x128xi1>, vector<256x128xi32>
    %slice3A_1627 = vector.extract_strided_slice %convert_element_type3A {offsets = [0, 4096], sizes = [3, 128], strides = [1, 1]} : vector<3x8192xbf16> to vector<3x128xbf16>
    %dot_general3A_1628 = arith.constant dense<0.000000e+00> : vector<256x128xf32>
    %dot_general3A_1629 = tpu.matmul %convert_element_type3A_9, %slice3A_1627, %dot_general3A_1628 {dimension_numbers = #tpu.dot_dimension_numbers<[1], [0], [0], [1], [0, 0, 1, 1], [], []>, transpose_lhs_hint = false} : vector<256x3xbf16>, vector<3x128xbf16>, vector<256x128xf32> -> vector<256x128xf32>
    %slice3A_1630 = vector.extract_strided_slice %broadcast_in_dim3A {offsets = [0, 4096], sizes = [1, 128], strides = [1, 1]} : vector<1x8192xf32> to vector<1x128xf32>
    %add3A_1631 = vector.broadcast %broadcast_in_dim3A_14 : vector<256x1xf32> to vector<256x128xf32>
    %add3A_1632 = vector.broadcast %slice3A_1630 : vector<1x128xf32> to vector<256x128xf32>
    %add3A_1633 = arith.addf %add3A_1631, %add3A_1632 : vector<256x128xf32>
    %mul3A_1634 = arith.constant 2.000000e+00 : f32
    %mul3A_1635 = vector.broadcast %mul3A_1634 : f32 to vector<256x128xf32>
    %mul3A_1636 = arith.mulf %mul3A_1635, %dot_general3A_1629 : vector<256x128xf32>
    %sub3A_1637 = arith.subf %add3A_1633, %mul3A_1636 : vector<256x128xf32>
    %bitcast_convert_type3A_1638 = tpu.bitcast %sub3A_1637 : vector<256x128xf32> -> vector<256x128xi32>
    %shift_right_arithmetic3A_1639 = arith.constant 31 : i32
    %shift_right_arithmetic3A_1640 = vector.broadcast %shift_right_arithmetic3A_1639 : i32 to vector<256x128xi32>
    %shift_right_arithmetic3A_1641 = arith.shrsi %bitcast_convert_type3A_1638, %shift_right_arithmetic3A_1640 : vector<256x128xi32>
    %and3A_1642 = arith.constant 2147483647 : i32
    %and3A_1643 = vector.broadcast %and3A_1642 : i32 to vector<256x128xi32>
    %and3A_1644 = arith.andi %shift_right_arithmetic3A_1641, %and3A_1643 : vector<256x128xi32>
    %xor3A_1645 = arith.xori %bitcast_convert_type3A_1638, %and3A_1644 : vector<256x128xi32>
    %add3A_1646 = arith.constant 4096 : i32
    %add3A_1647 = vector.broadcast %add3A_1646 : i32 to vector<256x128xi32>
    %add3A_1648 = arith.addi %iota3A, %add3A_1647 : vector<256x128xi32>
    %lt3A_1649 = arith.cmpi slt, %xor3A_1645, %min3A_1600 : vector<256x128xi32>
    %min3A_1650 = arith.minsi %xor3A_1645, %min3A_1600 : vector<256x128xi32>
    %max3A_1651 = arith.maxsi %xor3A_1645, %min3A_1600 : vector<256x128xi32>
    %select_n3A_1652 = arith.select %lt3A_1649, %add3A_1648, %select_n3A_1602 : vector<256x128xi1>, vector<256x128xi32>
    %select_n3A_1653 = arith.select %lt3A_1649, %select_n3A_1602, %add3A_1648 : vector<256x128xi1>, vector<256x128xi32>
    %lt3A_1654 = arith.cmpi slt, %max3A_1651, %min3A_1605 : vector<256x128xi32>
    %min3A_1655 = arith.minsi %max3A_1651, %min3A_1605 : vector<256x128xi32>
    %max3A_1656 = arith.maxsi %max3A_1651, %min3A_1605 : vector<256x128xi32>
    %select_n3A_1657 = arith.select %lt3A_1654, %select_n3A_1653, %select_n3A_1607 : vector<256x128xi1>, vector<256x128xi32>
    %select_n3A_1658 = arith.select %lt3A_1654, %select_n3A_1607, %select_n3A_1653 : vector<256x128xi1>, vector<256x128xi32>
    %lt3A_1659 = arith.cmpi slt, %max3A_1656, %min3A_1610 : vector<256x128xi32>
    %min3A_1660 = arith.minsi %max3A_1656, %min3A_1610 : vector<256x128xi32>
    %max3A_1661 = arith.maxsi %max3A_1656, %min3A_1610 : vector<256x128xi32>
    %select_n3A_1662 = arith.select %lt3A_1659, %select_n3A_1658, %select_n3A_1612 : vector<256x128xi1>, vector<256x128xi32>
    %select_n3A_1663 = arith.select %lt3A_1659, %select_n3A_1612, %select_n3A_1658 : vector<256x128xi1>, vector<256x128xi32>
    %lt3A_1664 = arith.cmpi slt, %max3A_1661, %min3A_1615 : vector<256x128xi32>
    %min3A_1665 = arith.minsi %max3A_1661, %min3A_1615 : vector<256x128xi32>
    %max3A_1666 = arith.maxsi %max3A_1661, %min3A_1615 : vector<256x128xi32>
    %select_n3A_1667 = arith.select %lt3A_1664, %select_n3A_1663, %select_n3A_1617 : vector<256x128xi1>, vector<256x128xi32>
    %select_n3A_1668 = arith.select %lt3A_1664, %select_n3A_1617, %select_n3A_1663 : vector<256x128xi1>, vector<256x128xi32>
    %lt3A_1669 = arith.cmpi slt, %max3A_1666, %min3A_1620 : vector<256x128xi32>
    %min3A_1670 = arith.minsi %max3A_1666, %min3A_1620 : vector<256x128xi32>
    %max3A_1671 = arith.maxsi %max3A_1666, %min3A_1620 : vector<256x128xi32>
    %select_n3A_1672 = arith.select %lt3A_1669, %select_n3A_1668, %select_n3A_1622 : vector<256x128xi1>, vector<256x128xi32>
    %select_n3A_1673 = arith.select %lt3A_1669, %select_n3A_1622, %select_n3A_1668 : vector<256x128xi1>, vector<256x128xi32>
    %lt3A_1674 = arith.cmpi slt, %max3A_1671, %min3A_1625 : vector<256x128xi32>
    %min3A_1675 = arith.minsi %max3A_1671, %min3A_1625 : vector<256x128xi32>
    %select_n3A_1676 = arith.select %lt3A_1674, %select_n3A_1673, %select_n3A_1626 : vector<256x128xi1>, vector<256x128xi32>
    %slice3A_1677 = vector.extract_strided_slice %convert_element_type3A {offsets = [0, 4224], sizes = [3, 128], strides = [1, 1]} : vector<3x8192xbf16> to vector<3x128xbf16>
    %dot_general3A_1678 = arith.constant dense<0.000000e+00> : vector<256x128xf32>
    %dot_general3A_1679 = tpu.matmul %convert_element_type3A_9, %slice3A_1677, %dot_general3A_1678 {dimension_numbers = #tpu.dot_dimension_numbers<[1], [0], [0], [1], [0, 0, 1, 1], [], []>, transpose_lhs_hint = false} : vector<256x3xbf16>, vector<3x128xbf16>, vector<256x128xf32> -> vector<256x128xf32>
    %slice3A_1680 = vector.extract_strided_slice %broadcast_in_dim3A {offsets = [0, 4224], sizes = [1, 128], strides = [1, 1]} : vector<1x8192xf32> to vector<1x128xf32>
    %add3A_1681 = vector.broadcast %broadcast_in_dim3A_14 : vector<256x1xf32> to vector<256x128xf32>
    %add3A_1682 = vector.broadcast %slice3A_1680 : vector<1x128xf32> to vector<256x128xf32>
    %add3A_1683 = arith.addf %add3A_1681, %add3A_1682 : vector<256x128xf32>
    %mul3A_1684 = arith.constant 2.000000e+00 : f32
    %mul3A_1685 = vector.broadcast %mul3A_1684 : f32 to vector<256x128xf32>
    %mul3A_1686 = arith.mulf %mul3A_1685, %dot_general3A_1679 : vector<256x128xf32>
    %sub3A_1687 = arith.subf %add3A_1683, %mul3A_1686 : vector<256x128xf32>
    %bitcast_convert_type3A_1688 = tpu.bitcast %sub3A_1687 : vector<256x128xf32> -> vector<256x128xi32>
    %shift_right_arithmetic3A_1689 = arith.constant 31 : i32
    %shift_right_arithmetic3A_1690 = vector.broadcast %shift_right_arithmetic3A_1689 : i32 to vector<256x128xi32>
    %shift_right_arithmetic3A_1691 = arith.shrsi %bitcast_convert_type3A_1688, %shift_right_arithmetic3A_1690 : vector<256x128xi32>
    %and3A_1692 = arith.constant 2147483647 : i32
    %and3A_1693 = vector.broadcast %and3A_1692 : i32 to vector<256x128xi32>
    %and3A_1694 = arith.andi %shift_right_arithmetic3A_1691, %and3A_1693 : vector<256x128xi32>
    %xor3A_1695 = arith.xori %bitcast_convert_type3A_1688, %and3A_1694 : vector<256x128xi32>
    %add3A_1696 = arith.constant 4224 : i32
    %add3A_1697 = vector.broadcast %add3A_1696 : i32 to vector<256x128xi32>
    %add3A_1698 = arith.addi %iota3A, %add3A_1697 : vector<256x128xi32>
    %lt3A_1699 = arith.cmpi slt, %xor3A_1695, %min3A_1650 : vector<256x128xi32>
    %min3A_1700 = arith.minsi %xor3A_1695, %min3A_1650 : vector<256x128xi32>
    %max3A_1701 = arith.maxsi %xor3A_1695, %min3A_1650 : vector<256x128xi32>
    %select_n3A_1702 = arith.select %lt3A_1699, %add3A_1698, %select_n3A_1652 : vector<256x128xi1>, vector<256x128xi32>
    %select_n3A_1703 = arith.select %lt3A_1699, %select_n3A_1652, %add3A_1698 : vector<256x128xi1>, vector<256x128xi32>
    %lt3A_1704 = arith.cmpi slt, %max3A_1701, %min3A_1655 : vector<256x128xi32>
    %min3A_1705 = arith.minsi %max3A_1701, %min3A_1655 : vector<256x128xi32>
    %max3A_1706 = arith.maxsi %max3A_1701, %min3A_1655 : vector<256x128xi32>
    %select_n3A_1707 = arith.select %lt3A_1704, %select_n3A_1703, %select_n3A_1657 : vector<256x128xi1>, vector<256x128xi32>
    %select_n3A_1708 = arith.select %lt3A_1704, %select_n3A_1657, %select_n3A_1703 : vector<256x128xi1>, vector<256x128xi32>
    %lt3A_1709 = arith.cmpi slt, %max3A_1706, %min3A_1660 : vector<256x128xi32>
    %min3A_1710 = arith.minsi %max3A_1706, %min3A_1660 : vector<256x128xi32>
    %max3A_1711 = arith.maxsi %max3A_1706, %min3A_1660 : vector<256x128xi32>
    %select_n3A_1712 = arith.select %lt3A_1709, %select_n3A_1708, %select_n3A_1662 : vector<256x128xi1>, vector<256x128xi32>
    %select_n3A_1713 = arith.select %lt3A_1709, %select_n3A_1662, %select_n3A_1708 : vector<256x128xi1>, vector<256x128xi32>
    %lt3A_1714 = arith.cmpi slt, %max3A_1711, %min3A_1665 : vector<256x128xi32>
    %min3A_1715 = arith.minsi %max3A_1711, %min3A_1665 : vector<256x128xi32>
    %max3A_1716 = arith.maxsi %max3A_1711, %min3A_1665 : vector<256x128xi32>
    %select_n3A_1717 = arith.select %lt3A_1714, %select_n3A_1713, %select_n3A_1667 : vector<256x128xi1>, vector<256x128xi32>
    %select_n3A_1718 = arith.select %lt3A_1714, %select_n3A_1667, %select_n3A_1713 : vector<256x128xi1>, vector<256x128xi32>
    %lt3A_1719 = arith.cmpi slt, %max3A_1716, %min3A_1670 : vector<256x128xi32>
    %min3A_1720 = arith.minsi %max3A_1716, %min3A_1670 : vector<256x128xi32>
    %max3A_1721 = arith.maxsi %max3A_1716, %min3A_1670 : vector<256x128xi32>
    %select_n3A_1722 = arith.select %lt3A_1719, %select_n3A_1718, %select_n3A_1672 : vector<256x128xi1>, vector<256x128xi32>
    %select_n3A_1723 = arith.select %lt3A_1719, %select_n3A_1672, %select_n3A_1718 : vector<256x128xi1>, vector<256x128xi32>
    %lt3A_1724 = arith.cmpi slt, %max3A_1721, %min3A_1675 : vector<256x128xi32>
    %min3A_1725 = arith.minsi %max3A_1721, %min3A_1675 : vector<256x128xi32>
    %select_n3A_1726 = arith.select %lt3A_1724, %select_n3A_1723, %select_n3A_1676 : vector<256x128xi1>, vector<256x128xi32>
    %slice3A_1727 = vector.extract_strided_slice %convert_element_type3A {offsets = [0, 4352], sizes = [3, 128], strides = [1, 1]} : vector<3x8192xbf16> to vector<3x128xbf16>
    %dot_general3A_1728 = arith.constant dense<0.000000e+00> : vector<256x128xf32>
    %dot_general3A_1729 = tpu.matmul %convert_element_type3A_9, %slice3A_1727, %dot_general3A_1728 {dimension_numbers = #tpu.dot_dimension_numbers<[1], [0], [0], [1], [0, 0, 1, 1], [], []>, transpose_lhs_hint = false} : vector<256x3xbf16>, vector<3x128xbf16>, vector<256x128xf32> -> vector<256x128xf32>
    %slice3A_1730 = vector.extract_strided_slice %broadcast_in_dim3A {offsets = [0, 4352], sizes = [1, 128], strides = [1, 1]} : vector<1x8192xf32> to vector<1x128xf32>
    %add3A_1731 = vector.broadcast %broadcast_in_dim3A_14 : vector<256x1xf32> to vector<256x128xf32>
    %add3A_1732 = vector.broadcast %slice3A_1730 : vector<1x128xf32> to vector<256x128xf32>
    %add3A_1733 = arith.addf %add3A_1731, %add3A_1732 : vector<256x128xf32>
    %mul3A_1734 = arith.constant 2.000000e+00 : f32
    %mul3A_1735 = vector.broadcast %mul3A_1734 : f32 to vector<256x128xf32>
    %mul3A_1736 = arith.mulf %mul3A_1735, %dot_general3A_1729 : vector<256x128xf32>
    %sub3A_1737 = arith.subf %add3A_1733, %mul3A_1736 : vector<256x128xf32>
    %bitcast_convert_type3A_1738 = tpu.bitcast %sub3A_1737 : vector<256x128xf32> -> vector<256x128xi32>
    %shift_right_arithmetic3A_1739 = arith.constant 31 : i32
    %shift_right_arithmetic3A_1740 = vector.broadcast %shift_right_arithmetic3A_1739 : i32 to vector<256x128xi32>
    %shift_right_arithmetic3A_1741 = arith.shrsi %bitcast_convert_type3A_1738, %shift_right_arithmetic3A_1740 : vector<256x128xi32>
    %and3A_1742 = arith.constant 2147483647 : i32
    %and3A_1743 = vector.broadcast %and3A_1742 : i32 to vector<256x128xi32>
    %and3A_1744 = arith.andi %shift_right_arithmetic3A_1741, %and3A_1743 : vector<256x128xi32>
    %xor3A_1745 = arith.xori %bitcast_convert_type3A_1738, %and3A_1744 : vector<256x128xi32>
    %add3A_1746 = arith.constant 4352 : i32
    %add3A_1747 = vector.broadcast %add3A_1746 : i32 to vector<256x128xi32>
    %add3A_1748 = arith.addi %iota3A, %add3A_1747 : vector<256x128xi32>
    %lt3A_1749 = arith.cmpi slt, %xor3A_1745, %min3A_1700 : vector<256x128xi32>
    %min3A_1750 = arith.minsi %xor3A_1745, %min3A_1700 : vector<256x128xi32>
    %max3A_1751 = arith.maxsi %xor3A_1745, %min3A_1700 : vector<256x128xi32>
    %select_n3A_1752 = arith.select %lt3A_1749, %add3A_1748, %select_n3A_1702 : vector<256x128xi1>, vector<256x128xi32>
    %select_n3A_1753 = arith.select %lt3A_1749, %select_n3A_1702, %add3A_1748 : vector<256x128xi1>, vector<256x128xi32>
    %lt3A_1754 = arith.cmpi slt, %max3A_1751, %min3A_1705 : vector<256x128xi32>
    %min3A_1755 = arith.minsi %max3A_1751, %min3A_1705 : vector<256x128xi32>
    %max3A_1756 = arith.maxsi %max3A_1751, %min3A_1705 : vector<256x128xi32>
    %select_n3A_1757 = arith.select %lt3A_1754, %select_n3A_1753, %select_n3A_1707 : vector<256x128xi1>, vector<256x128xi32>
    %select_n3A_1758 = arith.select %lt3A_1754, %select_n3A_1707, %select_n3A_1753 : vector<256x128xi1>, vector<256x128xi32>
    %lt3A_1759 = arith.cmpi slt, %max3A_1756, %min3A_1710 : vector<256x128xi32>
    %min3A_1760 = arith.minsi %max3A_1756, %min3A_1710 : vector<256x128xi32>
    %max3A_1761 = arith.maxsi %max3A_1756, %min3A_1710 : vector<256x128xi32>
    %select_n3A_1762 = arith.select %lt3A_1759, %select_n3A_1758, %select_n3A_1712 : vector<256x128xi1>, vector<256x128xi32>
    %select_n3A_1763 = arith.select %lt3A_1759, %select_n3A_1712, %select_n3A_1758 : vector<256x128xi1>, vector<256x128xi32>
    %lt3A_1764 = arith.cmpi slt, %max3A_1761, %min3A_1715 : vector<256x128xi32>
    %min3A_1765 = arith.minsi %max3A_1761, %min3A_1715 : vector<256x128xi32>
    %max3A_1766 = arith.maxsi %max3A_1761, %min3A_1715 : vector<256x128xi32>
    %select_n3A_1767 = arith.select %lt3A_1764, %select_n3A_1763, %select_n3A_1717 : vector<256x128xi1>, vector<256x128xi32>
    %select_n3A_1768 = arith.select %lt3A_1764, %select_n3A_1717, %select_n3A_1763 : vector<256x128xi1>, vector<256x128xi32>
    %lt3A_1769 = arith.cmpi slt, %max3A_1766, %min3A_1720 : vector<256x128xi32>
    %min3A_1770 = arith.minsi %max3A_1766, %min3A_1720 : vector<256x128xi32>
    %max3A_1771 = arith.maxsi %max3A_1766, %min3A_1720 : vector<256x128xi32>
    %select_n3A_1772 = arith.select %lt3A_1769, %select_n3A_1768, %select_n3A_1722 : vector<256x128xi1>, vector<256x128xi32>
    %select_n3A_1773 = arith.select %lt3A_1769, %select_n3A_1722, %select_n3A_1768 : vector<256x128xi1>, vector<256x128xi32>
    %lt3A_1774 = arith.cmpi slt, %max3A_1771, %min3A_1725 : vector<256x128xi32>
    %min3A_1775 = arith.minsi %max3A_1771, %min3A_1725 : vector<256x128xi32>
    %select_n3A_1776 = arith.select %lt3A_1774, %select_n3A_1773, %select_n3A_1726 : vector<256x128xi1>, vector<256x128xi32>
    %slice3A_1777 = vector.extract_strided_slice %convert_element_type3A {offsets = [0, 4480], sizes = [3, 128], strides = [1, 1]} : vector<3x8192xbf16> to vector<3x128xbf16>
    %dot_general3A_1778 = arith.constant dense<0.000000e+00> : vector<256x128xf32>
    %dot_general3A_1779 = tpu.matmul %convert_element_type3A_9, %slice3A_1777, %dot_general3A_1778 {dimension_numbers = #tpu.dot_dimension_numbers<[1], [0], [0], [1], [0, 0, 1, 1], [], []>, transpose_lhs_hint = false} : vector<256x3xbf16>, vector<3x128xbf16>, vector<256x128xf32> -> vector<256x128xf32>
    %slice3A_1780 = vector.extract_strided_slice %broadcast_in_dim3A {offsets = [0, 4480], sizes = [1, 128], strides = [1, 1]} : vector<1x8192xf32> to vector<1x128xf32>
    %add3A_1781 = vector.broadcast %broadcast_in_dim3A_14 : vector<256x1xf32> to vector<256x128xf32>
    %add3A_1782 = vector.broadcast %slice3A_1780 : vector<1x128xf32> to vector<256x128xf32>
    %add3A_1783 = arith.addf %add3A_1781, %add3A_1782 : vector<256x128xf32>
    %mul3A_1784 = arith.constant 2.000000e+00 : f32
    %mul3A_1785 = vector.broadcast %mul3A_1784 : f32 to vector<256x128xf32>
    %mul3A_1786 = arith.mulf %mul3A_1785, %dot_general3A_1779 : vector<256x128xf32>
    %sub3A_1787 = arith.subf %add3A_1783, %mul3A_1786 : vector<256x128xf32>
    %bitcast_convert_type3A_1788 = tpu.bitcast %sub3A_1787 : vector<256x128xf32> -> vector<256x128xi32>
    %shift_right_arithmetic3A_1789 = arith.constant 31 : i32
    %shift_right_arithmetic3A_1790 = vector.broadcast %shift_right_arithmetic3A_1789 : i32 to vector<256x128xi32>
    %shift_right_arithmetic3A_1791 = arith.shrsi %bitcast_convert_type3A_1788, %shift_right_arithmetic3A_1790 : vector<256x128xi32>
    %and3A_1792 = arith.constant 2147483647 : i32
    %and3A_1793 = vector.broadcast %and3A_1792 : i32 to vector<256x128xi32>
    %and3A_1794 = arith.andi %shift_right_arithmetic3A_1791, %and3A_1793 : vector<256x128xi32>
    %xor3A_1795 = arith.xori %bitcast_convert_type3A_1788, %and3A_1794 : vector<256x128xi32>
    %add3A_1796 = arith.constant 4480 : i32
    %add3A_1797 = vector.broadcast %add3A_1796 : i32 to vector<256x128xi32>
    %add3A_1798 = arith.addi %iota3A, %add3A_1797 : vector<256x128xi32>
    %lt3A_1799 = arith.cmpi slt, %xor3A_1795, %min3A_1750 : vector<256x128xi32>
    %min3A_1800 = arith.minsi %xor3A_1795, %min3A_1750 : vector<256x128xi32>
    %max3A_1801 = arith.maxsi %xor3A_1795, %min3A_1750 : vector<256x128xi32>
    %select_n3A_1802 = arith.select %lt3A_1799, %add3A_1798, %select_n3A_1752 : vector<256x128xi1>, vector<256x128xi32>
    %select_n3A_1803 = arith.select %lt3A_1799, %select_n3A_1752, %add3A_1798 : vector<256x128xi1>, vector<256x128xi32>
    %lt3A_1804 = arith.cmpi slt, %max3A_1801, %min3A_1755 : vector<256x128xi32>
    %min3A_1805 = arith.minsi %max3A_1801, %min3A_1755 : vector<256x128xi32>
    %max3A_1806 = arith.maxsi %max3A_1801, %min3A_1755 : vector<256x128xi32>
    %select_n3A_1807 = arith.select %lt3A_1804, %select_n3A_1803, %select_n3A_1757 : vector<256x128xi1>, vector<256x128xi32>
    %select_n3A_1808 = arith.select %lt3A_1804, %select_n3A_1757, %select_n3A_1803 : vector<256x128xi1>, vector<256x128xi32>
    %lt3A_1809 = arith.cmpi slt, %max3A_1806, %min3A_1760 : vector<256x128xi32>
    %min3A_1810 = arith.minsi %max3A_1806, %min3A_1760 : vector<256x128xi32>
    %max3A_1811 = arith.maxsi %max3A_1806, %min3A_1760 : vector<256x128xi32>
    %select_n3A_1812 = arith.select %lt3A_1809, %select_n3A_1808, %select_n3A_1762 : vector<256x128xi1>, vector<256x128xi32>
    %select_n3A_1813 = arith.select %lt3A_1809, %select_n3A_1762, %select_n3A_1808 : vector<256x128xi1>, vector<256x128xi32>
    %lt3A_1814 = arith.cmpi slt, %max3A_1811, %min3A_1765 : vector<256x128xi32>
    %min3A_1815 = arith.minsi %max3A_1811, %min3A_1765 : vector<256x128xi32>
    %max3A_1816 = arith.maxsi %max3A_1811, %min3A_1765 : vector<256x128xi32>
    %select_n3A_1817 = arith.select %lt3A_1814, %select_n3A_1813, %select_n3A_1767 : vector<256x128xi1>, vector<256x128xi32>
    %select_n3A_1818 = arith.select %lt3A_1814, %select_n3A_1767, %select_n3A_1813 : vector<256x128xi1>, vector<256x128xi32>
    %lt3A_1819 = arith.cmpi slt, %max3A_1816, %min3A_1770 : vector<256x128xi32>
    %min3A_1820 = arith.minsi %max3A_1816, %min3A_1770 : vector<256x128xi32>
    %max3A_1821 = arith.maxsi %max3A_1816, %min3A_1770 : vector<256x128xi32>
    %select_n3A_1822 = arith.select %lt3A_1819, %select_n3A_1818, %select_n3A_1772 : vector<256x128xi1>, vector<256x128xi32>
    %select_n3A_1823 = arith.select %lt3A_1819, %select_n3A_1772, %select_n3A_1818 : vector<256x128xi1>, vector<256x128xi32>
    %lt3A_1824 = arith.cmpi slt, %max3A_1821, %min3A_1775 : vector<256x128xi32>
    %min3A_1825 = arith.minsi %max3A_1821, %min3A_1775 : vector<256x128xi32>
    %select_n3A_1826 = arith.select %lt3A_1824, %select_n3A_1823, %select_n3A_1776 : vector<256x128xi1>, vector<256x128xi32>
    %slice3A_1827 = vector.extract_strided_slice %convert_element_type3A {offsets = [0, 4608], sizes = [3, 128], strides = [1, 1]} : vector<3x8192xbf16> to vector<3x128xbf16>
    %dot_general3A_1828 = arith.constant dense<0.000000e+00> : vector<256x128xf32>
    %dot_general3A_1829 = tpu.matmul %convert_element_type3A_9, %slice3A_1827, %dot_general3A_1828 {dimension_numbers = #tpu.dot_dimension_numbers<[1], [0], [0], [1], [0, 0, 1, 1], [], []>, transpose_lhs_hint = false} : vector<256x3xbf16>, vector<3x128xbf16>, vector<256x128xf32> -> vector<256x128xf32>
    %slice3A_1830 = vector.extract_strided_slice %broadcast_in_dim3A {offsets = [0, 4608], sizes = [1, 128], strides = [1, 1]} : vector<1x8192xf32> to vector<1x128xf32>
    %add3A_1831 = vector.broadcast %broadcast_in_dim3A_14 : vector<256x1xf32> to vector<256x128xf32>
    %add3A_1832 = vector.broadcast %slice3A_1830 : vector<1x128xf32> to vector<256x128xf32>
    %add3A_1833 = arith.addf %add3A_1831, %add3A_1832 : vector<256x128xf32>
    %mul3A_1834 = arith.constant 2.000000e+00 : f32
    %mul3A_1835 = vector.broadcast %mul3A_1834 : f32 to vector<256x128xf32>
    %mul3A_1836 = arith.mulf %mul3A_1835, %dot_general3A_1829 : vector<256x128xf32>
    %sub3A_1837 = arith.subf %add3A_1833, %mul3A_1836 : vector<256x128xf32>
    %bitcast_convert_type3A_1838 = tpu.bitcast %sub3A_1837 : vector<256x128xf32> -> vector<256x128xi32>
    %shift_right_arithmetic3A_1839 = arith.constant 31 : i32
    %shift_right_arithmetic3A_1840 = vector.broadcast %shift_right_arithmetic3A_1839 : i32 to vector<256x128xi32>
    %shift_right_arithmetic3A_1841 = arith.shrsi %bitcast_convert_type3A_1838, %shift_right_arithmetic3A_1840 : vector<256x128xi32>
    %and3A_1842 = arith.constant 2147483647 : i32
    %and3A_1843 = vector.broadcast %and3A_1842 : i32 to vector<256x128xi32>
    %and3A_1844 = arith.andi %shift_right_arithmetic3A_1841, %and3A_1843 : vector<256x128xi32>
    %xor3A_1845 = arith.xori %bitcast_convert_type3A_1838, %and3A_1844 : vector<256x128xi32>
    %add3A_1846 = arith.constant 4608 : i32
    %add3A_1847 = vector.broadcast %add3A_1846 : i32 to vector<256x128xi32>
    %add3A_1848 = arith.addi %iota3A, %add3A_1847 : vector<256x128xi32>
    %lt3A_1849 = arith.cmpi slt, %xor3A_1845, %min3A_1800 : vector<256x128xi32>
    %min3A_1850 = arith.minsi %xor3A_1845, %min3A_1800 : vector<256x128xi32>
    %max3A_1851 = arith.maxsi %xor3A_1845, %min3A_1800 : vector<256x128xi32>
    %select_n3A_1852 = arith.select %lt3A_1849, %add3A_1848, %select_n3A_1802 : vector<256x128xi1>, vector<256x128xi32>
    %select_n3A_1853 = arith.select %lt3A_1849, %select_n3A_1802, %add3A_1848 : vector<256x128xi1>, vector<256x128xi32>
    %lt3A_1854 = arith.cmpi slt, %max3A_1851, %min3A_1805 : vector<256x128xi32>
    %min3A_1855 = arith.minsi %max3A_1851, %min3A_1805 : vector<256x128xi32>
    %max3A_1856 = arith.maxsi %max3A_1851, %min3A_1805 : vector<256x128xi32>
    %select_n3A_1857 = arith.select %lt3A_1854, %select_n3A_1853, %select_n3A_1807 : vector<256x128xi1>, vector<256x128xi32>
    %select_n3A_1858 = arith.select %lt3A_1854, %select_n3A_1807, %select_n3A_1853 : vector<256x128xi1>, vector<256x128xi32>
    %lt3A_1859 = arith.cmpi slt, %max3A_1856, %min3A_1810 : vector<256x128xi32>
    %min3A_1860 = arith.minsi %max3A_1856, %min3A_1810 : vector<256x128xi32>
    %max3A_1861 = arith.maxsi %max3A_1856, %min3A_1810 : vector<256x128xi32>
    %select_n3A_1862 = arith.select %lt3A_1859, %select_n3A_1858, %select_n3A_1812 : vector<256x128xi1>, vector<256x128xi32>
    %select_n3A_1863 = arith.select %lt3A_1859, %select_n3A_1812, %select_n3A_1858 : vector<256x128xi1>, vector<256x128xi32>
    %lt3A_1864 = arith.cmpi slt, %max3A_1861, %min3A_1815 : vector<256x128xi32>
    %min3A_1865 = arith.minsi %max3A_1861, %min3A_1815 : vector<256x128xi32>
    %max3A_1866 = arith.maxsi %max3A_1861, %min3A_1815 : vector<256x128xi32>
    %select_n3A_1867 = arith.select %lt3A_1864, %select_n3A_1863, %select_n3A_1817 : vector<256x128xi1>, vector<256x128xi32>
    %select_n3A_1868 = arith.select %lt3A_1864, %select_n3A_1817, %select_n3A_1863 : vector<256x128xi1>, vector<256x128xi32>
    %lt3A_1869 = arith.cmpi slt, %max3A_1866, %min3A_1820 : vector<256x128xi32>
    %min3A_1870 = arith.minsi %max3A_1866, %min3A_1820 : vector<256x128xi32>
    %max3A_1871 = arith.maxsi %max3A_1866, %min3A_1820 : vector<256x128xi32>
    %select_n3A_1872 = arith.select %lt3A_1869, %select_n3A_1868, %select_n3A_1822 : vector<256x128xi1>, vector<256x128xi32>
    %select_n3A_1873 = arith.select %lt3A_1869, %select_n3A_1822, %select_n3A_1868 : vector<256x128xi1>, vector<256x128xi32>
    %lt3A_1874 = arith.cmpi slt, %max3A_1871, %min3A_1825 : vector<256x128xi32>
    %min3A_1875 = arith.minsi %max3A_1871, %min3A_1825 : vector<256x128xi32>
    %select_n3A_1876 = arith.select %lt3A_1874, %select_n3A_1873, %select_n3A_1826 : vector<256x128xi1>, vector<256x128xi32>
    %slice3A_1877 = vector.extract_strided_slice %convert_element_type3A {offsets = [0, 4736], sizes = [3, 128], strides = [1, 1]} : vector<3x8192xbf16> to vector<3x128xbf16>
    %dot_general3A_1878 = arith.constant dense<0.000000e+00> : vector<256x128xf32>
    %dot_general3A_1879 = tpu.matmul %convert_element_type3A_9, %slice3A_1877, %dot_general3A_1878 {dimension_numbers = #tpu.dot_dimension_numbers<[1], [0], [0], [1], [0, 0, 1, 1], [], []>, transpose_lhs_hint = false} : vector<256x3xbf16>, vector<3x128xbf16>, vector<256x128xf32> -> vector<256x128xf32>
    %slice3A_1880 = vector.extract_strided_slice %broadcast_in_dim3A {offsets = [0, 4736], sizes = [1, 128], strides = [1, 1]} : vector<1x8192xf32> to vector<1x128xf32>
    %add3A_1881 = vector.broadcast %broadcast_in_dim3A_14 : vector<256x1xf32> to vector<256x128xf32>
    %add3A_1882 = vector.broadcast %slice3A_1880 : vector<1x128xf32> to vector<256x128xf32>
    %add3A_1883 = arith.addf %add3A_1881, %add3A_1882 : vector<256x128xf32>
    %mul3A_1884 = arith.constant 2.000000e+00 : f32
    %mul3A_1885 = vector.broadcast %mul3A_1884 : f32 to vector<256x128xf32>
    %mul3A_1886 = arith.mulf %mul3A_1885, %dot_general3A_1879 : vector<256x128xf32>
    %sub3A_1887 = arith.subf %add3A_1883, %mul3A_1886 : vector<256x128xf32>
    %bitcast_convert_type3A_1888 = tpu.bitcast %sub3A_1887 : vector<256x128xf32> -> vector<256x128xi32>
    %shift_right_arithmetic3A_1889 = arith.constant 31 : i32
    %shift_right_arithmetic3A_1890 = vector.broadcast %shift_right_arithmetic3A_1889 : i32 to vector<256x128xi32>
    %shift_right_arithmetic3A_1891 = arith.shrsi %bitcast_convert_type3A_1888, %shift_right_arithmetic3A_1890 : vector<256x128xi32>
    %and3A_1892 = arith.constant 2147483647 : i32
    %and3A_1893 = vector.broadcast %and3A_1892 : i32 to vector<256x128xi32>
    %and3A_1894 = arith.andi %shift_right_arithmetic3A_1891, %and3A_1893 : vector<256x128xi32>
    %xor3A_1895 = arith.xori %bitcast_convert_type3A_1888, %and3A_1894 : vector<256x128xi32>
    %add3A_1896 = arith.constant 4736 : i32
    %add3A_1897 = vector.broadcast %add3A_1896 : i32 to vector<256x128xi32>
    %add3A_1898 = arith.addi %iota3A, %add3A_1897 : vector<256x128xi32>
    %lt3A_1899 = arith.cmpi slt, %xor3A_1895, %min3A_1850 : vector<256x128xi32>
    %min3A_1900 = arith.minsi %xor3A_1895, %min3A_1850 : vector<256x128xi32>
    %max3A_1901 = arith.maxsi %xor3A_1895, %min3A_1850 : vector<256x128xi32>
    %select_n3A_1902 = arith.select %lt3A_1899, %add3A_1898, %select_n3A_1852 : vector<256x128xi1>, vector<256x128xi32>
    %select_n3A_1903 = arith.select %lt3A_1899, %select_n3A_1852, %add3A_1898 : vector<256x128xi1>, vector<256x128xi32>
    %lt3A_1904 = arith.cmpi slt, %max3A_1901, %min3A_1855 : vector<256x128xi32>
    %min3A_1905 = arith.minsi %max3A_1901, %min3A_1855 : vector<256x128xi32>
    %max3A_1906 = arith.maxsi %max3A_1901, %min3A_1855 : vector<256x128xi32>
    %select_n3A_1907 = arith.select %lt3A_1904, %select_n3A_1903, %select_n3A_1857 : vector<256x128xi1>, vector<256x128xi32>
    %select_n3A_1908 = arith.select %lt3A_1904, %select_n3A_1857, %select_n3A_1903 : vector<256x128xi1>, vector<256x128xi32>
    %lt3A_1909 = arith.cmpi slt, %max3A_1906, %min3A_1860 : vector<256x128xi32>
    %min3A_1910 = arith.minsi %max3A_1906, %min3A_1860 : vector<256x128xi32>
    %max3A_1911 = arith.maxsi %max3A_1906, %min3A_1860 : vector<256x128xi32>
    %select_n3A_1912 = arith.select %lt3A_1909, %select_n3A_1908, %select_n3A_1862 : vector<256x128xi1>, vector<256x128xi32>
    %select_n3A_1913 = arith.select %lt3A_1909, %select_n3A_1862, %select_n3A_1908 : vector<256x128xi1>, vector<256x128xi32>
    %lt3A_1914 = arith.cmpi slt, %max3A_1911, %min3A_1865 : vector<256x128xi32>
    %min3A_1915 = arith.minsi %max3A_1911, %min3A_1865 : vector<256x128xi32>
    %max3A_1916 = arith.maxsi %max3A_1911, %min3A_1865 : vector<256x128xi32>
    %select_n3A_1917 = arith.select %lt3A_1914, %select_n3A_1913, %select_n3A_1867 : vector<256x128xi1>, vector<256x128xi32>
    %select_n3A_1918 = arith.select %lt3A_1914, %select_n3A_1867, %select_n3A_1913 : vector<256x128xi1>, vector<256x128xi32>
    %lt3A_1919 = arith.cmpi slt, %max3A_1916, %min3A_1870 : vector<256x128xi32>
    %min3A_1920 = arith.minsi %max3A_1916, %min3A_1870 : vector<256x128xi32>
    %max3A_1921 = arith.maxsi %max3A_1916, %min3A_1870 : vector<256x128xi32>
    %select_n3A_1922 = arith.select %lt3A_1919, %select_n3A_1918, %select_n3A_1872 : vector<256x128xi1>, vector<256x128xi32>
    %select_n3A_1923 = arith.select %lt3A_1919, %select_n3A_1872, %select_n3A_1918 : vector<256x128xi1>, vector<256x128xi32>
    %lt3A_1924 = arith.cmpi slt, %max3A_1921, %min3A_1875 : vector<256x128xi32>
    %min3A_1925 = arith.minsi %max3A_1921, %min3A_1875 : vector<256x128xi32>
    %select_n3A_1926 = arith.select %lt3A_1924, %select_n3A_1923, %select_n3A_1876 : vector<256x128xi1>, vector<256x128xi32>
    %slice3A_1927 = vector.extract_strided_slice %convert_element_type3A {offsets = [0, 4864], sizes = [3, 128], strides = [1, 1]} : vector<3x8192xbf16> to vector<3x128xbf16>
    %dot_general3A_1928 = arith.constant dense<0.000000e+00> : vector<256x128xf32>
    %dot_general3A_1929 = tpu.matmul %convert_element_type3A_9, %slice3A_1927, %dot_general3A_1928 {dimension_numbers = #tpu.dot_dimension_numbers<[1], [0], [0], [1], [0, 0, 1, 1], [], []>, transpose_lhs_hint = false} : vector<256x3xbf16>, vector<3x128xbf16>, vector<256x128xf32> -> vector<256x128xf32>
    %slice3A_1930 = vector.extract_strided_slice %broadcast_in_dim3A {offsets = [0, 4864], sizes = [1, 128], strides = [1, 1]} : vector<1x8192xf32> to vector<1x128xf32>
    %add3A_1931 = vector.broadcast %broadcast_in_dim3A_14 : vector<256x1xf32> to vector<256x128xf32>
    %add3A_1932 = vector.broadcast %slice3A_1930 : vector<1x128xf32> to vector<256x128xf32>
    %add3A_1933 = arith.addf %add3A_1931, %add3A_1932 : vector<256x128xf32>
    %mul3A_1934 = arith.constant 2.000000e+00 : f32
    %mul3A_1935 = vector.broadcast %mul3A_1934 : f32 to vector<256x128xf32>
    %mul3A_1936 = arith.mulf %mul3A_1935, %dot_general3A_1929 : vector<256x128xf32>
    %sub3A_1937 = arith.subf %add3A_1933, %mul3A_1936 : vector<256x128xf32>
    %bitcast_convert_type3A_1938 = tpu.bitcast %sub3A_1937 : vector<256x128xf32> -> vector<256x128xi32>
    %shift_right_arithmetic3A_1939 = arith.constant 31 : i32
    %shift_right_arithmetic3A_1940 = vector.broadcast %shift_right_arithmetic3A_1939 : i32 to vector<256x128xi32>
    %shift_right_arithmetic3A_1941 = arith.shrsi %bitcast_convert_type3A_1938, %shift_right_arithmetic3A_1940 : vector<256x128xi32>
    %and3A_1942 = arith.constant 2147483647 : i32
    %and3A_1943 = vector.broadcast %and3A_1942 : i32 to vector<256x128xi32>
    %and3A_1944 = arith.andi %shift_right_arithmetic3A_1941, %and3A_1943 : vector<256x128xi32>
    %xor3A_1945 = arith.xori %bitcast_convert_type3A_1938, %and3A_1944 : vector<256x128xi32>
    %add3A_1946 = arith.constant 4864 : i32
    %add3A_1947 = vector.broadcast %add3A_1946 : i32 to vector<256x128xi32>
    %add3A_1948 = arith.addi %iota3A, %add3A_1947 : vector<256x128xi32>
    %lt3A_1949 = arith.cmpi slt, %xor3A_1945, %min3A_1900 : vector<256x128xi32>
    %min3A_1950 = arith.minsi %xor3A_1945, %min3A_1900 : vector<256x128xi32>
    %max3A_1951 = arith.maxsi %xor3A_1945, %min3A_1900 : vector<256x128xi32>
    %select_n3A_1952 = arith.select %lt3A_1949, %add3A_1948, %select_n3A_1902 : vector<256x128xi1>, vector<256x128xi32>
    %select_n3A_1953 = arith.select %lt3A_1949, %select_n3A_1902, %add3A_1948 : vector<256x128xi1>, vector<256x128xi32>
    %lt3A_1954 = arith.cmpi slt, %max3A_1951, %min3A_1905 : vector<256x128xi32>
    %min3A_1955 = arith.minsi %max3A_1951, %min3A_1905 : vector<256x128xi32>
    %max3A_1956 = arith.maxsi %max3A_1951, %min3A_1905 : vector<256x128xi32>
    %select_n3A_1957 = arith.select %lt3A_1954, %select_n3A_1953, %select_n3A_1907 : vector<256x128xi1>, vector<256x128xi32>
    %select_n3A_1958 = arith.select %lt3A_1954, %select_n3A_1907, %select_n3A_1953 : vector<256x128xi1>, vector<256x128xi32>
    %lt3A_1959 = arith.cmpi slt, %max3A_1956, %min3A_1910 : vector<256x128xi32>
    %min3A_1960 = arith.minsi %max3A_1956, %min3A_1910 : vector<256x128xi32>
    %max3A_1961 = arith.maxsi %max3A_1956, %min3A_1910 : vector<256x128xi32>
    %select_n3A_1962 = arith.select %lt3A_1959, %select_n3A_1958, %select_n3A_1912 : vector<256x128xi1>, vector<256x128xi32>
    %select_n3A_1963 = arith.select %lt3A_1959, %select_n3A_1912, %select_n3A_1958 : vector<256x128xi1>, vector<256x128xi32>
    %lt3A_1964 = arith.cmpi slt, %max3A_1961, %min3A_1915 : vector<256x128xi32>
    %min3A_1965 = arith.minsi %max3A_1961, %min3A_1915 : vector<256x128xi32>
    %max3A_1966 = arith.maxsi %max3A_1961, %min3A_1915 : vector<256x128xi32>
    %select_n3A_1967 = arith.select %lt3A_1964, %select_n3A_1963, %select_n3A_1917 : vector<256x128xi1>, vector<256x128xi32>
    %select_n3A_1968 = arith.select %lt3A_1964, %select_n3A_1917, %select_n3A_1963 : vector<256x128xi1>, vector<256x128xi32>
    %lt3A_1969 = arith.cmpi slt, %max3A_1966, %min3A_1920 : vector<256x128xi32>
    %min3A_1970 = arith.minsi %max3A_1966, %min3A_1920 : vector<256x128xi32>
    %max3A_1971 = arith.maxsi %max3A_1966, %min3A_1920 : vector<256x128xi32>
    %select_n3A_1972 = arith.select %lt3A_1969, %select_n3A_1968, %select_n3A_1922 : vector<256x128xi1>, vector<256x128xi32>
    %select_n3A_1973 = arith.select %lt3A_1969, %select_n3A_1922, %select_n3A_1968 : vector<256x128xi1>, vector<256x128xi32>
    %lt3A_1974 = arith.cmpi slt, %max3A_1971, %min3A_1925 : vector<256x128xi32>
    %min3A_1975 = arith.minsi %max3A_1971, %min3A_1925 : vector<256x128xi32>
    %select_n3A_1976 = arith.select %lt3A_1974, %select_n3A_1973, %select_n3A_1926 : vector<256x128xi1>, vector<256x128xi32>
    %slice3A_1977 = vector.extract_strided_slice %convert_element_type3A {offsets = [0, 4992], sizes = [3, 128], strides = [1, 1]} : vector<3x8192xbf16> to vector<3x128xbf16>
    %dot_general3A_1978 = arith.constant dense<0.000000e+00> : vector<256x128xf32>
    %dot_general3A_1979 = tpu.matmul %convert_element_type3A_9, %slice3A_1977, %dot_general3A_1978 {dimension_numbers = #tpu.dot_dimension_numbers<[1], [0], [0], [1], [0, 0, 1, 1], [], []>, transpose_lhs_hint = false} : vector<256x3xbf16>, vector<3x128xbf16>, vector<256x128xf32> -> vector<256x128xf32>
    %slice3A_1980 = vector.extract_strided_slice %broadcast_in_dim3A {offsets = [0, 4992], sizes = [1, 128], strides = [1, 1]} : vector<1x8192xf32> to vector<1x128xf32>
    %add3A_1981 = vector.broadcast %broadcast_in_dim3A_14 : vector<256x1xf32> to vector<256x128xf32>
    %add3A_1982 = vector.broadcast %slice3A_1980 : vector<1x128xf32> to vector<256x128xf32>
    %add3A_1983 = arith.addf %add3A_1981, %add3A_1982 : vector<256x128xf32>
    %mul3A_1984 = arith.constant 2.000000e+00 : f32
    %mul3A_1985 = vector.broadcast %mul3A_1984 : f32 to vector<256x128xf32>
    %mul3A_1986 = arith.mulf %mul3A_1985, %dot_general3A_1979 : vector<256x128xf32>
    %sub3A_1987 = arith.subf %add3A_1983, %mul3A_1986 : vector<256x128xf32>
    %bitcast_convert_type3A_1988 = tpu.bitcast %sub3A_1987 : vector<256x128xf32> -> vector<256x128xi32>
    %shift_right_arithmetic3A_1989 = arith.constant 31 : i32
    %shift_right_arithmetic3A_1990 = vector.broadcast %shift_right_arithmetic3A_1989 : i32 to vector<256x128xi32>
    %shift_right_arithmetic3A_1991 = arith.shrsi %bitcast_convert_type3A_1988, %shift_right_arithmetic3A_1990 : vector<256x128xi32>
    %and3A_1992 = arith.constant 2147483647 : i32
    %and3A_1993 = vector.broadcast %and3A_1992 : i32 to vector<256x128xi32>
    %and3A_1994 = arith.andi %shift_right_arithmetic3A_1991, %and3A_1993 : vector<256x128xi32>
    %xor3A_1995 = arith.xori %bitcast_convert_type3A_1988, %and3A_1994 : vector<256x128xi32>
    %add3A_1996 = arith.constant 4992 : i32
    %add3A_1997 = vector.broadcast %add3A_1996 : i32 to vector<256x128xi32>
    %add3A_1998 = arith.addi %iota3A, %add3A_1997 : vector<256x128xi32>
    %lt3A_1999 = arith.cmpi slt, %xor3A_1995, %min3A_1950 : vector<256x128xi32>
    %min3A_2000 = arith.minsi %xor3A_1995, %min3A_1950 : vector<256x128xi32>
    %max3A_2001 = arith.maxsi %xor3A_1995, %min3A_1950 : vector<256x128xi32>
    %select_n3A_2002 = arith.select %lt3A_1999, %add3A_1998, %select_n3A_1952 : vector<256x128xi1>, vector<256x128xi32>
    %select_n3A_2003 = arith.select %lt3A_1999, %select_n3A_1952, %add3A_1998 : vector<256x128xi1>, vector<256x128xi32>
    %lt3A_2004 = arith.cmpi slt, %max3A_2001, %min3A_1955 : vector<256x128xi32>
    %min3A_2005 = arith.minsi %max3A_2001, %min3A_1955 : vector<256x128xi32>
    %max3A_2006 = arith.maxsi %max3A_2001, %min3A_1955 : vector<256x128xi32>
    %select_n3A_2007 = arith.select %lt3A_2004, %select_n3A_2003, %select_n3A_1957 : vector<256x128xi1>, vector<256x128xi32>
    %select_n3A_2008 = arith.select %lt3A_2004, %select_n3A_1957, %select_n3A_2003 : vector<256x128xi1>, vector<256x128xi32>
    %lt3A_2009 = arith.cmpi slt, %max3A_2006, %min3A_1960 : vector<256x128xi32>
    %min3A_2010 = arith.minsi %max3A_2006, %min3A_1960 : vector<256x128xi32>
    %max3A_2011 = arith.maxsi %max3A_2006, %min3A_1960 : vector<256x128xi32>
    %select_n3A_2012 = arith.select %lt3A_2009, %select_n3A_2008, %select_n3A_1962 : vector<256x128xi1>, vector<256x128xi32>
    %select_n3A_2013 = arith.select %lt3A_2009, %select_n3A_1962, %select_n3A_2008 : vector<256x128xi1>, vector<256x128xi32>
    %lt3A_2014 = arith.cmpi slt, %max3A_2011, %min3A_1965 : vector<256x128xi32>
    %min3A_2015 = arith.minsi %max3A_2011, %min3A_1965 : vector<256x128xi32>
    %max3A_2016 = arith.maxsi %max3A_2011, %min3A_1965 : vector<256x128xi32>
    %select_n3A_2017 = arith.select %lt3A_2014, %select_n3A_2013, %select_n3A_1967 : vector<256x128xi1>, vector<256x128xi32>
    %select_n3A_2018 = arith.select %lt3A_2014, %select_n3A_1967, %select_n3A_2013 : vector<256x128xi1>, vector<256x128xi32>
    %lt3A_2019 = arith.cmpi slt, %max3A_2016, %min3A_1970 : vector<256x128xi32>
    %min3A_2020 = arith.minsi %max3A_2016, %min3A_1970 : vector<256x128xi32>
    %max3A_2021 = arith.maxsi %max3A_2016, %min3A_1970 : vector<256x128xi32>
    %select_n3A_2022 = arith.select %lt3A_2019, %select_n3A_2018, %select_n3A_1972 : vector<256x128xi1>, vector<256x128xi32>
    %select_n3A_2023 = arith.select %lt3A_2019, %select_n3A_1972, %select_n3A_2018 : vector<256x128xi1>, vector<256x128xi32>
    %lt3A_2024 = arith.cmpi slt, %max3A_2021, %min3A_1975 : vector<256x128xi32>
    %min3A_2025 = arith.minsi %max3A_2021, %min3A_1975 : vector<256x128xi32>
    %select_n3A_2026 = arith.select %lt3A_2024, %select_n3A_2023, %select_n3A_1976 : vector<256x128xi1>, vector<256x128xi32>
    %slice3A_2027 = vector.extract_strided_slice %convert_element_type3A {offsets = [0, 5120], sizes = [3, 128], strides = [1, 1]} : vector<3x8192xbf16> to vector<3x128xbf16>
    %dot_general3A_2028 = arith.constant dense<0.000000e+00> : vector<256x128xf32>
    %dot_general3A_2029 = tpu.matmul %convert_element_type3A_9, %slice3A_2027, %dot_general3A_2028 {dimension_numbers = #tpu.dot_dimension_numbers<[1], [0], [0], [1], [0, 0, 1, 1], [], []>, transpose_lhs_hint = false} : vector<256x3xbf16>, vector<3x128xbf16>, vector<256x128xf32> -> vector<256x128xf32>
    %slice3A_2030 = vector.extract_strided_slice %broadcast_in_dim3A {offsets = [0, 5120], sizes = [1, 128], strides = [1, 1]} : vector<1x8192xf32> to vector<1x128xf32>
    %add3A_2031 = vector.broadcast %broadcast_in_dim3A_14 : vector<256x1xf32> to vector<256x128xf32>
    %add3A_2032 = vector.broadcast %slice3A_2030 : vector<1x128xf32> to vector<256x128xf32>
    %add3A_2033 = arith.addf %add3A_2031, %add3A_2032 : vector<256x128xf32>
    %mul3A_2034 = arith.constant 2.000000e+00 : f32
    %mul3A_2035 = vector.broadcast %mul3A_2034 : f32 to vector<256x128xf32>
    %mul3A_2036 = arith.mulf %mul3A_2035, %dot_general3A_2029 : vector<256x128xf32>
    %sub3A_2037 = arith.subf %add3A_2033, %mul3A_2036 : vector<256x128xf32>
    %bitcast_convert_type3A_2038 = tpu.bitcast %sub3A_2037 : vector<256x128xf32> -> vector<256x128xi32>
    %shift_right_arithmetic3A_2039 = arith.constant 31 : i32
    %shift_right_arithmetic3A_2040 = vector.broadcast %shift_right_arithmetic3A_2039 : i32 to vector<256x128xi32>
    %shift_right_arithmetic3A_2041 = arith.shrsi %bitcast_convert_type3A_2038, %shift_right_arithmetic3A_2040 : vector<256x128xi32>
    %and3A_2042 = arith.constant 2147483647 : i32
    %and3A_2043 = vector.broadcast %and3A_2042 : i32 to vector<256x128xi32>
    %and3A_2044 = arith.andi %shift_right_arithmetic3A_2041, %and3A_2043 : vector<256x128xi32>
    %xor3A_2045 = arith.xori %bitcast_convert_type3A_2038, %and3A_2044 : vector<256x128xi32>
    %add3A_2046 = arith.constant 5120 : i32
    %add3A_2047 = vector.broadcast %add3A_2046 : i32 to vector<256x128xi32>
    %add3A_2048 = arith.addi %iota3A, %add3A_2047 : vector<256x128xi32>
    %lt3A_2049 = arith.cmpi slt, %xor3A_2045, %min3A_2000 : vector<256x128xi32>
    %min3A_2050 = arith.minsi %xor3A_2045, %min3A_2000 : vector<256x128xi32>
    %max3A_2051 = arith.maxsi %xor3A_2045, %min3A_2000 : vector<256x128xi32>
    %select_n3A_2052 = arith.select %lt3A_2049, %add3A_2048, %select_n3A_2002 : vector<256x128xi1>, vector<256x128xi32>
    %select_n3A_2053 = arith.select %lt3A_2049, %select_n3A_2002, %add3A_2048 : vector<256x128xi1>, vector<256x128xi32>
    %lt3A_2054 = arith.cmpi slt, %max3A_2051, %min3A_2005 : vector<256x128xi32>
    %min3A_2055 = arith.minsi %max3A_2051, %min3A_2005 : vector<256x128xi32>
    %max3A_2056 = arith.maxsi %max3A_2051, %min3A_2005 : vector<256x128xi32>
    %select_n3A_2057 = arith.select %lt3A_2054, %select_n3A_2053, %select_n3A_2007 : vector<256x128xi1>, vector<256x128xi32>
    %select_n3A_2058 = arith.select %lt3A_2054, %select_n3A_2007, %select_n3A_2053 : vector<256x128xi1>, vector<256x128xi32>
    %lt3A_2059 = arith.cmpi slt, %max3A_2056, %min3A_2010 : vector<256x128xi32>
    %min3A_2060 = arith.minsi %max3A_2056, %min3A_2010 : vector<256x128xi32>
    %max3A_2061 = arith.maxsi %max3A_2056, %min3A_2010 : vector<256x128xi32>
    %select_n3A_2062 = arith.select %lt3A_2059, %select_n3A_2058, %select_n3A_2012 : vector<256x128xi1>, vector<256x128xi32>
    %select_n3A_2063 = arith.select %lt3A_2059, %select_n3A_2012, %select_n3A_2058 : vector<256x128xi1>, vector<256x128xi32>
    %lt3A_2064 = arith.cmpi slt, %max3A_2061, %min3A_2015 : vector<256x128xi32>
    %min3A_2065 = arith.minsi %max3A_2061, %min3A_2015 : vector<256x128xi32>
    %max3A_2066 = arith.maxsi %max3A_2061, %min3A_2015 : vector<256x128xi32>
    %select_n3A_2067 = arith.select %lt3A_2064, %select_n3A_2063, %select_n3A_2017 : vector<256x128xi1>, vector<256x128xi32>
    %select_n3A_2068 = arith.select %lt3A_2064, %select_n3A_2017, %select_n3A_2063 : vector<256x128xi1>, vector<256x128xi32>
    %lt3A_2069 = arith.cmpi slt, %max3A_2066, %min3A_2020 : vector<256x128xi32>
    %min3A_2070 = arith.minsi %max3A_2066, %min3A_2020 : vector<256x128xi32>
    %max3A_2071 = arith.maxsi %max3A_2066, %min3A_2020 : vector<256x128xi32>
    %select_n3A_2072 = arith.select %lt3A_2069, %select_n3A_2068, %select_n3A_2022 : vector<256x128xi1>, vector<256x128xi32>
    %select_n3A_2073 = arith.select %lt3A_2069, %select_n3A_2022, %select_n3A_2068 : vector<256x128xi1>, vector<256x128xi32>
    %lt3A_2074 = arith.cmpi slt, %max3A_2071, %min3A_2025 : vector<256x128xi32>
    %min3A_2075 = arith.minsi %max3A_2071, %min3A_2025 : vector<256x128xi32>
    %select_n3A_2076 = arith.select %lt3A_2074, %select_n3A_2073, %select_n3A_2026 : vector<256x128xi1>, vector<256x128xi32>
    %slice3A_2077 = vector.extract_strided_slice %convert_element_type3A {offsets = [0, 5248], sizes = [3, 128], strides = [1, 1]} : vector<3x8192xbf16> to vector<3x128xbf16>
    %dot_general3A_2078 = arith.constant dense<0.000000e+00> : vector<256x128xf32>
    %dot_general3A_2079 = tpu.matmul %convert_element_type3A_9, %slice3A_2077, %dot_general3A_2078 {dimension_numbers = #tpu.dot_dimension_numbers<[1], [0], [0], [1], [0, 0, 1, 1], [], []>, transpose_lhs_hint = false} : vector<256x3xbf16>, vector<3x128xbf16>, vector<256x128xf32> -> vector<256x128xf32>
    %slice3A_2080 = vector.extract_strided_slice %broadcast_in_dim3A {offsets = [0, 5248], sizes = [1, 128], strides = [1, 1]} : vector<1x8192xf32> to vector<1x128xf32>
    %add3A_2081 = vector.broadcast %broadcast_in_dim3A_14 : vector<256x1xf32> to vector<256x128xf32>
    %add3A_2082 = vector.broadcast %slice3A_2080 : vector<1x128xf32> to vector<256x128xf32>
    %add3A_2083 = arith.addf %add3A_2081, %add3A_2082 : vector<256x128xf32>
    %mul3A_2084 = arith.constant 2.000000e+00 : f32
    %mul3A_2085 = vector.broadcast %mul3A_2084 : f32 to vector<256x128xf32>
    %mul3A_2086 = arith.mulf %mul3A_2085, %dot_general3A_2079 : vector<256x128xf32>
    %sub3A_2087 = arith.subf %add3A_2083, %mul3A_2086 : vector<256x128xf32>
    %bitcast_convert_type3A_2088 = tpu.bitcast %sub3A_2087 : vector<256x128xf32> -> vector<256x128xi32>
    %shift_right_arithmetic3A_2089 = arith.constant 31 : i32
    %shift_right_arithmetic3A_2090 = vector.broadcast %shift_right_arithmetic3A_2089 : i32 to vector<256x128xi32>
    %shift_right_arithmetic3A_2091 = arith.shrsi %bitcast_convert_type3A_2088, %shift_right_arithmetic3A_2090 : vector<256x128xi32>
    %and3A_2092 = arith.constant 2147483647 : i32
    %and3A_2093 = vector.broadcast %and3A_2092 : i32 to vector<256x128xi32>
    %and3A_2094 = arith.andi %shift_right_arithmetic3A_2091, %and3A_2093 : vector<256x128xi32>
    %xor3A_2095 = arith.xori %bitcast_convert_type3A_2088, %and3A_2094 : vector<256x128xi32>
    %add3A_2096 = arith.constant 5248 : i32
    %add3A_2097 = vector.broadcast %add3A_2096 : i32 to vector<256x128xi32>
    %add3A_2098 = arith.addi %iota3A, %add3A_2097 : vector<256x128xi32>
    %lt3A_2099 = arith.cmpi slt, %xor3A_2095, %min3A_2050 : vector<256x128xi32>
    %min3A_2100 = arith.minsi %xor3A_2095, %min3A_2050 : vector<256x128xi32>
    %max3A_2101 = arith.maxsi %xor3A_2095, %min3A_2050 : vector<256x128xi32>
    %select_n3A_2102 = arith.select %lt3A_2099, %add3A_2098, %select_n3A_2052 : vector<256x128xi1>, vector<256x128xi32>
    %select_n3A_2103 = arith.select %lt3A_2099, %select_n3A_2052, %add3A_2098 : vector<256x128xi1>, vector<256x128xi32>
    %lt3A_2104 = arith.cmpi slt, %max3A_2101, %min3A_2055 : vector<256x128xi32>
    %min3A_2105 = arith.minsi %max3A_2101, %min3A_2055 : vector<256x128xi32>
    %max3A_2106 = arith.maxsi %max3A_2101, %min3A_2055 : vector<256x128xi32>
    %select_n3A_2107 = arith.select %lt3A_2104, %select_n3A_2103, %select_n3A_2057 : vector<256x128xi1>, vector<256x128xi32>
    %select_n3A_2108 = arith.select %lt3A_2104, %select_n3A_2057, %select_n3A_2103 : vector<256x128xi1>, vector<256x128xi32>
    %lt3A_2109 = arith.cmpi slt, %max3A_2106, %min3A_2060 : vector<256x128xi32>
    %min3A_2110 = arith.minsi %max3A_2106, %min3A_2060 : vector<256x128xi32>
    %max3A_2111 = arith.maxsi %max3A_2106, %min3A_2060 : vector<256x128xi32>
    %select_n3A_2112 = arith.select %lt3A_2109, %select_n3A_2108, %select_n3A_2062 : vector<256x128xi1>, vector<256x128xi32>
    %select_n3A_2113 = arith.select %lt3A_2109, %select_n3A_2062, %select_n3A_2108 : vector<256x128xi1>, vector<256x128xi32>
    %lt3A_2114 = arith.cmpi slt, %max3A_2111, %min3A_2065 : vector<256x128xi32>
    %min3A_2115 = arith.minsi %max3A_2111, %min3A_2065 : vector<256x128xi32>
    %max3A_2116 = arith.maxsi %max3A_2111, %min3A_2065 : vector<256x128xi32>
    %select_n3A_2117 = arith.select %lt3A_2114, %select_n3A_2113, %select_n3A_2067 : vector<256x128xi1>, vector<256x128xi32>
    %select_n3A_2118 = arith.select %lt3A_2114, %select_n3A_2067, %select_n3A_2113 : vector<256x128xi1>, vector<256x128xi32>
    %lt3A_2119 = arith.cmpi slt, %max3A_2116, %min3A_2070 : vector<256x128xi32>
    %min3A_2120 = arith.minsi %max3A_2116, %min3A_2070 : vector<256x128xi32>
    %max3A_2121 = arith.maxsi %max3A_2116, %min3A_2070 : vector<256x128xi32>
    %select_n3A_2122 = arith.select %lt3A_2119, %select_n3A_2118, %select_n3A_2072 : vector<256x128xi1>, vector<256x128xi32>
    %select_n3A_2123 = arith.select %lt3A_2119, %select_n3A_2072, %select_n3A_2118 : vector<256x128xi1>, vector<256x128xi32>
    %lt3A_2124 = arith.cmpi slt, %max3A_2121, %min3A_2075 : vector<256x128xi32>
    %min3A_2125 = arith.minsi %max3A_2121, %min3A_2075 : vector<256x128xi32>
    %select_n3A_2126 = arith.select %lt3A_2124, %select_n3A_2123, %select_n3A_2076 : vector<256x128xi1>, vector<256x128xi32>
    %slice3A_2127 = vector.extract_strided_slice %convert_element_type3A {offsets = [0, 5376], sizes = [3, 128], strides = [1, 1]} : vector<3x8192xbf16> to vector<3x128xbf16>
    %dot_general3A_2128 = arith.constant dense<0.000000e+00> : vector<256x128xf32>
    %dot_general3A_2129 = tpu.matmul %convert_element_type3A_9, %slice3A_2127, %dot_general3A_2128 {dimension_numbers = #tpu.dot_dimension_numbers<[1], [0], [0], [1], [0, 0, 1, 1], [], []>, transpose_lhs_hint = false} : vector<256x3xbf16>, vector<3x128xbf16>, vector<256x128xf32> -> vector<256x128xf32>
    %slice3A_2130 = vector.extract_strided_slice %broadcast_in_dim3A {offsets = [0, 5376], sizes = [1, 128], strides = [1, 1]} : vector<1x8192xf32> to vector<1x128xf32>
    %add3A_2131 = vector.broadcast %broadcast_in_dim3A_14 : vector<256x1xf32> to vector<256x128xf32>
    %add3A_2132 = vector.broadcast %slice3A_2130 : vector<1x128xf32> to vector<256x128xf32>
    %add3A_2133 = arith.addf %add3A_2131, %add3A_2132 : vector<256x128xf32>
    %mul3A_2134 = arith.constant 2.000000e+00 : f32
    %mul3A_2135 = vector.broadcast %mul3A_2134 : f32 to vector<256x128xf32>
    %mul3A_2136 = arith.mulf %mul3A_2135, %dot_general3A_2129 : vector<256x128xf32>
    %sub3A_2137 = arith.subf %add3A_2133, %mul3A_2136 : vector<256x128xf32>
    %bitcast_convert_type3A_2138 = tpu.bitcast %sub3A_2137 : vector<256x128xf32> -> vector<256x128xi32>
    %shift_right_arithmetic3A_2139 = arith.constant 31 : i32
    %shift_right_arithmetic3A_2140 = vector.broadcast %shift_right_arithmetic3A_2139 : i32 to vector<256x128xi32>
    %shift_right_arithmetic3A_2141 = arith.shrsi %bitcast_convert_type3A_2138, %shift_right_arithmetic3A_2140 : vector<256x128xi32>
    %and3A_2142 = arith.constant 2147483647 : i32
    %and3A_2143 = vector.broadcast %and3A_2142 : i32 to vector<256x128xi32>
    %and3A_2144 = arith.andi %shift_right_arithmetic3A_2141, %and3A_2143 : vector<256x128xi32>
    %xor3A_2145 = arith.xori %bitcast_convert_type3A_2138, %and3A_2144 : vector<256x128xi32>
    %add3A_2146 = arith.constant 5376 : i32
    %add3A_2147 = vector.broadcast %add3A_2146 : i32 to vector<256x128xi32>
    %add3A_2148 = arith.addi %iota3A, %add3A_2147 : vector<256x128xi32>
    %lt3A_2149 = arith.cmpi slt, %xor3A_2145, %min3A_2100 : vector<256x128xi32>
    %min3A_2150 = arith.minsi %xor3A_2145, %min3A_2100 : vector<256x128xi32>
    %max3A_2151 = arith.maxsi %xor3A_2145, %min3A_2100 : vector<256x128xi32>
    %select_n3A_2152 = arith.select %lt3A_2149, %add3A_2148, %select_n3A_2102 : vector<256x128xi1>, vector<256x128xi32>
    %select_n3A_2153 = arith.select %lt3A_2149, %select_n3A_2102, %add3A_2148 : vector<256x128xi1>, vector<256x128xi32>
    %lt3A_2154 = arith.cmpi slt, %max3A_2151, %min3A_2105 : vector<256x128xi32>
    %min3A_2155 = arith.minsi %max3A_2151, %min3A_2105 : vector<256x128xi32>
    %max3A_2156 = arith.maxsi %max3A_2151, %min3A_2105 : vector<256x128xi32>
    %select_n3A_2157 = arith.select %lt3A_2154, %select_n3A_2153, %select_n3A_2107 : vector<256x128xi1>, vector<256x128xi32>
    %select_n3A_2158 = arith.select %lt3A_2154, %select_n3A_2107, %select_n3A_2153 : vector<256x128xi1>, vector<256x128xi32>
    %lt3A_2159 = arith.cmpi slt, %max3A_2156, %min3A_2110 : vector<256x128xi32>
    %min3A_2160 = arith.minsi %max3A_2156, %min3A_2110 : vector<256x128xi32>
    %max3A_2161 = arith.maxsi %max3A_2156, %min3A_2110 : vector<256x128xi32>
    %select_n3A_2162 = arith.select %lt3A_2159, %select_n3A_2158, %select_n3A_2112 : vector<256x128xi1>, vector<256x128xi32>
    %select_n3A_2163 = arith.select %lt3A_2159, %select_n3A_2112, %select_n3A_2158 : vector<256x128xi1>, vector<256x128xi32>
    %lt3A_2164 = arith.cmpi slt, %max3A_2161, %min3A_2115 : vector<256x128xi32>
    %min3A_2165 = arith.minsi %max3A_2161, %min3A_2115 : vector<256x128xi32>
    %max3A_2166 = arith.maxsi %max3A_2161, %min3A_2115 : vector<256x128xi32>
    %select_n3A_2167 = arith.select %lt3A_2164, %select_n3A_2163, %select_n3A_2117 : vector<256x128xi1>, vector<256x128xi32>
    %select_n3A_2168 = arith.select %lt3A_2164, %select_n3A_2117, %select_n3A_2163 : vector<256x128xi1>, vector<256x128xi32>
    %lt3A_2169 = arith.cmpi slt, %max3A_2166, %min3A_2120 : vector<256x128xi32>
    %min3A_2170 = arith.minsi %max3A_2166, %min3A_2120 : vector<256x128xi32>
    %max3A_2171 = arith.maxsi %max3A_2166, %min3A_2120 : vector<256x128xi32>
    %select_n3A_2172 = arith.select %lt3A_2169, %select_n3A_2168, %select_n3A_2122 : vector<256x128xi1>, vector<256x128xi32>
    %select_n3A_2173 = arith.select %lt3A_2169, %select_n3A_2122, %select_n3A_2168 : vector<256x128xi1>, vector<256x128xi32>
    %lt3A_2174 = arith.cmpi slt, %max3A_2171, %min3A_2125 : vector<256x128xi32>
    %min3A_2175 = arith.minsi %max3A_2171, %min3A_2125 : vector<256x128xi32>
    %select_n3A_2176 = arith.select %lt3A_2174, %select_n3A_2173, %select_n3A_2126 : vector<256x128xi1>, vector<256x128xi32>
    %slice3A_2177 = vector.extract_strided_slice %convert_element_type3A {offsets = [0, 5504], sizes = [3, 128], strides = [1, 1]} : vector<3x8192xbf16> to vector<3x128xbf16>
    %dot_general3A_2178 = arith.constant dense<0.000000e+00> : vector<256x128xf32>
    %dot_general3A_2179 = tpu.matmul %convert_element_type3A_9, %slice3A_2177, %dot_general3A_2178 {dimension_numbers = #tpu.dot_dimension_numbers<[1], [0], [0], [1], [0, 0, 1, 1], [], []>, transpose_lhs_hint = false} : vector<256x3xbf16>, vector<3x128xbf16>, vector<256x128xf32> -> vector<256x128xf32>
    %slice3A_2180 = vector.extract_strided_slice %broadcast_in_dim3A {offsets = [0, 5504], sizes = [1, 128], strides = [1, 1]} : vector<1x8192xf32> to vector<1x128xf32>
    %add3A_2181 = vector.broadcast %broadcast_in_dim3A_14 : vector<256x1xf32> to vector<256x128xf32>
    %add3A_2182 = vector.broadcast %slice3A_2180 : vector<1x128xf32> to vector<256x128xf32>
    %add3A_2183 = arith.addf %add3A_2181, %add3A_2182 : vector<256x128xf32>
    %mul3A_2184 = arith.constant 2.000000e+00 : f32
    %mul3A_2185 = vector.broadcast %mul3A_2184 : f32 to vector<256x128xf32>
    %mul3A_2186 = arith.mulf %mul3A_2185, %dot_general3A_2179 : vector<256x128xf32>
    %sub3A_2187 = arith.subf %add3A_2183, %mul3A_2186 : vector<256x128xf32>
    %bitcast_convert_type3A_2188 = tpu.bitcast %sub3A_2187 : vector<256x128xf32> -> vector<256x128xi32>
    %shift_right_arithmetic3A_2189 = arith.constant 31 : i32
    %shift_right_arithmetic3A_2190 = vector.broadcast %shift_right_arithmetic3A_2189 : i32 to vector<256x128xi32>
    %shift_right_arithmetic3A_2191 = arith.shrsi %bitcast_convert_type3A_2188, %shift_right_arithmetic3A_2190 : vector<256x128xi32>
    %and3A_2192 = arith.constant 2147483647 : i32
    %and3A_2193 = vector.broadcast %and3A_2192 : i32 to vector<256x128xi32>
    %and3A_2194 = arith.andi %shift_right_arithmetic3A_2191, %and3A_2193 : vector<256x128xi32>
    %xor3A_2195 = arith.xori %bitcast_convert_type3A_2188, %and3A_2194 : vector<256x128xi32>
    %add3A_2196 = arith.constant 5504 : i32
    %add3A_2197 = vector.broadcast %add3A_2196 : i32 to vector<256x128xi32>
    %add3A_2198 = arith.addi %iota3A, %add3A_2197 : vector<256x128xi32>
    %lt3A_2199 = arith.cmpi slt, %xor3A_2195, %min3A_2150 : vector<256x128xi32>
    %min3A_2200 = arith.minsi %xor3A_2195, %min3A_2150 : vector<256x128xi32>
    %max3A_2201 = arith.maxsi %xor3A_2195, %min3A_2150 : vector<256x128xi32>
    %select_n3A_2202 = arith.select %lt3A_2199, %add3A_2198, %select_n3A_2152 : vector<256x128xi1>, vector<256x128xi32>
    %select_n3A_2203 = arith.select %lt3A_2199, %select_n3A_2152, %add3A_2198 : vector<256x128xi1>, vector<256x128xi32>
    %lt3A_2204 = arith.cmpi slt, %max3A_2201, %min3A_2155 : vector<256x128xi32>
    %min3A_2205 = arith.minsi %max3A_2201, %min3A_2155 : vector<256x128xi32>
    %max3A_2206 = arith.maxsi %max3A_2201, %min3A_2155 : vector<256x128xi32>
    %select_n3A_2207 = arith.select %lt3A_2204, %select_n3A_2203, %select_n3A_2157 : vector<256x128xi1>, vector<256x128xi32>
    %select_n3A_2208 = arith.select %lt3A_2204, %select_n3A_2157, %select_n3A_2203 : vector<256x128xi1>, vector<256x128xi32>
    %lt3A_2209 = arith.cmpi slt, %max3A_2206, %min3A_2160 : vector<256x128xi32>
    %min3A_2210 = arith.minsi %max3A_2206, %min3A_2160 : vector<256x128xi32>
    %max3A_2211 = arith.maxsi %max3A_2206, %min3A_2160 : vector<256x128xi32>
    %select_n3A_2212 = arith.select %lt3A_2209, %select_n3A_2208, %select_n3A_2162 : vector<256x128xi1>, vector<256x128xi32>
    %select_n3A_2213 = arith.select %lt3A_2209, %select_n3A_2162, %select_n3A_2208 : vector<256x128xi1>, vector<256x128xi32>
    %lt3A_2214 = arith.cmpi slt, %max3A_2211, %min3A_2165 : vector<256x128xi32>
    %min3A_2215 = arith.minsi %max3A_2211, %min3A_2165 : vector<256x128xi32>
    %max3A_2216 = arith.maxsi %max3A_2211, %min3A_2165 : vector<256x128xi32>
    %select_n3A_2217 = arith.select %lt3A_2214, %select_n3A_2213, %select_n3A_2167 : vector<256x128xi1>, vector<256x128xi32>
    %select_n3A_2218 = arith.select %lt3A_2214, %select_n3A_2167, %select_n3A_2213 : vector<256x128xi1>, vector<256x128xi32>
    %lt3A_2219 = arith.cmpi slt, %max3A_2216, %min3A_2170 : vector<256x128xi32>
    %min3A_2220 = arith.minsi %max3A_2216, %min3A_2170 : vector<256x128xi32>
    %max3A_2221 = arith.maxsi %max3A_2216, %min3A_2170 : vector<256x128xi32>
    %select_n3A_2222 = arith.select %lt3A_2219, %select_n3A_2218, %select_n3A_2172 : vector<256x128xi1>, vector<256x128xi32>
    %select_n3A_2223 = arith.select %lt3A_2219, %select_n3A_2172, %select_n3A_2218 : vector<256x128xi1>, vector<256x128xi32>
    %lt3A_2224 = arith.cmpi slt, %max3A_2221, %min3A_2175 : vector<256x128xi32>
    %min3A_2225 = arith.minsi %max3A_2221, %min3A_2175 : vector<256x128xi32>
    %select_n3A_2226 = arith.select %lt3A_2224, %select_n3A_2223, %select_n3A_2176 : vector<256x128xi1>, vector<256x128xi32>
    %slice3A_2227 = vector.extract_strided_slice %convert_element_type3A {offsets = [0, 5632], sizes = [3, 128], strides = [1, 1]} : vector<3x8192xbf16> to vector<3x128xbf16>
    %dot_general3A_2228 = arith.constant dense<0.000000e+00> : vector<256x128xf32>
    %dot_general3A_2229 = tpu.matmul %convert_element_type3A_9, %slice3A_2227, %dot_general3A_2228 {dimension_numbers = #tpu.dot_dimension_numbers<[1], [0], [0], [1], [0, 0, 1, 1], [], []>, transpose_lhs_hint = false} : vector<256x3xbf16>, vector<3x128xbf16>, vector<256x128xf32> -> vector<256x128xf32>
    %slice3A_2230 = vector.extract_strided_slice %broadcast_in_dim3A {offsets = [0, 5632], sizes = [1, 128], strides = [1, 1]} : vector<1x8192xf32> to vector<1x128xf32>
    %add3A_2231 = vector.broadcast %broadcast_in_dim3A_14 : vector<256x1xf32> to vector<256x128xf32>
    %add3A_2232 = vector.broadcast %slice3A_2230 : vector<1x128xf32> to vector<256x128xf32>
    %add3A_2233 = arith.addf %add3A_2231, %add3A_2232 : vector<256x128xf32>
    %mul3A_2234 = arith.constant 2.000000e+00 : f32
    %mul3A_2235 = vector.broadcast %mul3A_2234 : f32 to vector<256x128xf32>
    %mul3A_2236 = arith.mulf %mul3A_2235, %dot_general3A_2229 : vector<256x128xf32>
    %sub3A_2237 = arith.subf %add3A_2233, %mul3A_2236 : vector<256x128xf32>
    %bitcast_convert_type3A_2238 = tpu.bitcast %sub3A_2237 : vector<256x128xf32> -> vector<256x128xi32>
    %shift_right_arithmetic3A_2239 = arith.constant 31 : i32
    %shift_right_arithmetic3A_2240 = vector.broadcast %shift_right_arithmetic3A_2239 : i32 to vector<256x128xi32>
    %shift_right_arithmetic3A_2241 = arith.shrsi %bitcast_convert_type3A_2238, %shift_right_arithmetic3A_2240 : vector<256x128xi32>
    %and3A_2242 = arith.constant 2147483647 : i32
    %and3A_2243 = vector.broadcast %and3A_2242 : i32 to vector<256x128xi32>
    %and3A_2244 = arith.andi %shift_right_arithmetic3A_2241, %and3A_2243 : vector<256x128xi32>
    %xor3A_2245 = arith.xori %bitcast_convert_type3A_2238, %and3A_2244 : vector<256x128xi32>
    %add3A_2246 = arith.constant 5632 : i32
    %add3A_2247 = vector.broadcast %add3A_2246 : i32 to vector<256x128xi32>
    %add3A_2248 = arith.addi %iota3A, %add3A_2247 : vector<256x128xi32>
    %lt3A_2249 = arith.cmpi slt, %xor3A_2245, %min3A_2200 : vector<256x128xi32>
    %min3A_2250 = arith.minsi %xor3A_2245, %min3A_2200 : vector<256x128xi32>
    %max3A_2251 = arith.maxsi %xor3A_2245, %min3A_2200 : vector<256x128xi32>
    %select_n3A_2252 = arith.select %lt3A_2249, %add3A_2248, %select_n3A_2202 : vector<256x128xi1>, vector<256x128xi32>
    %select_n3A_2253 = arith.select %lt3A_2249, %select_n3A_2202, %add3A_2248 : vector<256x128xi1>, vector<256x128xi32>
    %lt3A_2254 = arith.cmpi slt, %max3A_2251, %min3A_2205 : vector<256x128xi32>
    %min3A_2255 = arith.minsi %max3A_2251, %min3A_2205 : vector<256x128xi32>
    %max3A_2256 = arith.maxsi %max3A_2251, %min3A_2205 : vector<256x128xi32>
    %select_n3A_2257 = arith.select %lt3A_2254, %select_n3A_2253, %select_n3A_2207 : vector<256x128xi1>, vector<256x128xi32>
    %select_n3A_2258 = arith.select %lt3A_2254, %select_n3A_2207, %select_n3A_2253 : vector<256x128xi1>, vector<256x128xi32>
    %lt3A_2259 = arith.cmpi slt, %max3A_2256, %min3A_2210 : vector<256x128xi32>
    %min3A_2260 = arith.minsi %max3A_2256, %min3A_2210 : vector<256x128xi32>
    %max3A_2261 = arith.maxsi %max3A_2256, %min3A_2210 : vector<256x128xi32>
    %select_n3A_2262 = arith.select %lt3A_2259, %select_n3A_2258, %select_n3A_2212 : vector<256x128xi1>, vector<256x128xi32>
    %select_n3A_2263 = arith.select %lt3A_2259, %select_n3A_2212, %select_n3A_2258 : vector<256x128xi1>, vector<256x128xi32>
    %lt3A_2264 = arith.cmpi slt, %max3A_2261, %min3A_2215 : vector<256x128xi32>
    %min3A_2265 = arith.minsi %max3A_2261, %min3A_2215 : vector<256x128xi32>
    %max3A_2266 = arith.maxsi %max3A_2261, %min3A_2215 : vector<256x128xi32>
    %select_n3A_2267 = arith.select %lt3A_2264, %select_n3A_2263, %select_n3A_2217 : vector<256x128xi1>, vector<256x128xi32>
    %select_n3A_2268 = arith.select %lt3A_2264, %select_n3A_2217, %select_n3A_2263 : vector<256x128xi1>, vector<256x128xi32>
    %lt3A_2269 = arith.cmpi slt, %max3A_2266, %min3A_2220 : vector<256x128xi32>
    %min3A_2270 = arith.minsi %max3A_2266, %min3A_2220 : vector<256x128xi32>
    %max3A_2271 = arith.maxsi %max3A_2266, %min3A_2220 : vector<256x128xi32>
    %select_n3A_2272 = arith.select %lt3A_2269, %select_n3A_2268, %select_n3A_2222 : vector<256x128xi1>, vector<256x128xi32>
    %select_n3A_2273 = arith.select %lt3A_2269, %select_n3A_2222, %select_n3A_2268 : vector<256x128xi1>, vector<256x128xi32>
    %lt3A_2274 = arith.cmpi slt, %max3A_2271, %min3A_2225 : vector<256x128xi32>
    %min3A_2275 = arith.minsi %max3A_2271, %min3A_2225 : vector<256x128xi32>
    %select_n3A_2276 = arith.select %lt3A_2274, %select_n3A_2273, %select_n3A_2226 : vector<256x128xi1>, vector<256x128xi32>
    %slice3A_2277 = vector.extract_strided_slice %convert_element_type3A {offsets = [0, 5760], sizes = [3, 128], strides = [1, 1]} : vector<3x8192xbf16> to vector<3x128xbf16>
    %dot_general3A_2278 = arith.constant dense<0.000000e+00> : vector<256x128xf32>
    %dot_general3A_2279 = tpu.matmul %convert_element_type3A_9, %slice3A_2277, %dot_general3A_2278 {dimension_numbers = #tpu.dot_dimension_numbers<[1], [0], [0], [1], [0, 0, 1, 1], [], []>, transpose_lhs_hint = false} : vector<256x3xbf16>, vector<3x128xbf16>, vector<256x128xf32> -> vector<256x128xf32>
    %slice3A_2280 = vector.extract_strided_slice %broadcast_in_dim3A {offsets = [0, 5760], sizes = [1, 128], strides = [1, 1]} : vector<1x8192xf32> to vector<1x128xf32>
    %add3A_2281 = vector.broadcast %broadcast_in_dim3A_14 : vector<256x1xf32> to vector<256x128xf32>
    %add3A_2282 = vector.broadcast %slice3A_2280 : vector<1x128xf32> to vector<256x128xf32>
    %add3A_2283 = arith.addf %add3A_2281, %add3A_2282 : vector<256x128xf32>
    %mul3A_2284 = arith.constant 2.000000e+00 : f32
    %mul3A_2285 = vector.broadcast %mul3A_2284 : f32 to vector<256x128xf32>
    %mul3A_2286 = arith.mulf %mul3A_2285, %dot_general3A_2279 : vector<256x128xf32>
    %sub3A_2287 = arith.subf %add3A_2283, %mul3A_2286 : vector<256x128xf32>
    %bitcast_convert_type3A_2288 = tpu.bitcast %sub3A_2287 : vector<256x128xf32> -> vector<256x128xi32>
    %shift_right_arithmetic3A_2289 = arith.constant 31 : i32
    %shift_right_arithmetic3A_2290 = vector.broadcast %shift_right_arithmetic3A_2289 : i32 to vector<256x128xi32>
    %shift_right_arithmetic3A_2291 = arith.shrsi %bitcast_convert_type3A_2288, %shift_right_arithmetic3A_2290 : vector<256x128xi32>
    %and3A_2292 = arith.constant 2147483647 : i32
    %and3A_2293 = vector.broadcast %and3A_2292 : i32 to vector<256x128xi32>
    %and3A_2294 = arith.andi %shift_right_arithmetic3A_2291, %and3A_2293 : vector<256x128xi32>
    %xor3A_2295 = arith.xori %bitcast_convert_type3A_2288, %and3A_2294 : vector<256x128xi32>
    %add3A_2296 = arith.constant 5760 : i32
    %add3A_2297 = vector.broadcast %add3A_2296 : i32 to vector<256x128xi32>
    %add3A_2298 = arith.addi %iota3A, %add3A_2297 : vector<256x128xi32>
    %lt3A_2299 = arith.cmpi slt, %xor3A_2295, %min3A_2250 : vector<256x128xi32>
    %min3A_2300 = arith.minsi %xor3A_2295, %min3A_2250 : vector<256x128xi32>
    %max3A_2301 = arith.maxsi %xor3A_2295, %min3A_2250 : vector<256x128xi32>
    %select_n3A_2302 = arith.select %lt3A_2299, %add3A_2298, %select_n3A_2252 : vector<256x128xi1>, vector<256x128xi32>
    %select_n3A_2303 = arith.select %lt3A_2299, %select_n3A_2252, %add3A_2298 : vector<256x128xi1>, vector<256x128xi32>
    %lt3A_2304 = arith.cmpi slt, %max3A_2301, %min3A_2255 : vector<256x128xi32>
    %min3A_2305 = arith.minsi %max3A_2301, %min3A_2255 : vector<256x128xi32>
    %max3A_2306 = arith.maxsi %max3A_2301, %min3A_2255 : vector<256x128xi32>
    %select_n3A_2307 = arith.select %lt3A_2304, %select_n3A_2303, %select_n3A_2257 : vector<256x128xi1>, vector<256x128xi32>
    %select_n3A_2308 = arith.select %lt3A_2304, %select_n3A_2257, %select_n3A_2303 : vector<256x128xi1>, vector<256x128xi32>
    %lt3A_2309 = arith.cmpi slt, %max3A_2306, %min3A_2260 : vector<256x128xi32>
    %min3A_2310 = arith.minsi %max3A_2306, %min3A_2260 : vector<256x128xi32>
    %max3A_2311 = arith.maxsi %max3A_2306, %min3A_2260 : vector<256x128xi32>
    %select_n3A_2312 = arith.select %lt3A_2309, %select_n3A_2308, %select_n3A_2262 : vector<256x128xi1>, vector<256x128xi32>
    %select_n3A_2313 = arith.select %lt3A_2309, %select_n3A_2262, %select_n3A_2308 : vector<256x128xi1>, vector<256x128xi32>
    %lt3A_2314 = arith.cmpi slt, %max3A_2311, %min3A_2265 : vector<256x128xi32>
    %min3A_2315 = arith.minsi %max3A_2311, %min3A_2265 : vector<256x128xi32>
    %max3A_2316 = arith.maxsi %max3A_2311, %min3A_2265 : vector<256x128xi32>
    %select_n3A_2317 = arith.select %lt3A_2314, %select_n3A_2313, %select_n3A_2267 : vector<256x128xi1>, vector<256x128xi32>
    %select_n3A_2318 = arith.select %lt3A_2314, %select_n3A_2267, %select_n3A_2313 : vector<256x128xi1>, vector<256x128xi32>
    %lt3A_2319 = arith.cmpi slt, %max3A_2316, %min3A_2270 : vector<256x128xi32>
    %min3A_2320 = arith.minsi %max3A_2316, %min3A_2270 : vector<256x128xi32>
    %max3A_2321 = arith.maxsi %max3A_2316, %min3A_2270 : vector<256x128xi32>
    %select_n3A_2322 = arith.select %lt3A_2319, %select_n3A_2318, %select_n3A_2272 : vector<256x128xi1>, vector<256x128xi32>
    %select_n3A_2323 = arith.select %lt3A_2319, %select_n3A_2272, %select_n3A_2318 : vector<256x128xi1>, vector<256x128xi32>
    %lt3A_2324 = arith.cmpi slt, %max3A_2321, %min3A_2275 : vector<256x128xi32>
    %min3A_2325 = arith.minsi %max3A_2321, %min3A_2275 : vector<256x128xi32>
    %select_n3A_2326 = arith.select %lt3A_2324, %select_n3A_2323, %select_n3A_2276 : vector<256x128xi1>, vector<256x128xi32>
    %slice3A_2327 = vector.extract_strided_slice %convert_element_type3A {offsets = [0, 5888], sizes = [3, 128], strides = [1, 1]} : vector<3x8192xbf16> to vector<3x128xbf16>
    %dot_general3A_2328 = arith.constant dense<0.000000e+00> : vector<256x128xf32>
    %dot_general3A_2329 = tpu.matmul %convert_element_type3A_9, %slice3A_2327, %dot_general3A_2328 {dimension_numbers = #tpu.dot_dimension_numbers<[1], [0], [0], [1], [0, 0, 1, 1], [], []>, transpose_lhs_hint = false} : vector<256x3xbf16>, vector<3x128xbf16>, vector<256x128xf32> -> vector<256x128xf32>
    %slice3A_2330 = vector.extract_strided_slice %broadcast_in_dim3A {offsets = [0, 5888], sizes = [1, 128], strides = [1, 1]} : vector<1x8192xf32> to vector<1x128xf32>
    %add3A_2331 = vector.broadcast %broadcast_in_dim3A_14 : vector<256x1xf32> to vector<256x128xf32>
    %add3A_2332 = vector.broadcast %slice3A_2330 : vector<1x128xf32> to vector<256x128xf32>
    %add3A_2333 = arith.addf %add3A_2331, %add3A_2332 : vector<256x128xf32>
    %mul3A_2334 = arith.constant 2.000000e+00 : f32
    %mul3A_2335 = vector.broadcast %mul3A_2334 : f32 to vector<256x128xf32>
    %mul3A_2336 = arith.mulf %mul3A_2335, %dot_general3A_2329 : vector<256x128xf32>
    %sub3A_2337 = arith.subf %add3A_2333, %mul3A_2336 : vector<256x128xf32>
    %bitcast_convert_type3A_2338 = tpu.bitcast %sub3A_2337 : vector<256x128xf32> -> vector<256x128xi32>
    %shift_right_arithmetic3A_2339 = arith.constant 31 : i32
    %shift_right_arithmetic3A_2340 = vector.broadcast %shift_right_arithmetic3A_2339 : i32 to vector<256x128xi32>
    %shift_right_arithmetic3A_2341 = arith.shrsi %bitcast_convert_type3A_2338, %shift_right_arithmetic3A_2340 : vector<256x128xi32>
    %and3A_2342 = arith.constant 2147483647 : i32
    %and3A_2343 = vector.broadcast %and3A_2342 : i32 to vector<256x128xi32>
    %and3A_2344 = arith.andi %shift_right_arithmetic3A_2341, %and3A_2343 : vector<256x128xi32>
    %xor3A_2345 = arith.xori %bitcast_convert_type3A_2338, %and3A_2344 : vector<256x128xi32>
    %add3A_2346 = arith.constant 5888 : i32
    %add3A_2347 = vector.broadcast %add3A_2346 : i32 to vector<256x128xi32>
    %add3A_2348 = arith.addi %iota3A, %add3A_2347 : vector<256x128xi32>
    %lt3A_2349 = arith.cmpi slt, %xor3A_2345, %min3A_2300 : vector<256x128xi32>
    %min3A_2350 = arith.minsi %xor3A_2345, %min3A_2300 : vector<256x128xi32>
    %max3A_2351 = arith.maxsi %xor3A_2345, %min3A_2300 : vector<256x128xi32>
    %select_n3A_2352 = arith.select %lt3A_2349, %add3A_2348, %select_n3A_2302 : vector<256x128xi1>, vector<256x128xi32>
    %select_n3A_2353 = arith.select %lt3A_2349, %select_n3A_2302, %add3A_2348 : vector<256x128xi1>, vector<256x128xi32>
    %lt3A_2354 = arith.cmpi slt, %max3A_2351, %min3A_2305 : vector<256x128xi32>
    %min3A_2355 = arith.minsi %max3A_2351, %min3A_2305 : vector<256x128xi32>
    %max3A_2356 = arith.maxsi %max3A_2351, %min3A_2305 : vector<256x128xi32>
    %select_n3A_2357 = arith.select %lt3A_2354, %select_n3A_2353, %select_n3A_2307 : vector<256x128xi1>, vector<256x128xi32>
    %select_n3A_2358 = arith.select %lt3A_2354, %select_n3A_2307, %select_n3A_2353 : vector<256x128xi1>, vector<256x128xi32>
    %lt3A_2359 = arith.cmpi slt, %max3A_2356, %min3A_2310 : vector<256x128xi32>
    %min3A_2360 = arith.minsi %max3A_2356, %min3A_2310 : vector<256x128xi32>
    %max3A_2361 = arith.maxsi %max3A_2356, %min3A_2310 : vector<256x128xi32>
    %select_n3A_2362 = arith.select %lt3A_2359, %select_n3A_2358, %select_n3A_2312 : vector<256x128xi1>, vector<256x128xi32>
    %select_n3A_2363 = arith.select %lt3A_2359, %select_n3A_2312, %select_n3A_2358 : vector<256x128xi1>, vector<256x128xi32>
    %lt3A_2364 = arith.cmpi slt, %max3A_2361, %min3A_2315 : vector<256x128xi32>
    %min3A_2365 = arith.minsi %max3A_2361, %min3A_2315 : vector<256x128xi32>
    %max3A_2366 = arith.maxsi %max3A_2361, %min3A_2315 : vector<256x128xi32>
    %select_n3A_2367 = arith.select %lt3A_2364, %select_n3A_2363, %select_n3A_2317 : vector<256x128xi1>, vector<256x128xi32>
    %select_n3A_2368 = arith.select %lt3A_2364, %select_n3A_2317, %select_n3A_2363 : vector<256x128xi1>, vector<256x128xi32>
    %lt3A_2369 = arith.cmpi slt, %max3A_2366, %min3A_2320 : vector<256x128xi32>
    %min3A_2370 = arith.minsi %max3A_2366, %min3A_2320 : vector<256x128xi32>
    %max3A_2371 = arith.maxsi %max3A_2366, %min3A_2320 : vector<256x128xi32>
    %select_n3A_2372 = arith.select %lt3A_2369, %select_n3A_2368, %select_n3A_2322 : vector<256x128xi1>, vector<256x128xi32>
    %select_n3A_2373 = arith.select %lt3A_2369, %select_n3A_2322, %select_n3A_2368 : vector<256x128xi1>, vector<256x128xi32>
    %lt3A_2374 = arith.cmpi slt, %max3A_2371, %min3A_2325 : vector<256x128xi32>
    %min3A_2375 = arith.minsi %max3A_2371, %min3A_2325 : vector<256x128xi32>
    %select_n3A_2376 = arith.select %lt3A_2374, %select_n3A_2373, %select_n3A_2326 : vector<256x128xi1>, vector<256x128xi32>
    %slice3A_2377 = vector.extract_strided_slice %convert_element_type3A {offsets = [0, 6016], sizes = [3, 128], strides = [1, 1]} : vector<3x8192xbf16> to vector<3x128xbf16>
    %dot_general3A_2378 = arith.constant dense<0.000000e+00> : vector<256x128xf32>
    %dot_general3A_2379 = tpu.matmul %convert_element_type3A_9, %slice3A_2377, %dot_general3A_2378 {dimension_numbers = #tpu.dot_dimension_numbers<[1], [0], [0], [1], [0, 0, 1, 1], [], []>, transpose_lhs_hint = false} : vector<256x3xbf16>, vector<3x128xbf16>, vector<256x128xf32> -> vector<256x128xf32>
    %slice3A_2380 = vector.extract_strided_slice %broadcast_in_dim3A {offsets = [0, 6016], sizes = [1, 128], strides = [1, 1]} : vector<1x8192xf32> to vector<1x128xf32>
    %add3A_2381 = vector.broadcast %broadcast_in_dim3A_14 : vector<256x1xf32> to vector<256x128xf32>
    %add3A_2382 = vector.broadcast %slice3A_2380 : vector<1x128xf32> to vector<256x128xf32>
    %add3A_2383 = arith.addf %add3A_2381, %add3A_2382 : vector<256x128xf32>
    %mul3A_2384 = arith.constant 2.000000e+00 : f32
    %mul3A_2385 = vector.broadcast %mul3A_2384 : f32 to vector<256x128xf32>
    %mul3A_2386 = arith.mulf %mul3A_2385, %dot_general3A_2379 : vector<256x128xf32>
    %sub3A_2387 = arith.subf %add3A_2383, %mul3A_2386 : vector<256x128xf32>
    %bitcast_convert_type3A_2388 = tpu.bitcast %sub3A_2387 : vector<256x128xf32> -> vector<256x128xi32>
    %shift_right_arithmetic3A_2389 = arith.constant 31 : i32
    %shift_right_arithmetic3A_2390 = vector.broadcast %shift_right_arithmetic3A_2389 : i32 to vector<256x128xi32>
    %shift_right_arithmetic3A_2391 = arith.shrsi %bitcast_convert_type3A_2388, %shift_right_arithmetic3A_2390 : vector<256x128xi32>
    %and3A_2392 = arith.constant 2147483647 : i32
    %and3A_2393 = vector.broadcast %and3A_2392 : i32 to vector<256x128xi32>
    %and3A_2394 = arith.andi %shift_right_arithmetic3A_2391, %and3A_2393 : vector<256x128xi32>
    %xor3A_2395 = arith.xori %bitcast_convert_type3A_2388, %and3A_2394 : vector<256x128xi32>
    %add3A_2396 = arith.constant 6016 : i32
    %add3A_2397 = vector.broadcast %add3A_2396 : i32 to vector<256x128xi32>
    %add3A_2398 = arith.addi %iota3A, %add3A_2397 : vector<256x128xi32>
    %lt3A_2399 = arith.cmpi slt, %xor3A_2395, %min3A_2350 : vector<256x128xi32>
    %min3A_2400 = arith.minsi %xor3A_2395, %min3A_2350 : vector<256x128xi32>
    %max3A_2401 = arith.maxsi %xor3A_2395, %min3A_2350 : vector<256x128xi32>
    %select_n3A_2402 = arith.select %lt3A_2399, %add3A_2398, %select_n3A_2352 : vector<256x128xi1>, vector<256x128xi32>
    %select_n3A_2403 = arith.select %lt3A_2399, %select_n3A_2352, %add3A_2398 : vector<256x128xi1>, vector<256x128xi32>
    %lt3A_2404 = arith.cmpi slt, %max3A_2401, %min3A_2355 : vector<256x128xi32>
    %min3A_2405 = arith.minsi %max3A_2401, %min3A_2355 : vector<256x128xi32>
    %max3A_2406 = arith.maxsi %max3A_2401, %min3A_2355 : vector<256x128xi32>
    %select_n3A_2407 = arith.select %lt3A_2404, %select_n3A_2403, %select_n3A_2357 : vector<256x128xi1>, vector<256x128xi32>
    %select_n3A_2408 = arith.select %lt3A_2404, %select_n3A_2357, %select_n3A_2403 : vector<256x128xi1>, vector<256x128xi32>
    %lt3A_2409 = arith.cmpi slt, %max3A_2406, %min3A_2360 : vector<256x128xi32>
    %min3A_2410 = arith.minsi %max3A_2406, %min3A_2360 : vector<256x128xi32>
    %max3A_2411 = arith.maxsi %max3A_2406, %min3A_2360 : vector<256x128xi32>
    %select_n3A_2412 = arith.select %lt3A_2409, %select_n3A_2408, %select_n3A_2362 : vector<256x128xi1>, vector<256x128xi32>
    %select_n3A_2413 = arith.select %lt3A_2409, %select_n3A_2362, %select_n3A_2408 : vector<256x128xi1>, vector<256x128xi32>
    %lt3A_2414 = arith.cmpi slt, %max3A_2411, %min3A_2365 : vector<256x128xi32>
    %min3A_2415 = arith.minsi %max3A_2411, %min3A_2365 : vector<256x128xi32>
    %max3A_2416 = arith.maxsi %max3A_2411, %min3A_2365 : vector<256x128xi32>
    %select_n3A_2417 = arith.select %lt3A_2414, %select_n3A_2413, %select_n3A_2367 : vector<256x128xi1>, vector<256x128xi32>
    %select_n3A_2418 = arith.select %lt3A_2414, %select_n3A_2367, %select_n3A_2413 : vector<256x128xi1>, vector<256x128xi32>
    %lt3A_2419 = arith.cmpi slt, %max3A_2416, %min3A_2370 : vector<256x128xi32>
    %min3A_2420 = arith.minsi %max3A_2416, %min3A_2370 : vector<256x128xi32>
    %max3A_2421 = arith.maxsi %max3A_2416, %min3A_2370 : vector<256x128xi32>
    %select_n3A_2422 = arith.select %lt3A_2419, %select_n3A_2418, %select_n3A_2372 : vector<256x128xi1>, vector<256x128xi32>
    %select_n3A_2423 = arith.select %lt3A_2419, %select_n3A_2372, %select_n3A_2418 : vector<256x128xi1>, vector<256x128xi32>
    %lt3A_2424 = arith.cmpi slt, %max3A_2421, %min3A_2375 : vector<256x128xi32>
    %min3A_2425 = arith.minsi %max3A_2421, %min3A_2375 : vector<256x128xi32>
    %select_n3A_2426 = arith.select %lt3A_2424, %select_n3A_2423, %select_n3A_2376 : vector<256x128xi1>, vector<256x128xi32>
    %slice3A_2427 = vector.extract_strided_slice %convert_element_type3A {offsets = [0, 6144], sizes = [3, 128], strides = [1, 1]} : vector<3x8192xbf16> to vector<3x128xbf16>
    %dot_general3A_2428 = arith.constant dense<0.000000e+00> : vector<256x128xf32>
    %dot_general3A_2429 = tpu.matmul %convert_element_type3A_9, %slice3A_2427, %dot_general3A_2428 {dimension_numbers = #tpu.dot_dimension_numbers<[1], [0], [0], [1], [0, 0, 1, 1], [], []>, transpose_lhs_hint = false} : vector<256x3xbf16>, vector<3x128xbf16>, vector<256x128xf32> -> vector<256x128xf32>
    %slice3A_2430 = vector.extract_strided_slice %broadcast_in_dim3A {offsets = [0, 6144], sizes = [1, 128], strides = [1, 1]} : vector<1x8192xf32> to vector<1x128xf32>
    %add3A_2431 = vector.broadcast %broadcast_in_dim3A_14 : vector<256x1xf32> to vector<256x128xf32>
    %add3A_2432 = vector.broadcast %slice3A_2430 : vector<1x128xf32> to vector<256x128xf32>
    %add3A_2433 = arith.addf %add3A_2431, %add3A_2432 : vector<256x128xf32>
    %mul3A_2434 = arith.constant 2.000000e+00 : f32
    %mul3A_2435 = vector.broadcast %mul3A_2434 : f32 to vector<256x128xf32>
    %mul3A_2436 = arith.mulf %mul3A_2435, %dot_general3A_2429 : vector<256x128xf32>
    %sub3A_2437 = arith.subf %add3A_2433, %mul3A_2436 : vector<256x128xf32>
    %bitcast_convert_type3A_2438 = tpu.bitcast %sub3A_2437 : vector<256x128xf32> -> vector<256x128xi32>
    %shift_right_arithmetic3A_2439 = arith.constant 31 : i32
    %shift_right_arithmetic3A_2440 = vector.broadcast %shift_right_arithmetic3A_2439 : i32 to vector<256x128xi32>
    %shift_right_arithmetic3A_2441 = arith.shrsi %bitcast_convert_type3A_2438, %shift_right_arithmetic3A_2440 : vector<256x128xi32>
    %and3A_2442 = arith.constant 2147483647 : i32
    %and3A_2443 = vector.broadcast %and3A_2442 : i32 to vector<256x128xi32>
    %and3A_2444 = arith.andi %shift_right_arithmetic3A_2441, %and3A_2443 : vector<256x128xi32>
    %xor3A_2445 = arith.xori %bitcast_convert_type3A_2438, %and3A_2444 : vector<256x128xi32>
    %add3A_2446 = arith.constant 6144 : i32
    %add3A_2447 = vector.broadcast %add3A_2446 : i32 to vector<256x128xi32>
    %add3A_2448 = arith.addi %iota3A, %add3A_2447 : vector<256x128xi32>
    %lt3A_2449 = arith.cmpi slt, %xor3A_2445, %min3A_2400 : vector<256x128xi32>
    %min3A_2450 = arith.minsi %xor3A_2445, %min3A_2400 : vector<256x128xi32>
    %max3A_2451 = arith.maxsi %xor3A_2445, %min3A_2400 : vector<256x128xi32>
    %select_n3A_2452 = arith.select %lt3A_2449, %add3A_2448, %select_n3A_2402 : vector<256x128xi1>, vector<256x128xi32>
    %select_n3A_2453 = arith.select %lt3A_2449, %select_n3A_2402, %add3A_2448 : vector<256x128xi1>, vector<256x128xi32>
    %lt3A_2454 = arith.cmpi slt, %max3A_2451, %min3A_2405 : vector<256x128xi32>
    %min3A_2455 = arith.minsi %max3A_2451, %min3A_2405 : vector<256x128xi32>
    %max3A_2456 = arith.maxsi %max3A_2451, %min3A_2405 : vector<256x128xi32>
    %select_n3A_2457 = arith.select %lt3A_2454, %select_n3A_2453, %select_n3A_2407 : vector<256x128xi1>, vector<256x128xi32>
    %select_n3A_2458 = arith.select %lt3A_2454, %select_n3A_2407, %select_n3A_2453 : vector<256x128xi1>, vector<256x128xi32>
    %lt3A_2459 = arith.cmpi slt, %max3A_2456, %min3A_2410 : vector<256x128xi32>
    %min3A_2460 = arith.minsi %max3A_2456, %min3A_2410 : vector<256x128xi32>
    %max3A_2461 = arith.maxsi %max3A_2456, %min3A_2410 : vector<256x128xi32>
    %select_n3A_2462 = arith.select %lt3A_2459, %select_n3A_2458, %select_n3A_2412 : vector<256x128xi1>, vector<256x128xi32>
    %select_n3A_2463 = arith.select %lt3A_2459, %select_n3A_2412, %select_n3A_2458 : vector<256x128xi1>, vector<256x128xi32>
    %lt3A_2464 = arith.cmpi slt, %max3A_2461, %min3A_2415 : vector<256x128xi32>
    %min3A_2465 = arith.minsi %max3A_2461, %min3A_2415 : vector<256x128xi32>
    %max3A_2466 = arith.maxsi %max3A_2461, %min3A_2415 : vector<256x128xi32>
    %select_n3A_2467 = arith.select %lt3A_2464, %select_n3A_2463, %select_n3A_2417 : vector<256x128xi1>, vector<256x128xi32>
    %select_n3A_2468 = arith.select %lt3A_2464, %select_n3A_2417, %select_n3A_2463 : vector<256x128xi1>, vector<256x128xi32>
    %lt3A_2469 = arith.cmpi slt, %max3A_2466, %min3A_2420 : vector<256x128xi32>
    %min3A_2470 = arith.minsi %max3A_2466, %min3A_2420 : vector<256x128xi32>
    %max3A_2471 = arith.maxsi %max3A_2466, %min3A_2420 : vector<256x128xi32>
    %select_n3A_2472 = arith.select %lt3A_2469, %select_n3A_2468, %select_n3A_2422 : vector<256x128xi1>, vector<256x128xi32>
    %select_n3A_2473 = arith.select %lt3A_2469, %select_n3A_2422, %select_n3A_2468 : vector<256x128xi1>, vector<256x128xi32>
    %lt3A_2474 = arith.cmpi slt, %max3A_2471, %min3A_2425 : vector<256x128xi32>
    %min3A_2475 = arith.minsi %max3A_2471, %min3A_2425 : vector<256x128xi32>
    %select_n3A_2476 = arith.select %lt3A_2474, %select_n3A_2473, %select_n3A_2426 : vector<256x128xi1>, vector<256x128xi32>
    %slice3A_2477 = vector.extract_strided_slice %convert_element_type3A {offsets = [0, 6272], sizes = [3, 128], strides = [1, 1]} : vector<3x8192xbf16> to vector<3x128xbf16>
    %dot_general3A_2478 = arith.constant dense<0.000000e+00> : vector<256x128xf32>
    %dot_general3A_2479 = tpu.matmul %convert_element_type3A_9, %slice3A_2477, %dot_general3A_2478 {dimension_numbers = #tpu.dot_dimension_numbers<[1], [0], [0], [1], [0, 0, 1, 1], [], []>, transpose_lhs_hint = false} : vector<256x3xbf16>, vector<3x128xbf16>, vector<256x128xf32> -> vector<256x128xf32>
    %slice3A_2480 = vector.extract_strided_slice %broadcast_in_dim3A {offsets = [0, 6272], sizes = [1, 128], strides = [1, 1]} : vector<1x8192xf32> to vector<1x128xf32>
    %add3A_2481 = vector.broadcast %broadcast_in_dim3A_14 : vector<256x1xf32> to vector<256x128xf32>
    %add3A_2482 = vector.broadcast %slice3A_2480 : vector<1x128xf32> to vector<256x128xf32>
    %add3A_2483 = arith.addf %add3A_2481, %add3A_2482 : vector<256x128xf32>
    %mul3A_2484 = arith.constant 2.000000e+00 : f32
    %mul3A_2485 = vector.broadcast %mul3A_2484 : f32 to vector<256x128xf32>
    %mul3A_2486 = arith.mulf %mul3A_2485, %dot_general3A_2479 : vector<256x128xf32>
    %sub3A_2487 = arith.subf %add3A_2483, %mul3A_2486 : vector<256x128xf32>
    %bitcast_convert_type3A_2488 = tpu.bitcast %sub3A_2487 : vector<256x128xf32> -> vector<256x128xi32>
    %shift_right_arithmetic3A_2489 = arith.constant 31 : i32
    %shift_right_arithmetic3A_2490 = vector.broadcast %shift_right_arithmetic3A_2489 : i32 to vector<256x128xi32>
    %shift_right_arithmetic3A_2491 = arith.shrsi %bitcast_convert_type3A_2488, %shift_right_arithmetic3A_2490 : vector<256x128xi32>
    %and3A_2492 = arith.constant 2147483647 : i32
    %and3A_2493 = vector.broadcast %and3A_2492 : i32 to vector<256x128xi32>
    %and3A_2494 = arith.andi %shift_right_arithmetic3A_2491, %and3A_2493 : vector<256x128xi32>
    %xor3A_2495 = arith.xori %bitcast_convert_type3A_2488, %and3A_2494 : vector<256x128xi32>
    %add3A_2496 = arith.constant 6272 : i32
    %add3A_2497 = vector.broadcast %add3A_2496 : i32 to vector<256x128xi32>
    %add3A_2498 = arith.addi %iota3A, %add3A_2497 : vector<256x128xi32>
    %lt3A_2499 = arith.cmpi slt, %xor3A_2495, %min3A_2450 : vector<256x128xi32>
    %min3A_2500 = arith.minsi %xor3A_2495, %min3A_2450 : vector<256x128xi32>
    %max3A_2501 = arith.maxsi %xor3A_2495, %min3A_2450 : vector<256x128xi32>
    %select_n3A_2502 = arith.select %lt3A_2499, %add3A_2498, %select_n3A_2452 : vector<256x128xi1>, vector<256x128xi32>
    %select_n3A_2503 = arith.select %lt3A_2499, %select_n3A_2452, %add3A_2498 : vector<256x128xi1>, vector<256x128xi32>
    %lt3A_2504 = arith.cmpi slt, %max3A_2501, %min3A_2455 : vector<256x128xi32>
    %min3A_2505 = arith.minsi %max3A_2501, %min3A_2455 : vector<256x128xi32>
    %max3A_2506 = arith.maxsi %max3A_2501, %min3A_2455 : vector<256x128xi32>
    %select_n3A_2507 = arith.select %lt3A_2504, %select_n3A_2503, %select_n3A_2457 : vector<256x128xi1>, vector<256x128xi32>
    %select_n3A_2508 = arith.select %lt3A_2504, %select_n3A_2457, %select_n3A_2503 : vector<256x128xi1>, vector<256x128xi32>
    %lt3A_2509 = arith.cmpi slt, %max3A_2506, %min3A_2460 : vector<256x128xi32>
    %min3A_2510 = arith.minsi %max3A_2506, %min3A_2460 : vector<256x128xi32>
    %max3A_2511 = arith.maxsi %max3A_2506, %min3A_2460 : vector<256x128xi32>
    %select_n3A_2512 = arith.select %lt3A_2509, %select_n3A_2508, %select_n3A_2462 : vector<256x128xi1>, vector<256x128xi32>
    %select_n3A_2513 = arith.select %lt3A_2509, %select_n3A_2462, %select_n3A_2508 : vector<256x128xi1>, vector<256x128xi32>
    %lt3A_2514 = arith.cmpi slt, %max3A_2511, %min3A_2465 : vector<256x128xi32>
    %min3A_2515 = arith.minsi %max3A_2511, %min3A_2465 : vector<256x128xi32>
    %max3A_2516 = arith.maxsi %max3A_2511, %min3A_2465 : vector<256x128xi32>
    %select_n3A_2517 = arith.select %lt3A_2514, %select_n3A_2513, %select_n3A_2467 : vector<256x128xi1>, vector<256x128xi32>
    %select_n3A_2518 = arith.select %lt3A_2514, %select_n3A_2467, %select_n3A_2513 : vector<256x128xi1>, vector<256x128xi32>
    %lt3A_2519 = arith.cmpi slt, %max3A_2516, %min3A_2470 : vector<256x128xi32>
    %min3A_2520 = arith.minsi %max3A_2516, %min3A_2470 : vector<256x128xi32>
    %max3A_2521 = arith.maxsi %max3A_2516, %min3A_2470 : vector<256x128xi32>
    %select_n3A_2522 = arith.select %lt3A_2519, %select_n3A_2518, %select_n3A_2472 : vector<256x128xi1>, vector<256x128xi32>
    %select_n3A_2523 = arith.select %lt3A_2519, %select_n3A_2472, %select_n3A_2518 : vector<256x128xi1>, vector<256x128xi32>
    %lt3A_2524 = arith.cmpi slt, %max3A_2521, %min3A_2475 : vector<256x128xi32>
    %min3A_2525 = arith.minsi %max3A_2521, %min3A_2475 : vector<256x128xi32>
    %select_n3A_2526 = arith.select %lt3A_2524, %select_n3A_2523, %select_n3A_2476 : vector<256x128xi1>, vector<256x128xi32>
    %slice3A_2527 = vector.extract_strided_slice %convert_element_type3A {offsets = [0, 6400], sizes = [3, 128], strides = [1, 1]} : vector<3x8192xbf16> to vector<3x128xbf16>
    %dot_general3A_2528 = arith.constant dense<0.000000e+00> : vector<256x128xf32>
    %dot_general3A_2529 = tpu.matmul %convert_element_type3A_9, %slice3A_2527, %dot_general3A_2528 {dimension_numbers = #tpu.dot_dimension_numbers<[1], [0], [0], [1], [0, 0, 1, 1], [], []>, transpose_lhs_hint = false} : vector<256x3xbf16>, vector<3x128xbf16>, vector<256x128xf32> -> vector<256x128xf32>
    %slice3A_2530 = vector.extract_strided_slice %broadcast_in_dim3A {offsets = [0, 6400], sizes = [1, 128], strides = [1, 1]} : vector<1x8192xf32> to vector<1x128xf32>
    %add3A_2531 = vector.broadcast %broadcast_in_dim3A_14 : vector<256x1xf32> to vector<256x128xf32>
    %add3A_2532 = vector.broadcast %slice3A_2530 : vector<1x128xf32> to vector<256x128xf32>
    %add3A_2533 = arith.addf %add3A_2531, %add3A_2532 : vector<256x128xf32>
    %mul3A_2534 = arith.constant 2.000000e+00 : f32
    %mul3A_2535 = vector.broadcast %mul3A_2534 : f32 to vector<256x128xf32>
    %mul3A_2536 = arith.mulf %mul3A_2535, %dot_general3A_2529 : vector<256x128xf32>
    %sub3A_2537 = arith.subf %add3A_2533, %mul3A_2536 : vector<256x128xf32>
    %bitcast_convert_type3A_2538 = tpu.bitcast %sub3A_2537 : vector<256x128xf32> -> vector<256x128xi32>
    %shift_right_arithmetic3A_2539 = arith.constant 31 : i32
    %shift_right_arithmetic3A_2540 = vector.broadcast %shift_right_arithmetic3A_2539 : i32 to vector<256x128xi32>
    %shift_right_arithmetic3A_2541 = arith.shrsi %bitcast_convert_type3A_2538, %shift_right_arithmetic3A_2540 : vector<256x128xi32>
    %and3A_2542 = arith.constant 2147483647 : i32
    %and3A_2543 = vector.broadcast %and3A_2542 : i32 to vector<256x128xi32>
    %and3A_2544 = arith.andi %shift_right_arithmetic3A_2541, %and3A_2543 : vector<256x128xi32>
    %xor3A_2545 = arith.xori %bitcast_convert_type3A_2538, %and3A_2544 : vector<256x128xi32>
    %add3A_2546 = arith.constant 6400 : i32
    %add3A_2547 = vector.broadcast %add3A_2546 : i32 to vector<256x128xi32>
    %add3A_2548 = arith.addi %iota3A, %add3A_2547 : vector<256x128xi32>
    %lt3A_2549 = arith.cmpi slt, %xor3A_2545, %min3A_2500 : vector<256x128xi32>
    %min3A_2550 = arith.minsi %xor3A_2545, %min3A_2500 : vector<256x128xi32>
    %max3A_2551 = arith.maxsi %xor3A_2545, %min3A_2500 : vector<256x128xi32>
    %select_n3A_2552 = arith.select %lt3A_2549, %add3A_2548, %select_n3A_2502 : vector<256x128xi1>, vector<256x128xi32>
    %select_n3A_2553 = arith.select %lt3A_2549, %select_n3A_2502, %add3A_2548 : vector<256x128xi1>, vector<256x128xi32>
    %lt3A_2554 = arith.cmpi slt, %max3A_2551, %min3A_2505 : vector<256x128xi32>
    %min3A_2555 = arith.minsi %max3A_2551, %min3A_2505 : vector<256x128xi32>
    %max3A_2556 = arith.maxsi %max3A_2551, %min3A_2505 : vector<256x128xi32>
    %select_n3A_2557 = arith.select %lt3A_2554, %select_n3A_2553, %select_n3A_2507 : vector<256x128xi1>, vector<256x128xi32>
    %select_n3A_2558 = arith.select %lt3A_2554, %select_n3A_2507, %select_n3A_2553 : vector<256x128xi1>, vector<256x128xi32>
    %lt3A_2559 = arith.cmpi slt, %max3A_2556, %min3A_2510 : vector<256x128xi32>
    %min3A_2560 = arith.minsi %max3A_2556, %min3A_2510 : vector<256x128xi32>
    %max3A_2561 = arith.maxsi %max3A_2556, %min3A_2510 : vector<256x128xi32>
    %select_n3A_2562 = arith.select %lt3A_2559, %select_n3A_2558, %select_n3A_2512 : vector<256x128xi1>, vector<256x128xi32>
    %select_n3A_2563 = arith.select %lt3A_2559, %select_n3A_2512, %select_n3A_2558 : vector<256x128xi1>, vector<256x128xi32>
    %lt3A_2564 = arith.cmpi slt, %max3A_2561, %min3A_2515 : vector<256x128xi32>
    %min3A_2565 = arith.minsi %max3A_2561, %min3A_2515 : vector<256x128xi32>
    %max3A_2566 = arith.maxsi %max3A_2561, %min3A_2515 : vector<256x128xi32>
    %select_n3A_2567 = arith.select %lt3A_2564, %select_n3A_2563, %select_n3A_2517 : vector<256x128xi1>, vector<256x128xi32>
    %select_n3A_2568 = arith.select %lt3A_2564, %select_n3A_2517, %select_n3A_2563 : vector<256x128xi1>, vector<256x128xi32>
    %lt3A_2569 = arith.cmpi slt, %max3A_2566, %min3A_2520 : vector<256x128xi32>
    %min3A_2570 = arith.minsi %max3A_2566, %min3A_2520 : vector<256x128xi32>
    %max3A_2571 = arith.maxsi %max3A_2566, %min3A_2520 : vector<256x128xi32>
    %select_n3A_2572 = arith.select %lt3A_2569, %select_n3A_2568, %select_n3A_2522 : vector<256x128xi1>, vector<256x128xi32>
    %select_n3A_2573 = arith.select %lt3A_2569, %select_n3A_2522, %select_n3A_2568 : vector<256x128xi1>, vector<256x128xi32>
    %lt3A_2574 = arith.cmpi slt, %max3A_2571, %min3A_2525 : vector<256x128xi32>
    %min3A_2575 = arith.minsi %max3A_2571, %min3A_2525 : vector<256x128xi32>
    %select_n3A_2576 = arith.select %lt3A_2574, %select_n3A_2573, %select_n3A_2526 : vector<256x128xi1>, vector<256x128xi32>
    %slice3A_2577 = vector.extract_strided_slice %convert_element_type3A {offsets = [0, 6528], sizes = [3, 128], strides = [1, 1]} : vector<3x8192xbf16> to vector<3x128xbf16>
    %dot_general3A_2578 = arith.constant dense<0.000000e+00> : vector<256x128xf32>
    %dot_general3A_2579 = tpu.matmul %convert_element_type3A_9, %slice3A_2577, %dot_general3A_2578 {dimension_numbers = #tpu.dot_dimension_numbers<[1], [0], [0], [1], [0, 0, 1, 1], [], []>, transpose_lhs_hint = false} : vector<256x3xbf16>, vector<3x128xbf16>, vector<256x128xf32> -> vector<256x128xf32>
    %slice3A_2580 = vector.extract_strided_slice %broadcast_in_dim3A {offsets = [0, 6528], sizes = [1, 128], strides = [1, 1]} : vector<1x8192xf32> to vector<1x128xf32>
    %add3A_2581 = vector.broadcast %broadcast_in_dim3A_14 : vector<256x1xf32> to vector<256x128xf32>
    %add3A_2582 = vector.broadcast %slice3A_2580 : vector<1x128xf32> to vector<256x128xf32>
    %add3A_2583 = arith.addf %add3A_2581, %add3A_2582 : vector<256x128xf32>
    %mul3A_2584 = arith.constant 2.000000e+00 : f32
    %mul3A_2585 = vector.broadcast %mul3A_2584 : f32 to vector<256x128xf32>
    %mul3A_2586 = arith.mulf %mul3A_2585, %dot_general3A_2579 : vector<256x128xf32>
    %sub3A_2587 = arith.subf %add3A_2583, %mul3A_2586 : vector<256x128xf32>
    %bitcast_convert_type3A_2588 = tpu.bitcast %sub3A_2587 : vector<256x128xf32> -> vector<256x128xi32>
    %shift_right_arithmetic3A_2589 = arith.constant 31 : i32
    %shift_right_arithmetic3A_2590 = vector.broadcast %shift_right_arithmetic3A_2589 : i32 to vector<256x128xi32>
    %shift_right_arithmetic3A_2591 = arith.shrsi %bitcast_convert_type3A_2588, %shift_right_arithmetic3A_2590 : vector<256x128xi32>
    %and3A_2592 = arith.constant 2147483647 : i32
    %and3A_2593 = vector.broadcast %and3A_2592 : i32 to vector<256x128xi32>
    %and3A_2594 = arith.andi %shift_right_arithmetic3A_2591, %and3A_2593 : vector<256x128xi32>
    %xor3A_2595 = arith.xori %bitcast_convert_type3A_2588, %and3A_2594 : vector<256x128xi32>
    %add3A_2596 = arith.constant 6528 : i32
    %add3A_2597 = vector.broadcast %add3A_2596 : i32 to vector<256x128xi32>
    %add3A_2598 = arith.addi %iota3A, %add3A_2597 : vector<256x128xi32>
    %lt3A_2599 = arith.cmpi slt, %xor3A_2595, %min3A_2550 : vector<256x128xi32>
    %min3A_2600 = arith.minsi %xor3A_2595, %min3A_2550 : vector<256x128xi32>
    %max3A_2601 = arith.maxsi %xor3A_2595, %min3A_2550 : vector<256x128xi32>
    %select_n3A_2602 = arith.select %lt3A_2599, %add3A_2598, %select_n3A_2552 : vector<256x128xi1>, vector<256x128xi32>
    %select_n3A_2603 = arith.select %lt3A_2599, %select_n3A_2552, %add3A_2598 : vector<256x128xi1>, vector<256x128xi32>
    %lt3A_2604 = arith.cmpi slt, %max3A_2601, %min3A_2555 : vector<256x128xi32>
    %min3A_2605 = arith.minsi %max3A_2601, %min3A_2555 : vector<256x128xi32>
    %max3A_2606 = arith.maxsi %max3A_2601, %min3A_2555 : vector<256x128xi32>
    %select_n3A_2607 = arith.select %lt3A_2604, %select_n3A_2603, %select_n3A_2557 : vector<256x128xi1>, vector<256x128xi32>
    %select_n3A_2608 = arith.select %lt3A_2604, %select_n3A_2557, %select_n3A_2603 : vector<256x128xi1>, vector<256x128xi32>
    %lt3A_2609 = arith.cmpi slt, %max3A_2606, %min3A_2560 : vector<256x128xi32>
    %min3A_2610 = arith.minsi %max3A_2606, %min3A_2560 : vector<256x128xi32>
    %max3A_2611 = arith.maxsi %max3A_2606, %min3A_2560 : vector<256x128xi32>
    %select_n3A_2612 = arith.select %lt3A_2609, %select_n3A_2608, %select_n3A_2562 : vector<256x128xi1>, vector<256x128xi32>
    %select_n3A_2613 = arith.select %lt3A_2609, %select_n3A_2562, %select_n3A_2608 : vector<256x128xi1>, vector<256x128xi32>
    %lt3A_2614 = arith.cmpi slt, %max3A_2611, %min3A_2565 : vector<256x128xi32>
    %min3A_2615 = arith.minsi %max3A_2611, %min3A_2565 : vector<256x128xi32>
    %max3A_2616 = arith.maxsi %max3A_2611, %min3A_2565 : vector<256x128xi32>
    %select_n3A_2617 = arith.select %lt3A_2614, %select_n3A_2613, %select_n3A_2567 : vector<256x128xi1>, vector<256x128xi32>
    %select_n3A_2618 = arith.select %lt3A_2614, %select_n3A_2567, %select_n3A_2613 : vector<256x128xi1>, vector<256x128xi32>
    %lt3A_2619 = arith.cmpi slt, %max3A_2616, %min3A_2570 : vector<256x128xi32>
    %min3A_2620 = arith.minsi %max3A_2616, %min3A_2570 : vector<256x128xi32>
    %max3A_2621 = arith.maxsi %max3A_2616, %min3A_2570 : vector<256x128xi32>
    %select_n3A_2622 = arith.select %lt3A_2619, %select_n3A_2618, %select_n3A_2572 : vector<256x128xi1>, vector<256x128xi32>
    %select_n3A_2623 = arith.select %lt3A_2619, %select_n3A_2572, %select_n3A_2618 : vector<256x128xi1>, vector<256x128xi32>
    %lt3A_2624 = arith.cmpi slt, %max3A_2621, %min3A_2575 : vector<256x128xi32>
    %min3A_2625 = arith.minsi %max3A_2621, %min3A_2575 : vector<256x128xi32>
    %select_n3A_2626 = arith.select %lt3A_2624, %select_n3A_2623, %select_n3A_2576 : vector<256x128xi1>, vector<256x128xi32>
    %slice3A_2627 = vector.extract_strided_slice %convert_element_type3A {offsets = [0, 6656], sizes = [3, 128], strides = [1, 1]} : vector<3x8192xbf16> to vector<3x128xbf16>
    %dot_general3A_2628 = arith.constant dense<0.000000e+00> : vector<256x128xf32>
    %dot_general3A_2629 = tpu.matmul %convert_element_type3A_9, %slice3A_2627, %dot_general3A_2628 {dimension_numbers = #tpu.dot_dimension_numbers<[1], [0], [0], [1], [0, 0, 1, 1], [], []>, transpose_lhs_hint = false} : vector<256x3xbf16>, vector<3x128xbf16>, vector<256x128xf32> -> vector<256x128xf32>
    %slice3A_2630 = vector.extract_strided_slice %broadcast_in_dim3A {offsets = [0, 6656], sizes = [1, 128], strides = [1, 1]} : vector<1x8192xf32> to vector<1x128xf32>
    %add3A_2631 = vector.broadcast %broadcast_in_dim3A_14 : vector<256x1xf32> to vector<256x128xf32>
    %add3A_2632 = vector.broadcast %slice3A_2630 : vector<1x128xf32> to vector<256x128xf32>
    %add3A_2633 = arith.addf %add3A_2631, %add3A_2632 : vector<256x128xf32>
    %mul3A_2634 = arith.constant 2.000000e+00 : f32
    %mul3A_2635 = vector.broadcast %mul3A_2634 : f32 to vector<256x128xf32>
    %mul3A_2636 = arith.mulf %mul3A_2635, %dot_general3A_2629 : vector<256x128xf32>
    %sub3A_2637 = arith.subf %add3A_2633, %mul3A_2636 : vector<256x128xf32>
    %bitcast_convert_type3A_2638 = tpu.bitcast %sub3A_2637 : vector<256x128xf32> -> vector<256x128xi32>
    %shift_right_arithmetic3A_2639 = arith.constant 31 : i32
    %shift_right_arithmetic3A_2640 = vector.broadcast %shift_right_arithmetic3A_2639 : i32 to vector<256x128xi32>
    %shift_right_arithmetic3A_2641 = arith.shrsi %bitcast_convert_type3A_2638, %shift_right_arithmetic3A_2640 : vector<256x128xi32>
    %and3A_2642 = arith.constant 2147483647 : i32
    %and3A_2643 = vector.broadcast %and3A_2642 : i32 to vector<256x128xi32>
    %and3A_2644 = arith.andi %shift_right_arithmetic3A_2641, %and3A_2643 : vector<256x128xi32>
    %xor3A_2645 = arith.xori %bitcast_convert_type3A_2638, %and3A_2644 : vector<256x128xi32>
    %add3A_2646 = arith.constant 6656 : i32
    %add3A_2647 = vector.broadcast %add3A_2646 : i32 to vector<256x128xi32>
    %add3A_2648 = arith.addi %iota3A, %add3A_2647 : vector<256x128xi32>
    %lt3A_2649 = arith.cmpi slt, %xor3A_2645, %min3A_2600 : vector<256x128xi32>
    %min3A_2650 = arith.minsi %xor3A_2645, %min3A_2600 : vector<256x128xi32>
    %max3A_2651 = arith.maxsi %xor3A_2645, %min3A_2600 : vector<256x128xi32>
    %select_n3A_2652 = arith.select %lt3A_2649, %add3A_2648, %select_n3A_2602 : vector<256x128xi1>, vector<256x128xi32>
    %select_n3A_2653 = arith.select %lt3A_2649, %select_n3A_2602, %add3A_2648 : vector<256x128xi1>, vector<256x128xi32>
    %lt3A_2654 = arith.cmpi slt, %max3A_2651, %min3A_2605 : vector<256x128xi32>
    %min3A_2655 = arith.minsi %max3A_2651, %min3A_2605 : vector<256x128xi32>
    %max3A_2656 = arith.maxsi %max3A_2651, %min3A_2605 : vector<256x128xi32>
    %select_n3A_2657 = arith.select %lt3A_2654, %select_n3A_2653, %select_n3A_2607 : vector<256x128xi1>, vector<256x128xi32>
    %select_n3A_2658 = arith.select %lt3A_2654, %select_n3A_2607, %select_n3A_2653 : vector<256x128xi1>, vector<256x128xi32>
    %lt3A_2659 = arith.cmpi slt, %max3A_2656, %min3A_2610 : vector<256x128xi32>
    %min3A_2660 = arith.minsi %max3A_2656, %min3A_2610 : vector<256x128xi32>
    %max3A_2661 = arith.maxsi %max3A_2656, %min3A_2610 : vector<256x128xi32>
    %select_n3A_2662 = arith.select %lt3A_2659, %select_n3A_2658, %select_n3A_2612 : vector<256x128xi1>, vector<256x128xi32>
    %select_n3A_2663 = arith.select %lt3A_2659, %select_n3A_2612, %select_n3A_2658 : vector<256x128xi1>, vector<256x128xi32>
    %lt3A_2664 = arith.cmpi slt, %max3A_2661, %min3A_2615 : vector<256x128xi32>
    %min3A_2665 = arith.minsi %max3A_2661, %min3A_2615 : vector<256x128xi32>
    %max3A_2666 = arith.maxsi %max3A_2661, %min3A_2615 : vector<256x128xi32>
    %select_n3A_2667 = arith.select %lt3A_2664, %select_n3A_2663, %select_n3A_2617 : vector<256x128xi1>, vector<256x128xi32>
    %select_n3A_2668 = arith.select %lt3A_2664, %select_n3A_2617, %select_n3A_2663 : vector<256x128xi1>, vector<256x128xi32>
    %lt3A_2669 = arith.cmpi slt, %max3A_2666, %min3A_2620 : vector<256x128xi32>
    %min3A_2670 = arith.minsi %max3A_2666, %min3A_2620 : vector<256x128xi32>
    %max3A_2671 = arith.maxsi %max3A_2666, %min3A_2620 : vector<256x128xi32>
    %select_n3A_2672 = arith.select %lt3A_2669, %select_n3A_2668, %select_n3A_2622 : vector<256x128xi1>, vector<256x128xi32>
    %select_n3A_2673 = arith.select %lt3A_2669, %select_n3A_2622, %select_n3A_2668 : vector<256x128xi1>, vector<256x128xi32>
    %lt3A_2674 = arith.cmpi slt, %max3A_2671, %min3A_2625 : vector<256x128xi32>
    %min3A_2675 = arith.minsi %max3A_2671, %min3A_2625 : vector<256x128xi32>
    %select_n3A_2676 = arith.select %lt3A_2674, %select_n3A_2673, %select_n3A_2626 : vector<256x128xi1>, vector<256x128xi32>
    %slice3A_2677 = vector.extract_strided_slice %convert_element_type3A {offsets = [0, 6784], sizes = [3, 128], strides = [1, 1]} : vector<3x8192xbf16> to vector<3x128xbf16>
    %dot_general3A_2678 = arith.constant dense<0.000000e+00> : vector<256x128xf32>
    %dot_general3A_2679 = tpu.matmul %convert_element_type3A_9, %slice3A_2677, %dot_general3A_2678 {dimension_numbers = #tpu.dot_dimension_numbers<[1], [0], [0], [1], [0, 0, 1, 1], [], []>, transpose_lhs_hint = false} : vector<256x3xbf16>, vector<3x128xbf16>, vector<256x128xf32> -> vector<256x128xf32>
    %slice3A_2680 = vector.extract_strided_slice %broadcast_in_dim3A {offsets = [0, 6784], sizes = [1, 128], strides = [1, 1]} : vector<1x8192xf32> to vector<1x128xf32>
    %add3A_2681 = vector.broadcast %broadcast_in_dim3A_14 : vector<256x1xf32> to vector<256x128xf32>
    %add3A_2682 = vector.broadcast %slice3A_2680 : vector<1x128xf32> to vector<256x128xf32>
    %add3A_2683 = arith.addf %add3A_2681, %add3A_2682 : vector<256x128xf32>
    %mul3A_2684 = arith.constant 2.000000e+00 : f32
    %mul3A_2685 = vector.broadcast %mul3A_2684 : f32 to vector<256x128xf32>
    %mul3A_2686 = arith.mulf %mul3A_2685, %dot_general3A_2679 : vector<256x128xf32>
    %sub3A_2687 = arith.subf %add3A_2683, %mul3A_2686 : vector<256x128xf32>
    %bitcast_convert_type3A_2688 = tpu.bitcast %sub3A_2687 : vector<256x128xf32> -> vector<256x128xi32>
    %shift_right_arithmetic3A_2689 = arith.constant 31 : i32
    %shift_right_arithmetic3A_2690 = vector.broadcast %shift_right_arithmetic3A_2689 : i32 to vector<256x128xi32>
    %shift_right_arithmetic3A_2691 = arith.shrsi %bitcast_convert_type3A_2688, %shift_right_arithmetic3A_2690 : vector<256x128xi32>
    %and3A_2692 = arith.constant 2147483647 : i32
    %and3A_2693 = vector.broadcast %and3A_2692 : i32 to vector<256x128xi32>
    %and3A_2694 = arith.andi %shift_right_arithmetic3A_2691, %and3A_2693 : vector<256x128xi32>
    %xor3A_2695 = arith.xori %bitcast_convert_type3A_2688, %and3A_2694 : vector<256x128xi32>
    %add3A_2696 = arith.constant 6784 : i32
    %add3A_2697 = vector.broadcast %add3A_2696 : i32 to vector<256x128xi32>
    %add3A_2698 = arith.addi %iota3A, %add3A_2697 : vector<256x128xi32>
    %lt3A_2699 = arith.cmpi slt, %xor3A_2695, %min3A_2650 : vector<256x128xi32>
    %min3A_2700 = arith.minsi %xor3A_2695, %min3A_2650 : vector<256x128xi32>
    %max3A_2701 = arith.maxsi %xor3A_2695, %min3A_2650 : vector<256x128xi32>
    %select_n3A_2702 = arith.select %lt3A_2699, %add3A_2698, %select_n3A_2652 : vector<256x128xi1>, vector<256x128xi32>
    %select_n3A_2703 = arith.select %lt3A_2699, %select_n3A_2652, %add3A_2698 : vector<256x128xi1>, vector<256x128xi32>
    %lt3A_2704 = arith.cmpi slt, %max3A_2701, %min3A_2655 : vector<256x128xi32>
    %min3A_2705 = arith.minsi %max3A_2701, %min3A_2655 : vector<256x128xi32>
    %max3A_2706 = arith.maxsi %max3A_2701, %min3A_2655 : vector<256x128xi32>
    %select_n3A_2707 = arith.select %lt3A_2704, %select_n3A_2703, %select_n3A_2657 : vector<256x128xi1>, vector<256x128xi32>
    %select_n3A_2708 = arith.select %lt3A_2704, %select_n3A_2657, %select_n3A_2703 : vector<256x128xi1>, vector<256x128xi32>
    %lt3A_2709 = arith.cmpi slt, %max3A_2706, %min3A_2660 : vector<256x128xi32>
    %min3A_2710 = arith.minsi %max3A_2706, %min3A_2660 : vector<256x128xi32>
    %max3A_2711 = arith.maxsi %max3A_2706, %min3A_2660 : vector<256x128xi32>
    %select_n3A_2712 = arith.select %lt3A_2709, %select_n3A_2708, %select_n3A_2662 : vector<256x128xi1>, vector<256x128xi32>
    %select_n3A_2713 = arith.select %lt3A_2709, %select_n3A_2662, %select_n3A_2708 : vector<256x128xi1>, vector<256x128xi32>
    %lt3A_2714 = arith.cmpi slt, %max3A_2711, %min3A_2665 : vector<256x128xi32>
    %min3A_2715 = arith.minsi %max3A_2711, %min3A_2665 : vector<256x128xi32>
    %max3A_2716 = arith.maxsi %max3A_2711, %min3A_2665 : vector<256x128xi32>
    %select_n3A_2717 = arith.select %lt3A_2714, %select_n3A_2713, %select_n3A_2667 : vector<256x128xi1>, vector<256x128xi32>
    %select_n3A_2718 = arith.select %lt3A_2714, %select_n3A_2667, %select_n3A_2713 : vector<256x128xi1>, vector<256x128xi32>
    %lt3A_2719 = arith.cmpi slt, %max3A_2716, %min3A_2670 : vector<256x128xi32>
    %min3A_2720 = arith.minsi %max3A_2716, %min3A_2670 : vector<256x128xi32>
    %max3A_2721 = arith.maxsi %max3A_2716, %min3A_2670 : vector<256x128xi32>
    %select_n3A_2722 = arith.select %lt3A_2719, %select_n3A_2718, %select_n3A_2672 : vector<256x128xi1>, vector<256x128xi32>
    %select_n3A_2723 = arith.select %lt3A_2719, %select_n3A_2672, %select_n3A_2718 : vector<256x128xi1>, vector<256x128xi32>
    %lt3A_2724 = arith.cmpi slt, %max3A_2721, %min3A_2675 : vector<256x128xi32>
    %min3A_2725 = arith.minsi %max3A_2721, %min3A_2675 : vector<256x128xi32>
    %select_n3A_2726 = arith.select %lt3A_2724, %select_n3A_2723, %select_n3A_2676 : vector<256x128xi1>, vector<256x128xi32>
    %slice3A_2727 = vector.extract_strided_slice %convert_element_type3A {offsets = [0, 6912], sizes = [3, 128], strides = [1, 1]} : vector<3x8192xbf16> to vector<3x128xbf16>
    %dot_general3A_2728 = arith.constant dense<0.000000e+00> : vector<256x128xf32>
    %dot_general3A_2729 = tpu.matmul %convert_element_type3A_9, %slice3A_2727, %dot_general3A_2728 {dimension_numbers = #tpu.dot_dimension_numbers<[1], [0], [0], [1], [0, 0, 1, 1], [], []>, transpose_lhs_hint = false} : vector<256x3xbf16>, vector<3x128xbf16>, vector<256x128xf32> -> vector<256x128xf32>
    %slice3A_2730 = vector.extract_strided_slice %broadcast_in_dim3A {offsets = [0, 6912], sizes = [1, 128], strides = [1, 1]} : vector<1x8192xf32> to vector<1x128xf32>
    %add3A_2731 = vector.broadcast %broadcast_in_dim3A_14 : vector<256x1xf32> to vector<256x128xf32>
    %add3A_2732 = vector.broadcast %slice3A_2730 : vector<1x128xf32> to vector<256x128xf32>
    %add3A_2733 = arith.addf %add3A_2731, %add3A_2732 : vector<256x128xf32>
    %mul3A_2734 = arith.constant 2.000000e+00 : f32
    %mul3A_2735 = vector.broadcast %mul3A_2734 : f32 to vector<256x128xf32>
    %mul3A_2736 = arith.mulf %mul3A_2735, %dot_general3A_2729 : vector<256x128xf32>
    %sub3A_2737 = arith.subf %add3A_2733, %mul3A_2736 : vector<256x128xf32>
    %bitcast_convert_type3A_2738 = tpu.bitcast %sub3A_2737 : vector<256x128xf32> -> vector<256x128xi32>
    %shift_right_arithmetic3A_2739 = arith.constant 31 : i32
    %shift_right_arithmetic3A_2740 = vector.broadcast %shift_right_arithmetic3A_2739 : i32 to vector<256x128xi32>
    %shift_right_arithmetic3A_2741 = arith.shrsi %bitcast_convert_type3A_2738, %shift_right_arithmetic3A_2740 : vector<256x128xi32>
    %and3A_2742 = arith.constant 2147483647 : i32
    %and3A_2743 = vector.broadcast %and3A_2742 : i32 to vector<256x128xi32>
    %and3A_2744 = arith.andi %shift_right_arithmetic3A_2741, %and3A_2743 : vector<256x128xi32>
    %xor3A_2745 = arith.xori %bitcast_convert_type3A_2738, %and3A_2744 : vector<256x128xi32>
    %add3A_2746 = arith.constant 6912 : i32
    %add3A_2747 = vector.broadcast %add3A_2746 : i32 to vector<256x128xi32>
    %add3A_2748 = arith.addi %iota3A, %add3A_2747 : vector<256x128xi32>
    %lt3A_2749 = arith.cmpi slt, %xor3A_2745, %min3A_2700 : vector<256x128xi32>
    %min3A_2750 = arith.minsi %xor3A_2745, %min3A_2700 : vector<256x128xi32>
    %max3A_2751 = arith.maxsi %xor3A_2745, %min3A_2700 : vector<256x128xi32>
    %select_n3A_2752 = arith.select %lt3A_2749, %add3A_2748, %select_n3A_2702 : vector<256x128xi1>, vector<256x128xi32>
    %select_n3A_2753 = arith.select %lt3A_2749, %select_n3A_2702, %add3A_2748 : vector<256x128xi1>, vector<256x128xi32>
    %lt3A_2754 = arith.cmpi slt, %max3A_2751, %min3A_2705 : vector<256x128xi32>
    %min3A_2755 = arith.minsi %max3A_2751, %min3A_2705 : vector<256x128xi32>
    %max3A_2756 = arith.maxsi %max3A_2751, %min3A_2705 : vector<256x128xi32>
    %select_n3A_2757 = arith.select %lt3A_2754, %select_n3A_2753, %select_n3A_2707 : vector<256x128xi1>, vector<256x128xi32>
    %select_n3A_2758 = arith.select %lt3A_2754, %select_n3A_2707, %select_n3A_2753 : vector<256x128xi1>, vector<256x128xi32>
    %lt3A_2759 = arith.cmpi slt, %max3A_2756, %min3A_2710 : vector<256x128xi32>
    %min3A_2760 = arith.minsi %max3A_2756, %min3A_2710 : vector<256x128xi32>
    %max3A_2761 = arith.maxsi %max3A_2756, %min3A_2710 : vector<256x128xi32>
    %select_n3A_2762 = arith.select %lt3A_2759, %select_n3A_2758, %select_n3A_2712 : vector<256x128xi1>, vector<256x128xi32>
    %select_n3A_2763 = arith.select %lt3A_2759, %select_n3A_2712, %select_n3A_2758 : vector<256x128xi1>, vector<256x128xi32>
    %lt3A_2764 = arith.cmpi slt, %max3A_2761, %min3A_2715 : vector<256x128xi32>
    %min3A_2765 = arith.minsi %max3A_2761, %min3A_2715 : vector<256x128xi32>
    %max3A_2766 = arith.maxsi %max3A_2761, %min3A_2715 : vector<256x128xi32>
    %select_n3A_2767 = arith.select %lt3A_2764, %select_n3A_2763, %select_n3A_2717 : vector<256x128xi1>, vector<256x128xi32>
    %select_n3A_2768 = arith.select %lt3A_2764, %select_n3A_2717, %select_n3A_2763 : vector<256x128xi1>, vector<256x128xi32>
    %lt3A_2769 = arith.cmpi slt, %max3A_2766, %min3A_2720 : vector<256x128xi32>
    %min3A_2770 = arith.minsi %max3A_2766, %min3A_2720 : vector<256x128xi32>
    %max3A_2771 = arith.maxsi %max3A_2766, %min3A_2720 : vector<256x128xi32>
    %select_n3A_2772 = arith.select %lt3A_2769, %select_n3A_2768, %select_n3A_2722 : vector<256x128xi1>, vector<256x128xi32>
    %select_n3A_2773 = arith.select %lt3A_2769, %select_n3A_2722, %select_n3A_2768 : vector<256x128xi1>, vector<256x128xi32>
    %lt3A_2774 = arith.cmpi slt, %max3A_2771, %min3A_2725 : vector<256x128xi32>
    %min3A_2775 = arith.minsi %max3A_2771, %min3A_2725 : vector<256x128xi32>
    %select_n3A_2776 = arith.select %lt3A_2774, %select_n3A_2773, %select_n3A_2726 : vector<256x128xi1>, vector<256x128xi32>
    %slice3A_2777 = vector.extract_strided_slice %convert_element_type3A {offsets = [0, 7040], sizes = [3, 128], strides = [1, 1]} : vector<3x8192xbf16> to vector<3x128xbf16>
    %dot_general3A_2778 = arith.constant dense<0.000000e+00> : vector<256x128xf32>
    %dot_general3A_2779 = tpu.matmul %convert_element_type3A_9, %slice3A_2777, %dot_general3A_2778 {dimension_numbers = #tpu.dot_dimension_numbers<[1], [0], [0], [1], [0, 0, 1, 1], [], []>, transpose_lhs_hint = false} : vector<256x3xbf16>, vector<3x128xbf16>, vector<256x128xf32> -> vector<256x128xf32>
    %slice3A_2780 = vector.extract_strided_slice %broadcast_in_dim3A {offsets = [0, 7040], sizes = [1, 128], strides = [1, 1]} : vector<1x8192xf32> to vector<1x128xf32>
    %add3A_2781 = vector.broadcast %broadcast_in_dim3A_14 : vector<256x1xf32> to vector<256x128xf32>
    %add3A_2782 = vector.broadcast %slice3A_2780 : vector<1x128xf32> to vector<256x128xf32>
    %add3A_2783 = arith.addf %add3A_2781, %add3A_2782 : vector<256x128xf32>
    %mul3A_2784 = arith.constant 2.000000e+00 : f32
    %mul3A_2785 = vector.broadcast %mul3A_2784 : f32 to vector<256x128xf32>
    %mul3A_2786 = arith.mulf %mul3A_2785, %dot_general3A_2779 : vector<256x128xf32>
    %sub3A_2787 = arith.subf %add3A_2783, %mul3A_2786 : vector<256x128xf32>
    %bitcast_convert_type3A_2788 = tpu.bitcast %sub3A_2787 : vector<256x128xf32> -> vector<256x128xi32>
    %shift_right_arithmetic3A_2789 = arith.constant 31 : i32
    %shift_right_arithmetic3A_2790 = vector.broadcast %shift_right_arithmetic3A_2789 : i32 to vector<256x128xi32>
    %shift_right_arithmetic3A_2791 = arith.shrsi %bitcast_convert_type3A_2788, %shift_right_arithmetic3A_2790 : vector<256x128xi32>
    %and3A_2792 = arith.constant 2147483647 : i32
    %and3A_2793 = vector.broadcast %and3A_2792 : i32 to vector<256x128xi32>
    %and3A_2794 = arith.andi %shift_right_arithmetic3A_2791, %and3A_2793 : vector<256x128xi32>
    %xor3A_2795 = arith.xori %bitcast_convert_type3A_2788, %and3A_2794 : vector<256x128xi32>
    %add3A_2796 = arith.constant 7040 : i32
    %add3A_2797 = vector.broadcast %add3A_2796 : i32 to vector<256x128xi32>
    %add3A_2798 = arith.addi %iota3A, %add3A_2797 : vector<256x128xi32>
    %lt3A_2799 = arith.cmpi slt, %xor3A_2795, %min3A_2750 : vector<256x128xi32>
    %min3A_2800 = arith.minsi %xor3A_2795, %min3A_2750 : vector<256x128xi32>
    %max3A_2801 = arith.maxsi %xor3A_2795, %min3A_2750 : vector<256x128xi32>
    %select_n3A_2802 = arith.select %lt3A_2799, %add3A_2798, %select_n3A_2752 : vector<256x128xi1>, vector<256x128xi32>
    %select_n3A_2803 = arith.select %lt3A_2799, %select_n3A_2752, %add3A_2798 : vector<256x128xi1>, vector<256x128xi32>
    %lt3A_2804 = arith.cmpi slt, %max3A_2801, %min3A_2755 : vector<256x128xi32>
    %min3A_2805 = arith.minsi %max3A_2801, %min3A_2755 : vector<256x128xi32>
    %max3A_2806 = arith.maxsi %max3A_2801, %min3A_2755 : vector<256x128xi32>
    %select_n3A_2807 = arith.select %lt3A_2804, %select_n3A_2803, %select_n3A_2757 : vector<256x128xi1>, vector<256x128xi32>
    %select_n3A_2808 = arith.select %lt3A_2804, %select_n3A_2757, %select_n3A_2803 : vector<256x128xi1>, vector<256x128xi32>
    %lt3A_2809 = arith.cmpi slt, %max3A_2806, %min3A_2760 : vector<256x128xi32>
    %min3A_2810 = arith.minsi %max3A_2806, %min3A_2760 : vector<256x128xi32>
    %max3A_2811 = arith.maxsi %max3A_2806, %min3A_2760 : vector<256x128xi32>
    %select_n3A_2812 = arith.select %lt3A_2809, %select_n3A_2808, %select_n3A_2762 : vector<256x128xi1>, vector<256x128xi32>
    %select_n3A_2813 = arith.select %lt3A_2809, %select_n3A_2762, %select_n3A_2808 : vector<256x128xi1>, vector<256x128xi32>
    %lt3A_2814 = arith.cmpi slt, %max3A_2811, %min3A_2765 : vector<256x128xi32>
    %min3A_2815 = arith.minsi %max3A_2811, %min3A_2765 : vector<256x128xi32>
    %max3A_2816 = arith.maxsi %max3A_2811, %min3A_2765 : vector<256x128xi32>
    %select_n3A_2817 = arith.select %lt3A_2814, %select_n3A_2813, %select_n3A_2767 : vector<256x128xi1>, vector<256x128xi32>
    %select_n3A_2818 = arith.select %lt3A_2814, %select_n3A_2767, %select_n3A_2813 : vector<256x128xi1>, vector<256x128xi32>
    %lt3A_2819 = arith.cmpi slt, %max3A_2816, %min3A_2770 : vector<256x128xi32>
    %min3A_2820 = arith.minsi %max3A_2816, %min3A_2770 : vector<256x128xi32>
    %max3A_2821 = arith.maxsi %max3A_2816, %min3A_2770 : vector<256x128xi32>
    %select_n3A_2822 = arith.select %lt3A_2819, %select_n3A_2818, %select_n3A_2772 : vector<256x128xi1>, vector<256x128xi32>
    %select_n3A_2823 = arith.select %lt3A_2819, %select_n3A_2772, %select_n3A_2818 : vector<256x128xi1>, vector<256x128xi32>
    %lt3A_2824 = arith.cmpi slt, %max3A_2821, %min3A_2775 : vector<256x128xi32>
    %min3A_2825 = arith.minsi %max3A_2821, %min3A_2775 : vector<256x128xi32>
    %select_n3A_2826 = arith.select %lt3A_2824, %select_n3A_2823, %select_n3A_2776 : vector<256x128xi1>, vector<256x128xi32>
    %slice3A_2827 = vector.extract_strided_slice %convert_element_type3A {offsets = [0, 7168], sizes = [3, 128], strides = [1, 1]} : vector<3x8192xbf16> to vector<3x128xbf16>
    %dot_general3A_2828 = arith.constant dense<0.000000e+00> : vector<256x128xf32>
    %dot_general3A_2829 = tpu.matmul %convert_element_type3A_9, %slice3A_2827, %dot_general3A_2828 {dimension_numbers = #tpu.dot_dimension_numbers<[1], [0], [0], [1], [0, 0, 1, 1], [], []>, transpose_lhs_hint = false} : vector<256x3xbf16>, vector<3x128xbf16>, vector<256x128xf32> -> vector<256x128xf32>
    %slice3A_2830 = vector.extract_strided_slice %broadcast_in_dim3A {offsets = [0, 7168], sizes = [1, 128], strides = [1, 1]} : vector<1x8192xf32> to vector<1x128xf32>
    %add3A_2831 = vector.broadcast %broadcast_in_dim3A_14 : vector<256x1xf32> to vector<256x128xf32>
    %add3A_2832 = vector.broadcast %slice3A_2830 : vector<1x128xf32> to vector<256x128xf32>
    %add3A_2833 = arith.addf %add3A_2831, %add3A_2832 : vector<256x128xf32>
    %mul3A_2834 = arith.constant 2.000000e+00 : f32
    %mul3A_2835 = vector.broadcast %mul3A_2834 : f32 to vector<256x128xf32>
    %mul3A_2836 = arith.mulf %mul3A_2835, %dot_general3A_2829 : vector<256x128xf32>
    %sub3A_2837 = arith.subf %add3A_2833, %mul3A_2836 : vector<256x128xf32>
    %bitcast_convert_type3A_2838 = tpu.bitcast %sub3A_2837 : vector<256x128xf32> -> vector<256x128xi32>
    %shift_right_arithmetic3A_2839 = arith.constant 31 : i32
    %shift_right_arithmetic3A_2840 = vector.broadcast %shift_right_arithmetic3A_2839 : i32 to vector<256x128xi32>
    %shift_right_arithmetic3A_2841 = arith.shrsi %bitcast_convert_type3A_2838, %shift_right_arithmetic3A_2840 : vector<256x128xi32>
    %and3A_2842 = arith.constant 2147483647 : i32
    %and3A_2843 = vector.broadcast %and3A_2842 : i32 to vector<256x128xi32>
    %and3A_2844 = arith.andi %shift_right_arithmetic3A_2841, %and3A_2843 : vector<256x128xi32>
    %xor3A_2845 = arith.xori %bitcast_convert_type3A_2838, %and3A_2844 : vector<256x128xi32>
    %add3A_2846 = arith.constant 7168 : i32
    %add3A_2847 = vector.broadcast %add3A_2846 : i32 to vector<256x128xi32>
    %add3A_2848 = arith.addi %iota3A, %add3A_2847 : vector<256x128xi32>
    %lt3A_2849 = arith.cmpi slt, %xor3A_2845, %min3A_2800 : vector<256x128xi32>
    %min3A_2850 = arith.minsi %xor3A_2845, %min3A_2800 : vector<256x128xi32>
    %max3A_2851 = arith.maxsi %xor3A_2845, %min3A_2800 : vector<256x128xi32>
    %select_n3A_2852 = arith.select %lt3A_2849, %add3A_2848, %select_n3A_2802 : vector<256x128xi1>, vector<256x128xi32>
    %select_n3A_2853 = arith.select %lt3A_2849, %select_n3A_2802, %add3A_2848 : vector<256x128xi1>, vector<256x128xi32>
    %lt3A_2854 = arith.cmpi slt, %max3A_2851, %min3A_2805 : vector<256x128xi32>
    %min3A_2855 = arith.minsi %max3A_2851, %min3A_2805 : vector<256x128xi32>
    %max3A_2856 = arith.maxsi %max3A_2851, %min3A_2805 : vector<256x128xi32>
    %select_n3A_2857 = arith.select %lt3A_2854, %select_n3A_2853, %select_n3A_2807 : vector<256x128xi1>, vector<256x128xi32>
    %select_n3A_2858 = arith.select %lt3A_2854, %select_n3A_2807, %select_n3A_2853 : vector<256x128xi1>, vector<256x128xi32>
    %lt3A_2859 = arith.cmpi slt, %max3A_2856, %min3A_2810 : vector<256x128xi32>
    %min3A_2860 = arith.minsi %max3A_2856, %min3A_2810 : vector<256x128xi32>
    %max3A_2861 = arith.maxsi %max3A_2856, %min3A_2810 : vector<256x128xi32>
    %select_n3A_2862 = arith.select %lt3A_2859, %select_n3A_2858, %select_n3A_2812 : vector<256x128xi1>, vector<256x128xi32>
    %select_n3A_2863 = arith.select %lt3A_2859, %select_n3A_2812, %select_n3A_2858 : vector<256x128xi1>, vector<256x128xi32>
    %lt3A_2864 = arith.cmpi slt, %max3A_2861, %min3A_2815 : vector<256x128xi32>
    %min3A_2865 = arith.minsi %max3A_2861, %min3A_2815 : vector<256x128xi32>
    %max3A_2866 = arith.maxsi %max3A_2861, %min3A_2815 : vector<256x128xi32>
    %select_n3A_2867 = arith.select %lt3A_2864, %select_n3A_2863, %select_n3A_2817 : vector<256x128xi1>, vector<256x128xi32>
    %select_n3A_2868 = arith.select %lt3A_2864, %select_n3A_2817, %select_n3A_2863 : vector<256x128xi1>, vector<256x128xi32>
    %lt3A_2869 = arith.cmpi slt, %max3A_2866, %min3A_2820 : vector<256x128xi32>
    %min3A_2870 = arith.minsi %max3A_2866, %min3A_2820 : vector<256x128xi32>
    %max3A_2871 = arith.maxsi %max3A_2866, %min3A_2820 : vector<256x128xi32>
    %select_n3A_2872 = arith.select %lt3A_2869, %select_n3A_2868, %select_n3A_2822 : vector<256x128xi1>, vector<256x128xi32>
    %select_n3A_2873 = arith.select %lt3A_2869, %select_n3A_2822, %select_n3A_2868 : vector<256x128xi1>, vector<256x128xi32>
    %lt3A_2874 = arith.cmpi slt, %max3A_2871, %min3A_2825 : vector<256x128xi32>
    %min3A_2875 = arith.minsi %max3A_2871, %min3A_2825 : vector<256x128xi32>
    %select_n3A_2876 = arith.select %lt3A_2874, %select_n3A_2873, %select_n3A_2826 : vector<256x128xi1>, vector<256x128xi32>
    %slice3A_2877 = vector.extract_strided_slice %convert_element_type3A {offsets = [0, 7296], sizes = [3, 128], strides = [1, 1]} : vector<3x8192xbf16> to vector<3x128xbf16>
    %dot_general3A_2878 = arith.constant dense<0.000000e+00> : vector<256x128xf32>
    %dot_general3A_2879 = tpu.matmul %convert_element_type3A_9, %slice3A_2877, %dot_general3A_2878 {dimension_numbers = #tpu.dot_dimension_numbers<[1], [0], [0], [1], [0, 0, 1, 1], [], []>, transpose_lhs_hint = false} : vector<256x3xbf16>, vector<3x128xbf16>, vector<256x128xf32> -> vector<256x128xf32>
    %slice3A_2880 = vector.extract_strided_slice %broadcast_in_dim3A {offsets = [0, 7296], sizes = [1, 128], strides = [1, 1]} : vector<1x8192xf32> to vector<1x128xf32>
    %add3A_2881 = vector.broadcast %broadcast_in_dim3A_14 : vector<256x1xf32> to vector<256x128xf32>
    %add3A_2882 = vector.broadcast %slice3A_2880 : vector<1x128xf32> to vector<256x128xf32>
    %add3A_2883 = arith.addf %add3A_2881, %add3A_2882 : vector<256x128xf32>
    %mul3A_2884 = arith.constant 2.000000e+00 : f32
    %mul3A_2885 = vector.broadcast %mul3A_2884 : f32 to vector<256x128xf32>
    %mul3A_2886 = arith.mulf %mul3A_2885, %dot_general3A_2879 : vector<256x128xf32>
    %sub3A_2887 = arith.subf %add3A_2883, %mul3A_2886 : vector<256x128xf32>
    %bitcast_convert_type3A_2888 = tpu.bitcast %sub3A_2887 : vector<256x128xf32> -> vector<256x128xi32>
    %shift_right_arithmetic3A_2889 = arith.constant 31 : i32
    %shift_right_arithmetic3A_2890 = vector.broadcast %shift_right_arithmetic3A_2889 : i32 to vector<256x128xi32>
    %shift_right_arithmetic3A_2891 = arith.shrsi %bitcast_convert_type3A_2888, %shift_right_arithmetic3A_2890 : vector<256x128xi32>
    %and3A_2892 = arith.constant 2147483647 : i32
    %and3A_2893 = vector.broadcast %and3A_2892 : i32 to vector<256x128xi32>
    %and3A_2894 = arith.andi %shift_right_arithmetic3A_2891, %and3A_2893 : vector<256x128xi32>
    %xor3A_2895 = arith.xori %bitcast_convert_type3A_2888, %and3A_2894 : vector<256x128xi32>
    %add3A_2896 = arith.constant 7296 : i32
    %add3A_2897 = vector.broadcast %add3A_2896 : i32 to vector<256x128xi32>
    %add3A_2898 = arith.addi %iota3A, %add3A_2897 : vector<256x128xi32>
    %lt3A_2899 = arith.cmpi slt, %xor3A_2895, %min3A_2850 : vector<256x128xi32>
    %min3A_2900 = arith.minsi %xor3A_2895, %min3A_2850 : vector<256x128xi32>
    %max3A_2901 = arith.maxsi %xor3A_2895, %min3A_2850 : vector<256x128xi32>
    %select_n3A_2902 = arith.select %lt3A_2899, %add3A_2898, %select_n3A_2852 : vector<256x128xi1>, vector<256x128xi32>
    %select_n3A_2903 = arith.select %lt3A_2899, %select_n3A_2852, %add3A_2898 : vector<256x128xi1>, vector<256x128xi32>
    %lt3A_2904 = arith.cmpi slt, %max3A_2901, %min3A_2855 : vector<256x128xi32>
    %min3A_2905 = arith.minsi %max3A_2901, %min3A_2855 : vector<256x128xi32>
    %max3A_2906 = arith.maxsi %max3A_2901, %min3A_2855 : vector<256x128xi32>
    %select_n3A_2907 = arith.select %lt3A_2904, %select_n3A_2903, %select_n3A_2857 : vector<256x128xi1>, vector<256x128xi32>
    %select_n3A_2908 = arith.select %lt3A_2904, %select_n3A_2857, %select_n3A_2903 : vector<256x128xi1>, vector<256x128xi32>
    %lt3A_2909 = arith.cmpi slt, %max3A_2906, %min3A_2860 : vector<256x128xi32>
    %min3A_2910 = arith.minsi %max3A_2906, %min3A_2860 : vector<256x128xi32>
    %max3A_2911 = arith.maxsi %max3A_2906, %min3A_2860 : vector<256x128xi32>
    %select_n3A_2912 = arith.select %lt3A_2909, %select_n3A_2908, %select_n3A_2862 : vector<256x128xi1>, vector<256x128xi32>
    %select_n3A_2913 = arith.select %lt3A_2909, %select_n3A_2862, %select_n3A_2908 : vector<256x128xi1>, vector<256x128xi32>
    %lt3A_2914 = arith.cmpi slt, %max3A_2911, %min3A_2865 : vector<256x128xi32>
    %min3A_2915 = arith.minsi %max3A_2911, %min3A_2865 : vector<256x128xi32>
    %max3A_2916 = arith.maxsi %max3A_2911, %min3A_2865 : vector<256x128xi32>
    %select_n3A_2917 = arith.select %lt3A_2914, %select_n3A_2913, %select_n3A_2867 : vector<256x128xi1>, vector<256x128xi32>
    %select_n3A_2918 = arith.select %lt3A_2914, %select_n3A_2867, %select_n3A_2913 : vector<256x128xi1>, vector<256x128xi32>
    %lt3A_2919 = arith.cmpi slt, %max3A_2916, %min3A_2870 : vector<256x128xi32>
    %min3A_2920 = arith.minsi %max3A_2916, %min3A_2870 : vector<256x128xi32>
    %max3A_2921 = arith.maxsi %max3A_2916, %min3A_2870 : vector<256x128xi32>
    %select_n3A_2922 = arith.select %lt3A_2919, %select_n3A_2918, %select_n3A_2872 : vector<256x128xi1>, vector<256x128xi32>
    %select_n3A_2923 = arith.select %lt3A_2919, %select_n3A_2872, %select_n3A_2918 : vector<256x128xi1>, vector<256x128xi32>
    %lt3A_2924 = arith.cmpi slt, %max3A_2921, %min3A_2875 : vector<256x128xi32>
    %min3A_2925 = arith.minsi %max3A_2921, %min3A_2875 : vector<256x128xi32>
    %select_n3A_2926 = arith.select %lt3A_2924, %select_n3A_2923, %select_n3A_2876 : vector<256x128xi1>, vector<256x128xi32>
    %slice3A_2927 = vector.extract_strided_slice %convert_element_type3A {offsets = [0, 7424], sizes = [3, 128], strides = [1, 1]} : vector<3x8192xbf16> to vector<3x128xbf16>
    %dot_general3A_2928 = arith.constant dense<0.000000e+00> : vector<256x128xf32>
    %dot_general3A_2929 = tpu.matmul %convert_element_type3A_9, %slice3A_2927, %dot_general3A_2928 {dimension_numbers = #tpu.dot_dimension_numbers<[1], [0], [0], [1], [0, 0, 1, 1], [], []>, transpose_lhs_hint = false} : vector<256x3xbf16>, vector<3x128xbf16>, vector<256x128xf32> -> vector<256x128xf32>
    %slice3A_2930 = vector.extract_strided_slice %broadcast_in_dim3A {offsets = [0, 7424], sizes = [1, 128], strides = [1, 1]} : vector<1x8192xf32> to vector<1x128xf32>
    %add3A_2931 = vector.broadcast %broadcast_in_dim3A_14 : vector<256x1xf32> to vector<256x128xf32>
    %add3A_2932 = vector.broadcast %slice3A_2930 : vector<1x128xf32> to vector<256x128xf32>
    %add3A_2933 = arith.addf %add3A_2931, %add3A_2932 : vector<256x128xf32>
    %mul3A_2934 = arith.constant 2.000000e+00 : f32
    %mul3A_2935 = vector.broadcast %mul3A_2934 : f32 to vector<256x128xf32>
    %mul3A_2936 = arith.mulf %mul3A_2935, %dot_general3A_2929 : vector<256x128xf32>
    %sub3A_2937 = arith.subf %add3A_2933, %mul3A_2936 : vector<256x128xf32>
    %bitcast_convert_type3A_2938 = tpu.bitcast %sub3A_2937 : vector<256x128xf32> -> vector<256x128xi32>
    %shift_right_arithmetic3A_2939 = arith.constant 31 : i32
    %shift_right_arithmetic3A_2940 = vector.broadcast %shift_right_arithmetic3A_2939 : i32 to vector<256x128xi32>
    %shift_right_arithmetic3A_2941 = arith.shrsi %bitcast_convert_type3A_2938, %shift_right_arithmetic3A_2940 : vector<256x128xi32>
    %and3A_2942 = arith.constant 2147483647 : i32
    %and3A_2943 = vector.broadcast %and3A_2942 : i32 to vector<256x128xi32>
    %and3A_2944 = arith.andi %shift_right_arithmetic3A_2941, %and3A_2943 : vector<256x128xi32>
    %xor3A_2945 = arith.xori %bitcast_convert_type3A_2938, %and3A_2944 : vector<256x128xi32>
    %add3A_2946 = arith.constant 7424 : i32
    %add3A_2947 = vector.broadcast %add3A_2946 : i32 to vector<256x128xi32>
    %add3A_2948 = arith.addi %iota3A, %add3A_2947 : vector<256x128xi32>
    %lt3A_2949 = arith.cmpi slt, %xor3A_2945, %min3A_2900 : vector<256x128xi32>
    %min3A_2950 = arith.minsi %xor3A_2945, %min3A_2900 : vector<256x128xi32>
    %max3A_2951 = arith.maxsi %xor3A_2945, %min3A_2900 : vector<256x128xi32>
    %select_n3A_2952 = arith.select %lt3A_2949, %add3A_2948, %select_n3A_2902 : vector<256x128xi1>, vector<256x128xi32>
    %select_n3A_2953 = arith.select %lt3A_2949, %select_n3A_2902, %add3A_2948 : vector<256x128xi1>, vector<256x128xi32>
    %lt3A_2954 = arith.cmpi slt, %max3A_2951, %min3A_2905 : vector<256x128xi32>
    %min3A_2955 = arith.minsi %max3A_2951, %min3A_2905 : vector<256x128xi32>
    %max3A_2956 = arith.maxsi %max3A_2951, %min3A_2905 : vector<256x128xi32>
    %select_n3A_2957 = arith.select %lt3A_2954, %select_n3A_2953, %select_n3A_2907 : vector<256x128xi1>, vector<256x128xi32>
    %select_n3A_2958 = arith.select %lt3A_2954, %select_n3A_2907, %select_n3A_2953 : vector<256x128xi1>, vector<256x128xi32>
    %lt3A_2959 = arith.cmpi slt, %max3A_2956, %min3A_2910 : vector<256x128xi32>
    %min3A_2960 = arith.minsi %max3A_2956, %min3A_2910 : vector<256x128xi32>
    %max3A_2961 = arith.maxsi %max3A_2956, %min3A_2910 : vector<256x128xi32>
    %select_n3A_2962 = arith.select %lt3A_2959, %select_n3A_2958, %select_n3A_2912 : vector<256x128xi1>, vector<256x128xi32>
    %select_n3A_2963 = arith.select %lt3A_2959, %select_n3A_2912, %select_n3A_2958 : vector<256x128xi1>, vector<256x128xi32>
    %lt3A_2964 = arith.cmpi slt, %max3A_2961, %min3A_2915 : vector<256x128xi32>
    %min3A_2965 = arith.minsi %max3A_2961, %min3A_2915 : vector<256x128xi32>
    %max3A_2966 = arith.maxsi %max3A_2961, %min3A_2915 : vector<256x128xi32>
    %select_n3A_2967 = arith.select %lt3A_2964, %select_n3A_2963, %select_n3A_2917 : vector<256x128xi1>, vector<256x128xi32>
    %select_n3A_2968 = arith.select %lt3A_2964, %select_n3A_2917, %select_n3A_2963 : vector<256x128xi1>, vector<256x128xi32>
    %lt3A_2969 = arith.cmpi slt, %max3A_2966, %min3A_2920 : vector<256x128xi32>
    %min3A_2970 = arith.minsi %max3A_2966, %min3A_2920 : vector<256x128xi32>
    %max3A_2971 = arith.maxsi %max3A_2966, %min3A_2920 : vector<256x128xi32>
    %select_n3A_2972 = arith.select %lt3A_2969, %select_n3A_2968, %select_n3A_2922 : vector<256x128xi1>, vector<256x128xi32>
    %select_n3A_2973 = arith.select %lt3A_2969, %select_n3A_2922, %select_n3A_2968 : vector<256x128xi1>, vector<256x128xi32>
    %lt3A_2974 = arith.cmpi slt, %max3A_2971, %min3A_2925 : vector<256x128xi32>
    %min3A_2975 = arith.minsi %max3A_2971, %min3A_2925 : vector<256x128xi32>
    %select_n3A_2976 = arith.select %lt3A_2974, %select_n3A_2973, %select_n3A_2926 : vector<256x128xi1>, vector<256x128xi32>
    %slice3A_2977 = vector.extract_strided_slice %convert_element_type3A {offsets = [0, 7552], sizes = [3, 128], strides = [1, 1]} : vector<3x8192xbf16> to vector<3x128xbf16>
    %dot_general3A_2978 = arith.constant dense<0.000000e+00> : vector<256x128xf32>
    %dot_general3A_2979 = tpu.matmul %convert_element_type3A_9, %slice3A_2977, %dot_general3A_2978 {dimension_numbers = #tpu.dot_dimension_numbers<[1], [0], [0], [1], [0, 0, 1, 1], [], []>, transpose_lhs_hint = false} : vector<256x3xbf16>, vector<3x128xbf16>, vector<256x128xf32> -> vector<256x128xf32>
    %slice3A_2980 = vector.extract_strided_slice %broadcast_in_dim3A {offsets = [0, 7552], sizes = [1, 128], strides = [1, 1]} : vector<1x8192xf32> to vector<1x128xf32>
    %add3A_2981 = vector.broadcast %broadcast_in_dim3A_14 : vector<256x1xf32> to vector<256x128xf32>
    %add3A_2982 = vector.broadcast %slice3A_2980 : vector<1x128xf32> to vector<256x128xf32>
    %add3A_2983 = arith.addf %add3A_2981, %add3A_2982 : vector<256x128xf32>
    %mul3A_2984 = arith.constant 2.000000e+00 : f32
    %mul3A_2985 = vector.broadcast %mul3A_2984 : f32 to vector<256x128xf32>
    %mul3A_2986 = arith.mulf %mul3A_2985, %dot_general3A_2979 : vector<256x128xf32>
    %sub3A_2987 = arith.subf %add3A_2983, %mul3A_2986 : vector<256x128xf32>
    %bitcast_convert_type3A_2988 = tpu.bitcast %sub3A_2987 : vector<256x128xf32> -> vector<256x128xi32>
    %shift_right_arithmetic3A_2989 = arith.constant 31 : i32
    %shift_right_arithmetic3A_2990 = vector.broadcast %shift_right_arithmetic3A_2989 : i32 to vector<256x128xi32>
    %shift_right_arithmetic3A_2991 = arith.shrsi %bitcast_convert_type3A_2988, %shift_right_arithmetic3A_2990 : vector<256x128xi32>
    %and3A_2992 = arith.constant 2147483647 : i32
    %and3A_2993 = vector.broadcast %and3A_2992 : i32 to vector<256x128xi32>
    %and3A_2994 = arith.andi %shift_right_arithmetic3A_2991, %and3A_2993 : vector<256x128xi32>
    %xor3A_2995 = arith.xori %bitcast_convert_type3A_2988, %and3A_2994 : vector<256x128xi32>
    %add3A_2996 = arith.constant 7552 : i32
    %add3A_2997 = vector.broadcast %add3A_2996 : i32 to vector<256x128xi32>
    %add3A_2998 = arith.addi %iota3A, %add3A_2997 : vector<256x128xi32>
    %lt3A_2999 = arith.cmpi slt, %xor3A_2995, %min3A_2950 : vector<256x128xi32>
    %min3A_3000 = arith.minsi %xor3A_2995, %min3A_2950 : vector<256x128xi32>
    %max3A_3001 = arith.maxsi %xor3A_2995, %min3A_2950 : vector<256x128xi32>
    %select_n3A_3002 = arith.select %lt3A_2999, %add3A_2998, %select_n3A_2952 : vector<256x128xi1>, vector<256x128xi32>
    %select_n3A_3003 = arith.select %lt3A_2999, %select_n3A_2952, %add3A_2998 : vector<256x128xi1>, vector<256x128xi32>
    %lt3A_3004 = arith.cmpi slt, %max3A_3001, %min3A_2955 : vector<256x128xi32>
    %min3A_3005 = arith.minsi %max3A_3001, %min3A_2955 : vector<256x128xi32>
    %max3A_3006 = arith.maxsi %max3A_3001, %min3A_2955 : vector<256x128xi32>
    %select_n3A_3007 = arith.select %lt3A_3004, %select_n3A_3003, %select_n3A_2957 : vector<256x128xi1>, vector<256x128xi32>
    %select_n3A_3008 = arith.select %lt3A_3004, %select_n3A_2957, %select_n3A_3003 : vector<256x128xi1>, vector<256x128xi32>
    %lt3A_3009 = arith.cmpi slt, %max3A_3006, %min3A_2960 : vector<256x128xi32>
    %min3A_3010 = arith.minsi %max3A_3006, %min3A_2960 : vector<256x128xi32>
    %max3A_3011 = arith.maxsi %max3A_3006, %min3A_2960 : vector<256x128xi32>
    %select_n3A_3012 = arith.select %lt3A_3009, %select_n3A_3008, %select_n3A_2962 : vector<256x128xi1>, vector<256x128xi32>
    %select_n3A_3013 = arith.select %lt3A_3009, %select_n3A_2962, %select_n3A_3008 : vector<256x128xi1>, vector<256x128xi32>
    %lt3A_3014 = arith.cmpi slt, %max3A_3011, %min3A_2965 : vector<256x128xi32>
    %min3A_3015 = arith.minsi %max3A_3011, %min3A_2965 : vector<256x128xi32>
    %max3A_3016 = arith.maxsi %max3A_3011, %min3A_2965 : vector<256x128xi32>
    %select_n3A_3017 = arith.select %lt3A_3014, %select_n3A_3013, %select_n3A_2967 : vector<256x128xi1>, vector<256x128xi32>
    %select_n3A_3018 = arith.select %lt3A_3014, %select_n3A_2967, %select_n3A_3013 : vector<256x128xi1>, vector<256x128xi32>
    %lt3A_3019 = arith.cmpi slt, %max3A_3016, %min3A_2970 : vector<256x128xi32>
    %min3A_3020 = arith.minsi %max3A_3016, %min3A_2970 : vector<256x128xi32>
    %max3A_3021 = arith.maxsi %max3A_3016, %min3A_2970 : vector<256x128xi32>
    %select_n3A_3022 = arith.select %lt3A_3019, %select_n3A_3018, %select_n3A_2972 : vector<256x128xi1>, vector<256x128xi32>
    %select_n3A_3023 = arith.select %lt3A_3019, %select_n3A_2972, %select_n3A_3018 : vector<256x128xi1>, vector<256x128xi32>
    %lt3A_3024 = arith.cmpi slt, %max3A_3021, %min3A_2975 : vector<256x128xi32>
    %min3A_3025 = arith.minsi %max3A_3021, %min3A_2975 : vector<256x128xi32>
    %select_n3A_3026 = arith.select %lt3A_3024, %select_n3A_3023, %select_n3A_2976 : vector<256x128xi1>, vector<256x128xi32>
    %slice3A_3027 = vector.extract_strided_slice %convert_element_type3A {offsets = [0, 7680], sizes = [3, 128], strides = [1, 1]} : vector<3x8192xbf16> to vector<3x128xbf16>
    %dot_general3A_3028 = arith.constant dense<0.000000e+00> : vector<256x128xf32>
    %dot_general3A_3029 = tpu.matmul %convert_element_type3A_9, %slice3A_3027, %dot_general3A_3028 {dimension_numbers = #tpu.dot_dimension_numbers<[1], [0], [0], [1], [0, 0, 1, 1], [], []>, transpose_lhs_hint = false} : vector<256x3xbf16>, vector<3x128xbf16>, vector<256x128xf32> -> vector<256x128xf32>
    %slice3A_3030 = vector.extract_strided_slice %broadcast_in_dim3A {offsets = [0, 7680], sizes = [1, 128], strides = [1, 1]} : vector<1x8192xf32> to vector<1x128xf32>
    %add3A_3031 = vector.broadcast %broadcast_in_dim3A_14 : vector<256x1xf32> to vector<256x128xf32>
    %add3A_3032 = vector.broadcast %slice3A_3030 : vector<1x128xf32> to vector<256x128xf32>
    %add3A_3033 = arith.addf %add3A_3031, %add3A_3032 : vector<256x128xf32>
    %mul3A_3034 = arith.constant 2.000000e+00 : f32
    %mul3A_3035 = vector.broadcast %mul3A_3034 : f32 to vector<256x128xf32>
    %mul3A_3036 = arith.mulf %mul3A_3035, %dot_general3A_3029 : vector<256x128xf32>
    %sub3A_3037 = arith.subf %add3A_3033, %mul3A_3036 : vector<256x128xf32>
    %bitcast_convert_type3A_3038 = tpu.bitcast %sub3A_3037 : vector<256x128xf32> -> vector<256x128xi32>
    %shift_right_arithmetic3A_3039 = arith.constant 31 : i32
    %shift_right_arithmetic3A_3040 = vector.broadcast %shift_right_arithmetic3A_3039 : i32 to vector<256x128xi32>
    %shift_right_arithmetic3A_3041 = arith.shrsi %bitcast_convert_type3A_3038, %shift_right_arithmetic3A_3040 : vector<256x128xi32>
    %and3A_3042 = arith.constant 2147483647 : i32
    %and3A_3043 = vector.broadcast %and3A_3042 : i32 to vector<256x128xi32>
    %and3A_3044 = arith.andi %shift_right_arithmetic3A_3041, %and3A_3043 : vector<256x128xi32>
    %xor3A_3045 = arith.xori %bitcast_convert_type3A_3038, %and3A_3044 : vector<256x128xi32>
    %add3A_3046 = arith.constant 7680 : i32
    %add3A_3047 = vector.broadcast %add3A_3046 : i32 to vector<256x128xi32>
    %add3A_3048 = arith.addi %iota3A, %add3A_3047 : vector<256x128xi32>
    %lt3A_3049 = arith.cmpi slt, %xor3A_3045, %min3A_3000 : vector<256x128xi32>
    %min3A_3050 = arith.minsi %xor3A_3045, %min3A_3000 : vector<256x128xi32>
    %max3A_3051 = arith.maxsi %xor3A_3045, %min3A_3000 : vector<256x128xi32>
    %select_n3A_3052 = arith.select %lt3A_3049, %add3A_3048, %select_n3A_3002 : vector<256x128xi1>, vector<256x128xi32>
    %select_n3A_3053 = arith.select %lt3A_3049, %select_n3A_3002, %add3A_3048 : vector<256x128xi1>, vector<256x128xi32>
    %lt3A_3054 = arith.cmpi slt, %max3A_3051, %min3A_3005 : vector<256x128xi32>
    %min3A_3055 = arith.minsi %max3A_3051, %min3A_3005 : vector<256x128xi32>
    %max3A_3056 = arith.maxsi %max3A_3051, %min3A_3005 : vector<256x128xi32>
    %select_n3A_3057 = arith.select %lt3A_3054, %select_n3A_3053, %select_n3A_3007 : vector<256x128xi1>, vector<256x128xi32>
    %select_n3A_3058 = arith.select %lt3A_3054, %select_n3A_3007, %select_n3A_3053 : vector<256x128xi1>, vector<256x128xi32>
    %lt3A_3059 = arith.cmpi slt, %max3A_3056, %min3A_3010 : vector<256x128xi32>
    %min3A_3060 = arith.minsi %max3A_3056, %min3A_3010 : vector<256x128xi32>
    %max3A_3061 = arith.maxsi %max3A_3056, %min3A_3010 : vector<256x128xi32>
    %select_n3A_3062 = arith.select %lt3A_3059, %select_n3A_3058, %select_n3A_3012 : vector<256x128xi1>, vector<256x128xi32>
    %select_n3A_3063 = arith.select %lt3A_3059, %select_n3A_3012, %select_n3A_3058 : vector<256x128xi1>, vector<256x128xi32>
    %lt3A_3064 = arith.cmpi slt, %max3A_3061, %min3A_3015 : vector<256x128xi32>
    %min3A_3065 = arith.minsi %max3A_3061, %min3A_3015 : vector<256x128xi32>
    %max3A_3066 = arith.maxsi %max3A_3061, %min3A_3015 : vector<256x128xi32>
    %select_n3A_3067 = arith.select %lt3A_3064, %select_n3A_3063, %select_n3A_3017 : vector<256x128xi1>, vector<256x128xi32>
    %select_n3A_3068 = arith.select %lt3A_3064, %select_n3A_3017, %select_n3A_3063 : vector<256x128xi1>, vector<256x128xi32>
    %lt3A_3069 = arith.cmpi slt, %max3A_3066, %min3A_3020 : vector<256x128xi32>
    %min3A_3070 = arith.minsi %max3A_3066, %min3A_3020 : vector<256x128xi32>
    %max3A_3071 = arith.maxsi %max3A_3066, %min3A_3020 : vector<256x128xi32>
    %select_n3A_3072 = arith.select %lt3A_3069, %select_n3A_3068, %select_n3A_3022 : vector<256x128xi1>, vector<256x128xi32>
    %select_n3A_3073 = arith.select %lt3A_3069, %select_n3A_3022, %select_n3A_3068 : vector<256x128xi1>, vector<256x128xi32>
    %lt3A_3074 = arith.cmpi slt, %max3A_3071, %min3A_3025 : vector<256x128xi32>
    %min3A_3075 = arith.minsi %max3A_3071, %min3A_3025 : vector<256x128xi32>
    %select_n3A_3076 = arith.select %lt3A_3074, %select_n3A_3073, %select_n3A_3026 : vector<256x128xi1>, vector<256x128xi32>
    %slice3A_3077 = vector.extract_strided_slice %convert_element_type3A {offsets = [0, 7808], sizes = [3, 128], strides = [1, 1]} : vector<3x8192xbf16> to vector<3x128xbf16>
    %dot_general3A_3078 = arith.constant dense<0.000000e+00> : vector<256x128xf32>
    %dot_general3A_3079 = tpu.matmul %convert_element_type3A_9, %slice3A_3077, %dot_general3A_3078 {dimension_numbers = #tpu.dot_dimension_numbers<[1], [0], [0], [1], [0, 0, 1, 1], [], []>, transpose_lhs_hint = false} : vector<256x3xbf16>, vector<3x128xbf16>, vector<256x128xf32> -> vector<256x128xf32>
    %slice3A_3080 = vector.extract_strided_slice %broadcast_in_dim3A {offsets = [0, 7808], sizes = [1, 128], strides = [1, 1]} : vector<1x8192xf32> to vector<1x128xf32>
    %add3A_3081 = vector.broadcast %broadcast_in_dim3A_14 : vector<256x1xf32> to vector<256x128xf32>
    %add3A_3082 = vector.broadcast %slice3A_3080 : vector<1x128xf32> to vector<256x128xf32>
    %add3A_3083 = arith.addf %add3A_3081, %add3A_3082 : vector<256x128xf32>
    %mul3A_3084 = arith.constant 2.000000e+00 : f32
    %mul3A_3085 = vector.broadcast %mul3A_3084 : f32 to vector<256x128xf32>
    %mul3A_3086 = arith.mulf %mul3A_3085, %dot_general3A_3079 : vector<256x128xf32>
    %sub3A_3087 = arith.subf %add3A_3083, %mul3A_3086 : vector<256x128xf32>
    %bitcast_convert_type3A_3088 = tpu.bitcast %sub3A_3087 : vector<256x128xf32> -> vector<256x128xi32>
    %shift_right_arithmetic3A_3089 = arith.constant 31 : i32
    %shift_right_arithmetic3A_3090 = vector.broadcast %shift_right_arithmetic3A_3089 : i32 to vector<256x128xi32>
    %shift_right_arithmetic3A_3091 = arith.shrsi %bitcast_convert_type3A_3088, %shift_right_arithmetic3A_3090 : vector<256x128xi32>
    %and3A_3092 = arith.constant 2147483647 : i32
    %and3A_3093 = vector.broadcast %and3A_3092 : i32 to vector<256x128xi32>
    %and3A_3094 = arith.andi %shift_right_arithmetic3A_3091, %and3A_3093 : vector<256x128xi32>
    %xor3A_3095 = arith.xori %bitcast_convert_type3A_3088, %and3A_3094 : vector<256x128xi32>
    %add3A_3096 = arith.constant 7808 : i32
    %add3A_3097 = vector.broadcast %add3A_3096 : i32 to vector<256x128xi32>
    %add3A_3098 = arith.addi %iota3A, %add3A_3097 : vector<256x128xi32>
    %lt3A_3099 = arith.cmpi slt, %xor3A_3095, %min3A_3050 : vector<256x128xi32>
    %min3A_3100 = arith.minsi %xor3A_3095, %min3A_3050 : vector<256x128xi32>
    %max3A_3101 = arith.maxsi %xor3A_3095, %min3A_3050 : vector<256x128xi32>
    %select_n3A_3102 = arith.select %lt3A_3099, %add3A_3098, %select_n3A_3052 : vector<256x128xi1>, vector<256x128xi32>
    %select_n3A_3103 = arith.select %lt3A_3099, %select_n3A_3052, %add3A_3098 : vector<256x128xi1>, vector<256x128xi32>
    %lt3A_3104 = arith.cmpi slt, %max3A_3101, %min3A_3055 : vector<256x128xi32>
    %min3A_3105 = arith.minsi %max3A_3101, %min3A_3055 : vector<256x128xi32>
    %max3A_3106 = arith.maxsi %max3A_3101, %min3A_3055 : vector<256x128xi32>
    %select_n3A_3107 = arith.select %lt3A_3104, %select_n3A_3103, %select_n3A_3057 : vector<256x128xi1>, vector<256x128xi32>
    %select_n3A_3108 = arith.select %lt3A_3104, %select_n3A_3057, %select_n3A_3103 : vector<256x128xi1>, vector<256x128xi32>
    %lt3A_3109 = arith.cmpi slt, %max3A_3106, %min3A_3060 : vector<256x128xi32>
    %min3A_3110 = arith.minsi %max3A_3106, %min3A_3060 : vector<256x128xi32>
    %max3A_3111 = arith.maxsi %max3A_3106, %min3A_3060 : vector<256x128xi32>
    %select_n3A_3112 = arith.select %lt3A_3109, %select_n3A_3108, %select_n3A_3062 : vector<256x128xi1>, vector<256x128xi32>
    %select_n3A_3113 = arith.select %lt3A_3109, %select_n3A_3062, %select_n3A_3108 : vector<256x128xi1>, vector<256x128xi32>
    %lt3A_3114 = arith.cmpi slt, %max3A_3111, %min3A_3065 : vector<256x128xi32>
    %min3A_3115 = arith.minsi %max3A_3111, %min3A_3065 : vector<256x128xi32>
    %max3A_3116 = arith.maxsi %max3A_3111, %min3A_3065 : vector<256x128xi32>
    %select_n3A_3117 = arith.select %lt3A_3114, %select_n3A_3113, %select_n3A_3067 : vector<256x128xi1>, vector<256x128xi32>
    %select_n3A_3118 = arith.select %lt3A_3114, %select_n3A_3067, %select_n3A_3113 : vector<256x128xi1>, vector<256x128xi32>
    %lt3A_3119 = arith.cmpi slt, %max3A_3116, %min3A_3070 : vector<256x128xi32>
    %min3A_3120 = arith.minsi %max3A_3116, %min3A_3070 : vector<256x128xi32>
    %max3A_3121 = arith.maxsi %max3A_3116, %min3A_3070 : vector<256x128xi32>
    %select_n3A_3122 = arith.select %lt3A_3119, %select_n3A_3118, %select_n3A_3072 : vector<256x128xi1>, vector<256x128xi32>
    %select_n3A_3123 = arith.select %lt3A_3119, %select_n3A_3072, %select_n3A_3118 : vector<256x128xi1>, vector<256x128xi32>
    %lt3A_3124 = arith.cmpi slt, %max3A_3121, %min3A_3075 : vector<256x128xi32>
    %min3A_3125 = arith.minsi %max3A_3121, %min3A_3075 : vector<256x128xi32>
    %select_n3A_3126 = arith.select %lt3A_3124, %select_n3A_3123, %select_n3A_3076 : vector<256x128xi1>, vector<256x128xi32>
    %slice3A_3127 = vector.extract_strided_slice %convert_element_type3A {offsets = [0, 7936], sizes = [3, 128], strides = [1, 1]} : vector<3x8192xbf16> to vector<3x128xbf16>
    %dot_general3A_3128 = arith.constant dense<0.000000e+00> : vector<256x128xf32>
    %dot_general3A_3129 = tpu.matmul %convert_element_type3A_9, %slice3A_3127, %dot_general3A_3128 {dimension_numbers = #tpu.dot_dimension_numbers<[1], [0], [0], [1], [0, 0, 1, 1], [], []>, transpose_lhs_hint = false} : vector<256x3xbf16>, vector<3x128xbf16>, vector<256x128xf32> -> vector<256x128xf32>
    %slice3A_3130 = vector.extract_strided_slice %broadcast_in_dim3A {offsets = [0, 7936], sizes = [1, 128], strides = [1, 1]} : vector<1x8192xf32> to vector<1x128xf32>
    %add3A_3131 = vector.broadcast %broadcast_in_dim3A_14 : vector<256x1xf32> to vector<256x128xf32>
    %add3A_3132 = vector.broadcast %slice3A_3130 : vector<1x128xf32> to vector<256x128xf32>
    %add3A_3133 = arith.addf %add3A_3131, %add3A_3132 : vector<256x128xf32>
    %mul3A_3134 = arith.constant 2.000000e+00 : f32
    %mul3A_3135 = vector.broadcast %mul3A_3134 : f32 to vector<256x128xf32>
    %mul3A_3136 = arith.mulf %mul3A_3135, %dot_general3A_3129 : vector<256x128xf32>
    %sub3A_3137 = arith.subf %add3A_3133, %mul3A_3136 : vector<256x128xf32>
    %bitcast_convert_type3A_3138 = tpu.bitcast %sub3A_3137 : vector<256x128xf32> -> vector<256x128xi32>
    %shift_right_arithmetic3A_3139 = arith.constant 31 : i32
    %shift_right_arithmetic3A_3140 = vector.broadcast %shift_right_arithmetic3A_3139 : i32 to vector<256x128xi32>
    %shift_right_arithmetic3A_3141 = arith.shrsi %bitcast_convert_type3A_3138, %shift_right_arithmetic3A_3140 : vector<256x128xi32>
    %and3A_3142 = arith.constant 2147483647 : i32
    %and3A_3143 = vector.broadcast %and3A_3142 : i32 to vector<256x128xi32>
    %and3A_3144 = arith.andi %shift_right_arithmetic3A_3141, %and3A_3143 : vector<256x128xi32>
    %xor3A_3145 = arith.xori %bitcast_convert_type3A_3138, %and3A_3144 : vector<256x128xi32>
    %add3A_3146 = arith.constant 7936 : i32
    %add3A_3147 = vector.broadcast %add3A_3146 : i32 to vector<256x128xi32>
    %add3A_3148 = arith.addi %iota3A, %add3A_3147 : vector<256x128xi32>
    %lt3A_3149 = arith.cmpi slt, %xor3A_3145, %min3A_3100 : vector<256x128xi32>
    %min3A_3150 = arith.minsi %xor3A_3145, %min3A_3100 : vector<256x128xi32>
    %max3A_3151 = arith.maxsi %xor3A_3145, %min3A_3100 : vector<256x128xi32>
    %select_n3A_3152 = arith.select %lt3A_3149, %add3A_3148, %select_n3A_3102 : vector<256x128xi1>, vector<256x128xi32>
    %select_n3A_3153 = arith.select %lt3A_3149, %select_n3A_3102, %add3A_3148 : vector<256x128xi1>, vector<256x128xi32>
    %lt3A_3154 = arith.cmpi slt, %max3A_3151, %min3A_3105 : vector<256x128xi32>
    %min3A_3155 = arith.minsi %max3A_3151, %min3A_3105 : vector<256x128xi32>
    %max3A_3156 = arith.maxsi %max3A_3151, %min3A_3105 : vector<256x128xi32>
    %select_n3A_3157 = arith.select %lt3A_3154, %select_n3A_3153, %select_n3A_3107 : vector<256x128xi1>, vector<256x128xi32>
    %select_n3A_3158 = arith.select %lt3A_3154, %select_n3A_3107, %select_n3A_3153 : vector<256x128xi1>, vector<256x128xi32>
    %lt3A_3159 = arith.cmpi slt, %max3A_3156, %min3A_3110 : vector<256x128xi32>
    %min3A_3160 = arith.minsi %max3A_3156, %min3A_3110 : vector<256x128xi32>
    %max3A_3161 = arith.maxsi %max3A_3156, %min3A_3110 : vector<256x128xi32>
    %select_n3A_3162 = arith.select %lt3A_3159, %select_n3A_3158, %select_n3A_3112 : vector<256x128xi1>, vector<256x128xi32>
    %select_n3A_3163 = arith.select %lt3A_3159, %select_n3A_3112, %select_n3A_3158 : vector<256x128xi1>, vector<256x128xi32>
    %lt3A_3164 = arith.cmpi slt, %max3A_3161, %min3A_3115 : vector<256x128xi32>
    %min3A_3165 = arith.minsi %max3A_3161, %min3A_3115 : vector<256x128xi32>
    %max3A_3166 = arith.maxsi %max3A_3161, %min3A_3115 : vector<256x128xi32>
    %select_n3A_3167 = arith.select %lt3A_3164, %select_n3A_3163, %select_n3A_3117 : vector<256x128xi1>, vector<256x128xi32>
    %select_n3A_3168 = arith.select %lt3A_3164, %select_n3A_3117, %select_n3A_3163 : vector<256x128xi1>, vector<256x128xi32>
    %lt3A_3169 = arith.cmpi slt, %max3A_3166, %min3A_3120 : vector<256x128xi32>
    %min3A_3170 = arith.minsi %max3A_3166, %min3A_3120 : vector<256x128xi32>
    %max3A_3171 = arith.maxsi %max3A_3166, %min3A_3120 : vector<256x128xi32>
    %select_n3A_3172 = arith.select %lt3A_3169, %select_n3A_3168, %select_n3A_3122 : vector<256x128xi1>, vector<256x128xi32>
    %select_n3A_3173 = arith.select %lt3A_3169, %select_n3A_3122, %select_n3A_3168 : vector<256x128xi1>, vector<256x128xi32>
    %lt3A_3174 = arith.cmpi slt, %max3A_3171, %min3A_3125 : vector<256x128xi32>
    %min3A_3175 = arith.minsi %max3A_3171, %min3A_3125 : vector<256x128xi32>
    %select_n3A_3176 = arith.select %lt3A_3174, %select_n3A_3173, %select_n3A_3126 : vector<256x128xi1>, vector<256x128xi32>
    %slice3A_3177 = vector.extract_strided_slice %convert_element_type3A {offsets = [0, 8064], sizes = [3, 128], strides = [1, 1]} : vector<3x8192xbf16> to vector<3x128xbf16>
    %dot_general3A_3178 = arith.constant dense<0.000000e+00> : vector<256x128xf32>
    %dot_general3A_3179 = tpu.matmul %convert_element_type3A_9, %slice3A_3177, %dot_general3A_3178 {dimension_numbers = #tpu.dot_dimension_numbers<[1], [0], [0], [1], [0, 0, 1, 1], [], []>, transpose_lhs_hint = false} : vector<256x3xbf16>, vector<3x128xbf16>, vector<256x128xf32> -> vector<256x128xf32>
    %slice3A_3180 = vector.extract_strided_slice %broadcast_in_dim3A {offsets = [0, 8064], sizes = [1, 128], strides = [1, 1]} : vector<1x8192xf32> to vector<1x128xf32>
    %add3A_3181 = vector.broadcast %broadcast_in_dim3A_14 : vector<256x1xf32> to vector<256x128xf32>
    %add3A_3182 = vector.broadcast %slice3A_3180 : vector<1x128xf32> to vector<256x128xf32>
    %add3A_3183 = arith.addf %add3A_3181, %add3A_3182 : vector<256x128xf32>
    %mul3A_3184 = arith.constant 2.000000e+00 : f32
    %mul3A_3185 = vector.broadcast %mul3A_3184 : f32 to vector<256x128xf32>
    %mul3A_3186 = arith.mulf %mul3A_3185, %dot_general3A_3179 : vector<256x128xf32>
    %sub3A_3187 = arith.subf %add3A_3183, %mul3A_3186 : vector<256x128xf32>
    %bitcast_convert_type3A_3188 = tpu.bitcast %sub3A_3187 : vector<256x128xf32> -> vector<256x128xi32>
    %shift_right_arithmetic3A_3189 = arith.constant 31 : i32
    %shift_right_arithmetic3A_3190 = vector.broadcast %shift_right_arithmetic3A_3189 : i32 to vector<256x128xi32>
    %shift_right_arithmetic3A_3191 = arith.shrsi %bitcast_convert_type3A_3188, %shift_right_arithmetic3A_3190 : vector<256x128xi32>
    %and3A_3192 = arith.constant 2147483647 : i32
    %and3A_3193 = vector.broadcast %and3A_3192 : i32 to vector<256x128xi32>
    %and3A_3194 = arith.andi %shift_right_arithmetic3A_3191, %and3A_3193 : vector<256x128xi32>
    %xor3A_3195 = arith.xori %bitcast_convert_type3A_3188, %and3A_3194 : vector<256x128xi32>
    %add3A_3196 = arith.constant 8064 : i32
    %add3A_3197 = vector.broadcast %add3A_3196 : i32 to vector<256x128xi32>
    %add3A_3198 = arith.addi %iota3A, %add3A_3197 : vector<256x128xi32>
    %lt3A_3199 = arith.cmpi slt, %xor3A_3195, %min3A_3150 : vector<256x128xi32>
    %min3A_3200 = arith.minsi %xor3A_3195, %min3A_3150 : vector<256x128xi32>
    %max3A_3201 = arith.maxsi %xor3A_3195, %min3A_3150 : vector<256x128xi32>
    %select_n3A_3202 = arith.select %lt3A_3199, %add3A_3198, %select_n3A_3152 : vector<256x128xi1>, vector<256x128xi32>
    %select_n3A_3203 = arith.select %lt3A_3199, %select_n3A_3152, %add3A_3198 : vector<256x128xi1>, vector<256x128xi32>
    %lt3A_3204 = arith.cmpi slt, %max3A_3201, %min3A_3155 : vector<256x128xi32>
    %min3A_3205 = arith.minsi %max3A_3201, %min3A_3155 : vector<256x128xi32>
    %max3A_3206 = arith.maxsi %max3A_3201, %min3A_3155 : vector<256x128xi32>
    %select_n3A_3207 = arith.select %lt3A_3204, %select_n3A_3203, %select_n3A_3157 : vector<256x128xi1>, vector<256x128xi32>
    %select_n3A_3208 = arith.select %lt3A_3204, %select_n3A_3157, %select_n3A_3203 : vector<256x128xi1>, vector<256x128xi32>
    %lt3A_3209 = arith.cmpi slt, %max3A_3206, %min3A_3160 : vector<256x128xi32>
    %min3A_3210 = arith.minsi %max3A_3206, %min3A_3160 : vector<256x128xi32>
    %max3A_3211 = arith.maxsi %max3A_3206, %min3A_3160 : vector<256x128xi32>
    %select_n3A_3212 = arith.select %lt3A_3209, %select_n3A_3208, %select_n3A_3162 : vector<256x128xi1>, vector<256x128xi32>
    %select_n3A_3213 = arith.select %lt3A_3209, %select_n3A_3162, %select_n3A_3208 : vector<256x128xi1>, vector<256x128xi32>
    %lt3A_3214 = arith.cmpi slt, %max3A_3211, %min3A_3165 : vector<256x128xi32>
    %min3A_3215 = arith.minsi %max3A_3211, %min3A_3165 : vector<256x128xi32>
    %max3A_3216 = arith.maxsi %max3A_3211, %min3A_3165 : vector<256x128xi32>
    %select_n3A_3217 = arith.select %lt3A_3214, %select_n3A_3213, %select_n3A_3167 : vector<256x128xi1>, vector<256x128xi32>
    %select_n3A_3218 = arith.select %lt3A_3214, %select_n3A_3167, %select_n3A_3213 : vector<256x128xi1>, vector<256x128xi32>
    %lt3A_3219 = arith.cmpi slt, %max3A_3216, %min3A_3170 : vector<256x128xi32>
    %min3A_3220 = arith.minsi %max3A_3216, %min3A_3170 : vector<256x128xi32>
    %max3A_3221 = arith.maxsi %max3A_3216, %min3A_3170 : vector<256x128xi32>
    %select_n3A_3222 = arith.select %lt3A_3219, %select_n3A_3218, %select_n3A_3172 : vector<256x128xi1>, vector<256x128xi32>
    %select_n3A_3223 = arith.select %lt3A_3219, %select_n3A_3172, %select_n3A_3218 : vector<256x128xi1>, vector<256x128xi32>
    %lt3A_3224 = arith.cmpi slt, %max3A_3221, %min3A_3175 : vector<256x128xi32>
    %min3A_3225 = arith.minsi %max3A_3221, %min3A_3175 : vector<256x128xi32>
    %select_n3A_3226 = arith.select %lt3A_3224, %select_n3A_3223, %select_n3A_3176 : vector<256x128xi1>, vector<256x128xi32>
    %concatenate3A = tpu.concatenate %min3A_3200, %min3A_3205, %min3A_3210, %min3A_3215, %min3A_3220, %min3A_3225 in 1 : vector<256x128xi32>, vector<256x128xi32>, vector<256x128xi32>, vector<256x128xi32>, vector<256x128xi32>, vector<256x128xi32> -> vector<256x768xi32>
    %concatenate3A_3227 = tpu.concatenate %select_n3A_3202, %select_n3A_3207, %select_n3A_3212, %select_n3A_3217, %select_n3A_3222, %select_n3A_3226 in 1 : vector<256x128xi32>, vector<256x128xi32>, vector<256x128xi32>, vector<256x128xi32>, vector<256x128xi32>, vector<256x128xi32> -> vector<256x768xi32>
    %broadcast_in_dim3A_3228 = arith.constant -2147483648 : i32
    %broadcast_in_dim3A_3229 = vector.broadcast %broadcast_in_dim3A_3228 : i32 to vector<256x1xi32>
    %broadcast_in_dim3A_3230 = arith.constant -1 : i32
    %broadcast_in_dim3A_3231 = vector.broadcast %broadcast_in_dim3A_3230 : i32 to vector<256x1xi32>
    %gt3A = vector.broadcast %broadcast_in_dim3A_3229 : vector<256x1xi32> to vector<256x768xi32>
    %gt3A_3232 = arith.cmpi sgt, %concatenate3A, %gt3A : vector<256x768xi32>
    %eq3A = vector.broadcast %broadcast_in_dim3A_3229 : vector<256x1xi32> to vector<256x768xi32>
    %eq3A_3233 = arith.cmpi eq, %concatenate3A, %eq3A : vector<256x768xi32>
    %gt3A_3234 = vector.broadcast %broadcast_in_dim3A_3231 : vector<256x1xi32> to vector<256x768xi32>
    %gt3A_3235 = arith.cmpi sgt, %concatenate3A_3227, %gt3A_3234 : vector<256x768xi32>
    %and3A_3236 = arith.andi %eq3A_3233, %gt3A_3235 : vector<256x768xi1>
    %or3A = arith.ori %gt3A_3232, %and3A_3236 : vector<256x768xi1>
    %jit3A = arith.constant 2147483647 : i32
    %broadcast_in_dim3A_3237 = vector.broadcast %jit3A : i32 to vector<256x768xi32>
    %select_n3A_3238 = arith.select %or3A, %concatenate3A, %broadcast_in_dim3A_3237 : vector<256x768xi1>, vector<256x768xi32>
    %reduce_min3A = arith.constant dense<2147483647> : vector<256xi32>
    %reduce_min3A_3239 = vector.multi_reduction <minsi>, %select_n3A_3238, %reduce_min3A [1] : vector<256x768xi32> to vector<256xi32>
    %broadcast_in_dim3A_3240 = vector.shape_cast %reduce_min3A_3239 : vector<256xi32> to vector<256x1xi32>
    %eq3A_3241 = vector.broadcast %broadcast_in_dim3A_3240 : vector<256x1xi32> to vector<256x768xi32>
    %eq3A_3242 = arith.cmpi eq, %concatenate3A, %eq3A_3241 : vector<256x768xi32>
    %and3A_3243 = arith.andi %or3A, %eq3A_3242 : vector<256x768xi1>
    %jit3A_3244 = arith.constant 8192 : i32
    %broadcast_in_dim3A_3245 = vector.broadcast %jit3A_3244 : i32 to vector<256x768xi32>
    %select_n3A_3246 = arith.select %and3A_3243, %concatenate3A_3227, %broadcast_in_dim3A_3245 : vector<256x768xi1>, vector<256x768xi32>
    %reduce_min3A_3247 = arith.constant dense<2147483647> : vector<256xi32>
    %reduce_min3A_3248 = vector.multi_reduction <minsi>, %select_n3A_3246, %reduce_min3A_3247 [1] : vector<256x768xi32> to vector<256xi32>
    %broadcast_in_dim3A_3249 = vector.shape_cast %reduce_min3A_3248 : vector<256xi32> to vector<256x1xi32>
    %swap3A = arith.constant 0 : index
    %swap3A_3250 = arith.constant 0 : index
    %swap3A_3251 = arith.constant 0 : index
    %swap3A_3252 = vector.load %arg4[%swap3A, %swap3A_3250, %swap3A_3251] : memref<1x256x16xi32, #tpu.memory_space<vmem>>, vector<1x256x1xi32>
    %swap3A_3253 = vector.shape_cast %swap3A_3252 : vector<1x256x1xi32> to vector<256x1xi32>
    %swap3A_3254 = vector.shape_cast %broadcast_in_dim3A_3249 : vector<256x1xi32> to vector<1x256x1xi32>
    tpu.vector_store %arg4[%swap3A, %swap3A_3250, %swap3A_3251], %swap3A_3254 {strides = array<i32>} : memref<1x256x16xi32, #tpu.memory_space<vmem>>, vector<1x256x1xi32>,
    %mul3A_3255 = arith.constant 8192 : i32
    %mul3A_3256 = arith.muli %arg0, %mul3A_3255 : i32
    %add3A_3257 = vector.broadcast %mul3A_3256 : i32 to vector<256x1xi32>
    %add3A_3258 = arith.addi %broadcast_in_dim3A_3249, %add3A_3257 : vector<256x1xi32>
    %swap3A_3259 = arith.constant 0 : index
    %swap3A_3260 = arith.constant 0 : index
    %swap3A_3261 = arith.constant 0 : index
    %swap3A_3262 = vector.load %arg5[%swap3A_3259, %swap3A_3260, %swap3A_3261] : memref<1x256x16xi32, #tpu.memory_space<vmem>>, vector<1x256x1xi32>
    %swap3A_3263 = vector.shape_cast %swap3A_3262 : vector<1x256x1xi32> to vector<256x1xi32>
    %swap3A_3264 = vector.shape_cast %add3A_3258 : vector<256x1xi32> to vector<1x256x1xi32>
    tpu.vector_store %arg5[%swap3A_3259, %swap3A_3260, %swap3A_3261], %swap3A_3264 {strides = array<i32>} : memref<1x256x16xi32, #tpu.memory_space<vmem>>, vector<1x256x1xi32>,
    %gt3A_3265 = vector.broadcast %broadcast_in_dim3A_3240 : vector<256x1xi32> to vector<256x768xi32>
    %gt3A_3266 = arith.cmpi sgt, %concatenate3A, %gt3A_3265 : vector<256x768xi32>
    %eq3A_3267 = vector.broadcast %broadcast_in_dim3A_3240 : vector<256x1xi32> to vector<256x768xi32>
    %eq3A_3268 = arith.cmpi eq, %concatenate3A, %eq3A_3267 : vector<256x768xi32>
    %gt3A_3269 = vector.broadcast %broadcast_in_dim3A_3249 : vector<256x1xi32> to vector<256x768xi32>
    %gt3A_3270 = arith.cmpi sgt, %concatenate3A_3227, %gt3A_3269 : vector<256x768xi32>
    %and3A_3271 = arith.andi %eq3A_3268, %gt3A_3270 : vector<256x768xi1>
    %or3A_3272 = arith.ori %gt3A_3266, %and3A_3271 : vector<256x768xi1>
    %jit3A_3273 = arith.constant 2147483647 : i32
    %broadcast_in_dim3A_3274 = vector.broadcast %jit3A_3273 : i32 to vector<256x768xi32>
    %select_n3A_3275 = arith.select %or3A_3272, %concatenate3A, %broadcast_in_dim3A_3274 : vector<256x768xi1>, vector<256x768xi32>
    %reduce_min3A_3276 = arith.constant dense<2147483647> : vector<256xi32>
    %reduce_min3A_3277 = vector.multi_reduction <minsi>, %select_n3A_3275, %reduce_min3A_3276 [1] : vector<256x768xi32> to vector<256xi32>
    %broadcast_in_dim3A_3278 = vector.shape_cast %reduce_min3A_3277 : vector<256xi32> to vector<256x1xi32>
    %eq3A_3279 = vector.broadcast %broadcast_in_dim3A_3278 : vector<256x1xi32> to vector<256x768xi32>
    %eq3A_3280 = arith.cmpi eq, %concatenate3A, %eq3A_3279 : vector<256x768xi32>
    %and3A_3281 = arith.andi %or3A_3272, %eq3A_3280 : vector<256x768xi1>
    %jit3A_3282 = arith.constant 8192 : i32
    %broadcast_in_dim3A_3283 = vector.broadcast %jit3A_3282 : i32 to vector<256x768xi32>
    %select_n3A_3284 = arith.select %and3A_3281, %concatenate3A_3227, %broadcast_in_dim3A_3283 : vector<256x768xi1>, vector<256x768xi32>
    %reduce_min3A_3285 = arith.constant dense<2147483647> : vector<256xi32>
    %reduce_min3A_3286 = vector.multi_reduction <minsi>, %select_n3A_3284, %reduce_min3A_3285 [1] : vector<256x768xi32> to vector<256xi32>
    %broadcast_in_dim3A_3287 = vector.shape_cast %reduce_min3A_3286 : vector<256xi32> to vector<256x1xi32>
    %swap3A_3288 = arith.constant 0 : index
    %swap3A_3289 = arith.constant 0 : index
    %swap3A_3290 = arith.constant 1 : index
    %swap3A_3291 = vector.load %arg4[%swap3A_3288, %swap3A_3289, %swap3A_3290] : memref<1x256x16xi32, #tpu.memory_space<vmem>>, vector<1x256x1xi32>
    %swap3A_3292 = vector.shape_cast %swap3A_3291 : vector<1x256x1xi32> to vector<256x1xi32>
    %swap3A_3293 = vector.shape_cast %broadcast_in_dim3A_3287 : vector<256x1xi32> to vector<1x256x1xi32>
    tpu.vector_store %arg4[%swap3A_3288, %swap3A_3289, %swap3A_3290], %swap3A_3293 {strides = array<i32>} : memref<1x256x16xi32, #tpu.memory_space<vmem>>, vector<1x256x1xi32>,
    %mul3A_3294 = arith.constant 8192 : i32
    %mul3A_3295 = arith.muli %arg0, %mul3A_3294 : i32
    %add3A_3296 = vector.broadcast %mul3A_3295 : i32 to vector<256x1xi32>
    %add3A_3297 = arith.addi %broadcast_in_dim3A_3287, %add3A_3296 : vector<256x1xi32>
    %swap3A_3298 = arith.constant 0 : index
    %swap3A_3299 = arith.constant 0 : index
    %swap3A_3300 = arith.constant 1 : index
    %swap3A_3301 = vector.load %arg5[%swap3A_3298, %swap3A_3299, %swap3A_3300] : memref<1x256x16xi32, #tpu.memory_space<vmem>>, vector<1x256x1xi32>
    %swap3A_3302 = vector.shape_cast %swap3A_3301 : vector<1x256x1xi32> to vector<256x1xi32>
    %swap3A_3303 = vector.shape_cast %add3A_3297 : vector<256x1xi32> to vector<1x256x1xi32>
    tpu.vector_store %arg5[%swap3A_3298, %swap3A_3299, %swap3A_3300], %swap3A_3303 {strides = array<i32>} : memref<1x256x16xi32, #tpu.memory_space<vmem>>, vector<1x256x1xi32>,
    %gt3A_3304 = vector.broadcast %broadcast_in_dim3A_3278 : vector<256x1xi32> to vector<256x768xi32>
    %gt3A_3305 = arith.cmpi sgt, %concatenate3A, %gt3A_3304 : vector<256x768xi32>
    %eq3A_3306 = vector.broadcast %broadcast_in_dim3A_3278 : vector<256x1xi32> to vector<256x768xi32>
    %eq3A_3307 = arith.cmpi eq, %concatenate3A, %eq3A_3306 : vector<256x768xi32>
    %gt3A_3308 = vector.broadcast %broadcast_in_dim3A_3287 : vector<256x1xi32> to vector<256x768xi32>
    %gt3A_3309 = arith.cmpi sgt, %concatenate3A_3227, %gt3A_3308 : vector<256x768xi32>
    %and3A_3310 = arith.andi %eq3A_3307, %gt3A_3309 : vector<256x768xi1>
    %or3A_3311 = arith.ori %gt3A_3305, %and3A_3310 : vector<256x768xi1>
    %jit3A_3312 = arith.constant 2147483647 : i32
    %broadcast_in_dim3A_3313 = vector.broadcast %jit3A_3312 : i32 to vector<256x768xi32>
    %select_n3A_3314 = arith.select %or3A_3311, %concatenate3A, %broadcast_in_dim3A_3313 : vector<256x768xi1>, vector<256x768xi32>
    %reduce_min3A_3315 = arith.constant dense<2147483647> : vector<256xi32>
    %reduce_min3A_3316 = vector.multi_reduction <minsi>, %select_n3A_3314, %reduce_min3A_3315 [1] : vector<256x768xi32> to vector<256xi32>
    %broadcast_in_dim3A_3317 = vector.shape_cast %reduce_min3A_3316 : vector<256xi32> to vector<256x1xi32>
    %eq3A_3318 = vector.broadcast %broadcast_in_dim3A_3317 : vector<256x1xi32> to vector<256x768xi32>
    %eq3A_3319 = arith.cmpi eq, %concatenate3A, %eq3A_3318 : vector<256x768xi32>
    %and3A_3320 = arith.andi %or3A_3311, %eq3A_3319 : vector<256x768xi1>
    %jit3A_3321 = arith.constant 8192 : i32
    %broadcast_in_dim3A_3322 = vector.broadcast %jit3A_3321 : i32 to vector<256x768xi32>
    %select_n3A_3323 = arith.select %and3A_3320, %concatenate3A_3227, %broadcast_in_dim3A_3322 : vector<256x768xi1>, vector<256x768xi32>
    %reduce_min3A_3324 = arith.constant dense<2147483647> : vector<256xi32>
    %reduce_min3A_3325 = vector.multi_reduction <minsi>, %select_n3A_3323, %reduce_min3A_3324 [1] : vector<256x768xi32> to vector<256xi32>
    %broadcast_in_dim3A_3326 = vector.shape_cast %reduce_min3A_3325 : vector<256xi32> to vector<256x1xi32>
    %swap3A_3327 = arith.constant 0 : index
    %swap3A_3328 = arith.constant 0 : index
    %swap3A_3329 = arith.constant 2 : index
    %swap3A_3330 = vector.load %arg4[%swap3A_3327, %swap3A_3328, %swap3A_3329] : memref<1x256x16xi32, #tpu.memory_space<vmem>>, vector<1x256x1xi32>
    %swap3A_3331 = vector.shape_cast %swap3A_3330 : vector<1x256x1xi32> to vector<256x1xi32>
    %swap3A_3332 = vector.shape_cast %broadcast_in_dim3A_3326 : vector<256x1xi32> to vector<1x256x1xi32>
    tpu.vector_store %arg4[%swap3A_3327, %swap3A_3328, %swap3A_3329], %swap3A_3332 {strides = array<i32>} : memref<1x256x16xi32, #tpu.memory_space<vmem>>, vector<1x256x1xi32>,
    %mul3A_3333 = arith.constant 8192 : i32
    %mul3A_3334 = arith.muli %arg0, %mul3A_3333 : i32
    %add3A_3335 = vector.broadcast %mul3A_3334 : i32 to vector<256x1xi32>
    %add3A_3336 = arith.addi %broadcast_in_dim3A_3326, %add3A_3335 : vector<256x1xi32>
    %swap3A_3337 = arith.constant 0 : index
    %swap3A_3338 = arith.constant 0 : index
    %swap3A_3339 = arith.constant 2 : index
    %swap3A_3340 = vector.load %arg5[%swap3A_3337, %swap3A_3338, %swap3A_3339] : memref<1x256x16xi32, #tpu.memory_space<vmem>>, vector<1x256x1xi32>
    %swap3A_3341 = vector.shape_cast %swap3A_3340 : vector<1x256x1xi32> to vector<256x1xi32>
    %swap3A_3342 = vector.shape_cast %add3A_3336 : vector<256x1xi32> to vector<1x256x1xi32>
    tpu.vector_store %arg5[%swap3A_3337, %swap3A_3338, %swap3A_3339], %swap3A_3342 {strides = array<i32>} : memref<1x256x16xi32, #tpu.memory_space<vmem>>, vector<1x256x1xi32>,
    %gt3A_3343 = vector.broadcast %broadcast_in_dim3A_3317 : vector<256x1xi32> to vector<256x768xi32>
    %gt3A_3344 = arith.cmpi sgt, %concatenate3A, %gt3A_3343 : vector<256x768xi32>
    %eq3A_3345 = vector.broadcast %broadcast_in_dim3A_3317 : vector<256x1xi32> to vector<256x768xi32>
    %eq3A_3346 = arith.cmpi eq, %concatenate3A, %eq3A_3345 : vector<256x768xi32>
    %gt3A_3347 = vector.broadcast %broadcast_in_dim3A_3326 : vector<256x1xi32> to vector<256x768xi32>
    %gt3A_3348 = arith.cmpi sgt, %concatenate3A_3227, %gt3A_3347 : vector<256x768xi32>
    %and3A_3349 = arith.andi %eq3A_3346, %gt3A_3348 : vector<256x768xi1>
    %or3A_3350 = arith.ori %gt3A_3344, %and3A_3349 : vector<256x768xi1>
    %jit3A_3351 = arith.constant 2147483647 : i32
    %broadcast_in_dim3A_3352 = vector.broadcast %jit3A_3351 : i32 to vector<256x768xi32>
    %select_n3A_3353 = arith.select %or3A_3350, %concatenate3A, %broadcast_in_dim3A_3352 : vector<256x768xi1>, vector<256x768xi32>
    %reduce_min3A_3354 = arith.constant dense<2147483647> : vector<256xi32>
    %reduce_min3A_3355 = vector.multi_reduction <minsi>, %select_n3A_3353, %reduce_min3A_3354 [1] : vector<256x768xi32> to vector<256xi32>
    %broadcast_in_dim3A_3356 = vector.shape_cast %reduce_min3A_3355 : vector<256xi32> to vector<256x1xi32>
    %eq3A_3357 = vector.broadcast %broadcast_in_dim3A_3356 : vector<256x1xi32> to vector<256x768xi32>
    %eq3A_3358 = arith.cmpi eq, %concatenate3A, %eq3A_3357 : vector<256x768xi32>
    %and3A_3359 = arith.andi %or3A_3350, %eq3A_3358 : vector<256x768xi1>
    %jit3A_3360 = arith.constant 8192 : i32
    %broadcast_in_dim3A_3361 = vector.broadcast %jit3A_3360 : i32 to vector<256x768xi32>
    %select_n3A_3362 = arith.select %and3A_3359, %concatenate3A_3227, %broadcast_in_dim3A_3361 : vector<256x768xi1>, vector<256x768xi32>
    %reduce_min3A_3363 = arith.constant dense<2147483647> : vector<256xi32>
    %reduce_min3A_3364 = vector.multi_reduction <minsi>, %select_n3A_3362, %reduce_min3A_3363 [1] : vector<256x768xi32> to vector<256xi32>
    %broadcast_in_dim3A_3365 = vector.shape_cast %reduce_min3A_3364 : vector<256xi32> to vector<256x1xi32>
    %swap3A_3366 = arith.constant 0 : index
    %swap3A_3367 = arith.constant 0 : index
    %swap3A_3368 = arith.constant 3 : index
    %swap3A_3369 = vector.load %arg4[%swap3A_3366, %swap3A_3367, %swap3A_3368] : memref<1x256x16xi32, #tpu.memory_space<vmem>>, vector<1x256x1xi32>
    %swap3A_3370 = vector.shape_cast %swap3A_3369 : vector<1x256x1xi32> to vector<256x1xi32>
    %swap3A_3371 = vector.shape_cast %broadcast_in_dim3A_3365 : vector<256x1xi32> to vector<1x256x1xi32>
    tpu.vector_store %arg4[%swap3A_3366, %swap3A_3367, %swap3A_3368], %swap3A_3371 {strides = array<i32>} : memref<1x256x16xi32, #tpu.memory_space<vmem>>, vector<1x256x1xi32>,
    %mul3A_3372 = arith.constant 8192 : i32
    %mul3A_3373 = arith.muli %arg0, %mul3A_3372 : i32
    %add3A_3374 = vector.broadcast %mul3A_3373 : i32 to vector<256x1xi32>
    %add3A_3375 = arith.addi %broadcast_in_dim3A_3365, %add3A_3374 : vector<256x1xi32>
    %swap3A_3376 = arith.constant 0 : index
    %swap3A_3377 = arith.constant 0 : index
    %swap3A_3378 = arith.constant 3 : index
    %swap3A_3379 = vector.load %arg5[%swap3A_3376, %swap3A_3377, %swap3A_3378] : memref<1x256x16xi32, #tpu.memory_space<vmem>>, vector<1x256x1xi32>
    %swap3A_3380 = vector.shape_cast %swap3A_3379 : vector<1x256x1xi32> to vector<256x1xi32>
    %swap3A_3381 = vector.shape_cast %add3A_3375 : vector<256x1xi32> to vector<1x256x1xi32>
    tpu.vector_store %arg5[%swap3A_3376, %swap3A_3377, %swap3A_3378], %swap3A_3381 {strides = array<i32>} : memref<1x256x16xi32, #tpu.memory_space<vmem>>, vector<1x256x1xi32>,
    %gt3A_3382 = vector.broadcast %broadcast_in_dim3A_3356 : vector<256x1xi32> to vector<256x768xi32>
    %gt3A_3383 = arith.cmpi sgt, %concatenate3A, %gt3A_3382 : vector<256x768xi32>
    %eq3A_3384 = vector.broadcast %broadcast_in_dim3A_3356 : vector<256x1xi32> to vector<256x768xi32>
    %eq3A_3385 = arith.cmpi eq, %concatenate3A, %eq3A_3384 : vector<256x768xi32>
    %gt3A_3386 = vector.broadcast %broadcast_in_dim3A_3365 : vector<256x1xi32> to vector<256x768xi32>
    %gt3A_3387 = arith.cmpi sgt, %concatenate3A_3227, %gt3A_3386 : vector<256x768xi32>
    %and3A_3388 = arith.andi %eq3A_3385, %gt3A_3387 : vector<256x768xi1>
    %or3A_3389 = arith.ori %gt3A_3383, %and3A_3388 : vector<256x768xi1>
    %jit3A_3390 = arith.constant 2147483647 : i32
    %broadcast_in_dim3A_3391 = vector.broadcast %jit3A_3390 : i32 to vector<256x768xi32>
    %select_n3A_3392 = arith.select %or3A_3389, %concatenate3A, %broadcast_in_dim3A_3391 : vector<256x768xi1>, vector<256x768xi32>
    %reduce_min3A_3393 = arith.constant dense<2147483647> : vector<256xi32>
    %reduce_min3A_3394 = vector.multi_reduction <minsi>, %select_n3A_3392, %reduce_min3A_3393 [1] : vector<256x768xi32> to vector<256xi32>
    %broadcast_in_dim3A_3395 = vector.shape_cast %reduce_min3A_3394 : vector<256xi32> to vector<256x1xi32>
    %eq3A_3396 = vector.broadcast %broadcast_in_dim3A_3395 : vector<256x1xi32> to vector<256x768xi32>
    %eq3A_3397 = arith.cmpi eq, %concatenate3A, %eq3A_3396 : vector<256x768xi32>
    %and3A_3398 = arith.andi %or3A_3389, %eq3A_3397 : vector<256x768xi1>
    %jit3A_3399 = arith.constant 8192 : i32
    %broadcast_in_dim3A_3400 = vector.broadcast %jit3A_3399 : i32 to vector<256x768xi32>
    %select_n3A_3401 = arith.select %and3A_3398, %concatenate3A_3227, %broadcast_in_dim3A_3400 : vector<256x768xi1>, vector<256x768xi32>
    %reduce_min3A_3402 = arith.constant dense<2147483647> : vector<256xi32>
    %reduce_min3A_3403 = vector.multi_reduction <minsi>, %select_n3A_3401, %reduce_min3A_3402 [1] : vector<256x768xi32> to vector<256xi32>
    %broadcast_in_dim3A_3404 = vector.shape_cast %reduce_min3A_3403 : vector<256xi32> to vector<256x1xi32>
    %swap3A_3405 = arith.constant 0 : index
    %swap3A_3406 = arith.constant 0 : index
    %swap3A_3407 = arith.constant 4 : index
    %swap3A_3408 = vector.load %arg4[%swap3A_3405, %swap3A_3406, %swap3A_3407] : memref<1x256x16xi32, #tpu.memory_space<vmem>>, vector<1x256x1xi32>
    %swap3A_3409 = vector.shape_cast %swap3A_3408 : vector<1x256x1xi32> to vector<256x1xi32>
    %swap3A_3410 = vector.shape_cast %broadcast_in_dim3A_3404 : vector<256x1xi32> to vector<1x256x1xi32>
    tpu.vector_store %arg4[%swap3A_3405, %swap3A_3406, %swap3A_3407], %swap3A_3410 {strides = array<i32>} : memref<1x256x16xi32, #tpu.memory_space<vmem>>, vector<1x256x1xi32>,
    %mul3A_3411 = arith.constant 8192 : i32
    %mul3A_3412 = arith.muli %arg0, %mul3A_3411 : i32
    %add3A_3413 = vector.broadcast %mul3A_3412 : i32 to vector<256x1xi32>
    %add3A_3414 = arith.addi %broadcast_in_dim3A_3404, %add3A_3413 : vector<256x1xi32>
    %swap3A_3415 = arith.constant 0 : index
    %swap3A_3416 = arith.constant 0 : index
    %swap3A_3417 = arith.constant 4 : index
    %swap3A_3418 = vector.load %arg5[%swap3A_3415, %swap3A_3416, %swap3A_3417] : memref<1x256x16xi32, #tpu.memory_space<vmem>>, vector<1x256x1xi32>
    %swap3A_3419 = vector.shape_cast %swap3A_3418 : vector<1x256x1xi32> to vector<256x1xi32>
    %swap3A_3420 = vector.shape_cast %add3A_3414 : vector<256x1xi32> to vector<1x256x1xi32>
    tpu.vector_store %arg5[%swap3A_3415, %swap3A_3416, %swap3A_3417], %swap3A_3420 {strides = array<i32>} : memref<1x256x16xi32, #tpu.memory_space<vmem>>, vector<1x256x1xi32>,
    %gt3A_3421 = vector.broadcast %broadcast_in_dim3A_3395 : vector<256x1xi32> to vector<256x768xi32>
    %gt3A_3422 = arith.cmpi sgt, %concatenate3A, %gt3A_3421 : vector<256x768xi32>
    %eq3A_3423 = vector.broadcast %broadcast_in_dim3A_3395 : vector<256x1xi32> to vector<256x768xi32>
    %eq3A_3424 = arith.cmpi eq, %concatenate3A, %eq3A_3423 : vector<256x768xi32>
    %gt3A_3425 = vector.broadcast %broadcast_in_dim3A_3404 : vector<256x1xi32> to vector<256x768xi32>
    %gt3A_3426 = arith.cmpi sgt, %concatenate3A_3227, %gt3A_3425 : vector<256x768xi32>
    %and3A_3427 = arith.andi %eq3A_3424, %gt3A_3426 : vector<256x768xi1>
    %or3A_3428 = arith.ori %gt3A_3422, %and3A_3427 : vector<256x768xi1>
    %jit3A_3429 = arith.constant 2147483647 : i32
    %broadcast_in_dim3A_3430 = vector.broadcast %jit3A_3429 : i32 to vector<256x768xi32>
    %select_n3A_3431 = arith.select %or3A_3428, %concatenate3A, %broadcast_in_dim3A_3430 : vector<256x768xi1>, vector<256x768xi32>
    %reduce_min3A_3432 = arith.constant dense<2147483647> : vector<256xi32>
    %reduce_min3A_3433 = vector.multi_reduction <minsi>, %select_n3A_3431, %reduce_min3A_3432 [1] : vector<256x768xi32> to vector<256xi32>
    %broadcast_in_dim3A_3434 = vector.shape_cast %reduce_min3A_3433 : vector<256xi32> to vector<256x1xi32>
    %eq3A_3435 = vector.broadcast %broadcast_in_dim3A_3434 : vector<256x1xi32> to vector<256x768xi32>
    %eq3A_3436 = arith.cmpi eq, %concatenate3A, %eq3A_3435 : vector<256x768xi32>
    %and3A_3437 = arith.andi %or3A_3428, %eq3A_3436 : vector<256x768xi1>
    %jit3A_3438 = arith.constant 8192 : i32
    %broadcast_in_dim3A_3439 = vector.broadcast %jit3A_3438 : i32 to vector<256x768xi32>
    %select_n3A_3440 = arith.select %and3A_3437, %concatenate3A_3227, %broadcast_in_dim3A_3439 : vector<256x768xi1>, vector<256x768xi32>
    %reduce_min3A_3441 = arith.constant dense<2147483647> : vector<256xi32>
    %reduce_min3A_3442 = vector.multi_reduction <minsi>, %select_n3A_3440, %reduce_min3A_3441 [1] : vector<256x768xi32> to vector<256xi32>
    %broadcast_in_dim3A_3443 = vector.shape_cast %reduce_min3A_3442 : vector<256xi32> to vector<256x1xi32>
    %swap3A_3444 = arith.constant 0 : index
    %swap3A_3445 = arith.constant 0 : index
    %swap3A_3446 = arith.constant 5 : index
    %swap3A_3447 = vector.load %arg4[%swap3A_3444, %swap3A_3445, %swap3A_3446] : memref<1x256x16xi32, #tpu.memory_space<vmem>>, vector<1x256x1xi32>
    %swap3A_3448 = vector.shape_cast %swap3A_3447 : vector<1x256x1xi32> to vector<256x1xi32>
    %swap3A_3449 = vector.shape_cast %broadcast_in_dim3A_3443 : vector<256x1xi32> to vector<1x256x1xi32>
    tpu.vector_store %arg4[%swap3A_3444, %swap3A_3445, %swap3A_3446], %swap3A_3449 {strides = array<i32>} : memref<1x256x16xi32, #tpu.memory_space<vmem>>, vector<1x256x1xi32>,
    %mul3A_3450 = arith.constant 8192 : i32
    %mul3A_3451 = arith.muli %arg0, %mul3A_3450 : i32
    %add3A_3452 = vector.broadcast %mul3A_3451 : i32 to vector<256x1xi32>
    %add3A_3453 = arith.addi %broadcast_in_dim3A_3443, %add3A_3452 : vector<256x1xi32>
    %swap3A_3454 = arith.constant 0 : index
    %swap3A_3455 = arith.constant 0 : index
    %swap3A_3456 = arith.constant 5 : index
    %swap3A_3457 = vector.load %arg5[%swap3A_3454, %swap3A_3455, %swap3A_3456] : memref<1x256x16xi32, #tpu.memory_space<vmem>>, vector<1x256x1xi32>
    %swap3A_3458 = vector.shape_cast %swap3A_3457 : vector<1x256x1xi32> to vector<256x1xi32>
    %swap3A_3459 = vector.shape_cast %add3A_3453 : vector<256x1xi32> to vector<1x256x1xi32>
    tpu.vector_store %arg5[%swap3A_3454, %swap3A_3455, %swap3A_3456], %swap3A_3459 {strides = array<i32>} : memref<1x256x16xi32, #tpu.memory_space<vmem>>, vector<1x256x1xi32>,
    %gt3A_3460 = vector.broadcast %broadcast_in_dim3A_3434 : vector<256x1xi32> to vector<256x768xi32>
    %gt3A_3461 = arith.cmpi sgt, %concatenate3A, %gt3A_3460 : vector<256x768xi32>
    %eq3A_3462 = vector.broadcast %broadcast_in_dim3A_3434 : vector<256x1xi32> to vector<256x768xi32>
    %eq3A_3463 = arith.cmpi eq, %concatenate3A, %eq3A_3462 : vector<256x768xi32>
    %gt3A_3464 = vector.broadcast %broadcast_in_dim3A_3443 : vector<256x1xi32> to vector<256x768xi32>
    %gt3A_3465 = arith.cmpi sgt, %concatenate3A_3227, %gt3A_3464 : vector<256x768xi32>
    %and3A_3466 = arith.andi %eq3A_3463, %gt3A_3465 : vector<256x768xi1>
    %or3A_3467 = arith.ori %gt3A_3461, %and3A_3466 : vector<256x768xi1>
    %jit3A_3468 = arith.constant 2147483647 : i32
    %broadcast_in_dim3A_3469 = vector.broadcast %jit3A_3468 : i32 to vector<256x768xi32>
    %select_n3A_3470 = arith.select %or3A_3467, %concatenate3A, %broadcast_in_dim3A_3469 : vector<256x768xi1>, vector<256x768xi32>
    %reduce_min3A_3471 = arith.constant dense<2147483647> : vector<256xi32>
    %reduce_min3A_3472 = vector.multi_reduction <minsi>, %select_n3A_3470, %reduce_min3A_3471 [1] : vector<256x768xi32> to vector<256xi32>
    %broadcast_in_dim3A_3473 = vector.shape_cast %reduce_min3A_3472 : vector<256xi32> to vector<256x1xi32>
    %eq3A_3474 = vector.broadcast %broadcast_in_dim3A_3473 : vector<256x1xi32> to vector<256x768xi32>
    %eq3A_3475 = arith.cmpi eq, %concatenate3A, %eq3A_3474 : vector<256x768xi32>
    %and3A_3476 = arith.andi %or3A_3467, %eq3A_3475 : vector<256x768xi1>
    %jit3A_3477 = arith.constant 8192 : i32
    %broadcast_in_dim3A_3478 = vector.broadcast %jit3A_3477 : i32 to vector<256x768xi32>
    %select_n3A_3479 = arith.select %and3A_3476, %concatenate3A_3227, %broadcast_in_dim3A_3478 : vector<256x768xi1>, vector<256x768xi32>
    %reduce_min3A_3480 = arith.constant dense<2147483647> : vector<256xi32>
    %reduce_min3A_3481 = vector.multi_reduction <minsi>, %select_n3A_3479, %reduce_min3A_3480 [1] : vector<256x768xi32> to vector<256xi32>
    %broadcast_in_dim3A_3482 = vector.shape_cast %reduce_min3A_3481 : vector<256xi32> to vector<256x1xi32>
    %swap3A_3483 = arith.constant 0 : index
    %swap3A_3484 = arith.constant 0 : index
    %swap3A_3485 = arith.constant 6 : index
    %swap3A_3486 = vector.load %arg4[%swap3A_3483, %swap3A_3484, %swap3A_3485] : memref<1x256x16xi32, #tpu.memory_space<vmem>>, vector<1x256x1xi32>
    %swap3A_3487 = vector.shape_cast %swap3A_3486 : vector<1x256x1xi32> to vector<256x1xi32>
    %swap3A_3488 = vector.shape_cast %broadcast_in_dim3A_3482 : vector<256x1xi32> to vector<1x256x1xi32>
    tpu.vector_store %arg4[%swap3A_3483, %swap3A_3484, %swap3A_3485], %swap3A_3488 {strides = array<i32>} : memref<1x256x16xi32, #tpu.memory_space<vmem>>, vector<1x256x1xi32>,
    %mul3A_3489 = arith.constant 8192 : i32
    %mul3A_3490 = arith.muli %arg0, %mul3A_3489 : i32
    %add3A_3491 = vector.broadcast %mul3A_3490 : i32 to vector<256x1xi32>
    %add3A_3492 = arith.addi %broadcast_in_dim3A_3482, %add3A_3491 : vector<256x1xi32>
    %swap3A_3493 = arith.constant 0 : index
    %swap3A_3494 = arith.constant 0 : index
    %swap3A_3495 = arith.constant 6 : index
    %swap3A_3496 = vector.load %arg5[%swap3A_3493, %swap3A_3494, %swap3A_3495] : memref<1x256x16xi32, #tpu.memory_space<vmem>>, vector<1x256x1xi32>
    %swap3A_3497 = vector.shape_cast %swap3A_3496 : vector<1x256x1xi32> to vector<256x1xi32>
    %swap3A_3498 = vector.shape_cast %add3A_3492 : vector<256x1xi32> to vector<1x256x1xi32>
    tpu.vector_store %arg5[%swap3A_3493, %swap3A_3494, %swap3A_3495], %swap3A_3498 {strides = array<i32>} : memref<1x256x16xi32, #tpu.memory_space<vmem>>, vector<1x256x1xi32>,
    %gt3A_3499 = vector.broadcast %broadcast_in_dim3A_3473 : vector<256x1xi32> to vector<256x768xi32>
    %gt3A_3500 = arith.cmpi sgt, %concatenate3A, %gt3A_3499 : vector<256x768xi32>
    %eq3A_3501 = vector.broadcast %broadcast_in_dim3A_3473 : vector<256x1xi32> to vector<256x768xi32>
    %eq3A_3502 = arith.cmpi eq, %concatenate3A, %eq3A_3501 : vector<256x768xi32>
    %gt3A_3503 = vector.broadcast %broadcast_in_dim3A_3482 : vector<256x1xi32> to vector<256x768xi32>
    %gt3A_3504 = arith.cmpi sgt, %concatenate3A_3227, %gt3A_3503 : vector<256x768xi32>
    %and3A_3505 = arith.andi %eq3A_3502, %gt3A_3504 : vector<256x768xi1>
    %or3A_3506 = arith.ori %gt3A_3500, %and3A_3505 : vector<256x768xi1>
    %jit3A_3507 = arith.constant 2147483647 : i32
    %broadcast_in_dim3A_3508 = vector.broadcast %jit3A_3507 : i32 to vector<256x768xi32>
    %select_n3A_3509 = arith.select %or3A_3506, %concatenate3A, %broadcast_in_dim3A_3508 : vector<256x768xi1>, vector<256x768xi32>
    %reduce_min3A_3510 = arith.constant dense<2147483647> : vector<256xi32>
    %reduce_min3A_3511 = vector.multi_reduction <minsi>, %select_n3A_3509, %reduce_min3A_3510 [1] : vector<256x768xi32> to vector<256xi32>
    %broadcast_in_dim3A_3512 = vector.shape_cast %reduce_min3A_3511 : vector<256xi32> to vector<256x1xi32>
    %eq3A_3513 = vector.broadcast %broadcast_in_dim3A_3512 : vector<256x1xi32> to vector<256x768xi32>
    %eq3A_3514 = arith.cmpi eq, %concatenate3A, %eq3A_3513 : vector<256x768xi32>
    %and3A_3515 = arith.andi %or3A_3506, %eq3A_3514 : vector<256x768xi1>
    %jit3A_3516 = arith.constant 8192 : i32
    %broadcast_in_dim3A_3517 = vector.broadcast %jit3A_3516 : i32 to vector<256x768xi32>
    %select_n3A_3518 = arith.select %and3A_3515, %concatenate3A_3227, %broadcast_in_dim3A_3517 : vector<256x768xi1>, vector<256x768xi32>
    %reduce_min3A_3519 = arith.constant dense<2147483647> : vector<256xi32>
    %reduce_min3A_3520 = vector.multi_reduction <minsi>, %select_n3A_3518, %reduce_min3A_3519 [1] : vector<256x768xi32> to vector<256xi32>
    %broadcast_in_dim3A_3521 = vector.shape_cast %reduce_min3A_3520 : vector<256xi32> to vector<256x1xi32>
    %swap3A_3522 = arith.constant 0 : index
    %swap3A_3523 = arith.constant 0 : index
    %swap3A_3524 = arith.constant 7 : index
    %swap3A_3525 = vector.load %arg4[%swap3A_3522, %swap3A_3523, %swap3A_3524] : memref<1x256x16xi32, #tpu.memory_space<vmem>>, vector<1x256x1xi32>
    %swap3A_3526 = vector.shape_cast %swap3A_3525 : vector<1x256x1xi32> to vector<256x1xi32>
    %swap3A_3527 = vector.shape_cast %broadcast_in_dim3A_3521 : vector<256x1xi32> to vector<1x256x1xi32>
    tpu.vector_store %arg4[%swap3A_3522, %swap3A_3523, %swap3A_3524], %swap3A_3527 {strides = array<i32>} : memref<1x256x16xi32, #tpu.memory_space<vmem>>, vector<1x256x1xi32>,
    %mul3A_3528 = arith.constant 8192 : i32
    %mul3A_3529 = arith.muli %arg0, %mul3A_3528 : i32
    %add3A_3530 = vector.broadcast %mul3A_3529 : i32 to vector<256x1xi32>
    %add3A_3531 = arith.addi %broadcast_in_dim3A_3521, %add3A_3530 : vector<256x1xi32>
    %swap3A_3532 = arith.constant 0 : index
    %swap3A_3533 = arith.constant 0 : index
    %swap3A_3534 = arith.constant 7 : index
    %swap3A_3535 = vector.load %arg5[%swap3A_3532, %swap3A_3533, %swap3A_3534] : memref<1x256x16xi32, #tpu.memory_space<vmem>>, vector<1x256x1xi32>
    %swap3A_3536 = vector.shape_cast %swap3A_3535 : vector<1x256x1xi32> to vector<256x1xi32>
    %swap3A_3537 = vector.shape_cast %add3A_3531 : vector<256x1xi32> to vector<1x256x1xi32>
    tpu.vector_store %arg5[%swap3A_3532, %swap3A_3533, %swap3A_3534], %swap3A_3537 {strides = array<i32>} : memref<1x256x16xi32, #tpu.memory_space<vmem>>, vector<1x256x1xi32>,
    %gt3A_3538 = vector.broadcast %broadcast_in_dim3A_3512 : vector<256x1xi32> to vector<256x768xi32>
    %gt3A_3539 = arith.cmpi sgt, %concatenate3A, %gt3A_3538 : vector<256x768xi32>
    %eq3A_3540 = vector.broadcast %broadcast_in_dim3A_3512 : vector<256x1xi32> to vector<256x768xi32>
    %eq3A_3541 = arith.cmpi eq, %concatenate3A, %eq3A_3540 : vector<256x768xi32>
    %gt3A_3542 = vector.broadcast %broadcast_in_dim3A_3521 : vector<256x1xi32> to vector<256x768xi32>
    %gt3A_3543 = arith.cmpi sgt, %concatenate3A_3227, %gt3A_3542 : vector<256x768xi32>
    %and3A_3544 = arith.andi %eq3A_3541, %gt3A_3543 : vector<256x768xi1>
    %or3A_3545 = arith.ori %gt3A_3539, %and3A_3544 : vector<256x768xi1>
    %jit3A_3546 = arith.constant 2147483647 : i32
    %broadcast_in_dim3A_3547 = vector.broadcast %jit3A_3546 : i32 to vector<256x768xi32>
    %select_n3A_3548 = arith.select %or3A_3545, %concatenate3A, %broadcast_in_dim3A_3547 : vector<256x768xi1>, vector<256x768xi32>
    %reduce_min3A_3549 = arith.constant dense<2147483647> : vector<256xi32>
    %reduce_min3A_3550 = vector.multi_reduction <minsi>, %select_n3A_3548, %reduce_min3A_3549 [1] : vector<256x768xi32> to vector<256xi32>
    %broadcast_in_dim3A_3551 = vector.shape_cast %reduce_min3A_3550 : vector<256xi32> to vector<256x1xi32>
    %eq3A_3552 = vector.broadcast %broadcast_in_dim3A_3551 : vector<256x1xi32> to vector<256x768xi32>
    %eq3A_3553 = arith.cmpi eq, %concatenate3A, %eq3A_3552 : vector<256x768xi32>
    %and3A_3554 = arith.andi %or3A_3545, %eq3A_3553 : vector<256x768xi1>
    %jit3A_3555 = arith.constant 8192 : i32
    %broadcast_in_dim3A_3556 = vector.broadcast %jit3A_3555 : i32 to vector<256x768xi32>
    %select_n3A_3557 = arith.select %and3A_3554, %concatenate3A_3227, %broadcast_in_dim3A_3556 : vector<256x768xi1>, vector<256x768xi32>
    %reduce_min3A_3558 = arith.constant dense<2147483647> : vector<256xi32>
    %reduce_min3A_3559 = vector.multi_reduction <minsi>, %select_n3A_3557, %reduce_min3A_3558 [1] : vector<256x768xi32> to vector<256xi32>
    %broadcast_in_dim3A_3560 = vector.shape_cast %reduce_min3A_3559 : vector<256xi32> to vector<256x1xi32>
    %swap3A_3561 = arith.constant 0 : index
    %swap3A_3562 = arith.constant 0 : index
    %swap3A_3563 = arith.constant 8 : index
    %swap3A_3564 = vector.load %arg4[%swap3A_3561, %swap3A_3562, %swap3A_3563] : memref<1x256x16xi32, #tpu.memory_space<vmem>>, vector<1x256x1xi32>
    %swap3A_3565 = vector.shape_cast %swap3A_3564 : vector<1x256x1xi32> to vector<256x1xi32>
    %swap3A_3566 = vector.shape_cast %broadcast_in_dim3A_3560 : vector<256x1xi32> to vector<1x256x1xi32>
    tpu.vector_store %arg4[%swap3A_3561, %swap3A_3562, %swap3A_3563], %swap3A_3566 {strides = array<i32>} : memref<1x256x16xi32, #tpu.memory_space<vmem>>, vector<1x256x1xi32>,
    %mul3A_3567 = arith.constant 8192 : i32
    %mul3A_3568 = arith.muli %arg0, %mul3A_3567 : i32
    %add3A_3569 = vector.broadcast %mul3A_3568 : i32 to vector<256x1xi32>
    %add3A_3570 = arith.addi %broadcast_in_dim3A_3560, %add3A_3569 : vector<256x1xi32>
    %swap3A_3571 = arith.constant 0 : index
    %swap3A_3572 = arith.constant 0 : index
    %swap3A_3573 = arith.constant 8 : index
    %swap3A_3574 = vector.load %arg5[%swap3A_3571, %swap3A_3572, %swap3A_3573] : memref<1x256x16xi32, #tpu.memory_space<vmem>>, vector<1x256x1xi32>
    %swap3A_3575 = vector.shape_cast %swap3A_3574 : vector<1x256x1xi32> to vector<256x1xi32>
    %swap3A_3576 = vector.shape_cast %add3A_3570 : vector<256x1xi32> to vector<1x256x1xi32>
    tpu.vector_store %arg5[%swap3A_3571, %swap3A_3572, %swap3A_3573], %swap3A_3576 {strides = array<i32>} : memref<1x256x16xi32, #tpu.memory_space<vmem>>, vector<1x256x1xi32>,
    %gt3A_3577 = vector.broadcast %broadcast_in_dim3A_3551 : vector<256x1xi32> to vector<256x768xi32>
    %gt3A_3578 = arith.cmpi sgt, %concatenate3A, %gt3A_3577 : vector<256x768xi32>
    %eq3A_3579 = vector.broadcast %broadcast_in_dim3A_3551 : vector<256x1xi32> to vector<256x768xi32>
    %eq3A_3580 = arith.cmpi eq, %concatenate3A, %eq3A_3579 : vector<256x768xi32>
    %gt3A_3581 = vector.broadcast %broadcast_in_dim3A_3560 : vector<256x1xi32> to vector<256x768xi32>
    %gt3A_3582 = arith.cmpi sgt, %concatenate3A_3227, %gt3A_3581 : vector<256x768xi32>
    %and3A_3583 = arith.andi %eq3A_3580, %gt3A_3582 : vector<256x768xi1>
    %or3A_3584 = arith.ori %gt3A_3578, %and3A_3583 : vector<256x768xi1>
    %jit3A_3585 = arith.constant 2147483647 : i32
    %broadcast_in_dim3A_3586 = vector.broadcast %jit3A_3585 : i32 to vector<256x768xi32>
    %select_n3A_3587 = arith.select %or3A_3584, %concatenate3A, %broadcast_in_dim3A_3586 : vector<256x768xi1>, vector<256x768xi32>
    %reduce_min3A_3588 = arith.constant dense<2147483647> : vector<256xi32>
    %reduce_min3A_3589 = vector.multi_reduction <minsi>, %select_n3A_3587, %reduce_min3A_3588 [1] : vector<256x768xi32> to vector<256xi32>
    %broadcast_in_dim3A_3590 = vector.shape_cast %reduce_min3A_3589 : vector<256xi32> to vector<256x1xi32>
    %eq3A_3591 = vector.broadcast %broadcast_in_dim3A_3590 : vector<256x1xi32> to vector<256x768xi32>
    %eq3A_3592 = arith.cmpi eq, %concatenate3A, %eq3A_3591 : vector<256x768xi32>
    %and3A_3593 = arith.andi %or3A_3584, %eq3A_3592 : vector<256x768xi1>
    %jit3A_3594 = arith.constant 8192 : i32
    %broadcast_in_dim3A_3595 = vector.broadcast %jit3A_3594 : i32 to vector<256x768xi32>
    %select_n3A_3596 = arith.select %and3A_3593, %concatenate3A_3227, %broadcast_in_dim3A_3595 : vector<256x768xi1>, vector<256x768xi32>
    %reduce_min3A_3597 = arith.constant dense<2147483647> : vector<256xi32>
    %reduce_min3A_3598 = vector.multi_reduction <minsi>, %select_n3A_3596, %reduce_min3A_3597 [1] : vector<256x768xi32> to vector<256xi32>
    %broadcast_in_dim3A_3599 = vector.shape_cast %reduce_min3A_3598 : vector<256xi32> to vector<256x1xi32>
    %swap3A_3600 = arith.constant 0 : index
    %swap3A_3601 = arith.constant 0 : index
    %swap3A_3602 = arith.constant 9 : index
    %swap3A_3603 = vector.load %arg4[%swap3A_3600, %swap3A_3601, %swap3A_3602] : memref<1x256x16xi32, #tpu.memory_space<vmem>>, vector<1x256x1xi32>
    %swap3A_3604 = vector.shape_cast %swap3A_3603 : vector<1x256x1xi32> to vector<256x1xi32>
    %swap3A_3605 = vector.shape_cast %broadcast_in_dim3A_3599 : vector<256x1xi32> to vector<1x256x1xi32>
    tpu.vector_store %arg4[%swap3A_3600, %swap3A_3601, %swap3A_3602], %swap3A_3605 {strides = array<i32>} : memref<1x256x16xi32, #tpu.memory_space<vmem>>, vector<1x256x1xi32>,
    %mul3A_3606 = arith.constant 8192 : i32
    %mul3A_3607 = arith.muli %arg0, %mul3A_3606 : i32
    %add3A_3608 = vector.broadcast %mul3A_3607 : i32 to vector<256x1xi32>
    %add3A_3609 = arith.addi %broadcast_in_dim3A_3599, %add3A_3608 : vector<256x1xi32>
    %swap3A_3610 = arith.constant 0 : index
    %swap3A_3611 = arith.constant 0 : index
    %swap3A_3612 = arith.constant 9 : index
    %swap3A_3613 = vector.load %arg5[%swap3A_3610, %swap3A_3611, %swap3A_3612] : memref<1x256x16xi32, #tpu.memory_space<vmem>>, vector<1x256x1xi32>
    %swap3A_3614 = vector.shape_cast %swap3A_3613 : vector<1x256x1xi32> to vector<256x1xi32>
    %swap3A_3615 = vector.shape_cast %add3A_3609 : vector<256x1xi32> to vector<1x256x1xi32>
    tpu.vector_store %arg5[%swap3A_3610, %swap3A_3611, %swap3A_3612], %swap3A_3615 {strides = array<i32>} : memref<1x256x16xi32, #tpu.memory_space<vmem>>, vector<1x256x1xi32>,
    %gt3A_3616 = vector.broadcast %broadcast_in_dim3A_3590 : vector<256x1xi32> to vector<256x768xi32>
    %gt3A_3617 = arith.cmpi sgt, %concatenate3A, %gt3A_3616 : vector<256x768xi32>
    %eq3A_3618 = vector.broadcast %broadcast_in_dim3A_3590 : vector<256x1xi32> to vector<256x768xi32>
    %eq3A_3619 = arith.cmpi eq, %concatenate3A, %eq3A_3618 : vector<256x768xi32>
    %gt3A_3620 = vector.broadcast %broadcast_in_dim3A_3599 : vector<256x1xi32> to vector<256x768xi32>
    %gt3A_3621 = arith.cmpi sgt, %concatenate3A_3227, %gt3A_3620 : vector<256x768xi32>
    %and3A_3622 = arith.andi %eq3A_3619, %gt3A_3621 : vector<256x768xi1>
    %or3A_3623 = arith.ori %gt3A_3617, %and3A_3622 : vector<256x768xi1>
    %jit3A_3624 = arith.constant 2147483647 : i32
    %broadcast_in_dim3A_3625 = vector.broadcast %jit3A_3624 : i32 to vector<256x768xi32>
    %select_n3A_3626 = arith.select %or3A_3623, %concatenate3A, %broadcast_in_dim3A_3625 : vector<256x768xi1>, vector<256x768xi32>
    %reduce_min3A_3627 = arith.constant dense<2147483647> : vector<256xi32>
    %reduce_min3A_3628 = vector.multi_reduction <minsi>, %select_n3A_3626, %reduce_min3A_3627 [1] : vector<256x768xi32> to vector<256xi32>
    %broadcast_in_dim3A_3629 = vector.shape_cast %reduce_min3A_3628 : vector<256xi32> to vector<256x1xi32>
    %eq3A_3630 = vector.broadcast %broadcast_in_dim3A_3629 : vector<256x1xi32> to vector<256x768xi32>
    %eq3A_3631 = arith.cmpi eq, %concatenate3A, %eq3A_3630 : vector<256x768xi32>
    %and3A_3632 = arith.andi %or3A_3623, %eq3A_3631 : vector<256x768xi1>
    %jit3A_3633 = arith.constant 8192 : i32
    %broadcast_in_dim3A_3634 = vector.broadcast %jit3A_3633 : i32 to vector<256x768xi32>
    %select_n3A_3635 = arith.select %and3A_3632, %concatenate3A_3227, %broadcast_in_dim3A_3634 : vector<256x768xi1>, vector<256x768xi32>
    %reduce_min3A_3636 = arith.constant dense<2147483647> : vector<256xi32>
    %reduce_min3A_3637 = vector.multi_reduction <minsi>, %select_n3A_3635, %reduce_min3A_3636 [1] : vector<256x768xi32> to vector<256xi32>
    %broadcast_in_dim3A_3638 = vector.shape_cast %reduce_min3A_3637 : vector<256xi32> to vector<256x1xi32>
    %swap3A_3639 = arith.constant 0 : index
    %swap3A_3640 = arith.constant 0 : index
    %swap3A_3641 = arith.constant 10 : index
    %swap3A_3642 = vector.load %arg4[%swap3A_3639, %swap3A_3640, %swap3A_3641] : memref<1x256x16xi32, #tpu.memory_space<vmem>>, vector<1x256x1xi32>
    %swap3A_3643 = vector.shape_cast %swap3A_3642 : vector<1x256x1xi32> to vector<256x1xi32>
    %swap3A_3644 = vector.shape_cast %broadcast_in_dim3A_3638 : vector<256x1xi32> to vector<1x256x1xi32>
    tpu.vector_store %arg4[%swap3A_3639, %swap3A_3640, %swap3A_3641], %swap3A_3644 {strides = array<i32>} : memref<1x256x16xi32, #tpu.memory_space<vmem>>, vector<1x256x1xi32>,
    %mul3A_3645 = arith.constant 8192 : i32
    %mul3A_3646 = arith.muli %arg0, %mul3A_3645 : i32
    %add3A_3647 = vector.broadcast %mul3A_3646 : i32 to vector<256x1xi32>
    %add3A_3648 = arith.addi %broadcast_in_dim3A_3638, %add3A_3647 : vector<256x1xi32>
    %swap3A_3649 = arith.constant 0 : index
    %swap3A_3650 = arith.constant 0 : index
    %swap3A_3651 = arith.constant 10 : index
    %swap3A_3652 = vector.load %arg5[%swap3A_3649, %swap3A_3650, %swap3A_3651] : memref<1x256x16xi32, #tpu.memory_space<vmem>>, vector<1x256x1xi32>
    %swap3A_3653 = vector.shape_cast %swap3A_3652 : vector<1x256x1xi32> to vector<256x1xi32>
    %swap3A_3654 = vector.shape_cast %add3A_3648 : vector<256x1xi32> to vector<1x256x1xi32>
    tpu.vector_store %arg5[%swap3A_3649, %swap3A_3650, %swap3A_3651], %swap3A_3654 {strides = array<i32>} : memref<1x256x16xi32, #tpu.memory_space<vmem>>, vector<1x256x1xi32>,
    %gt3A_3655 = vector.broadcast %broadcast_in_dim3A_3629 : vector<256x1xi32> to vector<256x768xi32>
    %gt3A_3656 = arith.cmpi sgt, %concatenate3A, %gt3A_3655 : vector<256x768xi32>
    %eq3A_3657 = vector.broadcast %broadcast_in_dim3A_3629 : vector<256x1xi32> to vector<256x768xi32>
    %eq3A_3658 = arith.cmpi eq, %concatenate3A, %eq3A_3657 : vector<256x768xi32>
    %gt3A_3659 = vector.broadcast %broadcast_in_dim3A_3638 : vector<256x1xi32> to vector<256x768xi32>
    %gt3A_3660 = arith.cmpi sgt, %concatenate3A_3227, %gt3A_3659 : vector<256x768xi32>
    %and3A_3661 = arith.andi %eq3A_3658, %gt3A_3660 : vector<256x768xi1>
    %or3A_3662 = arith.ori %gt3A_3656, %and3A_3661 : vector<256x768xi1>
    %jit3A_3663 = arith.constant 2147483647 : i32
    %broadcast_in_dim3A_3664 = vector.broadcast %jit3A_3663 : i32 to vector<256x768xi32>
    %select_n3A_3665 = arith.select %or3A_3662, %concatenate3A, %broadcast_in_dim3A_3664 : vector<256x768xi1>, vector<256x768xi32>
    %reduce_min3A_3666 = arith.constant dense<2147483647> : vector<256xi32>
    %reduce_min3A_3667 = vector.multi_reduction <minsi>, %select_n3A_3665, %reduce_min3A_3666 [1] : vector<256x768xi32> to vector<256xi32>
    %broadcast_in_dim3A_3668 = vector.shape_cast %reduce_min3A_3667 : vector<256xi32> to vector<256x1xi32>
    %eq3A_3669 = vector.broadcast %broadcast_in_dim3A_3668 : vector<256x1xi32> to vector<256x768xi32>
    %eq3A_3670 = arith.cmpi eq, %concatenate3A, %eq3A_3669 : vector<256x768xi32>
    %and3A_3671 = arith.andi %or3A_3662, %eq3A_3670 : vector<256x768xi1>
    %jit3A_3672 = arith.constant 8192 : i32
    %broadcast_in_dim3A_3673 = vector.broadcast %jit3A_3672 : i32 to vector<256x768xi32>
    %select_n3A_3674 = arith.select %and3A_3671, %concatenate3A_3227, %broadcast_in_dim3A_3673 : vector<256x768xi1>, vector<256x768xi32>
    %reduce_min3A_3675 = arith.constant dense<2147483647> : vector<256xi32>
    %reduce_min3A_3676 = vector.multi_reduction <minsi>, %select_n3A_3674, %reduce_min3A_3675 [1] : vector<256x768xi32> to vector<256xi32>
    %broadcast_in_dim3A_3677 = vector.shape_cast %reduce_min3A_3676 : vector<256xi32> to vector<256x1xi32>
    %swap3A_3678 = arith.constant 0 : index
    %swap3A_3679 = arith.constant 0 : index
    %swap3A_3680 = arith.constant 11 : index
    %swap3A_3681 = vector.load %arg4[%swap3A_3678, %swap3A_3679, %swap3A_3680] : memref<1x256x16xi32, #tpu.memory_space<vmem>>, vector<1x256x1xi32>
    %swap3A_3682 = vector.shape_cast %swap3A_3681 : vector<1x256x1xi32> to vector<256x1xi32>
    %swap3A_3683 = vector.shape_cast %broadcast_in_dim3A_3677 : vector<256x1xi32> to vector<1x256x1xi32>
    tpu.vector_store %arg4[%swap3A_3678, %swap3A_3679, %swap3A_3680], %swap3A_3683 {strides = array<i32>} : memref<1x256x16xi32, #tpu.memory_space<vmem>>, vector<1x256x1xi32>,
    %mul3A_3684 = arith.constant 8192 : i32
    %mul3A_3685 = arith.muli %arg0, %mul3A_3684 : i32
    %add3A_3686 = vector.broadcast %mul3A_3685 : i32 to vector<256x1xi32>
    %add3A_3687 = arith.addi %broadcast_in_dim3A_3677, %add3A_3686 : vector<256x1xi32>
    %swap3A_3688 = arith.constant 0 : index
    %swap3A_3689 = arith.constant 0 : index
    %swap3A_3690 = arith.constant 11 : index
    %swap3A_3691 = vector.load %arg5[%swap3A_3688, %swap3A_3689, %swap3A_3690] : memref<1x256x16xi32, #tpu.memory_space<vmem>>, vector<1x256x1xi32>
    %swap3A_3692 = vector.shape_cast %swap3A_3691 : vector<1x256x1xi32> to vector<256x1xi32>
    %swap3A_3693 = vector.shape_cast %add3A_3687 : vector<256x1xi32> to vector<1x256x1xi32>
    tpu.vector_store %arg5[%swap3A_3688, %swap3A_3689, %swap3A_3690], %swap3A_3693 {strides = array<i32>} : memref<1x256x16xi32, #tpu.memory_space<vmem>>, vector<1x256x1xi32>,
    %gt3A_3694 = vector.broadcast %broadcast_in_dim3A_3668 : vector<256x1xi32> to vector<256x768xi32>
    %gt3A_3695 = arith.cmpi sgt, %concatenate3A, %gt3A_3694 : vector<256x768xi32>
    %eq3A_3696 = vector.broadcast %broadcast_in_dim3A_3668 : vector<256x1xi32> to vector<256x768xi32>
    %eq3A_3697 = arith.cmpi eq, %concatenate3A, %eq3A_3696 : vector<256x768xi32>
    %gt3A_3698 = vector.broadcast %broadcast_in_dim3A_3677 : vector<256x1xi32> to vector<256x768xi32>
    %gt3A_3699 = arith.cmpi sgt, %concatenate3A_3227, %gt3A_3698 : vector<256x768xi32>
    %and3A_3700 = arith.andi %eq3A_3697, %gt3A_3699 : vector<256x768xi1>
    %or3A_3701 = arith.ori %gt3A_3695, %and3A_3700 : vector<256x768xi1>
    %jit3A_3702 = arith.constant 2147483647 : i32
    %broadcast_in_dim3A_3703 = vector.broadcast %jit3A_3702 : i32 to vector<256x768xi32>
    %select_n3A_3704 = arith.select %or3A_3701, %concatenate3A, %broadcast_in_dim3A_3703 : vector<256x768xi1>, vector<256x768xi32>
    %reduce_min3A_3705 = arith.constant dense<2147483647> : vector<256xi32>
    %reduce_min3A_3706 = vector.multi_reduction <minsi>, %select_n3A_3704, %reduce_min3A_3705 [1] : vector<256x768xi32> to vector<256xi32>
    %broadcast_in_dim3A_3707 = vector.shape_cast %reduce_min3A_3706 : vector<256xi32> to vector<256x1xi32>
    %eq3A_3708 = vector.broadcast %broadcast_in_dim3A_3707 : vector<256x1xi32> to vector<256x768xi32>
    %eq3A_3709 = arith.cmpi eq, %concatenate3A, %eq3A_3708 : vector<256x768xi32>
    %and3A_3710 = arith.andi %or3A_3701, %eq3A_3709 : vector<256x768xi1>
    %jit3A_3711 = arith.constant 8192 : i32
    %broadcast_in_dim3A_3712 = vector.broadcast %jit3A_3711 : i32 to vector<256x768xi32>
    %select_n3A_3713 = arith.select %and3A_3710, %concatenate3A_3227, %broadcast_in_dim3A_3712 : vector<256x768xi1>, vector<256x768xi32>
    %reduce_min3A_3714 = arith.constant dense<2147483647> : vector<256xi32>
    %reduce_min3A_3715 = vector.multi_reduction <minsi>, %select_n3A_3713, %reduce_min3A_3714 [1] : vector<256x768xi32> to vector<256xi32>
    %broadcast_in_dim3A_3716 = vector.shape_cast %reduce_min3A_3715 : vector<256xi32> to vector<256x1xi32>
    %swap3A_3717 = arith.constant 0 : index
    %swap3A_3718 = arith.constant 0 : index
    %swap3A_3719 = arith.constant 12 : index
    %swap3A_3720 = vector.load %arg4[%swap3A_3717, %swap3A_3718, %swap3A_3719] : memref<1x256x16xi32, #tpu.memory_space<vmem>>, vector<1x256x1xi32>
    %swap3A_3721 = vector.shape_cast %swap3A_3720 : vector<1x256x1xi32> to vector<256x1xi32>
    %swap3A_3722 = vector.shape_cast %broadcast_in_dim3A_3716 : vector<256x1xi32> to vector<1x256x1xi32>
    tpu.vector_store %arg4[%swap3A_3717, %swap3A_3718, %swap3A_3719], %swap3A_3722 {strides = array<i32>} : memref<1x256x16xi32, #tpu.memory_space<vmem>>, vector<1x256x1xi32>,
    %mul3A_3723 = arith.constant 8192 : i32
    %mul3A_3724 = arith.muli %arg0, %mul3A_3723 : i32
    %add3A_3725 = vector.broadcast %mul3A_3724 : i32 to vector<256x1xi32>
    %add3A_3726 = arith.addi %broadcast_in_dim3A_3716, %add3A_3725 : vector<256x1xi32>
    %swap3A_3727 = arith.constant 0 : index
    %swap3A_3728 = arith.constant 0 : index
    %swap3A_3729 = arith.constant 12 : index
    %swap3A_3730 = vector.load %arg5[%swap3A_3727, %swap3A_3728, %swap3A_3729] : memref<1x256x16xi32, #tpu.memory_space<vmem>>, vector<1x256x1xi32>
    %swap3A_3731 = vector.shape_cast %swap3A_3730 : vector<1x256x1xi32> to vector<256x1xi32>
    %swap3A_3732 = vector.shape_cast %add3A_3726 : vector<256x1xi32> to vector<1x256x1xi32>
    tpu.vector_store %arg5[%swap3A_3727, %swap3A_3728, %swap3A_3729], %swap3A_3732 {strides = array<i32>} : memref<1x256x16xi32, #tpu.memory_space<vmem>>, vector<1x256x1xi32>,
    %gt3A_3733 = vector.broadcast %broadcast_in_dim3A_3707 : vector<256x1xi32> to vector<256x768xi32>
    %gt3A_3734 = arith.cmpi sgt, %concatenate3A, %gt3A_3733 : vector<256x768xi32>
    %eq3A_3735 = vector.broadcast %broadcast_in_dim3A_3707 : vector<256x1xi32> to vector<256x768xi32>
    %eq3A_3736 = arith.cmpi eq, %concatenate3A, %eq3A_3735 : vector<256x768xi32>
    %gt3A_3737 = vector.broadcast %broadcast_in_dim3A_3716 : vector<256x1xi32> to vector<256x768xi32>
    %gt3A_3738 = arith.cmpi sgt, %concatenate3A_3227, %gt3A_3737 : vector<256x768xi32>
    %and3A_3739 = arith.andi %eq3A_3736, %gt3A_3738 : vector<256x768xi1>
    %or3A_3740 = arith.ori %gt3A_3734, %and3A_3739 : vector<256x768xi1>
    %jit3A_3741 = arith.constant 2147483647 : i32
    %broadcast_in_dim3A_3742 = vector.broadcast %jit3A_3741 : i32 to vector<256x768xi32>
    %select_n3A_3743 = arith.select %or3A_3740, %concatenate3A, %broadcast_in_dim3A_3742 : vector<256x768xi1>, vector<256x768xi32>
    %reduce_min3A_3744 = arith.constant dense<2147483647> : vector<256xi32>
    %reduce_min3A_3745 = vector.multi_reduction <minsi>, %select_n3A_3743, %reduce_min3A_3744 [1] : vector<256x768xi32> to vector<256xi32>
    %broadcast_in_dim3A_3746 = vector.shape_cast %reduce_min3A_3745 : vector<256xi32> to vector<256x1xi32>
    %eq3A_3747 = vector.broadcast %broadcast_in_dim3A_3746 : vector<256x1xi32> to vector<256x768xi32>
    %eq3A_3748 = arith.cmpi eq, %concatenate3A, %eq3A_3747 : vector<256x768xi32>
    %and3A_3749 = arith.andi %or3A_3740, %eq3A_3748 : vector<256x768xi1>
    %jit3A_3750 = arith.constant 8192 : i32
    %broadcast_in_dim3A_3751 = vector.broadcast %jit3A_3750 : i32 to vector<256x768xi32>
    %select_n3A_3752 = arith.select %and3A_3749, %concatenate3A_3227, %broadcast_in_dim3A_3751 : vector<256x768xi1>, vector<256x768xi32>
    %reduce_min3A_3753 = arith.constant dense<2147483647> : vector<256xi32>
    %reduce_min3A_3754 = vector.multi_reduction <minsi>, %select_n3A_3752, %reduce_min3A_3753 [1] : vector<256x768xi32> to vector<256xi32>
    %broadcast_in_dim3A_3755 = vector.shape_cast %reduce_min3A_3754 : vector<256xi32> to vector<256x1xi32>
    %swap3A_3756 = arith.constant 0 : index
    %swap3A_3757 = arith.constant 0 : index
    %swap3A_3758 = arith.constant 13 : index
    %swap3A_3759 = vector.load %arg4[%swap3A_3756, %swap3A_3757, %swap3A_3758] : memref<1x256x16xi32, #tpu.memory_space<vmem>>, vector<1x256x1xi32>
    %swap3A_3760 = vector.shape_cast %swap3A_3759 : vector<1x256x1xi32> to vector<256x1xi32>
    %swap3A_3761 = vector.shape_cast %broadcast_in_dim3A_3755 : vector<256x1xi32> to vector<1x256x1xi32>
    tpu.vector_store %arg4[%swap3A_3756, %swap3A_3757, %swap3A_3758], %swap3A_3761 {strides = array<i32>} : memref<1x256x16xi32, #tpu.memory_space<vmem>>, vector<1x256x1xi32>,
    %mul3A_3762 = arith.constant 8192 : i32
    %mul3A_3763 = arith.muli %arg0, %mul3A_3762 : i32
    %add3A_3764 = vector.broadcast %mul3A_3763 : i32 to vector<256x1xi32>
    %add3A_3765 = arith.addi %broadcast_in_dim3A_3755, %add3A_3764 : vector<256x1xi32>
    %swap3A_3766 = arith.constant 0 : index
    %swap3A_3767 = arith.constant 0 : index
    %swap3A_3768 = arith.constant 13 : index
    %swap3A_3769 = vector.load %arg5[%swap3A_3766, %swap3A_3767, %swap3A_3768] : memref<1x256x16xi32, #tpu.memory_space<vmem>>, vector<1x256x1xi32>
    %swap3A_3770 = vector.shape_cast %swap3A_3769 : vector<1x256x1xi32> to vector<256x1xi32>
    %swap3A_3771 = vector.shape_cast %add3A_3765 : vector<256x1xi32> to vector<1x256x1xi32>
    tpu.vector_store %arg5[%swap3A_3766, %swap3A_3767, %swap3A_3768], %swap3A_3771 {strides = array<i32>} : memref<1x256x16xi32, #tpu.memory_space<vmem>>, vector<1x256x1xi32>,
    %gt3A_3772 = vector.broadcast %broadcast_in_dim3A_3746 : vector<256x1xi32> to vector<256x768xi32>
    %gt3A_3773 = arith.cmpi sgt, %concatenate3A, %gt3A_3772 : vector<256x768xi32>
    %eq3A_3774 = vector.broadcast %broadcast_in_dim3A_3746 : vector<256x1xi32> to vector<256x768xi32>
    %eq3A_3775 = arith.cmpi eq, %concatenate3A, %eq3A_3774 : vector<256x768xi32>
    %gt3A_3776 = vector.broadcast %broadcast_in_dim3A_3755 : vector<256x1xi32> to vector<256x768xi32>
    %gt3A_3777 = arith.cmpi sgt, %concatenate3A_3227, %gt3A_3776 : vector<256x768xi32>
    %and3A_3778 = arith.andi %eq3A_3775, %gt3A_3777 : vector<256x768xi1>
    %or3A_3779 = arith.ori %gt3A_3773, %and3A_3778 : vector<256x768xi1>
    %jit3A_3780 = arith.constant 2147483647 : i32
    %broadcast_in_dim3A_3781 = vector.broadcast %jit3A_3780 : i32 to vector<256x768xi32>
    %select_n3A_3782 = arith.select %or3A_3779, %concatenate3A, %broadcast_in_dim3A_3781 : vector<256x768xi1>, vector<256x768xi32>
    %reduce_min3A_3783 = arith.constant dense<2147483647> : vector<256xi32>
    %reduce_min3A_3784 = vector.multi_reduction <minsi>, %select_n3A_3782, %reduce_min3A_3783 [1] : vector<256x768xi32> to vector<256xi32>
    %broadcast_in_dim3A_3785 = vector.shape_cast %reduce_min3A_3784 : vector<256xi32> to vector<256x1xi32>
    %eq3A_3786 = vector.broadcast %broadcast_in_dim3A_3785 : vector<256x1xi32> to vector<256x768xi32>
    %eq3A_3787 = arith.cmpi eq, %concatenate3A, %eq3A_3786 : vector<256x768xi32>
    %and3A_3788 = arith.andi %or3A_3779, %eq3A_3787 : vector<256x768xi1>
    %jit3A_3789 = arith.constant 8192 : i32
    %broadcast_in_dim3A_3790 = vector.broadcast %jit3A_3789 : i32 to vector<256x768xi32>
    %select_n3A_3791 = arith.select %and3A_3788, %concatenate3A_3227, %broadcast_in_dim3A_3790 : vector<256x768xi1>, vector<256x768xi32>
    %reduce_min3A_3792 = arith.constant dense<2147483647> : vector<256xi32>
    %reduce_min3A_3793 = vector.multi_reduction <minsi>, %select_n3A_3791, %reduce_min3A_3792 [1] : vector<256x768xi32> to vector<256xi32>
    %broadcast_in_dim3A_3794 = vector.shape_cast %reduce_min3A_3793 : vector<256xi32> to vector<256x1xi32>
    %swap3A_3795 = arith.constant 0 : index
    %swap3A_3796 = arith.constant 0 : index
    %swap3A_3797 = arith.constant 14 : index
    %swap3A_3798 = vector.load %arg4[%swap3A_3795, %swap3A_3796, %swap3A_3797] : memref<1x256x16xi32, #tpu.memory_space<vmem>>, vector<1x256x1xi32>
    %swap3A_3799 = vector.shape_cast %swap3A_3798 : vector<1x256x1xi32> to vector<256x1xi32>
    %swap3A_3800 = vector.shape_cast %broadcast_in_dim3A_3794 : vector<256x1xi32> to vector<1x256x1xi32>
    tpu.vector_store %arg4[%swap3A_3795, %swap3A_3796, %swap3A_3797], %swap3A_3800 {strides = array<i32>} : memref<1x256x16xi32, #tpu.memory_space<vmem>>, vector<1x256x1xi32>,
    %mul3A_3801 = arith.constant 8192 : i32
    %mul3A_3802 = arith.muli %arg0, %mul3A_3801 : i32
    %add3A_3803 = vector.broadcast %mul3A_3802 : i32 to vector<256x1xi32>
    %add3A_3804 = arith.addi %broadcast_in_dim3A_3794, %add3A_3803 : vector<256x1xi32>
    %swap3A_3805 = arith.constant 0 : index
    %swap3A_3806 = arith.constant 0 : index
    %swap3A_3807 = arith.constant 14 : index
    %swap3A_3808 = vector.load %arg5[%swap3A_3805, %swap3A_3806, %swap3A_3807] : memref<1x256x16xi32, #tpu.memory_space<vmem>>, vector<1x256x1xi32>
    %swap3A_3809 = vector.shape_cast %swap3A_3808 : vector<1x256x1xi32> to vector<256x1xi32>
    %swap3A_3810 = vector.shape_cast %add3A_3804 : vector<256x1xi32> to vector<1x256x1xi32>
    tpu.vector_store %arg5[%swap3A_3805, %swap3A_3806, %swap3A_3807], %swap3A_3810 {strides = array<i32>} : memref<1x256x16xi32, #tpu.memory_space<vmem>>, vector<1x256x1xi32>,
    %gt3A_3811 = vector.broadcast %broadcast_in_dim3A_3785 : vector<256x1xi32> to vector<256x768xi32>
    %gt3A_3812 = arith.cmpi sgt, %concatenate3A, %gt3A_3811 : vector<256x768xi32>
    %eq3A_3813 = vector.broadcast %broadcast_in_dim3A_3785 : vector<256x1xi32> to vector<256x768xi32>
    %eq3A_3814 = arith.cmpi eq, %concatenate3A, %eq3A_3813 : vector<256x768xi32>
    %gt3A_3815 = vector.broadcast %broadcast_in_dim3A_3794 : vector<256x1xi32> to vector<256x768xi32>
    %gt3A_3816 = arith.cmpi sgt, %concatenate3A_3227, %gt3A_3815 : vector<256x768xi32>
    %and3A_3817 = arith.andi %eq3A_3814, %gt3A_3816 : vector<256x768xi1>
    %or3A_3818 = arith.ori %gt3A_3812, %and3A_3817 : vector<256x768xi1>
    %jit3A_3819 = arith.constant 2147483647 : i32
    %broadcast_in_dim3A_3820 = vector.broadcast %jit3A_3819 : i32 to vector<256x768xi32>
    %select_n3A_3821 = arith.select %or3A_3818, %concatenate3A, %broadcast_in_dim3A_3820 : vector<256x768xi1>, vector<256x768xi32>
    %reduce_min3A_3822 = arith.constant dense<2147483647> : vector<256xi32>
    %reduce_min3A_3823 = vector.multi_reduction <minsi>, %select_n3A_3821, %reduce_min3A_3822 [1] : vector<256x768xi32> to vector<256xi32>
    %broadcast_in_dim3A_3824 = vector.shape_cast %reduce_min3A_3823 : vector<256xi32> to vector<256x1xi32>
    %eq3A_3825 = vector.broadcast %broadcast_in_dim3A_3824 : vector<256x1xi32> to vector<256x768xi32>
    %eq3A_3826 = arith.cmpi eq, %concatenate3A, %eq3A_3825 : vector<256x768xi32>
    %and3A_3827 = arith.andi %or3A_3818, %eq3A_3826 : vector<256x768xi1>
    %jit3A_3828 = arith.constant 8192 : i32
    %broadcast_in_dim3A_3829 = vector.broadcast %jit3A_3828 : i32 to vector<256x768xi32>
    %select_n3A_3830 = arith.select %and3A_3827, %concatenate3A_3227, %broadcast_in_dim3A_3829 : vector<256x768xi1>, vector<256x768xi32>
    %reduce_min3A_3831 = arith.constant dense<2147483647> : vector<256xi32>
    %reduce_min3A_3832 = vector.multi_reduction <minsi>, %select_n3A_3830, %reduce_min3A_3831 [1] : vector<256x768xi32> to vector<256xi32>
    %broadcast_in_dim3A_3833 = vector.shape_cast %reduce_min3A_3832 : vector<256xi32> to vector<256x1xi32>
    %swap3A_3834 = arith.constant 0 : index
    %swap3A_3835 = arith.constant 0 : index
    %swap3A_3836 = arith.constant 15 : index
    %swap3A_3837 = vector.load %arg4[%swap3A_3834, %swap3A_3835, %swap3A_3836] : memref<1x256x16xi32, #tpu.memory_space<vmem>>, vector<1x256x1xi32>
    %swap3A_3838 = vector.shape_cast %swap3A_3837 : vector<1x256x1xi32> to vector<256x1xi32>
    %swap3A_3839 = vector.shape_cast %broadcast_in_dim3A_3833 : vector<256x1xi32> to vector<1x256x1xi32>
    tpu.vector_store %arg4[%swap3A_3834, %swap3A_3835, %swap3A_3836], %swap3A_3839 {strides = array<i32>} : memref<1x256x16xi32, #tpu.memory_space<vmem>>, vector<1x256x1xi32>,
    %mul3A_3840 = arith.constant 8192 : i32
    %mul3A_3841 = arith.muli %arg0, %mul3A_3840 : i32
    %add3A_3842 = vector.broadcast %mul3A_3841 : i32 to vector<256x1xi32>
    %add3A_3843 = arith.addi %broadcast_in_dim3A_3833, %add3A_3842 : vector<256x1xi32>
    %swap3A_3844 = arith.constant 0 : index
    %swap3A_3845 = arith.constant 0 : index
    %swap3A_3846 = arith.constant 15 : index
    %swap3A_3847 = vector.load %arg5[%swap3A_3844, %swap3A_3845, %swap3A_3846] : memref<1x256x16xi32, #tpu.memory_space<vmem>>, vector<1x256x1xi32>
    %swap3A_3848 = vector.shape_cast %swap3A_3847 : vector<1x256x1xi32> to vector<256x1xi32>
    %swap3A_3849 = vector.shape_cast %add3A_3843 : vector<256x1xi32> to vector<1x256x1xi32>
    tpu.vector_store %arg5[%swap3A_3844, %swap3A_3845, %swap3A_3846], %swap3A_3849 {strides = array<i32>} : memref<1x256x16xi32, #tpu.memory_space<vmem>>, vector<1x256x1xi32>,
    return
  }
  func.func @transform_0(%arg0: i32, %arg1: i32) -> (i32, i32, i32) {
    %c0_i32 = arith.constant 0 : i32
    %c0_i32_0 = arith.constant 0 : i32
    %c0_i32_1 = arith.constant 0 : i32
    return %arg0, %c0_i32, %c0_i32_0 : i32, i32, i32
  }
  func.func @transform_1(%arg0: i32, %arg1: i32) -> (i32, i32, i32) {
    %c0_i32 = arith.constant 0 : i32
    %c0_i32_0 = arith.constant 0 : i32
    return %arg0, %arg1, %c0_i32 : i32, i32, i32
  }
  func.func @transform_2(%arg0: i32, %arg1: i32) -> (i32, i32, i32) {
    %c0_i32 = arith.constant 0 : i32
    %c0_i32_0 = arith.constant 0 : i32
    return %arg0, %arg1, %c0_i32 : i32, i32, i32
  }
  func.func @transform_3(%arg0: i32, %arg1: i32) -> (i32, i32, i32) {
    %c0_i32 = arith.constant 0 : i32
    %c0_i32_0 = arith.constant 0 : i32
    return %arg0, %arg1, %c0_i32 : i32, i32, i32
  }
}

module attributes {stable_mosaic.version = 14 : i64} {
  func.func @_mlp_body(%arg0: i32, %arg1: i32, %arg2: memref<1x4096x128xf32, #tpu.memory_space<vmem>>, %arg3: memref<1x4096x3xf32, #tpu.memory_space<vmem>>, %arg4: memref<64x64xf32, #tpu.memory_space<vmem>>, %arg5: memref<1x64xf32, #tpu.memory_space<vmem>>, %arg6: memref<60x64xf32, #tpu.memory_space<vmem>>, %arg7: memref<1x64xf32, #tpu.memory_space<vmem>>, %arg8: memref<64x64xf32, #tpu.memory_space<vmem>>, %arg9: memref<1x64xf32, #tpu.memory_space<vmem>>, %arg10: memref<1x256x16xf32, #tpu.memory_space<vmem>>) attributes {dimension_semantics = [#tpu.dimension_semantics<arbitrary>, #tpu.dimension_semantics<arbitrary>], iteration_bounds = array<i64: 4, 8>, scalar_prefetch = 0 : i64, scratch_operands = 0 : i64, tpu.core_type = #tpu.core_type<tc>, window_params = [{transform_indices = @transform_0, window_bounds = array<i64: 1, 4096, 128>}, {transform_indices = @transform_1, window_bounds = array<i64: 1, 4096, 3>}, {pipeline_mode = #tpu.pipeline_mode<synchronous>, transform_indices = @transform_2, window_bounds = array<i64: 64, 64>}, {pipeline_mode = #tpu.pipeline_mode<synchronous>, transform_indices = @transform_3, window_bounds = array<i64: 1, 64>}, {pipeline_mode = #tpu.pipeline_mode<synchronous>, transform_indices = @transform_4, window_bounds = array<i64: 60, 64>}, {pipeline_mode = #tpu.pipeline_mode<synchronous>, transform_indices = @transform_5, window_bounds = array<i64: 1, 64>}, {pipeline_mode = #tpu.pipeline_mode<synchronous>, transform_indices = @transform_6, window_bounds = array<i64: 64, 64>}, {pipeline_mode = #tpu.pipeline_mode<synchronous>, transform_indices = @transform_7, window_bounds = array<i64: 1, 64>}, {transform_indices = @transform_8, window_bounds = array<i64: 1, 256, 16>}]} {
    %get3A = arith.constant 0 : index
    %get3A_0 = arith.constant 0 : index
    %get3A_1 = arith.constant 0 : index
    %get3A_2 = vector.load %arg2[%get3A, %get3A_0, %get3A_1] : memref<1x4096x128xf32, #tpu.memory_space<vmem>>, vector<1x4096x128xf32>
    %get3A_3 = vector.shape_cast %get3A_2 : vector<1x4096x128xf32> to vector<4096x128xf32>
    %slice3A = vector.extract_strided_slice %get3A_3 {offsets = [0, 0], sizes = [4096, 64], strides = [1, 1]} : vector<4096x128xf32> to vector<4096x64xf32>
    %slice3A_4 = vector.extract_strided_slice %get3A_3 {offsets = [0, 64], sizes = [4096, 3], strides = [1, 1]} : vector<4096x128xf32> to vector<4096x3xf32>
    %get3A_5 = arith.constant 0 : index
    %get3A_6 = arith.constant 0 : index
    %get3A_7 = arith.constant 0 : index
    %get3A_8 = vector.load %arg3[%get3A_5, %get3A_6, %get3A_7] : memref<1x4096x3xf32, #tpu.memory_space<vmem>>, vector<1x4096x3xf32>
    %get3A_9 = vector.shape_cast %get3A_8 : vector<1x4096x3xf32> to vector<4096x3xf32>
    %sub3A = arith.subf %slice3A_4, %get3A_9 : vector<4096x3xf32>
    %convert_element_type3A = arith.truncf %slice3A : vector<4096x64xf32> to vector<4096x64xbf16>
    %get3A_10 = arith.constant 0 : index
    %get3A_11 = arith.constant 0 : index
    %get3A_12 = vector.load %arg4[%get3A_10, %get3A_11] : memref<64x64xf32, #tpu.memory_space<vmem>>, vector<64x64xf32>
    %convert_element_type3A_13 = arith.truncf %get3A_12 : vector<64x64xf32> to vector<64x64xbf16>
    %dot_general3A = arith.constant dense<0.000000e+00> : vector<4096x64xf32>
    %dot_general3A_14 = tpu.matmul %convert_element_type3A, %convert_element_type3A_13, %dot_general3A {dimension_numbers = #tpu.dot_dimension_numbers<[1], [0], [0], [1], [0, 0, 1, 1], [], []>, transpose_lhs_hint = false} : vector<4096x64xbf16>, vector<64x64xbf16>, vector<4096x64xf32> -> vector<4096x64xf32>
    %get3A_15 = arith.constant 0 : index
    %get3A_16 = arith.constant 0 : index
    %get3A_17 = vector.load %arg5[%get3A_15, %get3A_16] : memref<1x64xf32, #tpu.memory_space<vmem>>, vector<1x64xf32>
    %add3A = vector.broadcast %get3A_17 : vector<1x64xf32> to vector<4096x64xf32>
    %add3A_18 = arith.addf %dot_general3A_14, %add3A : vector<4096x64xf32>
    %iota3A = tpu.iota {dimensions = array<i32: 1>} : vector<1x60xi32>
    %jit3A = arith.constant 20 : i32
    %eq3A = arith.constant 0 : i32
    %eq3A_19 = arith.cmpi eq, %jit3A, %eq3A : i32
    %jit3A_20 = arith.constant 1 : i32
    %select_n3A = arith.select %eq3A_19, %jit3A_20, %jit3A : i32
    %rem3A = vector.broadcast %select_n3A : i32 to vector<1x60xi32>
    %rem3A_21 = arith.remsi %iota3A, %rem3A : vector<1x60xi32>
    %ne3A = arith.constant 0 : i32
    %ne3A_22 = vector.broadcast %ne3A : i32 to vector<1x60xi32>
    %ne3A_23 = arith.cmpi ne, %rem3A_21, %ne3A_22 : vector<1x60xi32>
    %lt3A = arith.constant 0 : i32
    %lt3A_24 = vector.broadcast %lt3A : i32 to vector<1x60xi32>
    %lt3A_25 = arith.cmpi slt, %rem3A_21, %lt3A_24 : vector<1x60xi32>
    %lt3A_26 = arith.constant 0 : i32
    %lt3A_27 = arith.cmpi slt, %select_n3A, %lt3A_26 : i32
    %ne3A_28 = vector.broadcast %lt3A_27 : i1 to vector<1x60xi1>
    %ne3A_29 = vector.broadcast %ne3A_28 : vector<1x60xi1> to vector<1x60xi1>
    %ne3A_30 = arith.xori %lt3A_25, %ne3A_29 : vector<1x60xi1>
    %and3A = arith.andi %ne3A_30, %ne3A_23 : vector<1x60xi1>
    %add3A_31 = vector.broadcast %select_n3A : i32 to vector<1x60xi32>
    %add3A_32 = arith.addi %rem3A_21, %add3A_31 : vector<1x60xi32>
    %select_n3A_33 = arith.select %and3A, %add3A_32, %rem3A_21 : vector<1x60xi1>, vector<1x60xi32>
    %jit3A_34 = arith.constant 10 : i32
    %eq3A_35 = arith.constant 0 : i32
    %eq3A_36 = arith.cmpi eq, %jit3A_34, %eq3A_35 : i32
    %jit3A_37 = arith.constant 1 : i32
    %select_n3A_38 = arith.select %eq3A_36, %jit3A_37, %jit3A_34 : i32
    %rem3A_39 = vector.broadcast %select_n3A_38 : i32 to vector<1x60xi32>
    %rem3A_40 = arith.remsi %select_n3A_33, %rem3A_39 : vector<1x60xi32>
    %ne3A_41 = arith.constant 0 : i32
    %ne3A_42 = vector.broadcast %ne3A_41 : i32 to vector<1x60xi32>
    %ne3A_43 = arith.cmpi ne, %rem3A_40, %ne3A_42 : vector<1x60xi32>
    %lt3A_44 = arith.constant 0 : i32
    %lt3A_45 = vector.broadcast %lt3A_44 : i32 to vector<1x60xi32>
    %lt3A_46 = arith.cmpi slt, %rem3A_40, %lt3A_45 : vector<1x60xi32>
    %lt3A_47 = arith.constant 0 : i32
    %lt3A_48 = arith.cmpi slt, %select_n3A_38, %lt3A_47 : i32
    %ne3A_49 = vector.broadcast %lt3A_48 : i1 to vector<1x60xi1>
    %ne3A_50 = vector.broadcast %ne3A_49 : vector<1x60xi1> to vector<1x60xi1>
    %ne3A_51 = arith.xori %lt3A_46, %ne3A_50 : vector<1x60xi1>
    %and3A_52 = arith.andi %ne3A_51, %ne3A_43 : vector<1x60xi1>
    %add3A_53 = vector.broadcast %select_n3A_38 : i32 to vector<1x60xi32>
    %add3A_54 = arith.addi %rem3A_40, %add3A_53 : vector<1x60xi32>
    %select_n3A_55 = arith.select %and3A_52, %add3A_54, %rem3A_40 : vector<1x60xi1>, vector<1x60xi32>
    %convert_element_type3A_56 = arith.sitofp %select_n3A_55 : vector<1x60xi32> to vector<1x60xf32>
    %log3A = arith.constant 1.000000e+04 : f32
    %log3A_57 = math.log %log3A : f32
    %neg3A = arith.constant 0.000000e+00 : f32
    %neg3A_58 = arith.subf %neg3A, %log3A_57 : f32
    %div3A = arith.constant 1.000000e+01 : f32
    %div3A_59 = arith.divf %neg3A_58, %div3A : f32
    %mul3A = vector.broadcast %div3A_59 : f32 to vector<1x60xf32>
    %mul3A_60 = arith.mulf %convert_element_type3A_56, %mul3A : vector<1x60xf32>
    %exp3A = math.exp %mul3A_60 : vector<1x60xf32>
    %ge3A = arith.constant 10 : i32
    %ge3A_61 = vector.broadcast %ge3A : i32 to vector<1x60xi32>
    %ge3A_62 = arith.cmpi sge, %select_n3A_33, %ge3A_61 : vector<1x60xi32>
    %jit3A_63 = arith.constant 1.57079637 : f32
    %jit3A_64 = arith.constant 0.000000e+00 : f32
    %broadcast_in_dim3A = vector.broadcast %jit3A_63 : f32 to vector<1x60xf32>
    %broadcast_in_dim3A_65 = vector.broadcast %jit3A_64 : f32 to vector<1x60xf32>
    %select_n3A_66 = arith.select %ge3A_62, %broadcast_in_dim3A, %broadcast_in_dim3A_65 : vector<1x60xi1>, vector<1x60xf32>
    %slice3A_67 = vector.extract_strided_slice %sub3A {offsets = [0, 0], sizes = [4096, 1], strides = [1, 1]} : vector<4096x3xf32> to vector<4096x1xf32>
    %broadcast_in_dim3A_68 = vector.shape_cast %slice3A_67 : vector<4096x1xf32> to vector<4096x1xf32>
    %broadcast_in_dim3A_69 = vector.broadcast %broadcast_in_dim3A_68 : vector<4096x1xf32> to vector<4096x20xf32>
    %slice3A_70 = vector.extract_strided_slice %sub3A {offsets = [0, 1], sizes = [4096, 1], strides = [1, 1]} : vector<4096x3xf32> to vector<4096x1xf32>
    %broadcast_in_dim3A_71 = vector.shape_cast %slice3A_70 : vector<4096x1xf32> to vector<4096x1xf32>
    %broadcast_in_dim3A_72 = vector.broadcast %broadcast_in_dim3A_71 : vector<4096x1xf32> to vector<4096x20xf32>
    %slice3A_73 = vector.extract_strided_slice %sub3A {offsets = [0, 2], sizes = [4096, 1], strides = [1, 1]} : vector<4096x3xf32> to vector<4096x1xf32>
    %broadcast_in_dim3A_74 = vector.shape_cast %slice3A_73 : vector<4096x1xf32> to vector<4096x1xf32>
    %broadcast_in_dim3A_75 = vector.broadcast %broadcast_in_dim3A_74 : vector<4096x1xf32> to vector<4096x20xf32>
    %concatenate3A = tpu.concatenate %broadcast_in_dim3A_69, %broadcast_in_dim3A_72, %broadcast_in_dim3A_75 in 1 : vector<4096x20xf32>, vector<4096x20xf32>, vector<4096x20xf32> -> vector<4096x60xf32>
    %mul3A_76 = vector.broadcast %exp3A : vector<1x60xf32> to vector<4096x60xf32>
    %mul3A_77 = arith.mulf %concatenate3A, %mul3A_76 : vector<4096x60xf32>
    %add3A_78 = vector.broadcast %select_n3A_66 : vector<1x60xf32> to vector<4096x60xf32>
    %add3A_79 = arith.addf %mul3A_77, %add3A_78 : vector<4096x60xf32>
    %sin3A = math.sin %add3A_79 : vector<4096x60xf32>
    %convert_element_type3A_80 = arith.truncf %sin3A : vector<4096x60xf32> to vector<4096x60xbf16>
    %get3A_81 = arith.constant 0 : index
    %get3A_82 = arith.constant 0 : index
    %get3A_83 = vector.load %arg6[%get3A_81, %get3A_82] : memref<60x64xf32, #tpu.memory_space<vmem>>, vector<60x64xf32>
    %convert_element_type3A_84 = arith.truncf %get3A_83 : vector<60x64xf32> to vector<60x64xbf16>
    %dot_general3A_85 = arith.constant dense<0.000000e+00> : vector<4096x64xf32>
    %dot_general3A_86 = tpu.matmul %convert_element_type3A_80, %convert_element_type3A_84, %dot_general3A_85 {dimension_numbers = #tpu.dot_dimension_numbers<[1], [0], [0], [1], [0, 0, 1, 1], [], []>, transpose_lhs_hint = false} : vector<4096x60xbf16>, vector<60x64xbf16>, vector<4096x64xf32> -> vector<4096x64xf32>
    %get3A_87 = arith.constant 0 : index
    %get3A_88 = arith.constant 0 : index
    %get3A_89 = vector.load %arg7[%get3A_87, %get3A_88] : memref<1x64xf32, #tpu.memory_space<vmem>>, vector<1x64xf32>
    %add3A_90 = vector.broadcast %get3A_89 : vector<1x64xf32> to vector<4096x64xf32>
    %add3A_91 = arith.addf %dot_general3A_86, %add3A_90 : vector<4096x64xf32>
    %max3A = arith.constant 0.000000e+00 : f32
    %max3A_92 = vector.broadcast %max3A : f32 to vector<4096x64xf32>
    %max3A_93 = arith.maximumf %add3A_91, %max3A_92 : vector<4096x64xf32>
    %convert_element_type3A_94 = arith.truncf %max3A_93 : vector<4096x64xf32> to vector<4096x64xbf16>
    %get3A_95 = arith.constant 0 : index
    %get3A_96 = arith.constant 0 : index
    %get3A_97 = vector.load %arg8[%get3A_95, %get3A_96] : memref<64x64xf32, #tpu.memory_space<vmem>>, vector<64x64xf32>
    %convert_element_type3A_98 = arith.truncf %get3A_97 : vector<64x64xf32> to vector<64x64xbf16>
    %dot_general3A_99 = arith.constant dense<0.000000e+00> : vector<4096x64xf32>
    %dot_general3A_100 = tpu.matmul %convert_element_type3A_94, %convert_element_type3A_98, %dot_general3A_99 {dimension_numbers = #tpu.dot_dimension_numbers<[1], [0], [0], [1], [0, 0, 1, 1], [], []>, transpose_lhs_hint = false} : vector<4096x64xbf16>, vector<64x64xbf16>, vector<4096x64xf32> -> vector<4096x64xf32>
    %get3A_101 = arith.constant 0 : index
    %get3A_102 = arith.constant 0 : index
    %get3A_103 = vector.load %arg9[%get3A_101, %get3A_102] : memref<1x64xf32, #tpu.memory_space<vmem>>, vector<1x64xf32>
    %add3A_104 = vector.broadcast %get3A_103 : vector<1x64xf32> to vector<4096x64xf32>
    %add3A_105 = arith.addf %dot_general3A_100, %add3A_104 : vector<4096x64xf32>
    %add3A_106 = arith.addf %add3A_18, %add3A_105 : vector<4096x64xf32>
    %reshape3A = vector.shape_cast %add3A_106 : vector<4096x64xf32> to vector<256x16x64xf32>
    %slice3A_107 = vector.extract_strided_slice %reshape3A {offsets = [0, 0, 0], sizes = [256, 1, 64], strides = [1, 1, 1]} : vector<256x16x64xf32> to vector<256x1x64xf32>
    %mul3A_108 = vector.broadcast %slice3A_107 : vector<256x1x64xf32> to vector<256x16x64xf32>
    %mul3A_109 = arith.mulf %reshape3A, %mul3A_108 : vector<256x16x64xf32>
    %reduce_sum3A = arith.constant dense<0.000000e+00> : vector<256x16xf32>
    %reduce_sum3A_110 = vector.multi_reduction <add>, %mul3A_109, %reduce_sum3A [2] : vector<256x16x64xf32> to vector<256x16xf32>
    %reduce_max3A = arith.constant dense<0xFF800000> : vector<256xf32>
    %reduce_max3A_111 = vector.multi_reduction <maximumf>, %reduce_sum3A_110, %reduce_max3A [1] : vector<256x16xf32> to vector<256xf32>
    %broadcast_in_dim3A_112 = vector.shape_cast %reduce_max3A_111 : vector<256xf32> to vector<256x1xf32>
    %sub3A_113 = vector.broadcast %broadcast_in_dim3A_112 : vector<256x1xf32> to vector<256x16xf32>
    %sub3A_114 = arith.subf %reduce_sum3A_110, %sub3A_113 : vector<256x16xf32>
    %exp3A_115 = math.exp %sub3A_114 : vector<256x16xf32>
    %reduce_sum3A_116 = arith.constant dense<0.000000e+00> : vector<256xf32>
    %reduce_sum3A_117 = vector.multi_reduction <add>, %exp3A_115, %reduce_sum3A_116 [1] : vector<256x16xf32> to vector<256xf32>
    %broadcast_in_dim3A_118 = vector.shape_cast %reduce_sum3A_117 : vector<256xf32> to vector<256x1xf32>
    %div3A_119 = vector.broadcast %broadcast_in_dim3A_118 : vector<256x1xf32> to vector<256x16xf32>
    %div3A_120 = arith.divf %exp3A_115, %div3A_119 : vector<256x16xf32>
    %mul3A_121 = arith.constant 4.000000e-01 : f32
    %mul3A_122 = vector.broadcast %mul3A_121 : f32 to vector<256x16xf32>
    %mul3A_123 = arith.mulf %div3A_120, %mul3A_122 : vector<256x16xf32>
    %iota3A_124 = tpu.iota {dimensions = array<i32: 1>} : vector<256x16xi32>
    %eq3A_125 = arith.constant 0 : i32
    %eq3A_126 = vector.broadcast %eq3A_125 : i32 to vector<256x16xi32>
    %eq3A_127 = arith.cmpi eq, %iota3A_124, %eq3A_126 : vector<256x16xi32>
    %jit3A_128 = arith.constant 6.000000e-01 : f32
    %jit3A_129 = arith.constant 0.000000e+00 : f32
    %broadcast_in_dim3A_130 = vector.broadcast %jit3A_128 : f32 to vector<256x16xf32>
    %broadcast_in_dim3A_131 = vector.broadcast %jit3A_129 : f32 to vector<256x16xf32>
    %select_n3A_132 = arith.select %eq3A_127, %broadcast_in_dim3A_130, %broadcast_in_dim3A_131 : vector<256x16xi1>, vector<256x16xf32>
    %add3A_133 = arith.addf %mul3A_123, %select_n3A_132 : vector<256x16xf32>
    %swap3A = arith.constant 0 : index
    %swap3A_134 = arith.constant 0 : index
    %swap3A_135 = arith.constant 0 : index
    %swap3A_136 = vector.load %arg10[%swap3A, %swap3A_134, %swap3A_135] : memref<1x256x16xf32, #tpu.memory_space<vmem>>, vector<1x256x16xf32>
    %swap3A_137 = vector.shape_cast %swap3A_136 : vector<1x256x16xf32> to vector<256x16xf32>
    %swap3A_138 = vector.shape_cast %add3A_133 : vector<256x16xf32> to vector<1x256x16xf32>
    tpu.vector_store %arg10[%swap3A, %swap3A_134, %swap3A_135], %swap3A_138 {strides = array<i32>} : memref<1x256x16xf32, #tpu.memory_space<vmem>>, vector<1x256x16xf32>,
    return
  }
  func.func @transform_0(%arg0: i32, %arg1: i32) -> (i32, i32, i32) {
    %c0_i32 = arith.constant 0 : i32
    %c0_i32_0 = arith.constant 0 : i32
    return %arg0, %arg1, %c0_i32 : i32, i32, i32
  }
  func.func @transform_1(%arg0: i32, %arg1: i32) -> (i32, i32, i32) {
    %c0_i32 = arith.constant 0 : i32
    %c0_i32_0 = arith.constant 0 : i32
    return %arg0, %arg1, %c0_i32 : i32, i32, i32
  }
  func.func @transform_2(%arg0: i32, %arg1: i32) -> (i32, i32) {
    %c0_i32 = arith.constant 0 : i32
    %c0_i32_0 = arith.constant 0 : i32
    %c0_i32_1 = arith.constant 0 : i32
    return %c0_i32, %c0_i32_0 : i32, i32
  }
  func.func @transform_3(%arg0: i32, %arg1: i32) -> (i32, i32) {
    %c0_i32 = arith.constant 0 : i32
    %c0_i32_0 = arith.constant 0 : i32
    %c0_i32_1 = arith.constant 0 : i32
    return %c0_i32, %c0_i32_0 : i32, i32
  }
  func.func @transform_4(%arg0: i32, %arg1: i32) -> (i32, i32) {
    %c0_i32 = arith.constant 0 : i32
    %c0_i32_0 = arith.constant 0 : i32
    %c0_i32_1 = arith.constant 0 : i32
    return %c0_i32, %c0_i32_0 : i32, i32
  }
  func.func @transform_5(%arg0: i32, %arg1: i32) -> (i32, i32) {
    %c0_i32 = arith.constant 0 : i32
    %c0_i32_0 = arith.constant 0 : i32
    %c0_i32_1 = arith.constant 0 : i32
    return %c0_i32, %c0_i32_0 : i32, i32
  }
  func.func @transform_6(%arg0: i32, %arg1: i32) -> (i32, i32) {
    %c0_i32 = arith.constant 0 : i32
    %c0_i32_0 = arith.constant 0 : i32
    %c0_i32_1 = arith.constant 0 : i32
    return %c0_i32, %c0_i32_0 : i32, i32
  }
  func.func @transform_7(%arg0: i32, %arg1: i32) -> (i32, i32) {
    %c0_i32 = arith.constant 0 : i32
    %c0_i32_0 = arith.constant 0 : i32
    %c0_i32_1 = arith.constant 0 : i32
    return %c0_i32, %c0_i32_0 : i32, i32
  }
  func.func @transform_8(%arg0: i32, %arg1: i32) -> (i32, i32, i32) {
    %c0_i32 = arith.constant 0 : i32
    %c0_i32_0 = arith.constant 0 : i32
    return %arg0, %arg1, %c0_i32 : i32, i32, i32
  }
}

</mosaic_0001>

<sc_bundles>
// kernel: kernel.5.cloned.1.call-start
scs
__scs_entry_jumppad:
0x0: {  	(pc) =	sbr.rel $0x88, $3  }
0x1: {  	(tag) =	ssettag $0x0;
	lr =	simm.s32 $0x1  }
0x2: {  	[smem:$0x3F98] =	sst lr;
	_ =	strace $0xD0000000  }
0x3: {  	_ = 	snop  }
0x4: {  	_ = 	snop  }
0x5: {  	_ = 	snop  }
0x6: {  	_ = 	snop  }
0x7: {  	_ = 	snop  }
__scs_overlays_trampoline_lowered:
0x8: {  	[smem:$0x3FA7] =	sst s0  }
0x9: {  	[smem:$0x3FA8] =	sst s1  }
0xa: {  	[smem:$0x3FA9] =	sst s2  }
0xb: {  	[smem:$0x3FAA] =	sst s3  }
0xc: {  	[smem:$0x3FAB] =	sst s4  }
0xd: {  	[smem:$0x3FAC] =	sst s5  }
0xe: {  	[smem:$0x3FAD] =	sst s6  }
0xf: {  	[smem:$0x3FAE] =	sst s7  }
0x10: {  	[smem:$0x3FAF] =	sst s8  }
0x11: {  	[smem:$0x3FB0] =	sst s9;
	s0 =	simm.s32 @!p0 $0x0  }
0x12: {  	s1 =	sld [smem:$0x3F96];
	s0 =	simm.s32 @p0 $0x1  }
0x13: {  	[smem:$0x3FB1] =	sst s0;
	s0 =	simm.s32 @!p1 $0x0  }
0x14: {  	s2 =	sld [smem:$0x3F95];
	s0 =	simm.s32 @p1 $0x1  }
0x15: {  	[smem:$0x3FB2] =	sst s0;
	s0 =	simm.s32 @!p2 $0x0  }
0x16: {  	s3 =	sld [smem:$0x3FDB];
	s0 =	simm.s32 @p2 $0x1  }
0x17: {  	s4 =	simm.s32 $0x1BF5;
	[smem:$0x3FB4] =	sst s0  }
0x18: {  	s0 =	sld [smem:$0x3F97];
	_ =	swait.ge [sflag:s4], $0x0  }
0x19: {  	s7 =	sld [smem:$0x3F98]  }
0x1a: {  	s8 =	sadd.s32 $0xFFFFE003, lr  }
0x1b: {  	s9 =	sadd.s32 $0xFFFFFEF7, lr;
	s5 =	simm.s32 $0xFFFFFFFF;
	p2 =	slt.u32 s8, $0xFFFFF086  }
0x1c: {  	p1 =	slt.u32 s9, $0xF7A;
	s5 =	simm.s32 @!p2 $0x0  }
0x1d: {  	s5 =	simm.s32 @p1 $0x1;
	p0 =	seq.s32 s7, s2  }
0x1e: {  	s7 =	smul.u32 @!p0 $0xF7A, s2;
	p2 =	seq.s32 @!p0 s5, $0x0  }
0x1f: {  	s9 =	smul.u32 $0xF7A, s1;
	s8 =	simm.s32 @!p0 $0x1BF5;
	p2 =	por !p2, p0  }
0x20: {  	[sflag:s8] =	ssyncset.s32 @!p0 $0xFFFFF086;
	s6 =	sadd.s32 @!p0 s3, s7;
	s7 =	simm.s32 @!p0 $0x108  }
0x21: {  	s3 =	sadd.s32 s3, s9;
	s6 =	sadd.s32 @!p0 $0x88, s6;
	s7 =	simm.s32 @p2 $0x1082  }
0x22: {  	[simem:s7], [sflag:s8] =	dma.local @!p0 [hbm:s6], $0xF7A  }
0x23: {  	s9 =	sor.u32 $0xD0000000, s2;
	s6 =	simm.s32 $0x108;
	_ =	swait.ge @!p0 [sflag:s8], $0x0  }
0x24: {  	s3 =	sadd.s32 $0x88, s3;
	s6 =	simm.s32 @!p1 $0x1082;
	[sflag:s4] =	ssyncset.s32 $0xFFFFF086  }
0x25: {  	[simem:s6], [sflag:s4] =	dma.local [hbm:s3], $0xF7A  }
0x26: {  	[smem:$0x3F98] =	sst s1;
	(tag) =	ssettag s2;
	_ =	strace s9  }
0x27: {  	s1 =	sld [smem:$0x3FA8]  }
0x28: {  	s2 =	sld [smem:$0x3FA9]  }
0x29: {  	s4 =	sld [smem:$0x3FAB]  }
0x2a: {  	p0 =	seq.s32 s5, $0x0;
	s5 =	sld [smem:$0x3FAC]  }
0x2b: {  	s6 =	sld [smem:$0x3FAD]  }
0x2c: {  	s7 =	sld [smem:$0x3FAE]  }
0x2d: {  	s3 =	simm.s32 $0x108;
	s8 =	sld [smem:$0x3FAF]  }
0x2e: {  	s3 =	simm.s32 @!p0 $0x1082;
	s9 =	sld [smem:$0x3FB0]  }
0x2f: {  	lr =	sadd.s32 s0, s3;
	s0 =	sld [smem:$0x3FA7]  }
0x30: {  	s3 =	sld [smem:$0x3FAA]  }
0x31: {  	[smem:$0x3FB3] =	sst s10  }
0x32: {  	s10 =	sld [smem:$0x3FB1];
	_ =	sdelay $0x3  }
0x33: {  	p0 =	seq.s32 s10, $0x1;
	s10 =	sld [smem:$0x3FB3];
	_ =	sdelay $0x3  }
0x34: {  	[smem:$0x3FB3] =	sst s10  }
0x35: {  	s10 =	sld [smem:$0x3FB2];
	_ =	sdelay $0x3  }
0x36: {  	p1 =	seq.s32 s10, $0x1;
	s10 =	sld [smem:$0x3FB3];
	_ =	sdelay $0x3  }
0x37: {  	[smem:$0x3FB3] =	sst s10  }
0x38: {  	s10 =	sld [smem:$0x3FB4]  }
0x39: {  	_ = 	snop;
	(pc) =	sbr.ind lr, $3  }
0x3a: {  	_ = 	snop  }
0x3b: {  	_ = 	snop  }
0x3c: {  	p2 =	seq.s32 s10, $0x1;
	s10 =	sld [smem:$0x3FB3]  }
0x3d: {  	_ =	shalt  }
0x3e: {  	_ =	shalt  }
0x3f: {  	_ =	shalt  }
0x40: {  	_ =	shalt  }
0x41: {  	_ =	shalt  }
0x42: {  	_ =	shalt  }
0x43: {  	_ =	shalt  }
0x44: {  	_ =	shalt  }
0x45: {  	_ =	shalt  }
0x46: {  	_ =	shalt  }
0x47: {  	_ =	shalt  }
0x48: {  	_ =	shalt  }
0x49: {  	_ =	shalt  }
0x4a: {  	_ =	shalt  }
0x4b: {  	_ =	shalt  }
0x4c: {  	_ =	shalt  }
0x4d: {  	_ =	shalt  }
0x4e: {  	_ =	shalt  }
0x4f: {  	_ =	shalt  }
0x50: {  	_ =	shalt  }
0x51: {  	_ =	shalt  }
0x52: {  	_ =	shalt  }
0x53: {  	_ =	shalt  }
0x54: {  	_ =	shalt  }
0x55: {  	_ =	shalt  }
0x56: {  	_ =	shalt  }
0x57: {  	_ =	shalt  }
0x58: {  	_ =	shalt  }
0x59: {  	_ =	shalt  }
0x5a: {  	_ =	shalt  }
0x5b: {  	_ =	shalt  }
0x5c: {  	_ =	shalt  }
0x5d: {  	_ =	shalt  }
0x5e: {  	_ =	shalt  }
0x5f: {  	_ =	shalt  }
0x60: {  	_ =	shalt  }
0x61: {  	_ =	shalt  }
0x62: {  	_ =	shalt  }
0x63: {  	_ =	shalt  }
0x64: {  	_ =	shalt  }
0x65: {  	_ =	shalt  }
0x66: {  	_ =	shalt  }
0x67: {  	_ =	shalt  }
0x68: {  	_ =	shalt  }
0x69: {  	_ =	shalt  }
0x6a: {  	_ =	shalt  }
0x6b: {  	_ =	shalt  }
0x6c: {  	_ =	shalt  }
0x6d: {  	_ =	shalt  }
0x6e: {  	_ =	shalt  }
0x6f: {  	_ =	shalt  }
0x70: {  	_ =	shalt  }
0x71: {  	_ =	shalt  }
0x72: {  	_ =	shalt  }
0x73: {  	_ =	shalt  }
0x74: {  	_ =	shalt  }
0x75: {  	_ =	shalt  }
0x76: {  	_ =	shalt  }
0x77: {  	_ =	shalt  }
0x78: {  	_ =	shalt  }
0x79: {  	_ =	shalt  }
0x7a: {  	_ =	shalt  }
0x7b: {  	_ =	shalt  }
0x7c: {  	_ =	shalt  }
0x7d: {  	_ =	shalt  }
0x7e: {  	_ =	shalt  }
0x7f: {  	_ =	shalt  }
0x80: {  	_ =	shalt  }
0x81: {  	_ =	shalt  }
0x82: {  	_ =	shalt  }
0x83: {  	_ =	shalt  }
0x84: {  	_ =	shalt  }
0x85: {  	_ =	shalt  }
0x86: {  	_ =	shalt  }
0x87: {  	_ =	shalt  }
.Lfunc_end0:
.L_simem_size_0:
called_computation_lowered:
.L_overlay_start_0:
0x88: {  	s2 =	sld [smem:$0x3FD9]  }
0x89: {  	s3 =	sld [smem:$0x3FFE];
	_ =	sdelay $0x1  }
0x8a: {  	s1 =	srdreg.scid  }
0x8b: {  	s0 =	sand.u32 $0x1, s1  }
0x8c: {  	s14 =	sshll.u32 s0, $0xA;
	s2 =	sadd.s32 s3, s2  }
0x8d: {  	s2 =	sadd.s32 s2, s14  }
0x8e: {  	[smem:$0x3FBF] =	sst s2  }
0x8f: {  	_ = 	snop  }
0x90: {  	s2 =	sld [smem:$0x3FD0];
	_ =	sdelay $0x2  }
0x91: {  	s15 =	simm.s32 $0xA;
	s4 =	simm.s32 $0x10  }
0x92: {  	[smem:s4], [sflag:s15] =	dma.local [hbm:s2], $0x1  }
0x93: {  	_ =	swait.eq [sflag:s15], $0x1  }
0x94: {  	[sflag:s15] =	ssyncset.done $0x0  }
0x95: {  	[sflag:s15] =	ssyncadd.s32 $0xFFFFFFFF  }
0x96: {  	s16 =	sld [smem:$0x10];
	(tm) =	ssettm $0x1  }
0x97: {  	s17 =	sld [smem:$0x3FFB];
	_ =	sdelay $0x3  }
0x98: {  	_ =	strace s17  }
0x99: {  	s3 =	sld [smem:$0x3FFC];
	_ =	sdelay $0x3  }
0x9a: {  	_ =	strace s3  }
0x9b: {  	s3 =	sld [smem:$0x3FFD];
	_ =	sdelay $0x3  }
0x9c: {  	_ =	strace s3  }
0x9d: {  	_ =	strace $0x8FFFFFFF  }
0x9e: {  	s18 =	sld [smem:$0x3FDB];
	_ =	sdelay $0x1  }
0x9f: {  	s19 =	simm.s32 $_scs_section_size  }
0xa0: {  	s5 =	simm.s32 $_size__tile_overlayer_lowered;
	s6 =	simm.s32 $_tile_overlayer_lowered  }
0xa1: {  	s22 =	simm.s32 $0x1BFF;
	s21 =	sshll.u32 s6, $0x1;
	s3 =	sadd.s32 s19, s18  }
0xa2: {  	s7 =	simm.s32 $0x0;
	s20 =	sshll.u32 s5, $0x1;
	s5 =	sadd.s32 s21, s3  }
0xa3: {  	[timem:s7], [sflag:s22] =	dma.local [hbm:s5], s20  }
0xa4: {  	_ =	swait.ge [sflag:s22], s20  }
0xa5: {  	s4 =	ssub.s32 $0x0, s20;
	[sflag:s22] =	ssyncset.done $0x0  }
0xa6: {  	[sflag:s22] =	ssyncadd.s32 s4;
	_ =	sdelay $0x1  }
0xa7: {  	s23 =	simm.s32 $0x1B8B  }
0xa8: {  	_ =	swait.ge [sflag:s23], $0x1  }
0xa9: {  	[sflag:s23] =	ssyncset.done $0x0  }
0xaa: {  	s25 =	simm.s32 $0x1B8E;
	s24 =	sld [smem:$0x3FFE];
	[sflag:s23] =	ssyncadd.s32 $0xFFFFFFFF  }
0xab: {  	s26 =	simm.s32 $execute0_lowered;
	[smem:$0x3FD2] =	sst s25  }
0xac: {  	s5 =	sshll.u32 s26, $0x1;
	_ =	strace $0x80000046;
	[dreg:$0x1] =	wrdreg $0xFFFFFFFF  }
0xad: {  	s28 =	simm.s32 $_size_execute0_lowered;
	s3 =	sadd.s32 s3, s5;
	[dreg:$0x0] =	wrdreg $0x0  }
0xae: {  	s5 =	sshll.u32 s28, $0x1;
	[dreg:$0x2] =	wrdreg s3  }
0xaf: {  	[dreg:$0x3] =	wrdreg s5  }
0xb0: {  	[dreg:$0x4] =	wrdreg $0xC0  }
0xb1: {  	_ =	task [dreg:s7], $0x5FFFF  }
0xb2: {  	[dreg:$0x1] =	wrdreg $0xFFFFFFFF  }
0xb3: {  	[dreg:$0x0] =	wrdreg $0x60  }
0xb4: {  	[dreg:$0x2] =	wrdreg s24  }
0xb5: {  	[dreg:$0x3] =	wrdreg s16  }
0xb6: {  	[dreg:$0x4] =	wrdreg $0x9  }
0xb7: {  	_ =	task.clear_ibuf [dreg:s7], $0x5FFFF;
	_ =	strace $0x90000046  }
0xb8: {  	s29 =	simm.s32 $0x9;
	_ =	strace $0x80000048  }
0xb9: {  	_ =	swait.ge [sflag:s29], $0x1  }
0xba: {  	[sflag:s29] =	ssyncadd.s32 $0xFFFFFFFF  }
0xbb: {  	_ =	strace $0x90000048  }
0xbc: {  	_ =	sfence  }
0xbd: {  	s30 =	sld [smem:$0x0];
	_ =	sdelay $0x2  }
0xbe: {  	s31 =	sshll.u32 s1, $0xD;
	s1 =	sshrl.u32 s1, $0x2  }
0xbf: {  	s3 =	sand.u32 $0x4000, s31;
	s1 =	sadd.s32 s1, s30  }
0xc0: {  	s0 =	sor.u32 s3, s0;
	s1 =	sshll.u32 s1, $0x11  }
0xc1: {  	s0 =	sor.u32 s1, s0  }
0xc2: {  	s0 =	sadd.s32 $0x8F2B, s0  }
0xc3: {  	[sflag:s0] =	ssyncadd.remote.s32 $0x1  }
0xc4: {  	_ =	sfence.sel $0xFFFF  }
0xc5: {  	[dreg:$0x0] =	wrdreg $0xFFFFFFFF;
	(pc) =	sbr.abs _section_cstart, $3  }
0xc6: {  	[dreg:$0x1] =	wrdreg $0xFFFFFFFF  }
0xc7: {  	_ =	task.clear_ibuf [dreg:s7], $0x2FFFF;
	_ =	strace $0x9FFFFFFF  }
0xc8: {  	(tm) =	ssettm $0x7FFFFFFF  }
0xc9: {  	_ =	shalt  }
tec
execute0_lowered:
.L_overlay_start_1:
0x0: {  	(tag) =	ssettag $0x1  }
0x1: {  	s1 =	srdreg.scid  }
0x2: {  	s8 =	rddreg [dreg:$0x0];
	s0 =	stileid.u32;
	s22 =	sand.u32 $0x1, s1  }
0x3: {  	s21 =	rddreg [dreg:$0x1];
	s3 =	sshll.u32 s0, $0xD;
	s4 =	sshll.u32 s22, $0xC  }
0x4: {  	s2 =	simm.s32 $0x0;
	s1 =	rddreg [dreg:$0x2];
	s24 =	sor.u32 s4, s3  }
0x5: {  	[smem:$0x7FF] =	sst s2;
	s3 =	sshrl.u32 s24, $0x3  }
0x6: {  	_ =	strace $0x80000047;
	s4 =	sadd.s32 s21, s3;
	s3 =	simm.s32 $0x2  }
0x7: {  	[tilespmem:s2], [sflag:$0x2] =	stream.linear.gather [hbm4b:s4+s2], $0x200, $0x38;
	[tilespmem:$0x10200] =	vst v63  }
0x8: {  	_ =	swait.ge [sflag:s3], $0x200  }
0x9: {  	s6 =	simm.s32 $0x200;
	[sflag:s3] =	ssyncset.done $0x0  }
0xa: {  	s7 =	simm.s32 $0x1;
	s5 =	sadd.s32 $0x1200, s8;
	[sflag:s3] =	ssyncadd.s32 $0xFFFFFE00  }
0xb: {  	[tilespmem:s6], [sflag:$0x1] =	stream.indirect.gather [hbm4b:s5+s6], $0x80, s2, s6, $0xb8;
	[tilespmem:$0x10200] =	vst v63  }
0xc: {  	_ =	swait.ge [sflag:s7], $0x10000  }
0xd: {  	s23 =	sadd.s32 $0x81200, s8;
	s28 =	sshll.u32 s24, $0x4;
	[sflag:s7] =	ssyncset.done $0x0  }
0xe: {  	s8 =	sadd.s32 s23, s28;
	[sflag:s7] =	ssyncadd.s32 $0xFFFF0000  }
0xf: {  	[hbm4b:s8+s2] =	stream.linear.scatter [tilespmem:s6], [sflag:$0x2], $0x10000, $0x38;
	[tilespmem:$0x10200] =	vst v63  }
0x10: {  	s10 =	sor.u32 $0x200, s24;
	_ =	swait.ge [sflag:s3], $0x10000  }
0x11: {  	s9 =	sshrl.u32 s10, $0x3;
	[sflag:s3] =	ssyncset.done $0x0  }
0x12: {  	s9 =	sadd.s32 s21, s9;
	[sflag:s3] =	ssyncadd.s32 $0xFFFF0000  }
0x13: {  	[tilespmem:s2], [sflag:$0x2] =	stream.linear.gather [hbm4b:s9+s2], $0x200, $0x38;
	[tilespmem:$0x10200] =	vst v63  }
0x14: {  	_ =	swait.ge [sflag:s3], $0x200  }
0x15: {  	[sflag:s3] =	ssyncset.done $0x0  }
0x16: {  	[sflag:s3] =	ssyncadd.s32 $0xFFFFFE00  }
0x17: {  	[tilespmem:s6], [sflag:$0x1] =	stream.indirect.gather [hbm4b:s5+s6], $0x80, s2, s6, $0xb8;
	[tilespmem:$0x10200] =	vst v63  }
0x18: {  	_ =	swait.ge [sflag:s7], $0x10000  }
0x19: {  	s10 =	sshll.u32 s10, $0x4;
	[sflag:s7] =	ssyncset.done $0x0  }
0x1a: {  	s10 =	sadd.s32 s23, s10;
	[sflag:s7] =	ssyncadd.s32 $0xFFFF0000  }
0x1b: {  	[hbm4b:s10+s2] =	stream.linear.scatter [tilespmem:s6], [sflag:$0x2], $0x10000, $0x38;
	[tilespmem:$0x10200] =	vst v63  }
0x1c: {  	s12 =	sor.u32 $0x400, s24;
	_ =	swait.ge [sflag:s3], $0x10000  }
0x1d: {  	s11 =	sshrl.u32 s12, $0x3;
	[sflag:s3] =	ssyncset.done $0x0  }
0x1e: {  	s11 =	sadd.s32 s21, s11;
	[sflag:s3] =	ssyncadd.s32 $0xFFFF0000  }
0x1f: {  	[tilespmem:s2], [sflag:$0x2] =	stream.linear.gather [hbm4b:s11+s2], $0x200, $0x38;
	[tilespmem:$0x10200] =	vst v63  }
0x20: {  	_ =	swait.ge [sflag:s3], $0x200  }
0x21: {  	[sflag:s3] =	ssyncset.done $0x0  }
0x22: {  	[sflag:s3] =	ssyncadd.s32 $0xFFFFFE00  }
0x23: {  	[tilespmem:s6], [sflag:$0x1] =	stream.indirect.gather [hbm4b:s5+s6], $0x80, s2, s6, $0xb8;
	[tilespmem:$0x10200] =	vst v63  }
0x24: {  	_ =	swait.ge [sflag:s7], $0x10000  }
0x25: {  	s12 =	sshll.u32 s12, $0x4;
	[sflag:s7] =	ssyncset.done $0x0  }
0x26: {  	s12 =	sadd.s32 s23, s12;
	[sflag:s7] =	ssyncadd.s32 $0xFFFF0000  }
0x27: {  	[hbm4b:s12+s2] =	stream.linear.scatter [tilespmem:s6], [sflag:$0x2], $0x10000, $0x38;
	[tilespmem:$0x10200] =	vst v63  }
0x28: {  	s14 =	sor.u32 $0x600, s24;
	_ =	swait.ge [sflag:s3], $0x10000  }
0x29: {  	s13 =	sshrl.u32 s14, $0x3;
	[sflag:s3] =	ssyncset.done $0x0  }
0x2a: {  	s13 =	sadd.s32 s21, s13;
	[sflag:s3] =	ssyncadd.s32 $0xFFFF0000  }
0x2b: {  	[tilespmem:s2], [sflag:$0x2] =	stream.linear.gather [hbm4b:s13+s2], $0x200, $0x38;
	[tilespmem:$0x10200] =	vst v63  }
0x2c: {  	_ =	swait.ge [sflag:s3], $0x200  }
0x2d: {  	[sflag:s3] =	ssyncset.done $0x0  }
0x2e: {  	[sflag:s3] =	ssyncadd.s32 $0xFFFFFE00  }
0x2f: {  	[tilespmem:s6], [sflag:$0x1] =	stream.indirect.gather [hbm4b:s5+s6], $0x80, s2, s6, $0xb8;
	[tilespmem:$0x10200] =	vst v63  }
0x30: {  	_ =	swait.ge [sflag:s7], $0x10000  }
0x31: {  	s14 =	sshll.u32 s14, $0x4;
	[sflag:s7] =	ssyncset.done $0x0  }
0x32: {  	s14 =	sadd.s32 s23, s14;
	[sflag:s7] =	ssyncadd.s32 $0xFFFF0000  }
0x33: {  	[hbm4b:s14+s2] =	stream.linear.scatter [tilespmem:s6], [sflag:$0x2], $0x10000, $0x38;
	[tilespmem:$0x10200] =	vst v63  }
0x34: {  	s16 =	sor.u32 $0x800, s24;
	_ =	swait.ge [sflag:s3], $0x10000  }
0x35: {  	s15 =	sshrl.u32 s16, $0x3;
	[sflag:s3] =	ssyncset.done $0x0  }
0x36: {  	s15 =	sadd.s32 s21, s15;
	[sflag:s3] =	ssyncadd.s32 $0xFFFF0000  }
0x37: {  	[tilespmem:s2], [sflag:$0x2] =	stream.linear.gather [hbm4b:s15+s2], $0x200, $0x38;
	[tilespmem:$0x10200] =	vst v63  }
0x38: {  	_ =	swait.ge [sflag:s3], $0x200  }
0x39: {  	[sflag:s3] =	ssyncset.done $0x0  }
0x3a: {  	[sflag:s3] =	ssyncadd.s32 $0xFFFFFE00  }
0x3b: {  	[tilespmem:s6], [sflag:$0x1] =	stream.indirect.gather [hbm4b:s5+s6], $0x80, s2, s6, $0xb8;
	[tilespmem:$0x10200] =	vst v63  }
0x3c: {  	_ =	swait.ge [sflag:s7], $0x10000  }
0x3d: {  	s16 =	sshll.u32 s16, $0x4;
	[sflag:s7] =	ssyncset.done $0x0  }
0x3e: {  	s16 =	sadd.s32 s23, s16;
	[sflag:s7] =	ssyncadd.s32 $0xFFFF0000  }
0x3f: {  	[hbm4b:s16+s2] =	stream.linear.scatter [tilespmem:s6], [sflag:$0x2], $0x10000, $0x38;
	[tilespmem:$0x10200] =	vst v63  }
0x40: {  	s18 =	sor.u32 $0xA00, s24;
	_ =	swait.ge [sflag:s3], $0x10000  }
0x41: {  	s17 =	sshrl.u32 s18, $0x3;
	[sflag:s3] =	ssyncset.done $0x0  }
0x42: {  	s17 =	sadd.s32 s21, s17;
	[sflag:s3] =	ssyncadd.s32 $0xFFFF0000  }
0x43: {  	[tilespmem:s2], [sflag:$0x2] =	stream.linear.gather [hbm4b:s17+s2], $0x200, $0x38;
	[tilespmem:$0x10200] =	vst v63  }
0x44: {  	_ =	swait.ge [sflag:s3], $0x200  }
0x45: {  	[sflag:s3] =	ssyncset.done $0x0  }
0x46: {  	[sflag:s3] =	ssyncadd.s32 $0xFFFFFE00  }
0x47: {  	[tilespmem:s6], [sflag:$0x1] =	stream.indirect.gather [hbm4b:s5+s6], $0x80, s2, s6, $0xb8;
	[tilespmem:$0x10200] =	vst v63  }
0x48: {  	_ =	swait.ge [sflag:s7], $0x10000  }
0x49: {  	s18 =	sshll.u32 s18, $0x4;
	[sflag:s7] =	ssyncset.done $0x0  }
0x4a: {  	s18 =	sadd.s32 s23, s18;
	[sflag:s7] =	ssyncadd.s32 $0xFFFF0000  }
0x4b: {  	[hbm4b:s18+s2] =	stream.linear.scatter [tilespmem:s6], [sflag:$0x2], $0x10000, $0x38;
	[tilespmem:$0x10200] =	vst v63  }
0x4c: {  	s20 =	sor.u32 $0xC00, s24;
	_ =	swait.ge [sflag:s3], $0x10000  }
0x4d: {  	s19 =	sshrl.u32 s20, $0x3;
	[sflag:s3] =	ssyncset.done $0x0  }
0x4e: {  	s19 =	sadd.s32 s21, s19;
	[sflag:s3] =	ssyncadd.s32 $0xFFFF0000  }
0x4f: {  	[tilespmem:s2], [sflag:$0x2] =	stream.linear.gather [hbm4b:s19+s2], $0x200, $0x38;
	[tilespmem:$0x10200] =	vst v63  }
0x50: {  	_ =	swait.ge [sflag:s3], $0x200  }
0x51: {  	[sflag:s3] =	ssyncset.done $0x0  }
0x52: {  	[sflag:s3] =	ssyncadd.s32 $0xFFFFFE00  }
0x53: {  	[tilespmem:s6], [sflag:$0x1] =	stream.indirect.gather [hbm4b:s5+s6], $0x80, s2, s6, $0xb8;
	[tilespmem:$0x10200] =	vst v63  }
0x54: {  	_ =	swait.ge [sflag:s7], $0x10000  }
0x55: {  	s20 =	sshll.u32 s20, $0x4;
	[sflag:s7] =	ssyncset.done $0x0  }
0x56: {  	s20 =	sadd.s32 s23, s20;
	[sflag:s7] =	ssyncadd.s32 $0xFFFF0000  }
0x57: {  	[hbm4b:s20+s2] =	stream.linear.scatter [tilespmem:s6], [sflag:$0x2], $0x10000, $0x38;
	[tilespmem:$0x10200] =	vst v63  }
0x58: {  	s24 =	sor.u32 $0xE00, s24;
	_ =	swait.ge [sflag:s3], $0x10000  }
0x59: {  	s25 =	sshrl.u32 s24, $0x3;
	[sflag:s3] =	ssyncset.done $0x0  }
0x5a: {  	s22 =	ssub.s32 $0x2, s22;
	s21 =	sadd.s32 s21, s25;
	[sflag:s3] =	ssyncadd.s32 $0xFFFF0000  }
0x5b: {  	[tilespmem:s2], [sflag:$0x2] =	stream.linear.gather [hbm4b:s21+s2], $0x200, $0x38;
	[tilespmem:$0x10200] =	vst v63  }
0x5c: {  	s29 =	sshrl.u32 s22, $0x1;
	_ =	swait.ge [sflag:s3], $0x200  }
0x5d: {  	s25 =	ssub.s32 s22, s29;
	[sflag:s3] =	ssyncset.done $0x0  }
0x5e: {  	s31 =	smax.u32 s25, $0x1;
	[sflag:s3] =	ssyncadd.s32 $0xFFFFFE00  }
0x5f: {  	[tilespmem:s6], [sflag:$0x1] =	stream.indirect.gather [hbm4b:s5+s6], $0x80, s2, s6, $0xb8;
	[tilespmem:$0x10200] =	vst v63  }
0x60: {  	p0 =	sne.s32 s31, $0x1;
	_ =	swait.ge [sflag:s7], $0x10000  }
.Ltmp0:
0x61: {  	s30 =	sshll.u32 s24, $0x4;
	[sflag:s7] =	ssyncset.done $0x0;
	(pc) =	sbr.rel @!p0 .LBB2_2-.Ltmp0, $4  }
0x62: {  	s22 =	sadd.s32 s23, s30;
	[sflag:s7] =	ssyncadd.s32 $0xFFFF0000  }
0x63: {  	[hbm4b:s22+s2] =	stream.linear.scatter [tilespmem:s6], [sflag:$0x2], $0x10000, $0x38;
	[tilespmem:$0x10200] =	vst v63  }
0x64: {  	_ =	swait.ge [sflag:s3], $0x10000  }
0x65: {  	s23 =	sadd.s32 $0xFFFFFFFF, s31;
	[sflag:s3] =	ssyncset.done $0x0  }
.LBB2_1:
0x66: {  	p0 =	sne.s32 s23, $0x1;
	s23 =	sadd.s32 $0xFFFFFFFF, s23;
	[sflag:s3] =	ssyncadd.s32 $0xFFFF0000  }
0x67: {  	[tilespmem:s2], [sflag:$0x2] =	stream.linear.gather [hbm4b:s4+s2], $0x200, $0x38;
	[tilespmem:$0x10200] =	vst v63  }
0x68: {  	_ =	swait.ge [sflag:s3], $0x200  }
0x69: {  	[sflag:s3] =	ssyncset.done $0x0  }
0x6a: {  	[sflag:s3] =	ssyncadd.s32 $0xFFFFFE00  }
0x6b: {  	[tilespmem:s6], [sflag:$0x1] =	stream.indirect.gather [hbm4b:s5+s6], $0x80, s2, s6, $0xb8;
	[tilespmem:$0x10200] =	vst v63  }
0x6c: {  	_ =	swait.ge [sflag:s7], $0x10000  }
0x6d: {  	[sflag:s7] =	ssyncset.done $0x0  }
0x6e: {  	[sflag:s7] =	ssyncadd.s32 $0xFFFF0000  }
0x6f: {  	[hbm4b:s8+s2] =	stream.linear.scatter [tilespmem:s6], [sflag:$0x2], $0x10000, $0x38;
	[tilespmem:$0x10200] =	vst v63  }
0x70: {  	_ =	swait.ge [sflag:s3], $0x10000  }
0x71: {  	[sflag:s3] =	ssyncset.done $0x0  }
0x72: {  	[sflag:s3] =	ssyncadd.s32 $0xFFFF0000  }
0x73: {  	[tilespmem:s2], [sflag:$0x2] =	stream.linear.gather [hbm4b:s9+s2], $0x200, $0x38;
	[tilespmem:$0x10200] =	vst v63  }
0x74: {  	_ =	swait.ge [sflag:s3], $0x200  }
0x75: {  	[sflag:s3] =	ssyncset.done $0x0  }
0x76: {  	[sflag:s3] =	ssyncadd.s32 $0xFFFFFE00  }
0x77: {  	[tilespmem:s6], [sflag:$0x1] =	stream.indirect.gather [hbm4b:s5+s6], $0x80, s2, s6, $0xb8;
	[tilespmem:$0x10200] =	vst v63  }
0x78: {  	_ =	swait.ge [sflag:s7], $0x10000  }
0x79: {  	[sflag:s7] =	ssyncset.done $0x0  }
0x7a: {  	[sflag:s7] =	ssyncadd.s32 $0xFFFF0000  }
0x7b: {  	[hbm4b:s10+s2] =	stream.linear.scatter [tilespmem:s6], [sflag:$0x2], $0x10000, $0x38;
	[tilespmem:$0x10200] =	vst v63  }
0x7c: {  	_ =	swait.ge [sflag:s3], $0x10000  }
0x7d: {  	[sflag:s3] =	ssyncset.done $0x0  }
0x7e: {  	[sflag:s3] =	ssyncadd.s32 $0xFFFF0000  }
0x7f: {  	[tilespmem:s2], [sflag:$0x2] =	stream.linear.gather [hbm4b:s11+s2], $0x200, $0x38;
	[tilespmem:$0x10200] =	vst v63  }
0x80: {  	_ =	swait.ge [sflag:s3], $0x200  }
0x81: {  	[sflag:s3] =	ssyncset.done $0x0  }
0x82: {  	[sflag:s3] =	ssyncadd.s32 $0xFFFFFE00  }
0x83: {  	[tilespmem:s6], [sflag:$0x1] =	stream.indirect.gather [hbm4b:s5+s6], $0x80, s2, s6, $0xb8;
	[tilespmem:$0x10200] =	vst v63  }
0x84: {  	_ =	swait.ge [sflag:s7], $0x10000  }
0x85: {  	[sflag:s7] =	ssyncset.done $0x0  }
0x86: {  	[sflag:s7] =	ssyncadd.s32 $0xFFFF0000  }
0x87: {  	[hbm4b:s12+s2] =	stream.linear.scatter [tilespmem:s6], [sflag:$0x2], $0x10000, $0x38;
	[tilespmem:$0x10200] =	vst v63  }
0x88: {  	_ =	swait.ge [sflag:s3], $0x10000  }
0x89: {  	[sflag:s3] =	ssyncset.done $0x0  }
0x8a: {  	[sflag:s3] =	ssyncadd.s32 $0xFFFF0000  }
0x8b: {  	[tilespmem:s2], [sflag:$0x2] =	stream.linear.gather [hbm4b:s13+s2], $0x200, $0x38;
	[tilespmem:$0x10200] =	vst v63  }
0x8c: {  	_ =	swait.ge [sflag:s3], $0x200  }
0x8d: {  	[sflag:s3] =	ssyncset.done $0x0  }
0x8e: {  	[sflag:s3] =	ssyncadd.s32 $0xFFFFFE00  }
0x8f: {  	[tilespmem:s6], [sflag:$0x1] =	stream.indirect.gather [hbm4b:s5+s6], $0x80, s2, s6, $0xb8;
	[tilespmem:$0x10200] =	vst v63  }
0x90: {  	_ =	swait.ge [sflag:s7], $0x10000  }
0x91: {  	[sflag:s7] =	ssyncset.done $0x0  }
0x92: {  	[sflag:s7] =	ssyncadd.s32 $0xFFFF0000  }
0x93: {  	[hbm4b:s14+s2] =	stream.linear.scatter [tilespmem:s6], [sflag:$0x2], $0x10000, $0x38;
	[tilespmem:$0x10200] =	vst v63  }
0x94: {  	_ =	swait.ge [sflag:s3], $0x10000  }
0x95: {  	[sflag:s3] =	ssyncset.done $0x0  }
0x96: {  	[sflag:s3] =	ssyncadd.s32 $0xFFFF0000  }
0x97: {  	[tilespmem:s2], [sflag:$0x2] =	stream.linear.gather [hbm4b:s15+s2], $0x200, $0x38;
	[tilespmem:$0x10200] =	vst v63  }
0x98: {  	_ =	swait.ge [sflag:s3], $0x200  }
0x99: {  	[sflag:s3] =	ssyncset.done $0x0  }
0x9a: {  	[sflag:s3] =	ssyncadd.s32 $0xFFFFFE00  }
0x9b: {  	[tilespmem:s6], [sflag:$0x1] =	stream.indirect.gather [hbm4b:s5+s6], $0x80, s2, s6, $0xb8;
	[tilespmem:$0x10200] =	vst v63  }
0x9c: {  	_ =	swait.ge [sflag:s7], $0x10000  }
0x9d: {  	[sflag:s7] =	ssyncset.done $0x0  }
0x9e: {  	[sflag:s7] =	ssyncadd.s32 $0xFFFF0000  }
0x9f: {  	[hbm4b:s16+s2] =	stream.linear.scatter [tilespmem:s6], [sflag:$0x2], $0x10000, $0x38;
	[tilespmem:$0x10200] =	vst v63  }
0xa0: {  	_ =	swait.ge [sflag:s3], $0x10000  }
0xa1: {  	[sflag:s3] =	ssyncset.done $0x0  }
0xa2: {  	[sflag:s3] =	ssyncadd.s32 $0xFFFF0000  }
0xa3: {  	[tilespmem:s2], [sflag:$0x2] =	stream.linear.gather [hbm4b:s17+s2], $0x200, $0x38;
	[tilespmem:$0x10200] =	vst v63  }
0xa4: {  	_ =	swait.ge [sflag:s3], $0x200  }
0xa5: {  	[sflag:s3] =	ssyncset.done $0x0  }
0xa6: {  	[sflag:s3] =	ssyncadd.s32 $0xFFFFFE00  }
0xa7: {  	[tilespmem:s6], [sflag:$0x1] =	stream.indirect.gather [hbm4b:s5+s6], $0x80, s2, s6, $0xb8;
	[tilespmem:$0x10200] =	vst v63  }
0xa8: {  	_ =	swait.ge [sflag:s7], $0x10000  }
0xa9: {  	[sflag:s7] =	ssyncset.done $0x0  }
0xaa: {  	[sflag:s7] =	ssyncadd.s32 $0xFFFF0000  }
0xab: {  	[hbm4b:s18+s2] =	stream.linear.scatter [tilespmem:s6], [sflag:$0x2], $0x10000, $0x38;
	[tilespmem:$0x10200] =	vst v63  }
0xac: {  	_ =	swait.ge [sflag:s3], $0x10000  }
0xad: {  	[sflag:s3] =	ssyncset.done $0x0  }
0xae: {  	[sflag:s3] =	ssyncadd.s32 $0xFFFF0000  }
0xaf: {  	[tilespmem:s2], [sflag:$0x2] =	stream.linear.gather [hbm4b:s19+s2], $0x200, $0x38;
	[tilespmem:$0x10200] =	vst v63  }
0xb0: {  	_ =	swait.ge [sflag:s3], $0x200  }
0xb1: {  	[sflag:s3] =	ssyncset.done $0x0  }
0xb2: {  	[sflag:s3] =	ssyncadd.s32 $0xFFFFFE00  }
0xb3: {  	[tilespmem:s6], [sflag:$0x1] =	stream.indirect.gather [hbm4b:s5+s6], $0x80, s2, s6, $0xb8;
	[tilespmem:$0x10200] =	vst v63  }
0xb4: {  	_ =	swait.ge [sflag:s7], $0x10000  }
0xb5: {  	[sflag:s7] =	ssyncset.done $0x0  }
0xb6: {  	[sflag:s7] =	ssyncadd.s32 $0xFFFF0000  }
0xb7: {  	[hbm4b:s20+s2] =	stream.linear.scatter [tilespmem:s6], [sflag:$0x2], $0x10000, $0x38;
	[tilespmem:$0x10200] =	vst v63  }
0xb8: {  	_ =	swait.ge [sflag:s3], $0x10000  }
0xb9: {  	[sflag:s3] =	ssyncset.done $0x0  }
0xba: {  	[sflag:s3] =	ssyncadd.s32 $0xFFFF0000  }
0xbb: {  	[tilespmem:s2], [sflag:$0x2] =	stream.linear.gather [hbm4b:s21+s2], $0x200, $0x38;
	[tilespmem:$0x10200] =	vst v63  }
0xbc: {  	_ =	swait.ge [sflag:s3], $0x200  }
0xbd: {  	[sflag:s3] =	ssyncset.done $0x0  }
0xbe: {  	[sflag:s3] =	ssyncadd.s32 $0xFFFFFE00  }
0xbf: {  	[tilespmem:s6], [sflag:$0x1] =	stream.indirect.gather [hbm4b:s5+s6], $0x80, s2, s6, $0xb8;
	[tilespmem:$0x10200] =	vst v63  }
0xc0: {  	_ =	swait.ge [sflag:s7], $0x10000  }
.Ltmp1:
0xc1: {  	[sflag:s7] =	ssyncset.done $0x0;
	(pc) =	sbr.rel @p0 .LBB2_1-.Ltmp1, $4  }
0xc2: {  	[sflag:s7] =	ssyncadd.s32 $0xFFFF0000  }
0xc3: {  	[hbm4b:s22+s2] =	stream.linear.scatter [tilespmem:s6], [sflag:$0x2], $0x10000, $0x38;
	[tilespmem:$0x10200] =	vst v63  }
0xc4: {  	_ =	swait.ge [sflag:s3], $0x10000  }
0xc5: {  	[sflag:s3] =	ssyncset.done $0x0  }
.LBB2_2:
0xc6: {  	[sflag:s3] =	ssyncadd.s32 $0xFFFF0000  }
0xc7: {  	_ =	sfence.sel $0x180000  }
0xc8: {  	[bflag:$0x0] =	sbarrier.arrive $0xFFFF  }
0xc9: {  	p0 =	sne.s32 s0, $0x0;
	_ =	strace $0x90000047  }
0xca: {  	s0 =	sadd.s32 @!p0 $0x100000, s1;
	[bflag:$0x2] =	sbarrier.arrive $0xFFFF  }
0xcb: {  	[sflag:s0] =	ssyncadd.tile.s32 @!p0 $0x1;
	_ =	shalt  }
.Lfunc_end2:
_tile_overlayer_lowered:
.L_overlay_start_2:
0xcc: {  	(tag) =	ssettag $0x2  }
0xcd: {  	s0 =	rddreg [dreg:$0x0];
	s2 =	stileid.u32  }
0xce: {  	s1 =	rddreg [dreg:$0x1];
	p0 =	sne.s32 s2, $0x0  }
0xcf: {  	s3 =	rddreg [dreg:$0x2];
	[bflag:$0x3] =	sbarrier.arrive $0xFFFF;
	s2 =	simm.s32 @!p0 $0x1C02  }
0xd0: {  	[timem:s3], [sflag:s2] =	dma.local @!p0 [hbm:s0], s1  }
0xd1: {  	s0 =	simm.s32 @!p0 $0x2  }
0xd2: {  	_ =	swait.ge @!p0 [sflag:s0], s1  }
0xd3: {  	s1 =	ssub.s32 @!p0 $0x0, s1;
	[sflag:s0] =	ssyncset.done @!p0 $0x0  }
0xd4: {  	[sflag:s0] =	ssyncadd.s32 @!p0 s1  }
0xd5: {  	[bflag:$0x3] =	sbarrier.arrive $0xFFFF  }
0xd6: {  	_ =	shalt  }

</sc_bundles>
